<compile_context>
chip_gen: v7x
topology: tpu7x:2x2x1
jax: 0.10.2.dev20260603
libtpu: 0.0.44.dev20260713+nightly
codegen_flags: <defaults>
</compile_context>

<pallas_src>
import jax
import jax.numpy as jnp
from jax import lax
from jax.experimental import pallas as pl
from jax.experimental.pallas import tpu as pltpu
from jax.experimental.pallas import tpu_sc as plsc

EMB = 128
BATCH = 16384

_INFO = plsc.get_sparse_core_info()
NC = _INFO.num_cores
NS = _INFO.num_subcores
L = _INFO.num_lanes
NW = NC * NS
ROWS_PER_W = BATCH // NW
CHUNK = 64
NCHUNK = ROWS_PER_W // CHUNK
NGRP = CHUNK // L
NBUF = 4


def _lane_shuffle(x, idx):
    dnums = lax.GatherDimensionNumbers(
        offset_dims=(), collapsed_slice_dims=(0,), start_index_map=(0,))
    return lax.gather(x, idx[:, None], dnums, (1,),
                      mode=lax.GatherScatterMode.PROMISE_IN_BOUNDS)


def _body(u_hbm, v_hbm, user_hbm, item_hbm, out_hbm,
          uidx_v, vidx_v, ue_v, ve_v, out_v,
          sem0, sem1, sem2, sem3, sem_idx, sem_out):
    wid = lax.axis_index("s") * NC + lax.axis_index("c")
    base = wid * ROWS_PER_W

    lanes = lax.iota(jnp.int32, L)
    sems = (sem0, sem1, sem2, sem3)

    cpi0u = pltpu.make_async_copy(
        u_hbm.at[pl.ds(base, CHUNK)], uidx_v.at[pl.ds(0, CHUNK)], sem_idx)
    cpi0v = pltpu.make_async_copy(
        v_hbm.at[pl.ds(base, CHUNK)], vidx_v.at[pl.ds(0, CHUNK)], sem_idx)
    cpi0u.start()
    cpi0v.start()
    cpi0u.wait()
    cpi0v.wait()

    def fire(c):
        b = c % NBUF
        cp_u = pltpu.make_async_copy(
            user_hbm.at[uidx_v.at[pl.ds(c * CHUNK, CHUNK)]], ue_v.at[b],
            sems[b])
        cp_v = pltpu.make_async_copy(
            item_hbm.at[vidx_v.at[pl.ds(c * CHUNK, CHUNK)]], ve_v.at[b],
            sems[b])
        cp_u.start()
        cp_v.start()
        return cp_u, cp_v

    inflight = [fire(0)]

    rest = ROWS_PER_W - CHUNK
    cpiru = pltpu.make_async_copy(
        u_hbm.at[pl.ds(base + CHUNK, rest)], uidx_v.at[pl.ds(CHUNK, rest)],
        sem_idx)
    cpirv = pltpu.make_async_copy(
        v_hbm.at[pl.ds(base + CHUNK, rest)], vidx_v.at[pl.ds(CHUNK, rest)],
        sem_idx)
    cpiru.start()
    cpirv.start()
    cpiru.wait()
    cpirv.wait()

    for c in range(1, NBUF - 1):
        inflight.append(fire(c))

    out_cps = []
    for c in range(NCHUNK):
        if c + NBUF - 1 < NCHUNK:
            inflight.append(fire(c + NBUF - 1))
        cp_u, cp_v = inflight.pop(0)
        cp_u.wait()
        cp_v.wait()
        b = c % NBUF

        def group_body(g, _):
            ubuf = ue_v.at[b]
            vbuf = ve_v.at[b]

            def row_body(r, vec):
                urow = ubuf.at[g * L + r]
                vrow = vbuf.at[g * L + r]
                prods = [urow[pl.ds(k * L, L)] * vrow[pl.ds(k * L, L)]
                         for k in range(EMB // L)]
                while len(prods) > 1:
                    prods = [prods[i] + prods[i + 1]
                             for i in range(0, len(prods), 2)]
                acc = prods[0]
                for sh in (8, 4, 2, 1):
                    acc = acc + _lane_shuffle(acc, lanes ^ sh)
                return jnp.where(lanes == r, acc, vec)

            vec = lax.fori_loop(0, L, row_body, jnp.zeros((L,), jnp.float32),
                                unroll=2)
            out_v[pl.ds(c * CHUNK + g * L, L)] = vec
            return 0

        lax.fori_loop(0, NGRP, group_body, 0)

        cp_o = pltpu.make_async_copy(
            out_v.at[pl.ds(c * CHUNK, CHUNK)],
            out_hbm.at[pl.ds(base + c * CHUNK, CHUNK)], sem_out)
        cp_o.start()
        out_cps.append(cp_o)

    for cp_o in out_cps:
        cp_o.wait()


@jax.jit
def kernel(u, v, user_emb, item_emb):
    mesh = plsc.VectorSubcoreMesh(core_axis_name="c", subcore_axis_name="s")
    run = pl.kernel(
        _body,
        mesh=mesh,
        out_type=jax.ShapeDtypeStruct((BATCH,), jnp.float32),
        scratch_types=[
            pltpu.VMEM((ROWS_PER_W,), jnp.int32),
            pltpu.VMEM((ROWS_PER_W,), jnp.int32),
            pltpu.VMEM((NBUF, CHUNK, EMB), jnp.float32),
            pltpu.VMEM((NBUF, CHUNK, EMB), jnp.float32),
            pltpu.VMEM((ROWS_PER_W,), jnp.float32),
            pltpu.SemaphoreType.DMA,
            pltpu.SemaphoreType.DMA,
            pltpu.SemaphoreType.DMA,
            pltpu.SemaphoreType.DMA,
            pltpu.SemaphoreType.DMA,
            pltpu.SemaphoreType.DMA,
        ],
    )
    return run(u, v, user_emb, item_emb)

# --- scband reference (transcript-rebuilt; emitter-appended) ---
"""Pipeline reference for scband-mf-24197845745895 (READ-ONLY COPY).

The authoritative reference and input builder live on the scoring server;
editing this copy changes nothing except your own understanding.
"""

import jax, jax.numpy as jnp
import numpy as np

NUM_USERS = 100000
NUM_ITEMS = 100000
EMB_SIZE = 128
BATCH = 16384

def setup_inputs(seed: int = 0) -> dict:
    key = jax.random.key(seed)
    k1, k2, k3, k4 = jax.random.split(key, 4)
    u = jax.random.randint(k1, (BATCH,), 0, NUM_USERS, dtype=jnp.int64 if jax.config.jax_enable_x64 else jnp.int32).astype(jnp.int32)
    v = jax.random.randint(k2, (BATCH,), 0, NUM_ITEMS, dtype=jnp.int32)
    user_emb = jax.random.uniform(k3, (NUM_USERS, EMB_SIZE), dtype=jnp.float32, minval=0.0, maxval=0.05)
    item_emb = jax.random.uniform(k4, (NUM_ITEMS, EMB_SIZE), dtype=jnp.float32, minval=0.0, maxval=0.05)
    return {"u": u, "v": v, "user_emb": user_emb, "item_emb": item_emb}

def reference(u, v, user_emb, item_emb):
    ue = jnp.take(user_emb, u, axis=0)
    ve = jnp.take(item_emb, v, axis=0)
    return (ue * ve).sum(axis=1)

if __name__ == "__main__":
    import jax
    _d = setup_inputs()
    print(jax.jit(kernel)(*tuple(_d.values())))

</pallas_src>

<mosaic_0001>
#map = affine_map<(d0, d1) -> (0)>
#map1 = affine_map<(d0, d1) -> (0, 0)>
module attributes {stable_mosaic.version = 14 : i64} {
  func.func @_body(%arg0: i32, %arg1: i32, %arg2: memref<16384xi32, #tpu.memory_space<hbm>>, %arg3: memref<16384xi32, #tpu.memory_space<hbm>>, %arg4: memref<100000x128xf32, #tpu.memory_space<hbm>>, %arg5: memref<100000x128xf32, #tpu.memory_space<hbm>>, %arg6: memref<16384xf32, #tpu.memory_space<hbm>>, %arg7: memref<512xi32, #tpu.memory_space<vmem>>, %arg8: memref<512xi32, #tpu.memory_space<vmem>>, %arg9: memref<4x64x128xf32, #tpu.memory_space<vmem>>, %arg10: memref<4x64x128xf32, #tpu.memory_space<vmem>>, %arg11: memref<512xf32, #tpu.memory_space<vmem>>, %arg12: memref<!tpu.dma_semaphore, #tpu.memory_space<semaphore_mem>>, %arg13: memref<!tpu.dma_semaphore, #tpu.memory_space<semaphore_mem>>, %arg14: memref<!tpu.dma_semaphore, #tpu.memory_space<semaphore_mem>>, %arg15: memref<!tpu.dma_semaphore, #tpu.memory_space<semaphore_mem>>, %arg16: memref<!tpu.dma_semaphore, #tpu.memory_space<semaphore_mem>>, %arg17: memref<!tpu.dma_semaphore, #tpu.memory_space<semaphore_mem>>) attributes {dimension_semantics = [#tpu.dimension_semantics<core_parallel>, #tpu.dimension_semantics<subcore_parallel>], iteration_bounds = array<i64: 2, 16>, scalar_prefetch = 0 : i64, scratch_operands = 11 : i64, tpu.core_type = #tpu.core_type<sc_vector_subcore>, window_params = [{transform_indices = #map}, {transform_indices = #map}, {transform_indices = #map1}, {transform_indices = #map1}, {transform_indices = #map}]} {
    %mul3A = arith.constant 2 : i32
    %mul3A_0 = arith.muli %arg1, %mul3A : i32
    %add3A = arith.addi %mul3A_0, %arg0 : i32
    %mul3A_1 = arith.constant 512 : i32
    %mul3A_2 = arith.muli %add3A, %mul3A_1 : i32
    %iota3A = tpu.iota {dimensions = array<i32: 0>} : vector<16xi32>
    %dma_start3A = arith.constant 0 : i32
    %dma_start3A_3 = tpu.memref_slice %arg7[%dma_start3A] : memref<512xi32, #tpu.memory_space<vmem>> -> memref<64xi32, #tpu.memory_space<vmem>>
    %dma_start3A_4 = tpu.memref_slice %arg2[%mul3A_2] : memref<16384xi32, #tpu.memory_space<hbm>> -> memref<64xi32, #tpu.memory_space<hbm>>
    %dma_start3A_5 = arith.constant 0 : i32
    %dma_start3A_6 = tpu.memref_slice %arg7[%dma_start3A_5] : memref<512xi32, #tpu.memory_space<vmem>> -> memref<64xi32, #tpu.memory_space<vmem>>
    %dma_start3A_7 = tpu.memref_slice %arg2[%mul3A_2] : memref<16384xi32, #tpu.memory_space<hbm>> -> memref<64xi32, #tpu.memory_space<hbm>>
    tpu.enqueue_dma source(%dma_start3A_7 : memref<64xi32, #tpu.memory_space<hbm>>) target(%dma_start3A_6 : memref<64xi32, #tpu.memory_space<vmem>>) target_semaphore(%arg16 : memref<!tpu.dma_semaphore, #tpu.memory_space<semaphore_mem>>)
    %dma_start3A_8 = arith.constant 0 : i32
    %dma_start3A_9 = tpu.memref_slice %arg8[%dma_start3A_8] : memref<512xi32, #tpu.memory_space<vmem>> -> memref<64xi32, #tpu.memory_space<vmem>>
    %dma_start3A_10 = tpu.memref_slice %arg3[%mul3A_2] : memref<16384xi32, #tpu.memory_space<hbm>> -> memref<64xi32, #tpu.memory_space<hbm>>
    %dma_start3A_11 = arith.constant 0 : i32
    %dma_start3A_12 = tpu.memref_slice %arg8[%dma_start3A_11] : memref<512xi32, #tpu.memory_space<vmem>> -> memref<64xi32, #tpu.memory_space<vmem>>
    %dma_start3A_13 = tpu.memref_slice %arg3[%mul3A_2] : memref<16384xi32, #tpu.memory_space<hbm>> -> memref<64xi32, #tpu.memory_space<hbm>>
    tpu.enqueue_dma source(%dma_start3A_13 : memref<64xi32, #tpu.memory_space<hbm>>) target(%dma_start3A_12 : memref<64xi32, #tpu.memory_space<vmem>>) target_semaphore(%arg16 : memref<!tpu.dma_semaphore, #tpu.memory_space<semaphore_mem>>)
    %dma_wait3A = arith.constant 0 : i32
    %dma_wait3A_14 = tpu.memref_slice %arg7[%dma_wait3A] : memref<512xi32, #tpu.memory_space<vmem>> -> memref<64xi32, #tpu.memory_space<vmem>>
    %dma_wait3A_15 = tpu.memref_slice %arg2[%mul3A_2] : memref<16384xi32, #tpu.memory_space<hbm>> -> memref<64xi32, #tpu.memory_space<hbm>>
    %dma_wait3A_16 = arith.constant 0 : i32
    %dma_wait3A_17 = tpu.memref_slice %arg7[%dma_wait3A_16] : memref<512xi32, #tpu.memory_space<vmem>> -> memref<64xi32, #tpu.memory_space<vmem>>
    %dma_wait3A_18 = tpu.memref_slice %arg2[%mul3A_2] : memref<16384xi32, #tpu.memory_space<hbm>> -> memref<64xi32, #tpu.memory_space<hbm>>
    tpu.wait_dma2 semaphore(%arg16 : memref<!tpu.dma_semaphore, #tpu.memory_space<semaphore_mem>>) src(%dma_wait3A_18 : memref<64xi32, #tpu.memory_space<hbm>>) dst(%dma_wait3A_17 : memref<64xi32, #tpu.memory_space<vmem>>)
    %dma_wait3A_19 = arith.constant 0 : i32
    %dma_wait3A_20 = tpu.memref_slice %arg8[%dma_wait3A_19] : memref<512xi32, #tpu.memory_space<vmem>> -> memref<64xi32, #tpu.memory_space<vmem>>
    %dma_wait3A_21 = tpu.memref_slice %arg3[%mul3A_2] : memref<16384xi32, #tpu.memory_space<hbm>> -> memref<64xi32, #tpu.memory_space<hbm>>
    %dma_wait3A_22 = arith.constant 0 : i32
    %dma_wait3A_23 = tpu.memref_slice %arg8[%dma_wait3A_22] : memref<512xi32, #tpu.memory_space<vmem>> -> memref<64xi32, #tpu.memory_space<vmem>>
    %dma_wait3A_24 = tpu.memref_slice %arg3[%mul3A_2] : memref<16384xi32, #tpu.memory_space<hbm>> -> memref<64xi32, #tpu.memory_space<hbm>>
    tpu.wait_dma2 semaphore(%arg16 : memref<!tpu.dma_semaphore, #tpu.memory_space<semaphore_mem>>) src(%dma_wait3A_24 : memref<64xi32, #tpu.memory_space<hbm>>) dst(%dma_wait3A_23 : memref<64xi32, #tpu.memory_space<vmem>>)
    %dma_start3A_25 = arith.constant 0 : i32
    %dma_start3A_26 = arith.constant 0 : i32
    %dma_start3A_27 = arith.constant 0 : i32
    %dma_start3A_28 = tpu.memref_slice %arg9[%dma_start3A_25, %dma_start3A_26, %dma_start3A_27] : memref<4x64x128xf32, #tpu.memory_space<vmem>> -> memref<1x64x128xf32, #tpu.memory_space<vmem>>
    %dma_start3A_29 = tpu.memref_squeeze %dma_start3A_28 : memref<1x64x128xf32, #tpu.memory_space<vmem>> -> memref<64x128xf32, #tpu.memory_space<vmem>>
    %dma_start3A_30 = arith.constant 0 : i32
    %dma_start3A_31 = tpu.memref_slice %arg7[%dma_start3A_30] : memref<512xi32, #tpu.memory_space<vmem>> -> memref<64xi32, #tpu.memory_space<vmem>>
    %dma_start3A_32 = arith.constant 0 : i32
    %dma_start3A_33 = arith.constant 0 : i32
    %dma_start3A_34 = tpu.memref_slice %arg4[%dma_start3A_32, %dma_start3A_33] : memref<100000x128xf32, #tpu.memory_space<hbm>> -> memref<100000x128xf32, #tpu.memory_space<hbm>>
    tpu.enqueue_indirect_dma source(%dma_start3A_34 : memref<100000x128xf32, #tpu.memory_space<hbm>>) target(%dma_start3A_29 : memref<64x128xf32, #tpu.memory_space<vmem>>) offsets(%dma_start3A_31 : memref<64xi32, #tpu.memory_space<vmem>>) semaphore(%arg12 : memref<!tpu.dma_semaphore, #tpu.memory_space<semaphore_mem>>)
    %dma_start3A_35 = arith.constant 0 : i32
    %dma_start3A_36 = arith.constant 0 : i32
    %dma_start3A_37 = arith.constant 0 : i32
    %dma_start3A_38 = tpu.memref_slice %arg10[%dma_start3A_35, %dma_start3A_36, %dma_start3A_37] : memref<4x64x128xf32, #tpu.memory_space<vmem>> -> memref<1x64x128xf32, #tpu.memory_space<vmem>>
    %dma_start3A_39 = tpu.memref_squeeze %dma_start3A_38 : memref<1x64x128xf32, #tpu.memory_space<vmem>> -> memref<64x128xf32, #tpu.memory_space<vmem>>
    %dma_start3A_40 = arith.constant 0 : i32
    %dma_start3A_41 = tpu.memref_slice %arg8[%dma_start3A_40] : memref<512xi32, #tpu.memory_space<vmem>> -> memref<64xi32, #tpu.memory_space<vmem>>
    %dma_start3A_42 = arith.constant 0 : i32
    %dma_start3A_43 = arith.constant 0 : i32
    %dma_start3A_44 = tpu.memref_slice %arg5[%dma_start3A_42, %dma_start3A_43] : memref<100000x128xf32, #tpu.memory_space<hbm>> -> memref<100000x128xf32, #tpu.memory_space<hbm>>
    tpu.enqueue_indirect_dma source(%dma_start3A_44 : memref<100000x128xf32, #tpu.memory_space<hbm>>) target(%dma_start3A_39 : memref<64x128xf32, #tpu.memory_space<vmem>>) offsets(%dma_start3A_41 : memref<64xi32, #tpu.memory_space<vmem>>) semaphore(%arg12 : memref<!tpu.dma_semaphore, #tpu.memory_space<semaphore_mem>>)
    %add3A_45 = arith.constant 64 : i32
    %add3A_46 = arith.addi %mul3A_2, %add3A_45 : i32
    %add3A_47 = arith.constant 64 : i32
    %add3A_48 = arith.addi %mul3A_2, %add3A_47 : i32
    %dma_start3A_49 = arith.constant 64 : i32
    %dma_start3A_50 = tpu.memref_slice %arg7[%dma_start3A_49] : memref<512xi32, #tpu.memory_space<vmem>> -> memref<448xi32, #tpu.memory_space<vmem>>
    %dma_start3A_51 = tpu.memref_slice %arg2[%add3A_46] : memref<16384xi32, #tpu.memory_space<hbm>> -> memref<448xi32, #tpu.memory_space<hbm>>
    %dma_start3A_52 = arith.constant 64 : i32
    %dma_start3A_53 = tpu.memref_slice %arg7[%dma_start3A_52] : memref<512xi32, #tpu.memory_space<vmem>> -> memref<448xi32, #tpu.memory_space<vmem>>
    %dma_start3A_54 = tpu.memref_slice %arg2[%add3A_46] : memref<16384xi32, #tpu.memory_space<hbm>> -> memref<448xi32, #tpu.memory_space<hbm>>
    tpu.enqueue_dma source(%dma_start3A_54 : memref<448xi32, #tpu.memory_space<hbm>>) target(%dma_start3A_53 : memref<448xi32, #tpu.memory_space<vmem>>) target_semaphore(%arg16 : memref<!tpu.dma_semaphore, #tpu.memory_space<semaphore_mem>>)
    %dma_start3A_55 = arith.constant 64 : i32
    %dma_start3A_56 = tpu.memref_slice %arg8[%dma_start3A_55] : memref<512xi32, #tpu.memory_space<vmem>> -> memref<448xi32, #tpu.memory_space<vmem>>
    %dma_start3A_57 = tpu.memref_slice %arg3[%add3A_48] : memref<16384xi32, #tpu.memory_space<hbm>> -> memref<448xi32, #tpu.memory_space<hbm>>
    %dma_start3A_58 = arith.constant 64 : i32
    %dma_start3A_59 = tpu.memref_slice %arg8[%dma_start3A_58] : memref<512xi32, #tpu.memory_space<vmem>> -> memref<448xi32, #tpu.memory_space<vmem>>
    %dma_start3A_60 = tpu.memref_slice %arg3[%add3A_48] : memref<16384xi32, #tpu.memory_space<hbm>> -> memref<448xi32, #tpu.memory_space<hbm>>
    tpu.enqueue_dma source(%dma_start3A_60 : memref<448xi32, #tpu.memory_space<hbm>>) target(%dma_start3A_59 : memref<448xi32, #tpu.memory_space<vmem>>) target_semaphore(%arg16 : memref<!tpu.dma_semaphore, #tpu.memory_space<semaphore_mem>>)
    %dma_wait3A_61 = arith.constant 64 : i32
    %dma_wait3A_62 = tpu.memref_slice %arg7[%dma_wait3A_61] : memref<512xi32, #tpu.memory_space<vmem>> -> memref<448xi32, #tpu.memory_space<vmem>>
    %dma_wait3A_63 = tpu.memref_slice %arg2[%add3A_46] : memref<16384xi32, #tpu.memory_space<hbm>> -> memref<448xi32, #tpu.memory_space<hbm>>
    %dma_wait3A_64 = arith.constant 64 : i32
    %dma_wait3A_65 = tpu.memref_slice %arg7[%dma_wait3A_64] : memref<512xi32, #tpu.memory_space<vmem>> -> memref<448xi32, #tpu.memory_space<vmem>>
    %dma_wait3A_66 = tpu.memref_slice %arg2[%add3A_46] : memref<16384xi32, #tpu.memory_space<hbm>> -> memref<448xi32, #tpu.memory_space<hbm>>
    tpu.wait_dma2 semaphore(%arg16 : memref<!tpu.dma_semaphore, #tpu.memory_space<semaphore_mem>>) src(%dma_wait3A_66 : memref<448xi32, #tpu.memory_space<hbm>>) dst(%dma_wait3A_65 : memref<448xi32, #tpu.memory_space<vmem>>)
    %dma_wait3A_67 = arith.constant 64 : i32
    %dma_wait3A_68 = tpu.memref_slice %arg8[%dma_wait3A_67] : memref<512xi32, #tpu.memory_space<vmem>> -> memref<448xi32, #tpu.memory_space<vmem>>
    %dma_wait3A_69 = tpu.memref_slice %arg3[%add3A_48] : memref<16384xi32, #tpu.memory_space<hbm>> -> memref<448xi32, #tpu.memory_space<hbm>>
    %dma_wait3A_70 = arith.constant 64 : i32
    %dma_wait3A_71 = tpu.memref_slice %arg8[%dma_wait3A_70] : memref<512xi32, #tpu.memory_space<vmem>> -> memref<448xi32, #tpu.memory_space<vmem>>
    %dma_wait3A_72 = tpu.memref_slice %arg3[%add3A_48] : memref<16384xi32, #tpu.memory_space<hbm>> -> memref<448xi32, #tpu.memory_space<hbm>>
    tpu.wait_dma2 semaphore(%arg16 : memref<!tpu.dma_semaphore, #tpu.memory_space<semaphore_mem>>) src(%dma_wait3A_72 : memref<448xi32, #tpu.memory_space<hbm>>) dst(%dma_wait3A_71 : memref<448xi32, #tpu.memory_space<vmem>>)
    %dma_start3A_73 = arith.constant 1 : i32
    %dma_start3A_74 = arith.constant 0 : i32
    %dma_start3A_75 = arith.constant 0 : i32
    %dma_start3A_76 = tpu.memref_slice %arg9[%dma_start3A_73, %dma_start3A_74, %dma_start3A_75] : memref<4x64x128xf32, #tpu.memory_space<vmem>> -> memref<1x64x128xf32, #tpu.memory_space<vmem>>
    %dma_start3A_77 = tpu.memref_squeeze %dma_start3A_76 : memref<1x64x128xf32, #tpu.memory_space<vmem>> -> memref<64x128xf32, #tpu.memory_space<vmem>>
    %dma_start3A_78 = arith.constant 64 : i32
    %dma_start3A_79 = tpu.memref_slice %arg7[%dma_start3A_78] : memref<512xi32, #tpu.memory_space<vmem>> -> memref<64xi32, #tpu.memory_space<vmem>>
    %dma_start3A_80 = arith.constant 0 : i32
    %dma_start3A_81 = arith.constant 0 : i32
    %dma_start3A_82 = tpu.memref_slice %arg4[%dma_start3A_80, %dma_start3A_81] : memref<100000x128xf32, #tpu.memory_space<hbm>> -> memref<100000x128xf32, #tpu.memory_space<hbm>>
    tpu.enqueue_indirect_dma source(%dma_start3A_82 : memref<100000x128xf32, #tpu.memory_space<hbm>>) target(%dma_start3A_77 : memref<64x128xf32, #tpu.memory_space<vmem>>) offsets(%dma_start3A_79 : memref<64xi32, #tpu.memory_space<vmem>>) semaphore(%arg13 : memref<!tpu.dma_semaphore, #tpu.memory_space<semaphore_mem>>)
    %dma_start3A_83 = arith.constant 1 : i32
    %dma_start3A_84 = arith.constant 0 : i32
    %dma_start3A_85 = arith.constant 0 : i32
    %dma_start3A_86 = tpu.memref_slice %arg10[%dma_start3A_83, %dma_start3A_84, %dma_start3A_85] : memref<4x64x128xf32, #tpu.memory_space<vmem>> -> memref<1x64x128xf32, #tpu.memory_space<vmem>>
    %dma_start3A_87 = tpu.memref_squeeze %dma_start3A_86 : memref<1x64x128xf32, #tpu.memory_space<vmem>> -> memref<64x128xf32, #tpu.memory_space<vmem>>
    %dma_start3A_88 = arith.constant 64 : i32
    %dma_start3A_89 = tpu.memref_slice %arg8[%dma_start3A_88] : memref<512xi32, #tpu.memory_space<vmem>> -> memref<64xi32, #tpu.memory_space<vmem>>
    %dma_start3A_90 = arith.constant 0 : i32
    %dma_start3A_91 = arith.constant 0 : i32
    %dma_start3A_92 = tpu.memref_slice %arg5[%dma_start3A_90, %dma_start3A_91] : memref<100000x128xf32, #tpu.memory_space<hbm>> -> memref<100000x128xf32, #tpu.memory_space<hbm>>
    tpu.enqueue_indirect_dma source(%dma_start3A_92 : memref<100000x128xf32, #tpu.memory_space<hbm>>) target(%dma_start3A_87 : memref<64x128xf32, #tpu.memory_space<vmem>>) offsets(%dma_start3A_89 : memref<64xi32, #tpu.memory_space<vmem>>) semaphore(%arg13 : memref<!tpu.dma_semaphore, #tpu.memory_space<semaphore_mem>>)
    %dma_start3A_93 = arith.constant 2 : i32
    %dma_start3A_94 = arith.constant 0 : i32
    %dma_start3A_95 = arith.constant 0 : i32
    %dma_start3A_96 = tpu.memref_slice %arg9[%dma_start3A_93, %dma_start3A_94, %dma_start3A_95] : memref<4x64x128xf32, #tpu.memory_space<vmem>> -> memref<1x64x128xf32, #tpu.memory_space<vmem>>
    %dma_start3A_97 = tpu.memref_squeeze %dma_start3A_96 : memref<1x64x128xf32, #tpu.memory_space<vmem>> -> memref<64x128xf32, #tpu.memory_space<vmem>>
    %dma_start3A_98 = arith.constant 128 : i32
    %dma_start3A_99 = tpu.memref_slice %arg7[%dma_start3A_98] : memref<512xi32, #tpu.memory_space<vmem>> -> memref<64xi32, #tpu.memory_space<vmem>>
    %dma_start3A_100 = arith.constant 0 : i32
    %dma_start3A_101 = arith.constant 0 : i32
    %dma_start3A_102 = tpu.memref_slice %arg4[%dma_start3A_100, %dma_start3A_101] : memref<100000x128xf32, #tpu.memory_space<hbm>> -> memref<100000x128xf32, #tpu.memory_space<hbm>>
    tpu.enqueue_indirect_dma source(%dma_start3A_102 : memref<100000x128xf32, #tpu.memory_space<hbm>>) target(%dma_start3A_97 : memref<64x128xf32, #tpu.memory_space<vmem>>) offsets(%dma_start3A_99 : memref<64xi32, #tpu.memory_space<vmem>>) semaphore(%arg14 : memref<!tpu.dma_semaphore, #tpu.memory_space<semaphore_mem>>)
    %dma_start3A_103 = arith.constant 2 : i32
    %dma_start3A_104 = arith.constant 0 : i32
    %dma_start3A_105 = arith.constant 0 : i32
    %dma_start3A_106 = tpu.memref_slice %arg10[%dma_start3A_103, %dma_start3A_104, %dma_start3A_105] : memref<4x64x128xf32, #tpu.memory_space<vmem>> -> memref<1x64x128xf32, #tpu.memory_space<vmem>>
    %dma_start3A_107 = tpu.memref_squeeze %dma_start3A_106 : memref<1x64x128xf32, #tpu.memory_space<vmem>> -> memref<64x128xf32, #tpu.memory_space<vmem>>
    %dma_start3A_108 = arith.constant 128 : i32
    %dma_start3A_109 = tpu.memref_slice %arg8[%dma_start3A_108] : memref<512xi32, #tpu.memory_space<vmem>> -> memref<64xi32, #tpu.memory_space<vmem>>
    %dma_start3A_110 = arith.constant 0 : i32
    %dma_start3A_111 = arith.constant 0 : i32
    %dma_start3A_112 = tpu.memref_slice %arg5[%dma_start3A_110, %dma_start3A_111] : memref<100000x128xf32, #tpu.memory_space<hbm>> -> memref<100000x128xf32, #tpu.memory_space<hbm>>
    tpu.enqueue_indirect_dma source(%dma_start3A_112 : memref<100000x128xf32, #tpu.memory_space<hbm>>) target(%dma_start3A_107 : memref<64x128xf32, #tpu.memory_space<vmem>>) offsets(%dma_start3A_109 : memref<64xi32, #tpu.memory_space<vmem>>) semaphore(%arg14 : memref<!tpu.dma_semaphore, #tpu.memory_space<semaphore_mem>>)
    %dma_start3A_113 = arith.constant 3 : i32
    %dma_start3A_114 = arith.constant 0 : i32
    %dma_start3A_115 = arith.constant 0 : i32
    %dma_start3A_116 = tpu.memref_slice %arg9[%dma_start3A_113, %dma_start3A_114, %dma_start3A_115] : memref<4x64x128xf32, #tpu.memory_space<vmem>> -> memref<1x64x128xf32, #tpu.memory_space<vmem>>
    %dma_start3A_117 = tpu.memref_squeeze %dma_start3A_116 : memref<1x64x128xf32, #tpu.memory_space<vmem>> -> memref<64x128xf32, #tpu.memory_space<vmem>>
    %dma_start3A_118 = arith.constant 192 : i32
    %dma_start3A_119 = tpu.memref_slice %arg7[%dma_start3A_118] : memref<512xi32, #tpu.memory_space<vmem>> -> memref<64xi32, #tpu.memory_space<vmem>>
    %dma_start3A_120 = arith.constant 0 : i32
    %dma_start3A_121 = arith.constant 0 : i32
    %dma_start3A_122 = tpu.memref_slice %arg4[%dma_start3A_120, %dma_start3A_121] : memref<100000x128xf32, #tpu.memory_space<hbm>> -> memref<100000x128xf32, #tpu.memory_space<hbm>>
    tpu.enqueue_indirect_dma source(%dma_start3A_122 : memref<100000x128xf32, #tpu.memory_space<hbm>>) target(%dma_start3A_117 : memref<64x128xf32, #tpu.memory_space<vmem>>) offsets(%dma_start3A_119 : memref<64xi32, #tpu.memory_space<vmem>>) semaphore(%arg15 : memref<!tpu.dma_semaphore, #tpu.memory_space<semaphore_mem>>)
    %dma_start3A_123 = arith.constant 3 : i32
    %dma_start3A_124 = arith.constant 0 : i32
    %dma_start3A_125 = arith.constant 0 : i32
    %dma_start3A_126 = tpu.memref_slice %arg10[%dma_start3A_123, %dma_start3A_124, %dma_start3A_125] : memref<4x64x128xf32, #tpu.memory_space<vmem>> -> memref<1x64x128xf32, #tpu.memory_space<vmem>>
    %dma_start3A_127 = tpu.memref_squeeze %dma_start3A_126 : memref<1x64x128xf32, #tpu.memory_space<vmem>> -> memref<64x128xf32, #tpu.memory_space<vmem>>
    %dma_start3A_128 = arith.constant 192 : i32
    %dma_start3A_129 = tpu.memref_slice %arg8[%dma_start3A_128] : memref<512xi32, #tpu.memory_space<vmem>> -> memref<64xi32, #tpu.memory_space<vmem>>
    %dma_start3A_130 = arith.constant 0 : i32
    %dma_start3A_131 = arith.constant 0 : i32
    %dma_start3A_132 = tpu.memref_slice %arg5[%dma_start3A_130, %dma_start3A_131] : memref<100000x128xf32, #tpu.memory_space<hbm>> -> memref<100000x128xf32, #tpu.memory_space<hbm>>
    tpu.enqueue_indirect_dma source(%dma_start3A_132 : memref<100000x128xf32, #tpu.memory_space<hbm>>) target(%dma_start3A_127 : memref<64x128xf32, #tpu.memory_space<vmem>>) offsets(%dma_start3A_129 : memref<64xi32, #tpu.memory_space<vmem>>) semaphore(%arg15 : memref<!tpu.dma_semaphore, #tpu.memory_space<semaphore_mem>>)
    %dma_wait3A_133 = arith.constant 0 : i32
    %dma_wait3A_134 = arith.constant 0 : i32
    %dma_wait3A_135 = arith.constant 0 : i32
    %dma_wait3A_136 = tpu.memref_slice %arg9[%dma_wait3A_133, %dma_wait3A_134, %dma_wait3A_135] : memref<4x64x128xf32, #tpu.memory_space<vmem>> -> memref<1x64x128xf32, #tpu.memory_space<vmem>>
    %dma_wait3A_137 = tpu.memref_squeeze %dma_wait3A_136 : memref<1x64x128xf32, #tpu.memory_space<vmem>> -> memref<64x128xf32, #tpu.memory_space<vmem>>
    %dma_wait3A_138 = arith.constant 0 : i32
    %dma_wait3A_139 = tpu.memref_slice %arg7[%dma_wait3A_138] : memref<512xi32, #tpu.memory_space<vmem>> -> memref<64xi32, #tpu.memory_space<vmem>>
    %dma_wait3A_140 = arith.constant 0 : i32
    %dma_wait3A_141 = arith.constant 0 : i32
    %dma_wait3A_142 = tpu.memref_slice %arg4[%dma_wait3A_140, %dma_wait3A_141] : memref<100000x128xf32, #tpu.memory_space<hbm>> -> memref<100000x128xf32, #tpu.memory_space<hbm>>
    tpu.wait_indirect_dma semaphore(%arg12 : memref<!tpu.dma_semaphore, #tpu.memory_space<semaphore_mem>>) src(%dma_wait3A_142 : memref<100000x128xf32, #tpu.memory_space<hbm>>) dst(%dma_wait3A_137 : memref<64x128xf32, #tpu.memory_space<vmem>>)
    %dma_wait3A_143 = arith.constant 0 : i32
    %dma_wait3A_144 = arith.constant 0 : i32
    %dma_wait3A_145 = arith.constant 0 : i32
    %dma_wait3A_146 = tpu.memref_slice %arg10[%dma_wait3A_143, %dma_wait3A_144, %dma_wait3A_145] : memref<4x64x128xf32, #tpu.memory_space<vmem>> -> memref<1x64x128xf32, #tpu.memory_space<vmem>>
    %dma_wait3A_147 = tpu.memref_squeeze %dma_wait3A_146 : memref<1x64x128xf32, #tpu.memory_space<vmem>> -> memref<64x128xf32, #tpu.memory_space<vmem>>
    %dma_wait3A_148 = arith.constant 0 : i32
    %dma_wait3A_149 = tpu.memref_slice %arg8[%dma_wait3A_148] : memref<512xi32, #tpu.memory_space<vmem>> -> memref<64xi32, #tpu.memory_space<vmem>>
    %dma_wait3A_150 = arith.constant 0 : i32
    %dma_wait3A_151 = arith.constant 0 : i32
    %dma_wait3A_152 = tpu.memref_slice %arg5[%dma_wait3A_150, %dma_wait3A_151] : memref<100000x128xf32, #tpu.memory_space<hbm>> -> memref<100000x128xf32, #tpu.memory_space<hbm>>
    tpu.wait_indirect_dma semaphore(%arg12 : memref<!tpu.dma_semaphore, #tpu.memory_space<semaphore_mem>>) src(%dma_wait3A_152 : memref<100000x128xf32, #tpu.memory_space<hbm>>) dst(%dma_wait3A_147 : memref<64x128xf32, #tpu.memory_space<vmem>>)
    %scan3A = arith.constant 0 : i32
    %scan3A_153 = arith.constant 0 : i32
    %scan3A_154 = arith.constant 4 : i32
    %scan3A_155 = arith.addi %scan3A_153, %scan3A_154 : i32
    %scan3A_156 = arith.constant 1 : i32
    %scan3A_157 = scf.for %scan3A_540 = %scan3A_153 to %scan3A_155 step %scan3A_156 iter_args(%scan3A_541 = %scan3A) -> (i32)  : i32 {
      %broadcast_in_dim3A = arith.constant 0.000000e+00 : f32
      %broadcast_in_dim3A_542 = vector.broadcast %broadcast_in_dim3A : f32 to vector<16xf32>
      %scan3A_543 = arith.constant 0 : i32
      %scan3A_544 = arith.constant 0 : i32
      %scan3A_545 = arith.constant 0 : i32
      %scan3A_546 = arith.constant 16 : i32
      %scan3A_547 = arith.addi %scan3A_545, %scan3A_546 : i32
      %scan3A_548 = arith.constant 2 : i32
      %scan3A_549 = scf.for %scan3A_559 = %scan3A_545 to %scan3A_547 step %scan3A_548 iter_args(%scan3A_560 = %broadcast_in_dim3A_542) -> (vector<16xf32>)  : i32 {
        %mul3A_561 = arith.constant 16 : i32
        %mul3A_562 = arith.muli %scan3A_540, %mul3A_561 : i32
        %add3A_563 = arith.addi %mul3A_562, %scan3A_559 : i32
        %mul3A_564 = arith.constant 16 : i32
        %mul3A_565 = arith.muli %scan3A_540, %mul3A_564 : i32
        %add3A_566 = arith.addi %mul3A_565, %scan3A_559 : i32
        %get3A = arith.constant 0 : i32
        %get3A_567 = arith.constant 0 : i32
        %get3A_568 = tpu.memref_slice %arg9[%scan3A_543, %get3A, %get3A_567] : memref<4x64x128xf32, #tpu.memory_space<vmem>> -> memref<1x64x128xf32, #tpu.memory_space<vmem>>
        %get3A_569 = tpu.memref_squeeze %get3A_568 : memref<1x64x128xf32, #tpu.memory_space<vmem>> -> memref<64x128xf32, #tpu.memory_space<vmem>>
        %get3A_570 = arith.constant 0 : i32
        %get3A_571 = tpu.memref_slice %get3A_569[%add3A_563, %get3A_570] : memref<64x128xf32, #tpu.memory_space<vmem>> -> memref<1x128xf32, #tpu.memory_space<vmem>>
        %get3A_572 = tpu.memref_squeeze %get3A_571 : memref<1x128xf32, #tpu.memory_space<vmem>> -> memref<128xf32, #tpu.memory_space<vmem>>
        %get3A_573 = arith.constant 0 : index
        %get3A_574 = tpu.vector_load %get3A_572[%get3A_573] {strides = array<i32>} : memref<128xf32, #tpu.memory_space<vmem>>, vector<16xf32>,
        %get3A_575 = vector.shape_cast %get3A_574 : vector<16xf32> to vector<16xf32>
        %get3A_576 = arith.constant 0 : i32
        %get3A_577 = arith.constant 0 : i32
        %get3A_578 = tpu.memref_slice %arg10[%scan3A_544, %get3A_576, %get3A_577] : memref<4x64x128xf32, #tpu.memory_space<vmem>> -> memref<1x64x128xf32, #tpu.memory_space<vmem>>
        %get3A_579 = tpu.memref_squeeze %get3A_578 : memref<1x64x128xf32, #tpu.memory_space<vmem>> -> memref<64x128xf32, #tpu.memory_space<vmem>>
        %get3A_580 = arith.constant 0 : i32
        %get3A_581 = tpu.memref_slice %get3A_579[%add3A_566, %get3A_580] : memref<64x128xf32, #tpu.memory_space<vmem>> -> memref<1x128xf32, #tpu.memory_space<vmem>>
        %get3A_582 = tpu.memref_squeeze %get3A_581 : memref<1x128xf32, #tpu.memory_space<vmem>> -> memref<128xf32, #tpu.memory_space<vmem>>
        %get3A_583 = arith.constant 0 : index
        %get3A_584 = tpu.vector_load %get3A_582[%get3A_583] {strides = array<i32>} : memref<128xf32, #tpu.memory_space<vmem>>, vector<16xf32>,
        %get3A_585 = vector.shape_cast %get3A_584 : vector<16xf32> to vector<16xf32>
        %mul3A_586 = arith.mulf %get3A_575, %get3A_585 : vector<16xf32>
        %get3A_587 = arith.constant 0 : i32
        %get3A_588 = arith.constant 0 : i32
        %get3A_589 = tpu.memref_slice %arg9[%scan3A_543, %get3A_587, %get3A_588] : memref<4x64x128xf32, #tpu.memory_space<vmem>> -> memref<1x64x128xf32, #tpu.memory_space<vmem>>
        %get3A_590 = tpu.memref_squeeze %get3A_589 : memref<1x64x128xf32, #tpu.memory_space<vmem>> -> memref<64x128xf32, #tpu.memory_space<vmem>>
        %get3A_591 = arith.constant 0 : i32
        %get3A_592 = tpu.memref_slice %get3A_590[%add3A_563, %get3A_591] : memref<64x128xf32, #tpu.memory_space<vmem>> -> memref<1x128xf32, #tpu.memory_space<vmem>>
        %get3A_593 = tpu.memref_squeeze %get3A_592 : memref<1x128xf32, #tpu.memory_space<vmem>> -> memref<128xf32, #tpu.memory_space<vmem>>
        %get3A_594 = arith.constant 16 : index
        %get3A_595 = tpu.vector_load %get3A_593[%get3A_594] {strides = array<i32>} : memref<128xf32, #tpu.memory_space<vmem>>, vector<16xf32>,
        %get3A_596 = vector.shape_cast %get3A_595 : vector<16xf32> to vector<16xf32>
        %get3A_597 = arith.constant 0 : i32
        %get3A_598 = arith.constant 0 : i32
        %get3A_599 = tpu.memref_slice %arg10[%scan3A_544, %get3A_597, %get3A_598] : memref<4x64x128xf32, #tpu.memory_space<vmem>> -> memref<1x64x128xf32, #tpu.memory_space<vmem>>
        %get3A_600 = tpu.memref_squeeze %get3A_599 : memref<1x64x128xf32, #tpu.memory_space<vmem>> -> memref<64x128xf32, #tpu.memory_space<vmem>>
        %get3A_601 = arith.constant 0 : i32
        %get3A_602 = tpu.memref_slice %get3A_600[%add3A_566, %get3A_601] : memref<64x128xf32, #tpu.memory_space<vmem>> -> memref<1x128xf32, #tpu.memory_space<vmem>>
        %get3A_603 = tpu.memref_squeeze %get3A_602 : memref<1x128xf32, #tpu.memory_space<vmem>> -> memref<128xf32, #tpu.memory_space<vmem>>
        %get3A_604 = arith.constant 16 : index
        %get3A_605 = tpu.vector_load %get3A_603[%get3A_604] {strides = array<i32>} : memref<128xf32, #tpu.memory_space<vmem>>, vector<16xf32>,
        %get3A_606 = vector.shape_cast %get3A_605 : vector<16xf32> to vector<16xf32>
        %mul3A_607 = arith.mulf %get3A_596, %get3A_606 : vector<16xf32>
        %get3A_608 = arith.constant 0 : i32
        %get3A_609 = arith.constant 0 : i32
        %get3A_610 = tpu.memref_slice %arg9[%scan3A_543, %get3A_608, %get3A_609] : memref<4x64x128xf32, #tpu.memory_space<vmem>> -> memref<1x64x128xf32, #tpu.memory_space<vmem>>
        %get3A_611 = tpu.memref_squeeze %get3A_610 : memref<1x64x128xf32, #tpu.memory_space<vmem>> -> memref<64x128xf32, #tpu.memory_space<vmem>>
        %get3A_612 = arith.constant 0 : i32
        %get3A_613 = tpu.memref_slice %get3A_611[%add3A_563, %get3A_612] : memref<64x128xf32, #tpu.memory_space<vmem>> -> memref<1x128xf32, #tpu.memory_space<vmem>>
        %get3A_614 = tpu.memref_squeeze %get3A_613 : memref<1x128xf32, #tpu.memory_space<vmem>> -> memref<128xf32, #tpu.memory_space<vmem>>
        %get3A_615 = arith.constant 32 : index
        %get3A_616 = tpu.vector_load %get3A_614[%get3A_615] {strides = array<i32>} : memref<128xf32, #tpu.memory_space<vmem>>, vector<16xf32>,
        %get3A_617 = vector.shape_cast %get3A_616 : vector<16xf32> to vector<16xf32>
        %get3A_618 = arith.constant 0 : i32
        %get3A_619 = arith.constant 0 : i32
        %get3A_620 = tpu.memref_slice %arg10[%scan3A_544, %get3A_618, %get3A_619] : memref<4x64x128xf32, #tpu.memory_space<vmem>> -> memref<1x64x128xf32, #tpu.memory_space<vmem>>
        %get3A_621 = tpu.memref_squeeze %get3A_620 : memref<1x64x128xf32, #tpu.memory_space<vmem>> -> memref<64x128xf32, #tpu.memory_space<vmem>>
        %get3A_622 = arith.constant 0 : i32
        %get3A_623 = tpu.memref_slice %get3A_621[%add3A_566, %get3A_622] : memref<64x128xf32, #tpu.memory_space<vmem>> -> memref<1x128xf32, #tpu.memory_space<vmem>>
        %get3A_624 = tpu.memref_squeeze %get3A_623 : memref<1x128xf32, #tpu.memory_space<vmem>> -> memref<128xf32, #tpu.memory_space<vmem>>
        %get3A_625 = arith.constant 32 : index
        %get3A_626 = tpu.vector_load %get3A_624[%get3A_625] {strides = array<i32>} : memref<128xf32, #tpu.memory_space<vmem>>, vector<16xf32>,
        %get3A_627 = vector.shape_cast %get3A_626 : vector<16xf32> to vector<16xf32>
        %mul3A_628 = arith.mulf %get3A_617, %get3A_627 : vector<16xf32>
        %get3A_629 = arith.constant 0 : i32
        %get3A_630 = arith.constant 0 : i32
        %get3A_631 = tpu.memref_slice %arg9[%scan3A_543, %get3A_629, %get3A_630] : memref<4x64x128xf32, #tpu.memory_space<vmem>> -> memref<1x64x128xf32, #tpu.memory_space<vmem>>
        %get3A_632 = tpu.memref_squeeze %get3A_631 : memref<1x64x128xf32, #tpu.memory_space<vmem>> -> memref<64x128xf32, #tpu.memory_space<vmem>>
        %get3A_633 = arith.constant 0 : i32
        %get3A_634 = tpu.memref_slice %get3A_632[%add3A_563, %get3A_633] : memref<64x128xf32, #tpu.memory_space<vmem>> -> memref<1x128xf32, #tpu.memory_space<vmem>>
        %get3A_635 = tpu.memref_squeeze %get3A_634 : memref<1x128xf32, #tpu.memory_space<vmem>> -> memref<128xf32, #tpu.memory_space<vmem>>
        %get3A_636 = arith.constant 48 : index
        %get3A_637 = tpu.vector_load %get3A_635[%get3A_636] {strides = array<i32>} : memref<128xf32, #tpu.memory_space<vmem>>, vector<16xf32>,
        %get3A_638 = vector.shape_cast %get3A_637 : vector<16xf32> to vector<16xf32>
        %get3A_639 = arith.constant 0 : i32
        %get3A_640 = arith.constant 0 : i32
        %get3A_641 = tpu.memref_slice %arg10[%scan3A_544, %get3A_639, %get3A_640] : memref<4x64x128xf32, #tpu.memory_space<vmem>> -> memref<1x64x128xf32, #tpu.memory_space<vmem>>
        %get3A_642 = tpu.memref_squeeze %get3A_641 : memref<1x64x128xf32, #tpu.memory_space<vmem>> -> memref<64x128xf32, #tpu.memory_space<vmem>>
        %get3A_643 = arith.constant 0 : i32
        %get3A_644 = tpu.memref_slice %get3A_642[%add3A_566, %get3A_643] : memref<64x128xf32, #tpu.memory_space<vmem>> -> memref<1x128xf32, #tpu.memory_space<vmem>>
        %get3A_645 = tpu.memref_squeeze %get3A_644 : memref<1x128xf32, #tpu.memory_space<vmem>> -> memref<128xf32, #tpu.memory_space<vmem>>
        %get3A_646 = arith.constant 48 : index
        %get3A_647 = tpu.vector_load %get3A_645[%get3A_646] {strides = array<i32>} : memref<128xf32, #tpu.memory_space<vmem>>, vector<16xf32>,
        %get3A_648 = vector.shape_cast %get3A_647 : vector<16xf32> to vector<16xf32>
        %mul3A_649 = arith.mulf %get3A_638, %get3A_648 : vector<16xf32>
        %get3A_650 = arith.constant 0 : i32
        %get3A_651 = arith.constant 0 : i32
        %get3A_652 = tpu.memref_slice %arg9[%scan3A_543, %get3A_650, %get3A_651] : memref<4x64x128xf32, #tpu.memory_space<vmem>> -> memref<1x64x128xf32, #tpu.memory_space<vmem>>
        %get3A_653 = tpu.memref_squeeze %get3A_652 : memref<1x64x128xf32, #tpu.memory_space<vmem>> -> memref<64x128xf32, #tpu.memory_space<vmem>>
        %get3A_654 = arith.constant 0 : i32
        %get3A_655 = tpu.memref_slice %get3A_653[%add3A_563, %get3A_654] : memref<64x128xf32, #tpu.memory_space<vmem>> -> memref<1x128xf32, #tpu.memory_space<vmem>>
        %get3A_656 = tpu.memref_squeeze %get3A_655 : memref<1x128xf32, #tpu.memory_space<vmem>> -> memref<128xf32, #tpu.memory_space<vmem>>
        %get3A_657 = arith.constant 64 : index
        %get3A_658 = tpu.vector_load %get3A_656[%get3A_657] {strides = array<i32>} : memref<128xf32, #tpu.memory_space<vmem>>, vector<16xf32>,
        %get3A_659 = vector.shape_cast %get3A_658 : vector<16xf32> to vector<16xf32>
        %get3A_660 = arith.constant 0 : i32
        %get3A_661 = arith.constant 0 : i32
        %get3A_662 = tpu.memref_slice %arg10[%scan3A_544, %get3A_660, %get3A_661] : memref<4x64x128xf32, #tpu.memory_space<vmem>> -> memref<1x64x128xf32, #tpu.memory_space<vmem>>
        %get3A_663 = tpu.memref_squeeze %get3A_662 : memref<1x64x128xf32, #tpu.memory_space<vmem>> -> memref<64x128xf32, #tpu.memory_space<vmem>>
        %get3A_664 = arith.constant 0 : i32
        %get3A_665 = tpu.memref_slice %get3A_663[%add3A_566, %get3A_664] : memref<64x128xf32, #tpu.memory_space<vmem>> -> memref<1x128xf32, #tpu.memory_space<vmem>>
        %get3A_666 = tpu.memref_squeeze %get3A_665 : memref<1x128xf32, #tpu.memory_space<vmem>> -> memref<128xf32, #tpu.memory_space<vmem>>
        %get3A_667 = arith.constant 64 : index
        %get3A_668 = tpu.vector_load %get3A_666[%get3A_667] {strides = array<i32>} : memref<128xf32, #tpu.memory_space<vmem>>, vector<16xf32>,
        %get3A_669 = vector.shape_cast %get3A_668 : vector<16xf32> to vector<16xf32>
        %mul3A_670 = arith.mulf %get3A_659, %get3A_669 : vector<16xf32>
        %get3A_671 = arith.constant 0 : i32
        %get3A_672 = arith.constant 0 : i32
        %get3A_673 = tpu.memref_slice %arg9[%scan3A_543, %get3A_671, %get3A_672] : memref<4x64x128xf32, #tpu.memory_space<vmem>> -> memref<1x64x128xf32, #tpu.memory_space<vmem>>
        %get3A_674 = tpu.memref_squeeze %get3A_673 : memref<1x64x128xf32, #tpu.memory_space<vmem>> -> memref<64x128xf32, #tpu.memory_space<vmem>>
        %get3A_675 = arith.constant 0 : i32
        %get3A_676 = tpu.memref_slice %get3A_674[%add3A_563, %get3A_675] : memref<64x128xf32, #tpu.memory_space<vmem>> -> memref<1x128xf32, #tpu.memory_space<vmem>>
        %get3A_677 = tpu.memref_squeeze %get3A_676 : memref<1x128xf32, #tpu.memory_space<vmem>> -> memref<128xf32, #tpu.memory_space<vmem>>
        %get3A_678 = arith.constant 80 : index
        %get3A_679 = tpu.vector_load %get3A_677[%get3A_678] {strides = array<i32>} : memref<128xf32, #tpu.memory_space<vmem>>, vector<16xf32>,
        %get3A_680 = vector.shape_cast %get3A_679 : vector<16xf32> to vector<16xf32>
        %get3A_681 = arith.constant 0 : i32
        %get3A_682 = arith.constant 0 : i32
        %get3A_683 = tpu.memref_slice %arg10[%scan3A_544, %get3A_681, %get3A_682] : memref<4x64x128xf32, #tpu.memory_space<vmem>> -> memref<1x64x128xf32, #tpu.memory_space<vmem>>
        %get3A_684 = tpu.memref_squeeze %get3A_683 : memref<1x64x128xf32, #tpu.memory_space<vmem>> -> memref<64x128xf32, #tpu.memory_space<vmem>>
        %get3A_685 = arith.constant 0 : i32
        %get3A_686 = tpu.memref_slice %get3A_684[%add3A_566, %get3A_685] : memref<64x128xf32, #tpu.memory_space<vmem>> -> memref<1x128xf32, #tpu.memory_space<vmem>>
        %get3A_687 = tpu.memref_squeeze %get3A_686 : memref<1x128xf32, #tpu.memory_space<vmem>> -> memref<128xf32, #tpu.memory_space<vmem>>
        %get3A_688 = arith.constant 80 : index
        %get3A_689 = tpu.vector_load %get3A_687[%get3A_688] {strides = array<i32>} : memref<128xf32, #tpu.memory_space<vmem>>, vector<16xf32>,
        %get3A_690 = vector.shape_cast %get3A_689 : vector<16xf32> to vector<16xf32>
        %mul3A_691 = arith.mulf %get3A_680, %get3A_690 : vector<16xf32>
        %get3A_692 = arith.constant 0 : i32
        %get3A_693 = arith.constant 0 : i32
        %get3A_694 = tpu.memref_slice %arg9[%scan3A_543, %get3A_692, %get3A_693] : memref<4x64x128xf32, #tpu.memory_space<vmem>> -> memref<1x64x128xf32, #tpu.memory_space<vmem>>
        %get3A_695 = tpu.memref_squeeze %get3A_694 : memref<1x64x128xf32, #tpu.memory_space<vmem>> -> memref<64x128xf32, #tpu.memory_space<vmem>>
        %get3A_696 = arith.constant 0 : i32
        %get3A_697 = tpu.memref_slice %get3A_695[%add3A_563, %get3A_696] : memref<64x128xf32, #tpu.memory_space<vmem>> -> memref<1x128xf32, #tpu.memory_space<vmem>>
        %get3A_698 = tpu.memref_squeeze %get3A_697 : memref<1x128xf32, #tpu.memory_space<vmem>> -> memref<128xf32, #tpu.memory_space<vmem>>
        %get3A_699 = arith.constant 96 : index
        %get3A_700 = tpu.vector_load %get3A_698[%get3A_699] {strides = array<i32>} : memref<128xf32, #tpu.memory_space<vmem>>, vector<16xf32>,
        %get3A_701 = vector.shape_cast %get3A_700 : vector<16xf32> to vector<16xf32>
        %get3A_702 = arith.constant 0 : i32
        %get3A_703 = arith.constant 0 : i32
        %get3A_704 = tpu.memref_slice %arg10[%scan3A_544, %get3A_702, %get3A_703] : memref<4x64x128xf32, #tpu.memory_space<vmem>> -> memref<1x64x128xf32, #tpu.memory_space<vmem>>
        %get3A_705 = tpu.memref_squeeze %get3A_704 : memref<1x64x128xf32, #tpu.memory_space<vmem>> -> memref<64x128xf32, #tpu.memory_space<vmem>>
        %get3A_706 = arith.constant 0 : i32
        %get3A_707 = tpu.memref_slice %get3A_705[%add3A_566, %get3A_706] : memref<64x128xf32, #tpu.memory_space<vmem>> -> memref<1x128xf32, #tpu.memory_space<vmem>>
        %get3A_708 = tpu.memref_squeeze %get3A_707 : memref<1x128xf32, #tpu.memory_space<vmem>> -> memref<128xf32, #tpu.memory_space<vmem>>
        %get3A_709 = arith.constant 96 : index
        %get3A_710 = tpu.vector_load %get3A_708[%get3A_709] {strides = array<i32>} : memref<128xf32, #tpu.memory_space<vmem>>, vector<16xf32>,
        %get3A_711 = vector.shape_cast %get3A_710 : vector<16xf32> to vector<16xf32>
        %mul3A_712 = arith.mulf %get3A_701, %get3A_711 : vector<16xf32>
        %get3A_713 = arith.constant 0 : i32
        %get3A_714 = arith.constant 0 : i32
        %get3A_715 = tpu.memref_slice %arg9[%scan3A_543, %get3A_713, %get3A_714] : memref<4x64x128xf32, #tpu.memory_space<vmem>> -> memref<1x64x128xf32, #tpu.memory_space<vmem>>
        %get3A_716 = tpu.memref_squeeze %get3A_715 : memref<1x64x128xf32, #tpu.memory_space<vmem>> -> memref<64x128xf32, #tpu.memory_space<vmem>>
        %get3A_717 = arith.constant 0 : i32
        %get3A_718 = tpu.memref_slice %get3A_716[%add3A_563, %get3A_717] : memref<64x128xf32, #tpu.memory_space<vmem>> -> memref<1x128xf32, #tpu.memory_space<vmem>>
        %get3A_719 = tpu.memref_squeeze %get3A_718 : memref<1x128xf32, #tpu.memory_space<vmem>> -> memref<128xf32, #tpu.memory_space<vmem>>
        %get3A_720 = arith.constant 112 : index
        %get3A_721 = tpu.vector_load %get3A_719[%get3A_720] {strides = array<i32>} : memref<128xf32, #tpu.memory_space<vmem>>, vector<16xf32>,
        %get3A_722 = vector.shape_cast %get3A_721 : vector<16xf32> to vector<16xf32>
        %get3A_723 = arith.constant 0 : i32
        %get3A_724 = arith.constant 0 : i32
        %get3A_725 = tpu.memref_slice %arg10[%scan3A_544, %get3A_723, %get3A_724] : memref<4x64x128xf32, #tpu.memory_space<vmem>> -> memref<1x64x128xf32, #tpu.memory_space<vmem>>
        %get3A_726 = tpu.memref_squeeze %get3A_725 : memref<1x64x128xf32, #tpu.memory_space<vmem>> -> memref<64x128xf32, #tpu.memory_space<vmem>>
        %get3A_727 = arith.constant 0 : i32
        %get3A_728 = tpu.memref_slice %get3A_726[%add3A_566, %get3A_727] : memref<64x128xf32, #tpu.memory_space<vmem>> -> memref<1x128xf32, #tpu.memory_space<vmem>>
        %get3A_729 = tpu.memref_squeeze %get3A_728 : memref<1x128xf32, #tpu.memory_space<vmem>> -> memref<128xf32, #tpu.memory_space<vmem>>
        %get3A_730 = arith.constant 112 : index
        %get3A_731 = tpu.vector_load %get3A_729[%get3A_730] {strides = array<i32>} : memref<128xf32, #tpu.memory_space<vmem>>, vector<16xf32>,
        %get3A_732 = vector.shape_cast %get3A_731 : vector<16xf32> to vector<16xf32>
        %mul3A_733 = arith.mulf %get3A_722, %get3A_732 : vector<16xf32>
        %add3A_734 = arith.addf %mul3A_586, %mul3A_607 : vector<16xf32>
        %add3A_735 = arith.addf %mul3A_628, %mul3A_649 : vector<16xf32>
        %add3A_736 = arith.addf %mul3A_670, %mul3A_691 : vector<16xf32>
        %add3A_737 = arith.addf %mul3A_712, %mul3A_733 : vector<16xf32>
        %add3A_738 = arith.addf %add3A_734, %add3A_735 : vector<16xf32>
        %add3A_739 = arith.addf %add3A_736, %add3A_737 : vector<16xf32>
        %add3A_740 = arith.addf %add3A_738, %add3A_739 : vector<16xf32>
        %xor3A = arith.constant 8 : i32
        %xor3A_741 = vector.broadcast %xor3A : i32 to vector<16xi32>
        %xor3A_742 = arith.xori %iota3A, %xor3A_741 : vector<16xi32>
        %broadcast_in_dim3A_743 = vector.shape_cast %xor3A_742 : vector<16xi32> to vector<16x1xi32>
        %gather3A = vector.shape_cast %broadcast_in_dim3A_743 : vector<16x1xi32> to vector<16xi32>
        %gather3A_744 = tpu.dynamic_gather %add3A_740[%gather3A] in [0] : vector<16xf32>, vector<16xi32> -> vector<16xf32>
        %add3A_745 = arith.addf %add3A_740, %gather3A_744 : vector<16xf32>
        %xor3A_746 = arith.constant 4 : i32
        %xor3A_747 = vector.broadcast %xor3A_746 : i32 to vector<16xi32>
        %xor3A_748 = arith.xori %iota3A, %xor3A_747 : vector<16xi32>
        %broadcast_in_dim3A_749 = vector.shape_cast %xor3A_748 : vector<16xi32> to vector<16x1xi32>
        %gather3A_750 = vector.shape_cast %broadcast_in_dim3A_749 : vector<16x1xi32> to vector<16xi32>
        %gather3A_751 = tpu.dynamic_gather %add3A_745[%gather3A_750] in [0] : vector<16xf32>, vector<16xi32> -> vector<16xf32>
        %add3A_752 = arith.addf %add3A_745, %gather3A_751 : vector<16xf32>
        %xor3A_753 = arith.constant 2 : i32
        %xor3A_754 = vector.broadcast %xor3A_753 : i32 to vector<16xi32>
        %xor3A_755 = arith.xori %iota3A, %xor3A_754 : vector<16xi32>
        %broadcast_in_dim3A_756 = vector.shape_cast %xor3A_755 : vector<16xi32> to vector<16x1xi32>
        %gather3A_757 = vector.shape_cast %broadcast_in_dim3A_756 : vector<16x1xi32> to vector<16xi32>
        %gather3A_758 = tpu.dynamic_gather %add3A_752[%gather3A_757] in [0] : vector<16xf32>, vector<16xi32> -> vector<16xf32>
        %add3A_759 = arith.addf %add3A_752, %gather3A_758 : vector<16xf32>
        %xor3A_760 = arith.constant 1 : i32
        %xor3A_761 = vector.broadcast %xor3A_760 : i32 to vector<16xi32>
        %xor3A_762 = arith.xori %iota3A, %xor3A_761 : vector<16xi32>
        %broadcast_in_dim3A_763 = vector.shape_cast %xor3A_762 : vector<16xi32> to vector<16x1xi32>
        %gather3A_764 = vector.shape_cast %broadcast_in_dim3A_763 : vector<16x1xi32> to vector<16xi32>
        %gather3A_765 = tpu.dynamic_gather %add3A_759[%gather3A_764] in [0] : vector<16xf32>, vector<16xi32> -> vector<16xf32>
        %add3A_766 = arith.addf %add3A_759, %gather3A_765 : vector<16xf32>
        %eq3A = vector.broadcast %scan3A_559 : i32 to vector<16xi32>
        %eq3A_767 = arith.cmpi eq, %iota3A, %eq3A : vector<16xi32>
        %select_n3A = arith.select %eq3A_767, %add3A_766, %scan3A_560 : vector<16xi1>, vector<16xf32>
        %scan3A_768 = arith.constant 1 : i32
        %scan3A_769 = arith.addi %scan3A_559, %scan3A_768 : i32
        %mul3A_770 = arith.constant 16 : i32
        %mul3A_771 = arith.muli %scan3A_540, %mul3A_770 : i32
        %add3A_772 = arith.addi %mul3A_771, %scan3A_769 : i32
        %mul3A_773 = arith.constant 16 : i32
        %mul3A_774 = arith.muli %scan3A_540, %mul3A_773 : i32
        %add3A_775 = arith.addi %mul3A_774, %scan3A_769 : i32
        %get3A_776 = arith.constant 0 : i32
        %get3A_777 = arith.constant 0 : i32
        %get3A_778 = tpu.memref_slice %arg9[%scan3A_543, %get3A_776, %get3A_777] : memref<4x64x128xf32, #tpu.memory_space<vmem>> -> memref<1x64x128xf32, #tpu.memory_space<vmem>>
        %get3A_779 = tpu.memref_squeeze %get3A_778 : memref<1x64x128xf32, #tpu.memory_space<vmem>> -> memref<64x128xf32, #tpu.memory_space<vmem>>
        %get3A_780 = arith.constant 0 : i32
        %get3A_781 = tpu.memref_slice %get3A_779[%add3A_772, %get3A_780] : memref<64x128xf32, #tpu.memory_space<vmem>> -> memref<1x128xf32, #tpu.memory_space<vmem>>
        %get3A_782 = tpu.memref_squeeze %get3A_781 : memref<1x128xf32, #tpu.memory_space<vmem>> -> memref<128xf32, #tpu.memory_space<vmem>>
        %get3A_783 = arith.constant 0 : index
        %get3A_784 = tpu.vector_load %get3A_782[%get3A_783] {strides = array<i32>} : memref<128xf32, #tpu.memory_space<vmem>>, vector<16xf32>,
        %get3A_785 = vector.shape_cast %get3A_784 : vector<16xf32> to vector<16xf32>
        %get3A_786 = arith.constant 0 : i32
        %get3A_787 = arith.constant 0 : i32
        %get3A_788 = tpu.memref_slice %arg10[%scan3A_544, %get3A_786, %get3A_787] : memref<4x64x128xf32, #tpu.memory_space<vmem>> -> memref<1x64x128xf32, #tpu.memory_space<vmem>>
        %get3A_789 = tpu.memref_squeeze %get3A_788 : memref<1x64x128xf32, #tpu.memory_space<vmem>> -> memref<64x128xf32, #tpu.memory_space<vmem>>
        %get3A_790 = arith.constant 0 : i32
        %get3A_791 = tpu.memref_slice %get3A_789[%add3A_775, %get3A_790] : memref<64x128xf32, #tpu.memory_space<vmem>> -> memref<1x128xf32, #tpu.memory_space<vmem>>
        %get3A_792 = tpu.memref_squeeze %get3A_791 : memref<1x128xf32, #tpu.memory_space<vmem>> -> memref<128xf32, #tpu.memory_space<vmem>>
        %get3A_793 = arith.constant 0 : index
        %get3A_794 = tpu.vector_load %get3A_792[%get3A_793] {strides = array<i32>} : memref<128xf32, #tpu.memory_space<vmem>>, vector<16xf32>,
        %get3A_795 = vector.shape_cast %get3A_794 : vector<16xf32> to vector<16xf32>
        %mul3A_796 = arith.mulf %get3A_785, %get3A_795 : vector<16xf32>
        %get3A_797 = arith.constant 0 : i32
        %get3A_798 = arith.constant 0 : i32
        %get3A_799 = tpu.memref_slice %arg9[%scan3A_543, %get3A_797, %get3A_798] : memref<4x64x128xf32, #tpu.memory_space<vmem>> -> memref<1x64x128xf32, #tpu.memory_space<vmem>>
        %get3A_800 = tpu.memref_squeeze %get3A_799 : memref<1x64x128xf32, #tpu.memory_space<vmem>> -> memref<64x128xf32, #tpu.memory_space<vmem>>
        %get3A_801 = arith.constant 0 : i32
        %get3A_802 = tpu.memref_slice %get3A_800[%add3A_772, %get3A_801] : memref<64x128xf32, #tpu.memory_space<vmem>> -> memref<1x128xf32, #tpu.memory_space<vmem>>
        %get3A_803 = tpu.memref_squeeze %get3A_802 : memref<1x128xf32, #tpu.memory_space<vmem>> -> memref<128xf32, #tpu.memory_space<vmem>>
        %get3A_804 = arith.constant 16 : index
        %get3A_805 = tpu.vector_load %get3A_803[%get3A_804] {strides = array<i32>} : memref<128xf32, #tpu.memory_space<vmem>>, vector<16xf32>,
        %get3A_806 = vector.shape_cast %get3A_805 : vector<16xf32> to vector<16xf32>
        %get3A_807 = arith.constant 0 : i32
        %get3A_808 = arith.constant 0 : i32
        %get3A_809 = tpu.memref_slice %arg10[%scan3A_544, %get3A_807, %get3A_808] : memref<4x64x128xf32, #tpu.memory_space<vmem>> -> memref<1x64x128xf32, #tpu.memory_space<vmem>>
        %get3A_810 = tpu.memref_squeeze %get3A_809 : memref<1x64x128xf32, #tpu.memory_space<vmem>> -> memref<64x128xf32, #tpu.memory_space<vmem>>
        %get3A_811 = arith.constant 0 : i32
        %get3A_812 = tpu.memref_slice %get3A_810[%add3A_775, %get3A_811] : memref<64x128xf32, #tpu.memory_space<vmem>> -> memref<1x128xf32, #tpu.memory_space<vmem>>
        %get3A_813 = tpu.memref_squeeze %get3A_812 : memref<1x128xf32, #tpu.memory_space<vmem>> -> memref<128xf32, #tpu.memory_space<vmem>>
        %get3A_814 = arith.constant 16 : index
        %get3A_815 = tpu.vector_load %get3A_813[%get3A_814] {strides = array<i32>} : memref<128xf32, #tpu.memory_space<vmem>>, vector<16xf32>,
        %get3A_816 = vector.shape_cast %get3A_815 : vector<16xf32> to vector<16xf32>
        %mul3A_817 = arith.mulf %get3A_806, %get3A_816 : vector<16xf32>
        %get3A_818 = arith.constant 0 : i32
        %get3A_819 = arith.constant 0 : i32
        %get3A_820 = tpu.memref_slice %arg9[%scan3A_543, %get3A_818, %get3A_819] : memref<4x64x128xf32, #tpu.memory_space<vmem>> -> memref<1x64x128xf32, #tpu.memory_space<vmem>>
        %get3A_821 = tpu.memref_squeeze %get3A_820 : memref<1x64x128xf32, #tpu.memory_space<vmem>> -> memref<64x128xf32, #tpu.memory_space<vmem>>
        %get3A_822 = arith.constant 0 : i32
        %get3A_823 = tpu.memref_slice %get3A_821[%add3A_772, %get3A_822] : memref<64x128xf32, #tpu.memory_space<vmem>> -> memref<1x128xf32, #tpu.memory_space<vmem>>
        %get3A_824 = tpu.memref_squeeze %get3A_823 : memref<1x128xf32, #tpu.memory_space<vmem>> -> memref<128xf32, #tpu.memory_space<vmem>>
        %get3A_825 = arith.constant 32 : index
        %get3A_826 = tpu.vector_load %get3A_824[%get3A_825] {strides = array<i32>} : memref<128xf32, #tpu.memory_space<vmem>>, vector<16xf32>,
        %get3A_827 = vector.shape_cast %get3A_826 : vector<16xf32> to vector<16xf32>
        %get3A_828 = arith.constant 0 : i32
        %get3A_829 = arith.constant 0 : i32
        %get3A_830 = tpu.memref_slice %arg10[%scan3A_544, %get3A_828, %get3A_829] : memref<4x64x128xf32, #tpu.memory_space<vmem>> -> memref<1x64x128xf32, #tpu.memory_space<vmem>>
        %get3A_831 = tpu.memref_squeeze %get3A_830 : memref<1x64x128xf32, #tpu.memory_space<vmem>> -> memref<64x128xf32, #tpu.memory_space<vmem>>
        %get3A_832 = arith.constant 0 : i32
        %get3A_833 = tpu.memref_slice %get3A_831[%add3A_775, %get3A_832] : memref<64x128xf32, #tpu.memory_space<vmem>> -> memref<1x128xf32, #tpu.memory_space<vmem>>
        %get3A_834 = tpu.memref_squeeze %get3A_833 : memref<1x128xf32, #tpu.memory_space<vmem>> -> memref<128xf32, #tpu.memory_space<vmem>>
        %get3A_835 = arith.constant 32 : index
        %get3A_836 = tpu.vector_load %get3A_834[%get3A_835] {strides = array<i32>} : memref<128xf32, #tpu.memory_space<vmem>>, vector<16xf32>,
        %get3A_837 = vector.shape_cast %get3A_836 : vector<16xf32> to vector<16xf32>
        %mul3A_838 = arith.mulf %get3A_827, %get3A_837 : vector<16xf32>
        %get3A_839 = arith.constant 0 : i32
        %get3A_840 = arith.constant 0 : i32
        %get3A_841 = tpu.memref_slice %arg9[%scan3A_543, %get3A_839, %get3A_840] : memref<4x64x128xf32, #tpu.memory_space<vmem>> -> memref<1x64x128xf32, #tpu.memory_space<vmem>>
        %get3A_842 = tpu.memref_squeeze %get3A_841 : memref<1x64x128xf32, #tpu.memory_space<vmem>> -> memref<64x128xf32, #tpu.memory_space<vmem>>
        %get3A_843 = arith.constant 0 : i32
        %get3A_844 = tpu.memref_slice %get3A_842[%add3A_772, %get3A_843] : memref<64x128xf32, #tpu.memory_space<vmem>> -> memref<1x128xf32, #tpu.memory_space<vmem>>
        %get3A_845 = tpu.memref_squeeze %get3A_844 : memref<1x128xf32, #tpu.memory_space<vmem>> -> memref<128xf32, #tpu.memory_space<vmem>>
        %get3A_846 = arith.constant 48 : index
        %get3A_847 = tpu.vector_load %get3A_845[%get3A_846] {strides = array<i32>} : memref<128xf32, #tpu.memory_space<vmem>>, vector<16xf32>,
        %get3A_848 = vector.shape_cast %get3A_847 : vector<16xf32> to vector<16xf32>
        %get3A_849 = arith.constant 0 : i32
        %get3A_850 = arith.constant 0 : i32
        %get3A_851 = tpu.memref_slice %arg10[%scan3A_544, %get3A_849, %get3A_850] : memref<4x64x128xf32, #tpu.memory_space<vmem>> -> memref<1x64x128xf32, #tpu.memory_space<vmem>>
        %get3A_852 = tpu.memref_squeeze %get3A_851 : memref<1x64x128xf32, #tpu.memory_space<vmem>> -> memref<64x128xf32, #tpu.memory_space<vmem>>
        %get3A_853 = arith.constant 0 : i32
        %get3A_854 = tpu.memref_slice %get3A_852[%add3A_775, %get3A_853] : memref<64x128xf32, #tpu.memory_space<vmem>> -> memref<1x128xf32, #tpu.memory_space<vmem>>
        %get3A_855 = tpu.memref_squeeze %get3A_854 : memref<1x128xf32, #tpu.memory_space<vmem>> -> memref<128xf32, #tpu.memory_space<vmem>>
        %get3A_856 = arith.constant 48 : index
        %get3A_857 = tpu.vector_load %get3A_855[%get3A_856] {strides = array<i32>} : memref<128xf32, #tpu.memory_space<vmem>>, vector<16xf32>,
        %get3A_858 = vector.shape_cast %get3A_857 : vector<16xf32> to vector<16xf32>
        %mul3A_859 = arith.mulf %get3A_848, %get3A_858 : vector<16xf32>
        %get3A_860 = arith.constant 0 : i32
        %get3A_861 = arith.constant 0 : i32
        %get3A_862 = tpu.memref_slice %arg9[%scan3A_543, %get3A_860, %get3A_861] : memref<4x64x128xf32, #tpu.memory_space<vmem>> -> memref<1x64x128xf32, #tpu.memory_space<vmem>>
        %get3A_863 = tpu.memref_squeeze %get3A_862 : memref<1x64x128xf32, #tpu.memory_space<vmem>> -> memref<64x128xf32, #tpu.memory_space<vmem>>
        %get3A_864 = arith.constant 0 : i32
        %get3A_865 = tpu.memref_slice %get3A_863[%add3A_772, %get3A_864] : memref<64x128xf32, #tpu.memory_space<vmem>> -> memref<1x128xf32, #tpu.memory_space<vmem>>
        %get3A_866 = tpu.memref_squeeze %get3A_865 : memref<1x128xf32, #tpu.memory_space<vmem>> -> memref<128xf32, #tpu.memory_space<vmem>>
        %get3A_867 = arith.constant 64 : index
        %get3A_868 = tpu.vector_load %get3A_866[%get3A_867] {strides = array<i32>} : memref<128xf32, #tpu.memory_space<vmem>>, vector<16xf32>,
        %get3A_869 = vector.shape_cast %get3A_868 : vector<16xf32> to vector<16xf32>
        %get3A_870 = arith.constant 0 : i32
        %get3A_871 = arith.constant 0 : i32
        %get3A_872 = tpu.memref_slice %arg10[%scan3A_544, %get3A_870, %get3A_871] : memref<4x64x128xf32, #tpu.memory_space<vmem>> -> memref<1x64x128xf32, #tpu.memory_space<vmem>>
        %get3A_873 = tpu.memref_squeeze %get3A_872 : memref<1x64x128xf32, #tpu.memory_space<vmem>> -> memref<64x128xf32, #tpu.memory_space<vmem>>
        %get3A_874 = arith.constant 0 : i32
        %get3A_875 = tpu.memref_slice %get3A_873[%add3A_775, %get3A_874] : memref<64x128xf32, #tpu.memory_space<vmem>> -> memref<1x128xf32, #tpu.memory_space<vmem>>
        %get3A_876 = tpu.memref_squeeze %get3A_875 : memref<1x128xf32, #tpu.memory_space<vmem>> -> memref<128xf32, #tpu.memory_space<vmem>>
        %get3A_877 = arith.constant 64 : index
        %get3A_878 = tpu.vector_load %get3A_876[%get3A_877] {strides = array<i32>} : memref<128xf32, #tpu.memory_space<vmem>>, vector<16xf32>,
        %get3A_879 = vector.shape_cast %get3A_878 : vector<16xf32> to vector<16xf32>
        %mul3A_880 = arith.mulf %get3A_869, %get3A_879 : vector<16xf32>
        %get3A_881 = arith.constant 0 : i32
        %get3A_882 = arith.constant 0 : i32
        %get3A_883 = tpu.memref_slice %arg9[%scan3A_543, %get3A_881, %get3A_882] : memref<4x64x128xf32, #tpu.memory_space<vmem>> -> memref<1x64x128xf32, #tpu.memory_space<vmem>>
        %get3A_884 = tpu.memref_squeeze %get3A_883 : memref<1x64x128xf32, #tpu.memory_space<vmem>> -> memref<64x128xf32, #tpu.memory_space<vmem>>
        %get3A_885 = arith.constant 0 : i32
        %get3A_886 = tpu.memref_slice %get3A_884[%add3A_772, %get3A_885] : memref<64x128xf32, #tpu.memory_space<vmem>> -> memref<1x128xf32, #tpu.memory_space<vmem>>
        %get3A_887 = tpu.memref_squeeze %get3A_886 : memref<1x128xf32, #tpu.memory_space<vmem>> -> memref<128xf32, #tpu.memory_space<vmem>>
        %get3A_888 = arith.constant 80 : index
        %get3A_889 = tpu.vector_load %get3A_887[%get3A_888] {strides = array<i32>} : memref<128xf32, #tpu.memory_space<vmem>>, vector<16xf32>,
        %get3A_890 = vector.shape_cast %get3A_889 : vector<16xf32> to vector<16xf32>
        %get3A_891 = arith.constant 0 : i32
        %get3A_892 = arith.constant 0 : i32
        %get3A_893 = tpu.memref_slice %arg10[%scan3A_544, %get3A_891, %get3A_892] : memref<4x64x128xf32, #tpu.memory_space<vmem>> -> memref<1x64x128xf32, #tpu.memory_space<vmem>>
        %get3A_894 = tpu.memref_squeeze %get3A_893 : memref<1x64x128xf32, #tpu.memory_space<vmem>> -> memref<64x128xf32, #tpu.memory_space<vmem>>
        %get3A_895 = arith.constant 0 : i32
        %get3A_896 = tpu.memref_slice %get3A_894[%add3A_775, %get3A_895] : memref<64x128xf32, #tpu.memory_space<vmem>> -> memref<1x128xf32, #tpu.memory_space<vmem>>
        %get3A_897 = tpu.memref_squeeze %get3A_896 : memref<1x128xf32, #tpu.memory_space<vmem>> -> memref<128xf32, #tpu.memory_space<vmem>>
        %get3A_898 = arith.constant 80 : index
        %get3A_899 = tpu.vector_load %get3A_897[%get3A_898] {strides = array<i32>} : memref<128xf32, #tpu.memory_space<vmem>>, vector<16xf32>,
        %get3A_900 = vector.shape_cast %get3A_899 : vector<16xf32> to vector<16xf32>
        %mul3A_901 = arith.mulf %get3A_890, %get3A_900 : vector<16xf32>
        %get3A_902 = arith.constant 0 : i32
        %get3A_903 = arith.constant 0 : i32
        %get3A_904 = tpu.memref_slice %arg9[%scan3A_543, %get3A_902, %get3A_903] : memref<4x64x128xf32, #tpu.memory_space<vmem>> -> memref<1x64x128xf32, #tpu.memory_space<vmem>>
        %get3A_905 = tpu.memref_squeeze %get3A_904 : memref<1x64x128xf32, #tpu.memory_space<vmem>> -> memref<64x128xf32, #tpu.memory_space<vmem>>
        %get3A_906 = arith.constant 0 : i32
        %get3A_907 = tpu.memref_slice %get3A_905[%add3A_772, %get3A_906] : memref<64x128xf32, #tpu.memory_space<vmem>> -> memref<1x128xf32, #tpu.memory_space<vmem>>
        %get3A_908 = tpu.memref_squeeze %get3A_907 : memref<1x128xf32, #tpu.memory_space<vmem>> -> memref<128xf32, #tpu.memory_space<vmem>>
        %get3A_909 = arith.constant 96 : index
        %get3A_910 = tpu.vector_load %get3A_908[%get3A_909] {strides = array<i32>} : memref<128xf32, #tpu.memory_space<vmem>>, vector<16xf32>,
        %get3A_911 = vector.shape_cast %get3A_910 : vector<16xf32> to vector<16xf32>
        %get3A_912 = arith.constant 0 : i32
        %get3A_913 = arith.constant 0 : i32
        %get3A_914 = tpu.memref_slice %arg10[%scan3A_544, %get3A_912, %get3A_913] : memref<4x64x128xf32, #tpu.memory_space<vmem>> -> memref<1x64x128xf32, #tpu.memory_space<vmem>>
        %get3A_915 = tpu.memref_squeeze %get3A_914 : memref<1x64x128xf32, #tpu.memory_space<vmem>> -> memref<64x128xf32, #tpu.memory_space<vmem>>
        %get3A_916 = arith.constant 0 : i32
        %get3A_917 = tpu.memref_slice %get3A_915[%add3A_775, %get3A_916] : memref<64x128xf32, #tpu.memory_space<vmem>> -> memref<1x128xf32, #tpu.memory_space<vmem>>
        %get3A_918 = tpu.memref_squeeze %get3A_917 : memref<1x128xf32, #tpu.memory_space<vmem>> -> memref<128xf32, #tpu.memory_space<vmem>>
        %get3A_919 = arith.constant 96 : index
        %get3A_920 = tpu.vector_load %get3A_918[%get3A_919] {strides = array<i32>} : memref<128xf32, #tpu.memory_space<vmem>>, vector<16xf32>,
        %get3A_921 = vector.shape_cast %get3A_920 : vector<16xf32> to vector<16xf32>
        %mul3A_922 = arith.mulf %get3A_911, %get3A_921 : vector<16xf32>
        %get3A_923 = arith.constant 0 : i32
        %get3A_924 = arith.constant 0 : i32
        %get3A_925 = tpu.memref_slice %arg9[%scan3A_543, %get3A_923, %get3A_924] : memref<4x64x128xf32, #tpu.memory_space<vmem>> -> memref<1x64x128xf32, #tpu.memory_space<vmem>>
        %get3A_926 = tpu.memref_squeeze %get3A_925 : memref<1x64x128xf32, #tpu.memory_space<vmem>> -> memref<64x128xf32, #tpu.memory_space<vmem>>
        %get3A_927 = arith.constant 0 : i32
        %get3A_928 = tpu.memref_slice %get3A_926[%add3A_772, %get3A_927] : memref<64x128xf32, #tpu.memory_space<vmem>> -> memref<1x128xf32, #tpu.memory_space<vmem>>
        %get3A_929 = tpu.memref_squeeze %get3A_928 : memref<1x128xf32, #tpu.memory_space<vmem>> -> memref<128xf32, #tpu.memory_space<vmem>>
        %get3A_930 = arith.constant 112 : index
        %get3A_931 = tpu.vector_load %get3A_929[%get3A_930] {strides = array<i32>} : memref<128xf32, #tpu.memory_space<vmem>>, vector<16xf32>,
        %get3A_932 = vector.shape_cast %get3A_931 : vector<16xf32> to vector<16xf32>
        %get3A_933 = arith.constant 0 : i32
        %get3A_934 = arith.constant 0 : i32
        %get3A_935 = tpu.memref_slice %arg10[%scan3A_544, %get3A_933, %get3A_934] : memref<4x64x128xf32, #tpu.memory_space<vmem>> -> memref<1x64x128xf32, #tpu.memory_space<vmem>>
        %get3A_936 = tpu.memref_squeeze %get3A_935 : memref<1x64x128xf32, #tpu.memory_space<vmem>> -> memref<64x128xf32, #tpu.memory_space<vmem>>
        %get3A_937 = arith.constant 0 : i32
        %get3A_938 = tpu.memref_slice %get3A_936[%add3A_775, %get3A_937] : memref<64x128xf32, #tpu.memory_space<vmem>> -> memref<1x128xf32, #tpu.memory_space<vmem>>
        %get3A_939 = tpu.memref_squeeze %get3A_938 : memref<1x128xf32, #tpu.memory_space<vmem>> -> memref<128xf32, #tpu.memory_space<vmem>>
        %get3A_940 = arith.constant 112 : index
        %get3A_941 = tpu.vector_load %get3A_939[%get3A_940] {strides = array<i32>} : memref<128xf32, #tpu.memory_space<vmem>>, vector<16xf32>,
        %get3A_942 = vector.shape_cast %get3A_941 : vector<16xf32> to vector<16xf32>
        %mul3A_943 = arith.mulf %get3A_932, %get3A_942 : vector<16xf32>
        %add3A_944 = arith.addf %mul3A_796, %mul3A_817 : vector<16xf32>
        %add3A_945 = arith.addf %mul3A_838, %mul3A_859 : vector<16xf32>
        %add3A_946 = arith.addf %mul3A_880, %mul3A_901 : vector<16xf32>
        %add3A_947 = arith.addf %mul3A_922, %mul3A_943 : vector<16xf32>
        %add3A_948 = arith.addf %add3A_944, %add3A_945 : vector<16xf32>
        %add3A_949 = arith.addf %add3A_946, %add3A_947 : vector<16xf32>
        %add3A_950 = arith.addf %add3A_948, %add3A_949 : vector<16xf32>
        %xor3A_951 = arith.constant 8 : i32
        %xor3A_952 = vector.broadcast %xor3A_951 : i32 to vector<16xi32>
        %xor3A_953 = arith.xori %iota3A, %xor3A_952 : vector<16xi32>
        %broadcast_in_dim3A_954 = vector.shape_cast %xor3A_953 : vector<16xi32> to vector<16x1xi32>
        %gather3A_955 = vector.shape_cast %broadcast_in_dim3A_954 : vector<16x1xi32> to vector<16xi32>
        %gather3A_956 = tpu.dynamic_gather %add3A_950[%gather3A_955] in [0] : vector<16xf32>, vector<16xi32> -> vector<16xf32>
        %add3A_957 = arith.addf %add3A_950, %gather3A_956 : vector<16xf32>
        %xor3A_958 = arith.constant 4 : i32
        %xor3A_959 = vector.broadcast %xor3A_958 : i32 to vector<16xi32>
        %xor3A_960 = arith.xori %iota3A, %xor3A_959 : vector<16xi32>
        %broadcast_in_dim3A_961 = vector.shape_cast %xor3A_960 : vector<16xi32> to vector<16x1xi32>
        %gather3A_962 = vector.shape_cast %broadcast_in_dim3A_961 : vector<16x1xi32> to vector<16xi32>
        %gather3A_963 = tpu.dynamic_gather %add3A_957[%gather3A_962] in [0] : vector<16xf32>, vector<16xi32> -> vector<16xf32>
        %add3A_964 = arith.addf %add3A_957, %gather3A_963 : vector<16xf32>
        %xor3A_965 = arith.constant 2 : i32
        %xor3A_966 = vector.broadcast %xor3A_965 : i32 to vector<16xi32>
        %xor3A_967 = arith.xori %iota3A, %xor3A_966 : vector<16xi32>
        %broadcast_in_dim3A_968 = vector.shape_cast %xor3A_967 : vector<16xi32> to vector<16x1xi32>
        %gather3A_969 = vector.shape_cast %broadcast_in_dim3A_968 : vector<16x1xi32> to vector<16xi32>
        %gather3A_970 = tpu.dynamic_gather %add3A_964[%gather3A_969] in [0] : vector<16xf32>, vector<16xi32> -> vector<16xf32>
        %add3A_971 = arith.addf %add3A_964, %gather3A_970 : vector<16xf32>
        %xor3A_972 = arith.constant 1 : i32
        %xor3A_973 = vector.broadcast %xor3A_972 : i32 to vector<16xi32>
        %xor3A_974 = arith.xori %iota3A, %xor3A_973 : vector<16xi32>
        %broadcast_in_dim3A_975 = vector.shape_cast %xor3A_974 : vector<16xi32> to vector<16x1xi32>
        %gather3A_976 = vector.shape_cast %broadcast_in_dim3A_975 : vector<16x1xi32> to vector<16xi32>
        %gather3A_977 = tpu.dynamic_gather %add3A_971[%gather3A_976] in [0] : vector<16xf32>, vector<16xi32> -> vector<16xf32>
        %add3A_978 = arith.addf %add3A_971, %gather3A_977 : vector<16xf32>
        %eq3A_979 = vector.broadcast %scan3A_769 : i32 to vector<16xi32>
        %eq3A_980 = arith.cmpi eq, %iota3A, %eq3A_979 : vector<16xi32>
        %select_n3A_981 = arith.select %eq3A_980, %add3A_978, %select_n3A : vector<16xi1>, vector<16xf32>
        scf.yield %select_n3A_981 : vector<16xf32>
      }
      %scan3A_550 = arith.constant 16 : i32
      %mul3A_551 = arith.constant 16 : i32
      %mul3A_552 = arith.muli %scan3A_540, %mul3A_551 : i32
      %add3A_553 = arith.constant 0 : i32
      %add3A_554 = arith.addi %add3A_553, %mul3A_552 : i32
      %swap3A = arith.index_cast %add3A_554 : i32 to index
      %swap3A_555 = tpu.vector_load %arg11[%swap3A] {strides = array<i32>} : memref<512xf32, #tpu.memory_space<vmem>>, vector<16xf32>,
      %swap3A_556 = vector.shape_cast %swap3A_555 : vector<16xf32> to vector<16xf32>
      %swap3A_557 = vector.shape_cast %scan3A_549 : vector<16xf32> to vector<16xf32>
      tpu.vector_store %arg11[%swap3A], %swap3A_557 {strides = array<i32>} : memref<512xf32, #tpu.memory_space<vmem>>, vector<16xf32>,
      %scan3A_558 = arith.constant 0 : i32
      scf.yield %scan3A_558 : i32
    }
    %scan3A_158 = arith.constant 4 : i32
    %add3A_159 = arith.constant 0 : i32
    %add3A_160 = arith.addi %mul3A_2, %add3A_159 : i32
    %dma_start3A_161 = arith.constant 0 : i32
    %dma_start3A_162 = tpu.memref_slice %arg11[%dma_start3A_161] : memref<512xf32, #tpu.memory_space<vmem>> -> memref<64xf32, #tpu.memory_space<vmem>>
    %dma_start3A_163 = tpu.memref_slice %arg6[%add3A_160] : memref<16384xf32, #tpu.memory_space<hbm>> -> memref<64xf32, #tpu.memory_space<hbm>>
    %dma_start3A_164 = tpu.memref_slice %arg6[%add3A_160] : memref<16384xf32, #tpu.memory_space<hbm>> -> memref<64xf32, #tpu.memory_space<hbm>>
    %dma_start3A_165 = arith.constant 0 : i32
    %dma_start3A_166 = tpu.memref_slice %arg11[%dma_start3A_165] : memref<512xf32, #tpu.memory_space<vmem>> -> memref<64xf32, #tpu.memory_space<vmem>>
    tpu.enqueue_dma source(%dma_start3A_166 : memref<64xf32, #tpu.memory_space<vmem>>) target(%dma_start3A_164 : memref<64xf32, #tpu.memory_space<hbm>>) target_semaphore(%arg17 : memref<!tpu.dma_semaphore, #tpu.memory_space<semaphore_mem>>)
    %dma_start3A_167 = arith.constant 0 : i32
    %dma_start3A_168 = arith.constant 0 : i32
    %dma_start3A_169 = arith.constant 0 : i32
    %dma_start3A_170 = tpu.memref_slice %arg9[%dma_start3A_167, %dma_start3A_168, %dma_start3A_169] : memref<4x64x128xf32, #tpu.memory_space<vmem>> -> memref<1x64x128xf32, #tpu.memory_space<vmem>>
    %dma_start3A_171 = tpu.memref_squeeze %dma_start3A_170 : memref<1x64x128xf32, #tpu.memory_space<vmem>> -> memref<64x128xf32, #tpu.memory_space<vmem>>
    %dma_start3A_172 = arith.constant 256 : i32
    %dma_start3A_173 = tpu.memref_slice %arg7[%dma_start3A_172] : memref<512xi32, #tpu.memory_space<vmem>> -> memref<64xi32, #tpu.memory_space<vmem>>
    %dma_start3A_174 = arith.constant 0 : i32
    %dma_start3A_175 = arith.constant 0 : i32
    %dma_start3A_176 = tpu.memref_slice %arg4[%dma_start3A_174, %dma_start3A_175] : memref<100000x128xf32, #tpu.memory_space<hbm>> -> memref<100000x128xf32, #tpu.memory_space<hbm>>
    tpu.enqueue_indirect_dma source(%dma_start3A_176 : memref<100000x128xf32, #tpu.memory_space<hbm>>) target(%dma_start3A_171 : memref<64x128xf32, #tpu.memory_space<vmem>>) offsets(%dma_start3A_173 : memref<64xi32, #tpu.memory_space<vmem>>) semaphore(%arg12 : memref<!tpu.dma_semaphore, #tpu.memory_space<semaphore_mem>>)
    %dma_start3A_177 = arith.constant 0 : i32
    %dma_start3A_178 = arith.constant 0 : i32
    %dma_start3A_179 = arith.constant 0 : i32
    %dma_start3A_180 = tpu.memref_slice %arg10[%dma_start3A_177, %dma_start3A_178, %dma_start3A_179] : memref<4x64x128xf32, #tpu.memory_space<vmem>> -> memref<1x64x128xf32, #tpu.memory_space<vmem>>
    %dma_start3A_181 = tpu.memref_squeeze %dma_start3A_180 : memref<1x64x128xf32, #tpu.memory_space<vmem>> -> memref<64x128xf32, #tpu.memory_space<vmem>>
    %dma_start3A_182 = arith.constant 256 : i32
    %dma_start3A_183 = tpu.memref_slice %arg8[%dma_start3A_182] : memref<512xi32, #tpu.memory_space<vmem>> -> memref<64xi32, #tpu.memory_space<vmem>>
    %dma_start3A_184 = arith.constant 0 : i32
    %dma_start3A_185 = arith.constant 0 : i32
    %dma_start3A_186 = tpu.memref_slice %arg5[%dma_start3A_184, %dma_start3A_185] : memref<100000x128xf32, #tpu.memory_space<hbm>> -> memref<100000x128xf32, #tpu.memory_space<hbm>>
    tpu.enqueue_indirect_dma source(%dma_start3A_186 : memref<100000x128xf32, #tpu.memory_space<hbm>>) target(%dma_start3A_181 : memref<64x128xf32, #tpu.memory_space<vmem>>) offsets(%dma_start3A_183 : memref<64xi32, #tpu.memory_space<vmem>>) semaphore(%arg12 : memref<!tpu.dma_semaphore, #tpu.memory_space<semaphore_mem>>)
    %dma_wait3A_187 = arith.constant 1 : i32
    %dma_wait3A_188 = arith.constant 0 : i32
    %dma_wait3A_189 = arith.constant 0 : i32
    %dma_wait3A_190 = tpu.memref_slice %arg9[%dma_wait3A_187, %dma_wait3A_188, %dma_wait3A_189] : memref<4x64x128xf32, #tpu.memory_space<vmem>> -> memref<1x64x128xf32, #tpu.memory_space<vmem>>
    %dma_wait3A_191 = tpu.memref_squeeze %dma_wait3A_190 : memref<1x64x128xf32, #tpu.memory_space<vmem>> -> memref<64x128xf32, #tpu.memory_space<vmem>>
    %dma_wait3A_192 = arith.constant 64 : i32
    %dma_wait3A_193 = tpu.memref_slice %arg7[%dma_wait3A_192] : memref<512xi32, #tpu.memory_space<vmem>> -> memref<64xi32, #tpu.memory_space<vmem>>
    %dma_wait3A_194 = arith.constant 0 : i32
    %dma_wait3A_195 = arith.constant 0 : i32
    %dma_wait3A_196 = tpu.memref_slice %arg4[%dma_wait3A_194, %dma_wait3A_195] : memref<100000x128xf32, #tpu.memory_space<hbm>> -> memref<100000x128xf32, #tpu.memory_space<hbm>>
    tpu.wait_indirect_dma semaphore(%arg13 : memref<!tpu.dma_semaphore, #tpu.memory_space<semaphore_mem>>) src(%dma_wait3A_196 : memref<100000x128xf32, #tpu.memory_space<hbm>>) dst(%dma_wait3A_191 : memref<64x128xf32, #tpu.memory_space<vmem>>)
    %dma_wait3A_197 = arith.constant 1 : i32
    %dma_wait3A_198 = arith.constant 0 : i32
    %dma_wait3A_199 = arith.constant 0 : i32
    %dma_wait3A_200 = tpu.memref_slice %arg10[%dma_wait3A_197, %dma_wait3A_198, %dma_wait3A_199] : memref<4x64x128xf32, #tpu.memory_space<vmem>> -> memref<1x64x128xf32, #tpu.memory_space<vmem>>
    %dma_wait3A_201 = tpu.memref_squeeze %dma_wait3A_200 : memref<1x64x128xf32, #tpu.memory_space<vmem>> -> memref<64x128xf32, #tpu.memory_space<vmem>>
    %dma_wait3A_202 = arith.constant 64 : i32
    %dma_wait3A_203 = tpu.memref_slice %arg8[%dma_wait3A_202] : memref<512xi32, #tpu.memory_space<vmem>> -> memref<64xi32, #tpu.memory_space<vmem>>
    %dma_wait3A_204 = arith.constant 0 : i32
    %dma_wait3A_205 = arith.constant 0 : i32
    %dma_wait3A_206 = tpu.memref_slice %arg5[%dma_wait3A_204, %dma_wait3A_205] : memref<100000x128xf32, #tpu.memory_space<hbm>> -> memref<100000x128xf32, #tpu.memory_space<hbm>>
    tpu.wait_indirect_dma semaphore(%arg13 : memref<!tpu.dma_semaphore, #tpu.memory_space<semaphore_mem>>) src(%dma_wait3A_206 : memref<100000x128xf32, #tpu.memory_space<hbm>>) dst(%dma_wait3A_201 : memref<64x128xf32, #tpu.memory_space<vmem>>)
    %scan3A_207 = arith.constant 0 : i32
    %scan3A_208 = arith.constant 0 : i32
    %scan3A_209 = arith.constant 4 : i32
    %scan3A_210 = arith.addi %scan3A_208, %scan3A_209 : i32
    %scan3A_211 = arith.constant 1 : i32
    %scan3A_212 = scf.for %scan3A_540 = %scan3A_208 to %scan3A_210 step %scan3A_211 iter_args(%scan3A_541 = %scan3A_207) -> (i32)  : i32 {
      %broadcast_in_dim3A = arith.constant 0.000000e+00 : f32
      %broadcast_in_dim3A_542 = vector.broadcast %broadcast_in_dim3A : f32 to vector<16xf32>
      %scan3A_543 = arith.constant 1 : i32
      %scan3A_544 = arith.constant 1 : i32
      %scan3A_545 = arith.constant 0 : i32
      %scan3A_546 = arith.constant 16 : i32
      %scan3A_547 = arith.addi %scan3A_545, %scan3A_546 : i32
      %scan3A_548 = arith.constant 2 : i32
      %scan3A_549 = scf.for %scan3A_559 = %scan3A_545 to %scan3A_547 step %scan3A_548 iter_args(%scan3A_560 = %broadcast_in_dim3A_542) -> (vector<16xf32>)  : i32 {
        %mul3A_561 = arith.constant 16 : i32
        %mul3A_562 = arith.muli %scan3A_540, %mul3A_561 : i32
        %add3A_563 = arith.addi %mul3A_562, %scan3A_559 : i32
        %mul3A_564 = arith.constant 16 : i32
        %mul3A_565 = arith.muli %scan3A_540, %mul3A_564 : i32
        %add3A_566 = arith.addi %mul3A_565, %scan3A_559 : i32
        %get3A = arith.constant 0 : i32
        %get3A_567 = arith.constant 0 : i32
        %get3A_568 = tpu.memref_slice %arg9[%scan3A_543, %get3A, %get3A_567] : memref<4x64x128xf32, #tpu.memory_space<vmem>> -> memref<1x64x128xf32, #tpu.memory_space<vmem>>
        %get3A_569 = tpu.memref_squeeze %get3A_568 : memref<1x64x128xf32, #tpu.memory_space<vmem>> -> memref<64x128xf32, #tpu.memory_space<vmem>>
        %get3A_570 = arith.constant 0 : i32
        %get3A_571 = tpu.memref_slice %get3A_569[%add3A_563, %get3A_570] : memref<64x128xf32, #tpu.memory_space<vmem>> -> memref<1x128xf32, #tpu.memory_space<vmem>>
        %get3A_572 = tpu.memref_squeeze %get3A_571 : memref<1x128xf32, #tpu.memory_space<vmem>> -> memref<128xf32, #tpu.memory_space<vmem>>
        %get3A_573 = arith.constant 0 : index
        %get3A_574 = tpu.vector_load %get3A_572[%get3A_573] {strides = array<i32>} : memref<128xf32, #tpu.memory_space<vmem>>, vector<16xf32>,
        %get3A_575 = vector.shape_cast %get3A_574 : vector<16xf32> to vector<16xf32>
        %get3A_576 = arith.constant 0 : i32
        %get3A_577 = arith.constant 0 : i32
        %get3A_578 = tpu.memref_slice %arg10[%scan3A_544, %get3A_576, %get3A_577] : memref<4x64x128xf32, #tpu.memory_space<vmem>> -> memref<1x64x128xf32, #tpu.memory_space<vmem>>
        %get3A_579 = tpu.memref_squeeze %get3A_578 : memref<1x64x128xf32, #tpu.memory_space<vmem>> -> memref<64x128xf32, #tpu.memory_space<vmem>>
        %get3A_580 = arith.constant 0 : i32
        %get3A_581 = tpu.memref_slice %get3A_579[%add3A_566, %get3A_580] : memref<64x128xf32, #tpu.memory_space<vmem>> -> memref<1x128xf32, #tpu.memory_space<vmem>>
        %get3A_582 = tpu.memref_squeeze %get3A_581 : memref<1x128xf32, #tpu.memory_space<vmem>> -> memref<128xf32, #tpu.memory_space<vmem>>
        %get3A_583 = arith.constant 0 : index
        %get3A_584 = tpu.vector_load %get3A_582[%get3A_583] {strides = array<i32>} : memref<128xf32, #tpu.memory_space<vmem>>, vector<16xf32>,
        %get3A_585 = vector.shape_cast %get3A_584 : vector<16xf32> to vector<16xf32>
        %mul3A_586 = arith.mulf %get3A_575, %get3A_585 : vector<16xf32>
        %get3A_587 = arith.constant 0 : i32
        %get3A_588 = arith.constant 0 : i32
        %get3A_589 = tpu.memref_slice %arg9[%scan3A_543, %get3A_587, %get3A_588] : memref<4x64x128xf32, #tpu.memory_space<vmem>> -> memref<1x64x128xf32, #tpu.memory_space<vmem>>
        %get3A_590 = tpu.memref_squeeze %get3A_589 : memref<1x64x128xf32, #tpu.memory_space<vmem>> -> memref<64x128xf32, #tpu.memory_space<vmem>>
        %get3A_591 = arith.constant 0 : i32
        %get3A_592 = tpu.memref_slice %get3A_590[%add3A_563, %get3A_591] : memref<64x128xf32, #tpu.memory_space<vmem>> -> memref<1x128xf32, #tpu.memory_space<vmem>>
        %get3A_593 = tpu.memref_squeeze %get3A_592 : memref<1x128xf32, #tpu.memory_space<vmem>> -> memref<128xf32, #tpu.memory_space<vmem>>
        %get3A_594 = arith.constant 16 : index
        %get3A_595 = tpu.vector_load %get3A_593[%get3A_594] {strides = array<i32>} : memref<128xf32, #tpu.memory_space<vmem>>, vector<16xf32>,
        %get3A_596 = vector.shape_cast %get3A_595 : vector<16xf32> to vector<16xf32>
        %get3A_597 = arith.constant 0 : i32
        %get3A_598 = arith.constant 0 : i32
        %get3A_599 = tpu.memref_slice %arg10[%scan3A_544, %get3A_597, %get3A_598] : memref<4x64x128xf32, #tpu.memory_space<vmem>> -> memref<1x64x128xf32, #tpu.memory_space<vmem>>
        %get3A_600 = tpu.memref_squeeze %get3A_599 : memref<1x64x128xf32, #tpu.memory_space<vmem>> -> memref<64x128xf32, #tpu.memory_space<vmem>>
        %get3A_601 = arith.constant 0 : i32
        %get3A_602 = tpu.memref_slice %get3A_600[%add3A_566, %get3A_601] : memref<64x128xf32, #tpu.memory_space<vmem>> -> memref<1x128xf32, #tpu.memory_space<vmem>>
        %get3A_603 = tpu.memref_squeeze %get3A_602 : memref<1x128xf32, #tpu.memory_space<vmem>> -> memref<128xf32, #tpu.memory_space<vmem>>
        %get3A_604 = arith.constant 16 : index
        %get3A_605 = tpu.vector_load %get3A_603[%get3A_604] {strides = array<i32>} : memref<128xf32, #tpu.memory_space<vmem>>, vector<16xf32>,
        %get3A_606 = vector.shape_cast %get3A_605 : vector<16xf32> to vector<16xf32>
        %mul3A_607 = arith.mulf %get3A_596, %get3A_606 : vector<16xf32>
        %get3A_608 = arith.constant 0 : i32
        %get3A_609 = arith.constant 0 : i32
        %get3A_610 = tpu.memref_slice %arg9[%scan3A_543, %get3A_608, %get3A_609] : memref<4x64x128xf32, #tpu.memory_space<vmem>> -> memref<1x64x128xf32, #tpu.memory_space<vmem>>
        %get3A_611 = tpu.memref_squeeze %get3A_610 : memref<1x64x128xf32, #tpu.memory_space<vmem>> -> memref<64x128xf32, #tpu.memory_space<vmem>>
        %get3A_612 = arith.constant 0 : i32
        %get3A_613 = tpu.memref_slice %get3A_611[%add3A_563, %get3A_612] : memref<64x128xf32, #tpu.memory_space<vmem>> -> memref<1x128xf32, #tpu.memory_space<vmem>>
        %get3A_614 = tpu.memref_squeeze %get3A_613 : memref<1x128xf32, #tpu.memory_space<vmem>> -> memref<128xf32, #tpu.memory_space<vmem>>
        %get3A_615 = arith.constant 32 : index
        %get3A_616 = tpu.vector_load %get3A_614[%get3A_615] {strides = array<i32>} : memref<128xf32, #tpu.memory_space<vmem>>, vector<16xf32>,
        %get3A_617 = vector.shape_cast %get3A_616 : vector<16xf32> to vector<16xf32>
        %get3A_618 = arith.constant 0 : i32
        %get3A_619 = arith.constant 0 : i32
        %get3A_620 = tpu.memref_slice %arg10[%scan3A_544, %get3A_618, %get3A_619] : memref<4x64x128xf32, #tpu.memory_space<vmem>> -> memref<1x64x128xf32, #tpu.memory_space<vmem>>
        %get3A_621 = tpu.memref_squeeze %get3A_620 : memref<1x64x128xf32, #tpu.memory_space<vmem>> -> memref<64x128xf32, #tpu.memory_space<vmem>>
        %get3A_622 = arith.constant 0 : i32
        %get3A_623 = tpu.memref_slice %get3A_621[%add3A_566, %get3A_622] : memref<64x128xf32, #tpu.memory_space<vmem>> -> memref<1x128xf32, #tpu.memory_space<vmem>>
        %get3A_624 = tpu.memref_squeeze %get3A_623 : memref<1x128xf32, #tpu.memory_space<vmem>> -> memref<128xf32, #tpu.memory_space<vmem>>
        %get3A_625 = arith.constant 32 : index
        %get3A_626 = tpu.vector_load %get3A_624[%get3A_625] {strides = array<i32>} : memref<128xf32, #tpu.memory_space<vmem>>, vector<16xf32>,
        %get3A_627 = vector.shape_cast %get3A_626 : vector<16xf32> to vector<16xf32>
        %mul3A_628 = arith.mulf %get3A_617, %get3A_627 : vector<16xf32>
        %get3A_629 = arith.constant 0 : i32
        %get3A_630 = arith.constant 0 : i32
        %get3A_631 = tpu.memref_slice %arg9[%scan3A_543, %get3A_629, %get3A_630] : memref<4x64x128xf32, #tpu.memory_space<vmem>> -> memref<1x64x128xf32, #tpu.memory_space<vmem>>
        %get3A_632 = tpu.memref_squeeze %get3A_631 : memref<1x64x128xf32, #tpu.memory_space<vmem>> -> memref<64x128xf32, #tpu.memory_space<vmem>>
        %get3A_633 = arith.constant 0 : i32
        %get3A_634 = tpu.memref_slice %get3A_632[%add3A_563, %get3A_633] : memref<64x128xf32, #tpu.memory_space<vmem>> -> memref<1x128xf32, #tpu.memory_space<vmem>>
        %get3A_635 = tpu.memref_squeeze %get3A_634 : memref<1x128xf32, #tpu.memory_space<vmem>> -> memref<128xf32, #tpu.memory_space<vmem>>
        %get3A_636 = arith.constant 48 : index
        %get3A_637 = tpu.vector_load %get3A_635[%get3A_636] {strides = array<i32>} : memref<128xf32, #tpu.memory_space<vmem>>, vector<16xf32>,
        %get3A_638 = vector.shape_cast %get3A_637 : vector<16xf32> to vector<16xf32>
        %get3A_639 = arith.constant 0 : i32
        %get3A_640 = arith.constant 0 : i32
        %get3A_641 = tpu.memref_slice %arg10[%scan3A_544, %get3A_639, %get3A_640] : memref<4x64x128xf32, #tpu.memory_space<vmem>> -> memref<1x64x128xf32, #tpu.memory_space<vmem>>
        %get3A_642 = tpu.memref_squeeze %get3A_641 : memref<1x64x128xf32, #tpu.memory_space<vmem>> -> memref<64x128xf32, #tpu.memory_space<vmem>>
        %get3A_643 = arith.constant 0 : i32
        %get3A_644 = tpu.memref_slice %get3A_642[%add3A_566, %get3A_643] : memref<64x128xf32, #tpu.memory_space<vmem>> -> memref<1x128xf32, #tpu.memory_space<vmem>>
        %get3A_645 = tpu.memref_squeeze %get3A_644 : memref<1x128xf32, #tpu.memory_space<vmem>> -> memref<128xf32, #tpu.memory_space<vmem>>
        %get3A_646 = arith.constant 48 : index
        %get3A_647 = tpu.vector_load %get3A_645[%get3A_646] {strides = array<i32>} : memref<128xf32, #tpu.memory_space<vmem>>, vector<16xf32>,
        %get3A_648 = vector.shape_cast %get3A_647 : vector<16xf32> to vector<16xf32>
        %mul3A_649 = arith.mulf %get3A_638, %get3A_648 : vector<16xf32>
        %get3A_650 = arith.constant 0 : i32
        %get3A_651 = arith.constant 0 : i32
        %get3A_652 = tpu.memref_slice %arg9[%scan3A_543, %get3A_650, %get3A_651] : memref<4x64x128xf32, #tpu.memory_space<vmem>> -> memref<1x64x128xf32, #tpu.memory_space<vmem>>
        %get3A_653 = tpu.memref_squeeze %get3A_652 : memref<1x64x128xf32, #tpu.memory_space<vmem>> -> memref<64x128xf32, #tpu.memory_space<vmem>>
        %get3A_654 = arith.constant 0 : i32
        %get3A_655 = tpu.memref_slice %get3A_653[%add3A_563, %get3A_654] : memref<64x128xf32, #tpu.memory_space<vmem>> -> memref<1x128xf32, #tpu.memory_space<vmem>>
        %get3A_656 = tpu.memref_squeeze %get3A_655 : memref<1x128xf32, #tpu.memory_space<vmem>> -> memref<128xf32, #tpu.memory_space<vmem>>
        %get3A_657 = arith.constant 64 : index
        %get3A_658 = tpu.vector_load %get3A_656[%get3A_657] {strides = array<i32>} : memref<128xf32, #tpu.memory_space<vmem>>, vector<16xf32>,
        %get3A_659 = vector.shape_cast %get3A_658 : vector<16xf32> to vector<16xf32>
        %get3A_660 = arith.constant 0 : i32
        %get3A_661 = arith.constant 0 : i32
        %get3A_662 = tpu.memref_slice %arg10[%scan3A_544, %get3A_660, %get3A_661] : memref<4x64x128xf32, #tpu.memory_space<vmem>> -> memref<1x64x128xf32, #tpu.memory_space<vmem>>
        %get3A_663 = tpu.memref_squeeze %get3A_662 : memref<1x64x128xf32, #tpu.memory_space<vmem>> -> memref<64x128xf32, #tpu.memory_space<vmem>>
        %get3A_664 = arith.constant 0 : i32
        %get3A_665 = tpu.memref_slice %get3A_663[%add3A_566, %get3A_664] : memref<64x128xf32, #tpu.memory_space<vmem>> -> memref<1x128xf32, #tpu.memory_space<vmem>>
        %get3A_666 = tpu.memref_squeeze %get3A_665 : memref<1x128xf32, #tpu.memory_space<vmem>> -> memref<128xf32, #tpu.memory_space<vmem>>
        %get3A_667 = arith.constant 64 : index
        %get3A_668 = tpu.vector_load %get3A_666[%get3A_667] {strides = array<i32>} : memref<128xf32, #tpu.memory_space<vmem>>, vector<16xf32>,
        %get3A_669 = vector.shape_cast %get3A_668 : vector<16xf32> to vector<16xf32>
        %mul3A_670 = arith.mulf %get3A_659, %get3A_669 : vector<16xf32>
        %get3A_671 = arith.constant 0 : i32
        %get3A_672 = arith.constant 0 : i32
        %get3A_673 = tpu.memref_slice %arg9[%scan3A_543, %get3A_671, %get3A_672] : memref<4x64x128xf32, #tpu.memory_space<vmem>> -> memref<1x64x128xf32, #tpu.memory_space<vmem>>
        %get3A_674 = tpu.memref_squeeze %get3A_673 : memref<1x64x128xf32, #tpu.memory_space<vmem>> -> memref<64x128xf32, #tpu.memory_space<vmem>>
        %get3A_675 = arith.constant 0 : i32
        %get3A_676 = tpu.memref_slice %get3A_674[%add3A_563, %get3A_675] : memref<64x128xf32, #tpu.memory_space<vmem>> -> memref<1x128xf32, #tpu.memory_space<vmem>>
        %get3A_677 = tpu.memref_squeeze %get3A_676 : memref<1x128xf32, #tpu.memory_space<vmem>> -> memref<128xf32, #tpu.memory_space<vmem>>
        %get3A_678 = arith.constant 80 : index
        %get3A_679 = tpu.vector_load %get3A_677[%get3A_678] {strides = array<i32>} : memref<128xf32, #tpu.memory_space<vmem>>, vector<16xf32>,
        %get3A_680 = vector.shape_cast %get3A_679 : vector<16xf32> to vector<16xf32>
        %get3A_681 = arith.constant 0 : i32
        %get3A_682 = arith.constant 0 : i32
        %get3A_683 = tpu.memref_slice %arg10[%scan3A_544, %get3A_681, %get3A_682] : memref<4x64x128xf32, #tpu.memory_space<vmem>> -> memref<1x64x128xf32, #tpu.memory_space<vmem>>
        %get3A_684 = tpu.memref_squeeze %get3A_683 : memref<1x64x128xf32, #tpu.memory_space<vmem>> -> memref<64x128xf32, #tpu.memory_space<vmem>>
        %get3A_685 = arith.constant 0 : i32
        %get3A_686 = tpu.memref_slice %get3A_684[%add3A_566, %get3A_685] : memref<64x128xf32, #tpu.memory_space<vmem>> -> memref<1x128xf32, #tpu.memory_space<vmem>>
        %get3A_687 = tpu.memref_squeeze %get3A_686 : memref<1x128xf32, #tpu.memory_space<vmem>> -> memref<128xf32, #tpu.memory_space<vmem>>
        %get3A_688 = arith.constant 80 : index
        %get3A_689 = tpu.vector_load %get3A_687[%get3A_688] {strides = array<i32>} : memref<128xf32, #tpu.memory_space<vmem>>, vector<16xf32>,
        %get3A_690 = vector.shape_cast %get3A_689 : vector<16xf32> to vector<16xf32>
        %mul3A_691 = arith.mulf %get3A_680, %get3A_690 : vector<16xf32>
        %get3A_692 = arith.constant 0 : i32
        %get3A_693 = arith.constant 0 : i32
        %get3A_694 = tpu.memref_slice %arg9[%scan3A_543, %get3A_692, %get3A_693] : memref<4x64x128xf32, #tpu.memory_space<vmem>> -> memref<1x64x128xf32, #tpu.memory_space<vmem>>
        %get3A_695 = tpu.memref_squeeze %get3A_694 : memref<1x64x128xf32, #tpu.memory_space<vmem>> -> memref<64x128xf32, #tpu.memory_space<vmem>>
        %get3A_696 = arith.constant 0 : i32
        %get3A_697 = tpu.memref_slice %get3A_695[%add3A_563, %get3A_696] : memref<64x128xf32, #tpu.memory_space<vmem>> -> memref<1x128xf32, #tpu.memory_space<vmem>>
        %get3A_698 = tpu.memref_squeeze %get3A_697 : memref<1x128xf32, #tpu.memory_space<vmem>> -> memref<128xf32, #tpu.memory_space<vmem>>
        %get3A_699 = arith.constant 96 : index
        %get3A_700 = tpu.vector_load %get3A_698[%get3A_699] {strides = array<i32>} : memref<128xf32, #tpu.memory_space<vmem>>, vector<16xf32>,
        %get3A_701 = vector.shape_cast %get3A_700 : vector<16xf32> to vector<16xf32>
        %get3A_702 = arith.constant 0 : i32
        %get3A_703 = arith.constant 0 : i32
        %get3A_704 = tpu.memref_slice %arg10[%scan3A_544, %get3A_702, %get3A_703] : memref<4x64x128xf32, #tpu.memory_space<vmem>> -> memref<1x64x128xf32, #tpu.memory_space<vmem>>
        %get3A_705 = tpu.memref_squeeze %get3A_704 : memref<1x64x128xf32, #tpu.memory_space<vmem>> -> memref<64x128xf32, #tpu.memory_space<vmem>>
        %get3A_706 = arith.constant 0 : i32
        %get3A_707 = tpu.memref_slice %get3A_705[%add3A_566, %get3A_706] : memref<64x128xf32, #tpu.memory_space<vmem>> -> memref<1x128xf32, #tpu.memory_space<vmem>>
        %get3A_708 = tpu.memref_squeeze %get3A_707 : memref<1x128xf32, #tpu.memory_space<vmem>> -> memref<128xf32, #tpu.memory_space<vmem>>
        %get3A_709 = arith.constant 96 : index
        %get3A_710 = tpu.vector_load %get3A_708[%get3A_709] {strides = array<i32>} : memref<128xf32, #tpu.memory_space<vmem>>, vector<16xf32>,
        %get3A_711 = vector.shape_cast %get3A_710 : vector<16xf32> to vector<16xf32>
        %mul3A_712 = arith.mulf %get3A_701, %get3A_711 : vector<16xf32>
        %get3A_713 = arith.constant 0 : i32
        %get3A_714 = arith.constant 0 : i32
        %get3A_715 = tpu.memref_slice %arg9[%scan3A_543, %get3A_713, %get3A_714] : memref<4x64x128xf32, #tpu.memory_space<vmem>> -> memref<1x64x128xf32, #tpu.memory_space<vmem>>
        %get3A_716 = tpu.memref_squeeze %get3A_715 : memref<1x64x128xf32, #tpu.memory_space<vmem>> -> memref<64x128xf32, #tpu.memory_space<vmem>>
        %get3A_717 = arith.constant 0 : i32
        %get3A_718 = tpu.memref_slice %get3A_716[%add3A_563, %get3A_717] : memref<64x128xf32, #tpu.memory_space<vmem>> -> memref<1x128xf32, #tpu.memory_space<vmem>>
        %get3A_719 = tpu.memref_squeeze %get3A_718 : memref<1x128xf32, #tpu.memory_space<vmem>> -> memref<128xf32, #tpu.memory_space<vmem>>
        %get3A_720 = arith.constant 112 : index
        %get3A_721 = tpu.vector_load %get3A_719[%get3A_720] {strides = array<i32>} : memref<128xf32, #tpu.memory_space<vmem>>, vector<16xf32>,
        %get3A_722 = vector.shape_cast %get3A_721 : vector<16xf32> to vector<16xf32>
        %get3A_723 = arith.constant 0 : i32
        %get3A_724 = arith.constant 0 : i32
        %get3A_725 = tpu.memref_slice %arg10[%scan3A_544, %get3A_723, %get3A_724] : memref<4x64x128xf32, #tpu.memory_space<vmem>> -> memref<1x64x128xf32, #tpu.memory_space<vmem>>
        %get3A_726 = tpu.memref_squeeze %get3A_725 : memref<1x64x128xf32, #tpu.memory_space<vmem>> -> memref<64x128xf32, #tpu.memory_space<vmem>>
        %get3A_727 = arith.constant 0 : i32
        %get3A_728 = tpu.memref_slice %get3A_726[%add3A_566, %get3A_727] : memref<64x128xf32, #tpu.memory_space<vmem>> -> memref<1x128xf32, #tpu.memory_space<vmem>>
        %get3A_729 = tpu.memref_squeeze %get3A_728 : memref<1x128xf32, #tpu.memory_space<vmem>> -> memref<128xf32, #tpu.memory_space<vmem>>
        %get3A_730 = arith.constant 112 : index
        %get3A_731 = tpu.vector_load %get3A_729[%get3A_730] {strides = array<i32>} : memref<128xf32, #tpu.memory_space<vmem>>, vector<16xf32>,
        %get3A_732 = vector.shape_cast %get3A_731 : vector<16xf32> to vector<16xf32>
        %mul3A_733 = arith.mulf %get3A_722, %get3A_732 : vector<16xf32>
        %add3A_734 = arith.addf %mul3A_586, %mul3A_607 : vector<16xf32>
        %add3A_735 = arith.addf %mul3A_628, %mul3A_649 : vector<16xf32>
        %add3A_736 = arith.addf %mul3A_670, %mul3A_691 : vector<16xf32>
        %add3A_737 = arith.addf %mul3A_712, %mul3A_733 : vector<16xf32>
        %add3A_738 = arith.addf %add3A_734, %add3A_735 : vector<16xf32>
        %add3A_739 = arith.addf %add3A_736, %add3A_737 : vector<16xf32>
        %add3A_740 = arith.addf %add3A_738, %add3A_739 : vector<16xf32>
        %xor3A = arith.constant 8 : i32
        %xor3A_741 = vector.broadcast %xor3A : i32 to vector<16xi32>
        %xor3A_742 = arith.xori %iota3A, %xor3A_741 : vector<16xi32>
        %broadcast_in_dim3A_743 = vector.shape_cast %xor3A_742 : vector<16xi32> to vector<16x1xi32>
        %gather3A = vector.shape_cast %broadcast_in_dim3A_743 : vector<16x1xi32> to vector<16xi32>
        %gather3A_744 = tpu.dynamic_gather %add3A_740[%gather3A] in [0] : vector<16xf32>, vector<16xi32> -> vector<16xf32>
        %add3A_745 = arith.addf %add3A_740, %gather3A_744 : vector<16xf32>
        %xor3A_746 = arith.constant 4 : i32
        %xor3A_747 = vector.broadcast %xor3A_746 : i32 to vector<16xi32>
        %xor3A_748 = arith.xori %iota3A, %xor3A_747 : vector<16xi32>
        %broadcast_in_dim3A_749 = vector.shape_cast %xor3A_748 : vector<16xi32> to vector<16x1xi32>
        %gather3A_750 = vector.shape_cast %broadcast_in_dim3A_749 : vector<16x1xi32> to vector<16xi32>
        %gather3A_751 = tpu.dynamic_gather %add3A_745[%gather3A_750] in [0] : vector<16xf32>, vector<16xi32> -> vector<16xf32>
        %add3A_752 = arith.addf %add3A_745, %gather3A_751 : vector<16xf32>
        %xor3A_753 = arith.constant 2 : i32
        %xor3A_754 = vector.broadcast %xor3A_753 : i32 to vector<16xi32>
        %xor3A_755 = arith.xori %iota3A, %xor3A_754 : vector<16xi32>
        %broadcast_in_dim3A_756 = vector.shape_cast %xor3A_755 : vector<16xi32> to vector<16x1xi32>
        %gather3A_757 = vector.shape_cast %broadcast_in_dim3A_756 : vector<16x1xi32> to vector<16xi32>
        %gather3A_758 = tpu.dynamic_gather %add3A_752[%gather3A_757] in [0] : vector<16xf32>, vector<16xi32> -> vector<16xf32>
        %add3A_759 = arith.addf %add3A_752, %gather3A_758 : vector<16xf32>
        %xor3A_760 = arith.constant 1 : i32
        %xor3A_761 = vector.broadcast %xor3A_760 : i32 to vector<16xi32>
        %xor3A_762 = arith.xori %iota3A, %xor3A_761 : vector<16xi32>
        %broadcast_in_dim3A_763 = vector.shape_cast %xor3A_762 : vector<16xi32> to vector<16x1xi32>
        %gather3A_764 = vector.shape_cast %broadcast_in_dim3A_763 : vector<16x1xi32> to vector<16xi32>
        %gather3A_765 = tpu.dynamic_gather %add3A_759[%gather3A_764] in [0] : vector<16xf32>, vector<16xi32> -> vector<16xf32>
        %add3A_766 = arith.addf %add3A_759, %gather3A_765 : vector<16xf32>
        %eq3A = vector.broadcast %scan3A_559 : i32 to vector<16xi32>
        %eq3A_767 = arith.cmpi eq, %iota3A, %eq3A : vector<16xi32>
        %select_n3A = arith.select %eq3A_767, %add3A_766, %scan3A_560 : vector<16xi1>, vector<16xf32>
        %scan3A_768 = arith.constant 1 : i32
        %scan3A_769 = arith.addi %scan3A_559, %scan3A_768 : i32
        %mul3A_770 = arith.constant 16 : i32
        %mul3A_771 = arith.muli %scan3A_540, %mul3A_770 : i32
        %add3A_772 = arith.addi %mul3A_771, %scan3A_769 : i32
        %mul3A_773 = arith.constant 16 : i32
        %mul3A_774 = arith.muli %scan3A_540, %mul3A_773 : i32
        %add3A_775 = arith.addi %mul3A_774, %scan3A_769 : i32
        %get3A_776 = arith.constant 0 : i32
        %get3A_777 = arith.constant 0 : i32
        %get3A_778 = tpu.memref_slice %arg9[%scan3A_543, %get3A_776, %get3A_777] : memref<4x64x128xf32, #tpu.memory_space<vmem>> -> memref<1x64x128xf32, #tpu.memory_space<vmem>>
        %get3A_779 = tpu.memref_squeeze %get3A_778 : memref<1x64x128xf32, #tpu.memory_space<vmem>> -> memref<64x128xf32, #tpu.memory_space<vmem>>
        %get3A_780 = arith.constant 0 : i32
        %get3A_781 = tpu.memref_slice %get3A_779[%add3A_772, %get3A_780] : memref<64x128xf32, #tpu.memory_space<vmem>> -> memref<1x128xf32, #tpu.memory_space<vmem>>
        %get3A_782 = tpu.memref_squeeze %get3A_781 : memref<1x128xf32, #tpu.memory_space<vmem>> -> memref<128xf32, #tpu.memory_space<vmem>>
        %get3A_783 = arith.constant 0 : index
        %get3A_784 = tpu.vector_load %get3A_782[%get3A_783] {strides = array<i32>} : memref<128xf32, #tpu.memory_space<vmem>>, vector<16xf32>,
        %get3A_785 = vector.shape_cast %get3A_784 : vector<16xf32> to vector<16xf32>
        %get3A_786 = arith.constant 0 : i32
        %get3A_787 = arith.constant 0 : i32
        %get3A_788 = tpu.memref_slice %arg10[%scan3A_544, %get3A_786, %get3A_787] : memref<4x64x128xf32, #tpu.memory_space<vmem>> -> memref<1x64x128xf32, #tpu.memory_space<vmem>>
        %get3A_789 = tpu.memref_squeeze %get3A_788 : memref<1x64x128xf32, #tpu.memory_space<vmem>> -> memref<64x128xf32, #tpu.memory_space<vmem>>
        %get3A_790 = arith.constant 0 : i32
        %get3A_791 = tpu.memref_slice %get3A_789[%add3A_775, %get3A_790] : memref<64x128xf32, #tpu.memory_space<vmem>> -> memref<1x128xf32, #tpu.memory_space<vmem>>
        %get3A_792 = tpu.memref_squeeze %get3A_791 : memref<1x128xf32, #tpu.memory_space<vmem>> -> memref<128xf32, #tpu.memory_space<vmem>>
        %get3A_793 = arith.constant 0 : index
        %get3A_794 = tpu.vector_load %get3A_792[%get3A_793] {strides = array<i32>} : memref<128xf32, #tpu.memory_space<vmem>>, vector<16xf32>,
        %get3A_795 = vector.shape_cast %get3A_794 : vector<16xf32> to vector<16xf32>
        %mul3A_796 = arith.mulf %get3A_785, %get3A_795 : vector<16xf32>
        %get3A_797 = arith.constant 0 : i32
        %get3A_798 = arith.constant 0 : i32
        %get3A_799 = tpu.memref_slice %arg9[%scan3A_543, %get3A_797, %get3A_798] : memref<4x64x128xf32, #tpu.memory_space<vmem>> -> memref<1x64x128xf32, #tpu.memory_space<vmem>>
        %get3A_800 = tpu.memref_squeeze %get3A_799 : memref<1x64x128xf32, #tpu.memory_space<vmem>> -> memref<64x128xf32, #tpu.memory_space<vmem>>
        %get3A_801 = arith.constant 0 : i32
        %get3A_802 = tpu.memref_slice %get3A_800[%add3A_772, %get3A_801] : memref<64x128xf32, #tpu.memory_space<vmem>> -> memref<1x128xf32, #tpu.memory_space<vmem>>
        %get3A_803 = tpu.memref_squeeze %get3A_802 : memref<1x128xf32, #tpu.memory_space<vmem>> -> memref<128xf32, #tpu.memory_space<vmem>>
        %get3A_804 = arith.constant 16 : index
        %get3A_805 = tpu.vector_load %get3A_803[%get3A_804] {strides = array<i32>} : memref<128xf32, #tpu.memory_space<vmem>>, vector<16xf32>,
        %get3A_806 = vector.shape_cast %get3A_805 : vector<16xf32> to vector<16xf32>
        %get3A_807 = arith.constant 0 : i32
        %get3A_808 = arith.constant 0 : i32
        %get3A_809 = tpu.memref_slice %arg10[%scan3A_544, %get3A_807, %get3A_808] : memref<4x64x128xf32, #tpu.memory_space<vmem>> -> memref<1x64x128xf32, #tpu.memory_space<vmem>>
        %get3A_810 = tpu.memref_squeeze %get3A_809 : memref<1x64x128xf32, #tpu.memory_space<vmem>> -> memref<64x128xf32, #tpu.memory_space<vmem>>
        %get3A_811 = arith.constant 0 : i32
        %get3A_812 = tpu.memref_slice %get3A_810[%add3A_775, %get3A_811] : memref<64x128xf32, #tpu.memory_space<vmem>> -> memref<1x128xf32, #tpu.memory_space<vmem>>
        %get3A_813 = tpu.memref_squeeze %get3A_812 : memref<1x128xf32, #tpu.memory_space<vmem>> -> memref<128xf32, #tpu.memory_space<vmem>>
        %get3A_814 = arith.constant 16 : index
        %get3A_815 = tpu.vector_load %get3A_813[%get3A_814] {strides = array<i32>} : memref<128xf32, #tpu.memory_space<vmem>>, vector<16xf32>,
        %get3A_816 = vector.shape_cast %get3A_815 : vector<16xf32> to vector<16xf32>
        %mul3A_817 = arith.mulf %get3A_806, %get3A_816 : vector<16xf32>
        %get3A_818 = arith.constant 0 : i32
        %get3A_819 = arith.constant 0 : i32
        %get3A_820 = tpu.memref_slice %arg9[%scan3A_543, %get3A_818, %get3A_819] : memref<4x64x128xf32, #tpu.memory_space<vmem>> -> memref<1x64x128xf32, #tpu.memory_space<vmem>>
        %get3A_821 = tpu.memref_squeeze %get3A_820 : memref<1x64x128xf32, #tpu.memory_space<vmem>> -> memref<64x128xf32, #tpu.memory_space<vmem>>
        %get3A_822 = arith.constant 0 : i32
        %get3A_823 = tpu.memref_slice %get3A_821[%add3A_772, %get3A_822] : memref<64x128xf32, #tpu.memory_space<vmem>> -> memref<1x128xf32, #tpu.memory_space<vmem>>
        %get3A_824 = tpu.memref_squeeze %get3A_823 : memref<1x128xf32, #tpu.memory_space<vmem>> -> memref<128xf32, #tpu.memory_space<vmem>>
        %get3A_825 = arith.constant 32 : index
        %get3A_826 = tpu.vector_load %get3A_824[%get3A_825] {strides = array<i32>} : memref<128xf32, #tpu.memory_space<vmem>>, vector<16xf32>,
        %get3A_827 = vector.shape_cast %get3A_826 : vector<16xf32> to vector<16xf32>
        %get3A_828 = arith.constant 0 : i32
        %get3A_829 = arith.constant 0 : i32
        %get3A_830 = tpu.memref_slice %arg10[%scan3A_544, %get3A_828, %get3A_829] : memref<4x64x128xf32, #tpu.memory_space<vmem>> -> memref<1x64x128xf32, #tpu.memory_space<vmem>>
        %get3A_831 = tpu.memref_squeeze %get3A_830 : memref<1x64x128xf32, #tpu.memory_space<vmem>> -> memref<64x128xf32, #tpu.memory_space<vmem>>
        %get3A_832 = arith.constant 0 : i32
        %get3A_833 = tpu.memref_slice %get3A_831[%add3A_775, %get3A_832] : memref<64x128xf32, #tpu.memory_space<vmem>> -> memref<1x128xf32, #tpu.memory_space<vmem>>
        %get3A_834 = tpu.memref_squeeze %get3A_833 : memref<1x128xf32, #tpu.memory_space<vmem>> -> memref<128xf32, #tpu.memory_space<vmem>>
        %get3A_835 = arith.constant 32 : index
        %get3A_836 = tpu.vector_load %get3A_834[%get3A_835] {strides = array<i32>} : memref<128xf32, #tpu.memory_space<vmem>>, vector<16xf32>,
        %get3A_837 = vector.shape_cast %get3A_836 : vector<16xf32> to vector<16xf32>
        %mul3A_838 = arith.mulf %get3A_827, %get3A_837 : vector<16xf32>
        %get3A_839 = arith.constant 0 : i32
        %get3A_840 = arith.constant 0 : i32
        %get3A_841 = tpu.memref_slice %arg9[%scan3A_543, %get3A_839, %get3A_840] : memref<4x64x128xf32, #tpu.memory_space<vmem>> -> memref<1x64x128xf32, #tpu.memory_space<vmem>>
        %get3A_842 = tpu.memref_squeeze %get3A_841 : memref<1x64x128xf32, #tpu.memory_space<vmem>> -> memref<64x128xf32, #tpu.memory_space<vmem>>
        %get3A_843 = arith.constant 0 : i32
        %get3A_844 = tpu.memref_slice %get3A_842[%add3A_772, %get3A_843] : memref<64x128xf32, #tpu.memory_space<vmem>> -> memref<1x128xf32, #tpu.memory_space<vmem>>
        %get3A_845 = tpu.memref_squeeze %get3A_844 : memref<1x128xf32, #tpu.memory_space<vmem>> -> memref<128xf32, #tpu.memory_space<vmem>>
        %get3A_846 = arith.constant 48 : index
        %get3A_847 = tpu.vector_load %get3A_845[%get3A_846] {strides = array<i32>} : memref<128xf32, #tpu.memory_space<vmem>>, vector<16xf32>,
        %get3A_848 = vector.shape_cast %get3A_847 : vector<16xf32> to vector<16xf32>
        %get3A_849 = arith.constant 0 : i32
        %get3A_850 = arith.constant 0 : i32
        %get3A_851 = tpu.memref_slice %arg10[%scan3A_544, %get3A_849, %get3A_850] : memref<4x64x128xf32, #tpu.memory_space<vmem>> -> memref<1x64x128xf32, #tpu.memory_space<vmem>>
        %get3A_852 = tpu.memref_squeeze %get3A_851 : memref<1x64x128xf32, #tpu.memory_space<vmem>> -> memref<64x128xf32, #tpu.memory_space<vmem>>
        %get3A_853 = arith.constant 0 : i32
        %get3A_854 = tpu.memref_slice %get3A_852[%add3A_775, %get3A_853] : memref<64x128xf32, #tpu.memory_space<vmem>> -> memref<1x128xf32, #tpu.memory_space<vmem>>
        %get3A_855 = tpu.memref_squeeze %get3A_854 : memref<1x128xf32, #tpu.memory_space<vmem>> -> memref<128xf32, #tpu.memory_space<vmem>>
        %get3A_856 = arith.constant 48 : index
        %get3A_857 = tpu.vector_load %get3A_855[%get3A_856] {strides = array<i32>} : memref<128xf32, #tpu.memory_space<vmem>>, vector<16xf32>,
        %get3A_858 = vector.shape_cast %get3A_857 : vector<16xf32> to vector<16xf32>
        %mul3A_859 = arith.mulf %get3A_848, %get3A_858 : vector<16xf32>
        %get3A_860 = arith.constant 0 : i32
        %get3A_861 = arith.constant 0 : i32
        %get3A_862 = tpu.memref_slice %arg9[%scan3A_543, %get3A_860, %get3A_861] : memref<4x64x128xf32, #tpu.memory_space<vmem>> -> memref<1x64x128xf32, #tpu.memory_space<vmem>>
        %get3A_863 = tpu.memref_squeeze %get3A_862 : memref<1x64x128xf32, #tpu.memory_space<vmem>> -> memref<64x128xf32, #tpu.memory_space<vmem>>
        %get3A_864 = arith.constant 0 : i32
        %get3A_865 = tpu.memref_slice %get3A_863[%add3A_772, %get3A_864] : memref<64x128xf32, #tpu.memory_space<vmem>> -> memref<1x128xf32, #tpu.memory_space<vmem>>
        %get3A_866 = tpu.memref_squeeze %get3A_865 : memref<1x128xf32, #tpu.memory_space<vmem>> -> memref<128xf32, #tpu.memory_space<vmem>>
        %get3A_867 = arith.constant 64 : index
        %get3A_868 = tpu.vector_load %get3A_866[%get3A_867] {strides = array<i32>} : memref<128xf32, #tpu.memory_space<vmem>>, vector<16xf32>,
        %get3A_869 = vector.shape_cast %get3A_868 : vector<16xf32> to vector<16xf32>
        %get3A_870 = arith.constant 0 : i32
        %get3A_871 = arith.constant 0 : i32
        %get3A_872 = tpu.memref_slice %arg10[%scan3A_544, %get3A_870, %get3A_871] : memref<4x64x128xf32, #tpu.memory_space<vmem>> -> memref<1x64x128xf32, #tpu.memory_space<vmem>>
        %get3A_873 = tpu.memref_squeeze %get3A_872 : memref<1x64x128xf32, #tpu.memory_space<vmem>> -> memref<64x128xf32, #tpu.memory_space<vmem>>
        %get3A_874 = arith.constant 0 : i32
        %get3A_875 = tpu.memref_slice %get3A_873[%add3A_775, %get3A_874] : memref<64x128xf32, #tpu.memory_space<vmem>> -> memref<1x128xf32, #tpu.memory_space<vmem>>
        %get3A_876 = tpu.memref_squeeze %get3A_875 : memref<1x128xf32, #tpu.memory_space<vmem>> -> memref<128xf32, #tpu.memory_space<vmem>>
        %get3A_877 = arith.constant 64 : index
        %get3A_878 = tpu.vector_load %get3A_876[%get3A_877] {strides = array<i32>} : memref<128xf32, #tpu.memory_space<vmem>>, vector<16xf32>,
        %get3A_879 = vector.shape_cast %get3A_878 : vector<16xf32> to vector<16xf32>
        %mul3A_880 = arith.mulf %get3A_869, %get3A_879 : vector<16xf32>
        %get3A_881 = arith.constant 0 : i32
        %get3A_882 = arith.constant 0 : i32
        %get3A_883 = tpu.memref_slice %arg9[%scan3A_543, %get3A_881, %get3A_882] : memref<4x64x128xf32, #tpu.memory_space<vmem>> -> memref<1x64x128xf32, #tpu.memory_space<vmem>>
        %get3A_884 = tpu.memref_squeeze %get3A_883 : memref<1x64x128xf32, #tpu.memory_space<vmem>> -> memref<64x128xf32, #tpu.memory_space<vmem>>
        %get3A_885 = arith.constant 0 : i32
        %get3A_886 = tpu.memref_slice %get3A_884[%add3A_772, %get3A_885] : memref<64x128xf32, #tpu.memory_space<vmem>> -> memref<1x128xf32, #tpu.memory_space<vmem>>
        %get3A_887 = tpu.memref_squeeze %get3A_886 : memref<1x128xf32, #tpu.memory_space<vmem>> -> memref<128xf32, #tpu.memory_space<vmem>>
        %get3A_888 = arith.constant 80 : index
        %get3A_889 = tpu.vector_load %get3A_887[%get3A_888] {strides = array<i32>} : memref<128xf32, #tpu.memory_space<vmem>>, vector<16xf32>,
        %get3A_890 = vector.shape_cast %get3A_889 : vector<16xf32> to vector<16xf32>
        %get3A_891 = arith.constant 0 : i32
        %get3A_892 = arith.constant 0 : i32
        %get3A_893 = tpu.memref_slice %arg10[%scan3A_544, %get3A_891, %get3A_892] : memref<4x64x128xf32, #tpu.memory_space<vmem>> -> memref<1x64x128xf32, #tpu.memory_space<vmem>>
        %get3A_894 = tpu.memref_squeeze %get3A_893 : memref<1x64x128xf32, #tpu.memory_space<vmem>> -> memref<64x128xf32, #tpu.memory_space<vmem>>
        %get3A_895 = arith.constant 0 : i32
        %get3A_896 = tpu.memref_slice %get3A_894[%add3A_775, %get3A_895] : memref<64x128xf32, #tpu.memory_space<vmem>> -> memref<1x128xf32, #tpu.memory_space<vmem>>
        %get3A_897 = tpu.memref_squeeze %get3A_896 : memref<1x128xf32, #tpu.memory_space<vmem>> -> memref<128xf32, #tpu.memory_space<vmem>>
        %get3A_898 = arith.constant 80 : index
        %get3A_899 = tpu.vector_load %get3A_897[%get3A_898] {strides = array<i32>} : memref<128xf32, #tpu.memory_space<vmem>>, vector<16xf32>,
        %get3A_900 = vector.shape_cast %get3A_899 : vector<16xf32> to vector<16xf32>
        %mul3A_901 = arith.mulf %get3A_890, %get3A_900 : vector<16xf32>
        %get3A_902 = arith.constant 0 : i32
        %get3A_903 = arith.constant 0 : i32
        %get3A_904 = tpu.memref_slice %arg9[%scan3A_543, %get3A_902, %get3A_903] : memref<4x64x128xf32, #tpu.memory_space<vmem>> -> memref<1x64x128xf32, #tpu.memory_space<vmem>>
        %get3A_905 = tpu.memref_squeeze %get3A_904 : memref<1x64x128xf32, #tpu.memory_space<vmem>> -> memref<64x128xf32, #tpu.memory_space<vmem>>
        %get3A_906 = arith.constant 0 : i32
        %get3A_907 = tpu.memref_slice %get3A_905[%add3A_772, %get3A_906] : memref<64x128xf32, #tpu.memory_space<vmem>> -> memref<1x128xf32, #tpu.memory_space<vmem>>
        %get3A_908 = tpu.memref_squeeze %get3A_907 : memref<1x128xf32, #tpu.memory_space<vmem>> -> memref<128xf32, #tpu.memory_space<vmem>>
        %get3A_909 = arith.constant 96 : index
        %get3A_910 = tpu.vector_load %get3A_908[%get3A_909] {strides = array<i32>} : memref<128xf32, #tpu.memory_space<vmem>>, vector<16xf32>,
        %get3A_911 = vector.shape_cast %get3A_910 : vector<16xf32> to vector<16xf32>
        %get3A_912 = arith.constant 0 : i32
        %get3A_913 = arith.constant 0 : i32
        %get3A_914 = tpu.memref_slice %arg10[%scan3A_544, %get3A_912, %get3A_913] : memref<4x64x128xf32, #tpu.memory_space<vmem>> -> memref<1x64x128xf32, #tpu.memory_space<vmem>>
        %get3A_915 = tpu.memref_squeeze %get3A_914 : memref<1x64x128xf32, #tpu.memory_space<vmem>> -> memref<64x128xf32, #tpu.memory_space<vmem>>
        %get3A_916 = arith.constant 0 : i32
        %get3A_917 = tpu.memref_slice %get3A_915[%add3A_775, %get3A_916] : memref<64x128xf32, #tpu.memory_space<vmem>> -> memref<1x128xf32, #tpu.memory_space<vmem>>
        %get3A_918 = tpu.memref_squeeze %get3A_917 : memref<1x128xf32, #tpu.memory_space<vmem>> -> memref<128xf32, #tpu.memory_space<vmem>>
        %get3A_919 = arith.constant 96 : index
        %get3A_920 = tpu.vector_load %get3A_918[%get3A_919] {strides = array<i32>} : memref<128xf32, #tpu.memory_space<vmem>>, vector<16xf32>,
        %get3A_921 = vector.shape_cast %get3A_920 : vector<16xf32> to vector<16xf32>
        %mul3A_922 = arith.mulf %get3A_911, %get3A_921 : vector<16xf32>
        %get3A_923 = arith.constant 0 : i32
        %get3A_924 = arith.constant 0 : i32
        %get3A_925 = tpu.memref_slice %arg9[%scan3A_543, %get3A_923, %get3A_924] : memref<4x64x128xf32, #tpu.memory_space<vmem>> -> memref<1x64x128xf32, #tpu.memory_space<vmem>>
        %get3A_926 = tpu.memref_squeeze %get3A_925 : memref<1x64x128xf32, #tpu.memory_space<vmem>> -> memref<64x128xf32, #tpu.memory_space<vmem>>
        %get3A_927 = arith.constant 0 : i32
        %get3A_928 = tpu.memref_slice %get3A_926[%add3A_772, %get3A_927] : memref<64x128xf32, #tpu.memory_space<vmem>> -> memref<1x128xf32, #tpu.memory_space<vmem>>
        %get3A_929 = tpu.memref_squeeze %get3A_928 : memref<1x128xf32, #tpu.memory_space<vmem>> -> memref<128xf32, #tpu.memory_space<vmem>>
        %get3A_930 = arith.constant 112 : index
        %get3A_931 = tpu.vector_load %get3A_929[%get3A_930] {strides = array<i32>} : memref<128xf32, #tpu.memory_space<vmem>>, vector<16xf32>,
        %get3A_932 = vector.shape_cast %get3A_931 : vector<16xf32> to vector<16xf32>
        %get3A_933 = arith.constant 0 : i32
        %get3A_934 = arith.constant 0 : i32
        %get3A_935 = tpu.memref_slice %arg10[%scan3A_544, %get3A_933, %get3A_934] : memref<4x64x128xf32, #tpu.memory_space<vmem>> -> memref<1x64x128xf32, #tpu.memory_space<vmem>>
        %get3A_936 = tpu.memref_squeeze %get3A_935 : memref<1x64x128xf32, #tpu.memory_space<vmem>> -> memref<64x128xf32, #tpu.memory_space<vmem>>
        %get3A_937 = arith.constant 0 : i32
        %get3A_938 = tpu.memref_slice %get3A_936[%add3A_775, %get3A_937] : memref<64x128xf32, #tpu.memory_space<vmem>> -> memref<1x128xf32, #tpu.memory_space<vmem>>
        %get3A_939 = tpu.memref_squeeze %get3A_938 : memref<1x128xf32, #tpu.memory_space<vmem>> -> memref<128xf32, #tpu.memory_space<vmem>>
        %get3A_940 = arith.constant 112 : index
        %get3A_941 = tpu.vector_load %get3A_939[%get3A_940] {strides = array<i32>} : memref<128xf32, #tpu.memory_space<vmem>>, vector<16xf32>,
        %get3A_942 = vector.shape_cast %get3A_941 : vector<16xf32> to vector<16xf32>
        %mul3A_943 = arith.mulf %get3A_932, %get3A_942 : vector<16xf32>
        %add3A_944 = arith.addf %mul3A_796, %mul3A_817 : vector<16xf32>
        %add3A_945 = arith.addf %mul3A_838, %mul3A_859 : vector<16xf32>
        %add3A_946 = arith.addf %mul3A_880, %mul3A_901 : vector<16xf32>
        %add3A_947 = arith.addf %mul3A_922, %mul3A_943 : vector<16xf32>
        %add3A_948 = arith.addf %add3A_944, %add3A_945 : vector<16xf32>
        %add3A_949 = arith.addf %add3A_946, %add3A_947 : vector<16xf32>
        %add3A_950 = arith.addf %add3A_948, %add3A_949 : vector<16xf32>
        %xor3A_951 = arith.constant 8 : i32
        %xor3A_952 = vector.broadcast %xor3A_951 : i32 to vector<16xi32>
        %xor3A_953 = arith.xori %iota3A, %xor3A_952 : vector<16xi32>
        %broadcast_in_dim3A_954 = vector.shape_cast %xor3A_953 : vector<16xi32> to vector<16x1xi32>
        %gather3A_955 = vector.shape_cast %broadcast_in_dim3A_954 : vector<16x1xi32> to vector<16xi32>
        %gather3A_956 = tpu.dynamic_gather %add3A_950[%gather3A_955] in [0] : vector<16xf32>, vector<16xi32> -> vector<16xf32>
        %add3A_957 = arith.addf %add3A_950, %gather3A_956 : vector<16xf32>
        %xor3A_958 = arith.constant 4 : i32
        %xor3A_959 = vector.broadcast %xor3A_958 : i32 to vector<16xi32>
        %xor3A_960 = arith.xori %iota3A, %xor3A_959 : vector<16xi32>
        %broadcast_in_dim3A_961 = vector.shape_cast %xor3A_960 : vector<16xi32> to vector<16x1xi32>
        %gather3A_962 = vector.shape_cast %broadcast_in_dim3A_961 : vector<16x1xi32> to vector<16xi32>
        %gather3A_963 = tpu.dynamic_gather %add3A_957[%gather3A_962] in [0] : vector<16xf32>, vector<16xi32> -> vector<16xf32>
        %add3A_964 = arith.addf %add3A_957, %gather3A_963 : vector<16xf32>
        %xor3A_965 = arith.constant 2 : i32
        %xor3A_966 = vector.broadcast %xor3A_965 : i32 to vector<16xi32>
        %xor3A_967 = arith.xori %iota3A, %xor3A_966 : vector<16xi32>
        %broadcast_in_dim3A_968 = vector.shape_cast %xor3A_967 : vector<16xi32> to vector<16x1xi32>
        %gather3A_969 = vector.shape_cast %broadcast_in_dim3A_968 : vector<16x1xi32> to vector<16xi32>
        %gather3A_970 = tpu.dynamic_gather %add3A_964[%gather3A_969] in [0] : vector<16xf32>, vector<16xi32> -> vector<16xf32>
        %add3A_971 = arith.addf %add3A_964, %gather3A_970 : vector<16xf32>
        %xor3A_972 = arith.constant 1 : i32
        %xor3A_973 = vector.broadcast %xor3A_972 : i32 to vector<16xi32>
        %xor3A_974 = arith.xori %iota3A, %xor3A_973 : vector<16xi32>
        %broadcast_in_dim3A_975 = vector.shape_cast %xor3A_974 : vector<16xi32> to vector<16x1xi32>
        %gather3A_976 = vector.shape_cast %broadcast_in_dim3A_975 : vector<16x1xi32> to vector<16xi32>
        %gather3A_977 = tpu.dynamic_gather %add3A_971[%gather3A_976] in [0] : vector<16xf32>, vector<16xi32> -> vector<16xf32>
        %add3A_978 = arith.addf %add3A_971, %gather3A_977 : vector<16xf32>
        %eq3A_979 = vector.broadcast %scan3A_769 : i32 to vector<16xi32>
        %eq3A_980 = arith.cmpi eq, %iota3A, %eq3A_979 : vector<16xi32>
        %select_n3A_981 = arith.select %eq3A_980, %add3A_978, %select_n3A : vector<16xi1>, vector<16xf32>
        scf.yield %select_n3A_981 : vector<16xf32>
      }
      %scan3A_550 = arith.constant 16 : i32
      %mul3A_551 = arith.constant 16 : i32
      %mul3A_552 = arith.muli %scan3A_540, %mul3A_551 : i32
      %add3A_553 = arith.constant 64 : i32
      %add3A_554 = arith.addi %add3A_553, %mul3A_552 : i32
      %swap3A = arith.index_cast %add3A_554 : i32 to index
      %swap3A_555 = tpu.vector_load %arg11[%swap3A] {strides = array<i32>} : memref<512xf32, #tpu.memory_space<vmem>>, vector<16xf32>,
      %swap3A_556 = vector.shape_cast %swap3A_555 : vector<16xf32> to vector<16xf32>
      %swap3A_557 = vector.shape_cast %scan3A_549 : vector<16xf32> to vector<16xf32>
      tpu.vector_store %arg11[%swap3A], %swap3A_557 {strides = array<i32>} : memref<512xf32, #tpu.memory_space<vmem>>, vector<16xf32>,
      %scan3A_558 = arith.constant 0 : i32
      scf.yield %scan3A_558 : i32
    }
    %scan3A_213 = arith.constant 4 : i32
    %add3A_214 = arith.constant 64 : i32
    %add3A_215 = arith.addi %mul3A_2, %add3A_214 : i32
    %dma_start3A_216 = arith.constant 64 : i32
    %dma_start3A_217 = tpu.memref_slice %arg11[%dma_start3A_216] : memref<512xf32, #tpu.memory_space<vmem>> -> memref<64xf32, #tpu.memory_space<vmem>>
    %dma_start3A_218 = tpu.memref_slice %arg6[%add3A_215] : memref<16384xf32, #tpu.memory_space<hbm>> -> memref<64xf32, #tpu.memory_space<hbm>>
    %dma_start3A_219 = tpu.memref_slice %arg6[%add3A_215] : memref<16384xf32, #tpu.memory_space<hbm>> -> memref<64xf32, #tpu.memory_space<hbm>>
    %dma_start3A_220 = arith.constant 64 : i32
    %dma_start3A_221 = tpu.memref_slice %arg11[%dma_start3A_220] : memref<512xf32, #tpu.memory_space<vmem>> -> memref<64xf32, #tpu.memory_space<vmem>>
    tpu.enqueue_dma source(%dma_start3A_221 : memref<64xf32, #tpu.memory_space<vmem>>) target(%dma_start3A_219 : memref<64xf32, #tpu.memory_space<hbm>>) target_semaphore(%arg17 : memref<!tpu.dma_semaphore, #tpu.memory_space<semaphore_mem>>)
    %dma_start3A_222 = arith.constant 1 : i32
    %dma_start3A_223 = arith.constant 0 : i32
    %dma_start3A_224 = arith.constant 0 : i32
    %dma_start3A_225 = tpu.memref_slice %arg9[%dma_start3A_222, %dma_start3A_223, %dma_start3A_224] : memref<4x64x128xf32, #tpu.memory_space<vmem>> -> memref<1x64x128xf32, #tpu.memory_space<vmem>>
    %dma_start3A_226 = tpu.memref_squeeze %dma_start3A_225 : memref<1x64x128xf32, #tpu.memory_space<vmem>> -> memref<64x128xf32, #tpu.memory_space<vmem>>
    %dma_start3A_227 = arith.constant 320 : i32
    %dma_start3A_228 = tpu.memref_slice %arg7[%dma_start3A_227] : memref<512xi32, #tpu.memory_space<vmem>> -> memref<64xi32, #tpu.memory_space<vmem>>
    %dma_start3A_229 = arith.constant 0 : i32
    %dma_start3A_230 = arith.constant 0 : i32
    %dma_start3A_231 = tpu.memref_slice %arg4[%dma_start3A_229, %dma_start3A_230] : memref<100000x128xf32, #tpu.memory_space<hbm>> -> memref<100000x128xf32, #tpu.memory_space<hbm>>
    tpu.enqueue_indirect_dma source(%dma_start3A_231 : memref<100000x128xf32, #tpu.memory_space<hbm>>) target(%dma_start3A_226 : memref<64x128xf32, #tpu.memory_space<vmem>>) offsets(%dma_start3A_228 : memref<64xi32, #tpu.memory_space<vmem>>) semaphore(%arg13 : memref<!tpu.dma_semaphore, #tpu.memory_space<semaphore_mem>>)
    %dma_start3A_232 = arith.constant 1 : i32
    %dma_start3A_233 = arith.constant 0 : i32
    %dma_start3A_234 = arith.constant 0 : i32
    %dma_start3A_235 = tpu.memref_slice %arg10[%dma_start3A_232, %dma_start3A_233, %dma_start3A_234] : memref<4x64x128xf32, #tpu.memory_space<vmem>> -> memref<1x64x128xf32, #tpu.memory_space<vmem>>
    %dma_start3A_236 = tpu.memref_squeeze %dma_start3A_235 : memref<1x64x128xf32, #tpu.memory_space<vmem>> -> memref<64x128xf32, #tpu.memory_space<vmem>>
    %dma_start3A_237 = arith.constant 320 : i32
    %dma_start3A_238 = tpu.memref_slice %arg8[%dma_start3A_237] : memref<512xi32, #tpu.memory_space<vmem>> -> memref<64xi32, #tpu.memory_space<vmem>>
    %dma_start3A_239 = arith.constant 0 : i32
    %dma_start3A_240 = arith.constant 0 : i32
    %dma_start3A_241 = tpu.memref_slice %arg5[%dma_start3A_239, %dma_start3A_240] : memref<100000x128xf32, #tpu.memory_space<hbm>> -> memref<100000x128xf32, #tpu.memory_space<hbm>>
    tpu.enqueue_indirect_dma source(%dma_start3A_241 : memref<100000x128xf32, #tpu.memory_space<hbm>>) target(%dma_start3A_236 : memref<64x128xf32, #tpu.memory_space<vmem>>) offsets(%dma_start3A_238 : memref<64xi32, #tpu.memory_space<vmem>>) semaphore(%arg13 : memref<!tpu.dma_semaphore, #tpu.memory_space<semaphore_mem>>)
    %dma_wait3A_242 = arith.constant 2 : i32
    %dma_wait3A_243 = arith.constant 0 : i32
    %dma_wait3A_244 = arith.constant 0 : i32
    %dma_wait3A_245 = tpu.memref_slice %arg9[%dma_wait3A_242, %dma_wait3A_243, %dma_wait3A_244] : memref<4x64x128xf32, #tpu.memory_space<vmem>> -> memref<1x64x128xf32, #tpu.memory_space<vmem>>
    %dma_wait3A_246 = tpu.memref_squeeze %dma_wait3A_245 : memref<1x64x128xf32, #tpu.memory_space<vmem>> -> memref<64x128xf32, #tpu.memory_space<vmem>>
    %dma_wait3A_247 = arith.constant 128 : i32
    %dma_wait3A_248 = tpu.memref_slice %arg7[%dma_wait3A_247] : memref<512xi32, #tpu.memory_space<vmem>> -> memref<64xi32, #tpu.memory_space<vmem>>
    %dma_wait3A_249 = arith.constant 0 : i32
    %dma_wait3A_250 = arith.constant 0 : i32
    %dma_wait3A_251 = tpu.memref_slice %arg4[%dma_wait3A_249, %dma_wait3A_250] : memref<100000x128xf32, #tpu.memory_space<hbm>> -> memref<100000x128xf32, #tpu.memory_space<hbm>>
    tpu.wait_indirect_dma semaphore(%arg14 : memref<!tpu.dma_semaphore, #tpu.memory_space<semaphore_mem>>) src(%dma_wait3A_251 : memref<100000x128xf32, #tpu.memory_space<hbm>>) dst(%dma_wait3A_246 : memref<64x128xf32, #tpu.memory_space<vmem>>)
    %dma_wait3A_252 = arith.constant 2 : i32
    %dma_wait3A_253 = arith.constant 0 : i32
    %dma_wait3A_254 = arith.constant 0 : i32
    %dma_wait3A_255 = tpu.memref_slice %arg10[%dma_wait3A_252, %dma_wait3A_253, %dma_wait3A_254] : memref<4x64x128xf32, #tpu.memory_space<vmem>> -> memref<1x64x128xf32, #tpu.memory_space<vmem>>
    %dma_wait3A_256 = tpu.memref_squeeze %dma_wait3A_255 : memref<1x64x128xf32, #tpu.memory_space<vmem>> -> memref<64x128xf32, #tpu.memory_space<vmem>>
    %dma_wait3A_257 = arith.constant 128 : i32
    %dma_wait3A_258 = tpu.memref_slice %arg8[%dma_wait3A_257] : memref<512xi32, #tpu.memory_space<vmem>> -> memref<64xi32, #tpu.memory_space<vmem>>
    %dma_wait3A_259 = arith.constant 0 : i32
    %dma_wait3A_260 = arith.constant 0 : i32
    %dma_wait3A_261 = tpu.memref_slice %arg5[%dma_wait3A_259, %dma_wait3A_260] : memref<100000x128xf32, #tpu.memory_space<hbm>> -> memref<100000x128xf32, #tpu.memory_space<hbm>>
    tpu.wait_indirect_dma semaphore(%arg14 : memref<!tpu.dma_semaphore, #tpu.memory_space<semaphore_mem>>) src(%dma_wait3A_261 : memref<100000x128xf32, #tpu.memory_space<hbm>>) dst(%dma_wait3A_256 : memref<64x128xf32, #tpu.memory_space<vmem>>)
    %scan3A_262 = arith.constant 0 : i32
    %scan3A_263 = arith.constant 0 : i32
    %scan3A_264 = arith.constant 4 : i32
    %scan3A_265 = arith.addi %scan3A_263, %scan3A_264 : i32
    %scan3A_266 = arith.constant 1 : i32
    %scan3A_267 = scf.for %scan3A_540 = %scan3A_263 to %scan3A_265 step %scan3A_266 iter_args(%scan3A_541 = %scan3A_262) -> (i32)  : i32 {
      %broadcast_in_dim3A = arith.constant 0.000000e+00 : f32
      %broadcast_in_dim3A_542 = vector.broadcast %broadcast_in_dim3A : f32 to vector<16xf32>
      %scan3A_543 = arith.constant 2 : i32
      %scan3A_544 = arith.constant 2 : i32
      %scan3A_545 = arith.constant 0 : i32
      %scan3A_546 = arith.constant 16 : i32
      %scan3A_547 = arith.addi %scan3A_545, %scan3A_546 : i32
      %scan3A_548 = arith.constant 2 : i32
      %scan3A_549 = scf.for %scan3A_559 = %scan3A_545 to %scan3A_547 step %scan3A_548 iter_args(%scan3A_560 = %broadcast_in_dim3A_542) -> (vector<16xf32>)  : i32 {
        %mul3A_561 = arith.constant 16 : i32
        %mul3A_562 = arith.muli %scan3A_540, %mul3A_561 : i32
        %add3A_563 = arith.addi %mul3A_562, %scan3A_559 : i32
        %mul3A_564 = arith.constant 16 : i32
        %mul3A_565 = arith.muli %scan3A_540, %mul3A_564 : i32
        %add3A_566 = arith.addi %mul3A_565, %scan3A_559 : i32
        %get3A = arith.constant 0 : i32
        %get3A_567 = arith.constant 0 : i32
        %get3A_568 = tpu.memref_slice %arg9[%scan3A_543, %get3A, %get3A_567] : memref<4x64x128xf32, #tpu.memory_space<vmem>> -> memref<1x64x128xf32, #tpu.memory_space<vmem>>
        %get3A_569 = tpu.memref_squeeze %get3A_568 : memref<1x64x128xf32, #tpu.memory_space<vmem>> -> memref<64x128xf32, #tpu.memory_space<vmem>>
        %get3A_570 = arith.constant 0 : i32
        %get3A_571 = tpu.memref_slice %get3A_569[%add3A_563, %get3A_570] : memref<64x128xf32, #tpu.memory_space<vmem>> -> memref<1x128xf32, #tpu.memory_space<vmem>>
        %get3A_572 = tpu.memref_squeeze %get3A_571 : memref<1x128xf32, #tpu.memory_space<vmem>> -> memref<128xf32, #tpu.memory_space<vmem>>
        %get3A_573 = arith.constant 0 : index
        %get3A_574 = tpu.vector_load %get3A_572[%get3A_573] {strides = array<i32>} : memref<128xf32, #tpu.memory_space<vmem>>, vector<16xf32>,
        %get3A_575 = vector.shape_cast %get3A_574 : vector<16xf32> to vector<16xf32>
        %get3A_576 = arith.constant 0 : i32
        %get3A_577 = arith.constant 0 : i32
        %get3A_578 = tpu.memref_slice %arg10[%scan3A_544, %get3A_576, %get3A_577] : memref<4x64x128xf32, #tpu.memory_space<vmem>> -> memref<1x64x128xf32, #tpu.memory_space<vmem>>
        %get3A_579 = tpu.memref_squeeze %get3A_578 : memref<1x64x128xf32, #tpu.memory_space<vmem>> -> memref<64x128xf32, #tpu.memory_space<vmem>>
        %get3A_580 = arith.constant 0 : i32
        %get3A_581 = tpu.memref_slice %get3A_579[%add3A_566, %get3A_580] : memref<64x128xf32, #tpu.memory_space<vmem>> -> memref<1x128xf32, #tpu.memory_space<vmem>>
        %get3A_582 = tpu.memref_squeeze %get3A_581 : memref<1x128xf32, #tpu.memory_space<vmem>> -> memref<128xf32, #tpu.memory_space<vmem>>
        %get3A_583 = arith.constant 0 : index
        %get3A_584 = tpu.vector_load %get3A_582[%get3A_583] {strides = array<i32>} : memref<128xf32, #tpu.memory_space<vmem>>, vector<16xf32>,
        %get3A_585 = vector.shape_cast %get3A_584 : vector<16xf32> to vector<16xf32>
        %mul3A_586 = arith.mulf %get3A_575, %get3A_585 : vector<16xf32>
        %get3A_587 = arith.constant 0 : i32
        %get3A_588 = arith.constant 0 : i32
        %get3A_589 = tpu.memref_slice %arg9[%scan3A_543, %get3A_587, %get3A_588] : memref<4x64x128xf32, #tpu.memory_space<vmem>> -> memref<1x64x128xf32, #tpu.memory_space<vmem>>
        %get3A_590 = tpu.memref_squeeze %get3A_589 : memref<1x64x128xf32, #tpu.memory_space<vmem>> -> memref<64x128xf32, #tpu.memory_space<vmem>>
        %get3A_591 = arith.constant 0 : i32
        %get3A_592 = tpu.memref_slice %get3A_590[%add3A_563, %get3A_591] : memref<64x128xf32, #tpu.memory_space<vmem>> -> memref<1x128xf32, #tpu.memory_space<vmem>>
        %get3A_593 = tpu.memref_squeeze %get3A_592 : memref<1x128xf32, #tpu.memory_space<vmem>> -> memref<128xf32, #tpu.memory_space<vmem>>
        %get3A_594 = arith.constant 16 : index
        %get3A_595 = tpu.vector_load %get3A_593[%get3A_594] {strides = array<i32>} : memref<128xf32, #tpu.memory_space<vmem>>, vector<16xf32>,
        %get3A_596 = vector.shape_cast %get3A_595 : vector<16xf32> to vector<16xf32>
        %get3A_597 = arith.constant 0 : i32
        %get3A_598 = arith.constant 0 : i32
        %get3A_599 = tpu.memref_slice %arg10[%scan3A_544, %get3A_597, %get3A_598] : memref<4x64x128xf32, #tpu.memory_space<vmem>> -> memref<1x64x128xf32, #tpu.memory_space<vmem>>
        %get3A_600 = tpu.memref_squeeze %get3A_599 : memref<1x64x128xf32, #tpu.memory_space<vmem>> -> memref<64x128xf32, #tpu.memory_space<vmem>>
        %get3A_601 = arith.constant 0 : i32
        %get3A_602 = tpu.memref_slice %get3A_600[%add3A_566, %get3A_601] : memref<64x128xf32, #tpu.memory_space<vmem>> -> memref<1x128xf32, #tpu.memory_space<vmem>>
        %get3A_603 = tpu.memref_squeeze %get3A_602 : memref<1x128xf32, #tpu.memory_space<vmem>> -> memref<128xf32, #tpu.memory_space<vmem>>
        %get3A_604 = arith.constant 16 : index
        %get3A_605 = tpu.vector_load %get3A_603[%get3A_604] {strides = array<i32>} : memref<128xf32, #tpu.memory_space<vmem>>, vector<16xf32>,
        %get3A_606 = vector.shape_cast %get3A_605 : vector<16xf32> to vector<16xf32>
        %mul3A_607 = arith.mulf %get3A_596, %get3A_606 : vector<16xf32>
        %get3A_608 = arith.constant 0 : i32
        %get3A_609 = arith.constant 0 : i32
        %get3A_610 = tpu.memref_slice %arg9[%scan3A_543, %get3A_608, %get3A_609] : memref<4x64x128xf32, #tpu.memory_space<vmem>> -> memref<1x64x128xf32, #tpu.memory_space<vmem>>
        %get3A_611 = tpu.memref_squeeze %get3A_610 : memref<1x64x128xf32, #tpu.memory_space<vmem>> -> memref<64x128xf32, #tpu.memory_space<vmem>>
        %get3A_612 = arith.constant 0 : i32
        %get3A_613 = tpu.memref_slice %get3A_611[%add3A_563, %get3A_612] : memref<64x128xf32, #tpu.memory_space<vmem>> -> memref<1x128xf32, #tpu.memory_space<vmem>>
        %get3A_614 = tpu.memref_squeeze %get3A_613 : memref<1x128xf32, #tpu.memory_space<vmem>> -> memref<128xf32, #tpu.memory_space<vmem>>
        %get3A_615 = arith.constant 32 : index
        %get3A_616 = tpu.vector_load %get3A_614[%get3A_615] {strides = array<i32>} : memref<128xf32, #tpu.memory_space<vmem>>, vector<16xf32>,
        %get3A_617 = vector.shape_cast %get3A_616 : vector<16xf32> to vector<16xf32>
        %get3A_618 = arith.constant 0 : i32
        %get3A_619 = arith.constant 0 : i32
        %get3A_620 = tpu.memref_slice %arg10[%scan3A_544, %get3A_618, %get3A_619] : memref<4x64x128xf32, #tpu.memory_space<vmem>> -> memref<1x64x128xf32, #tpu.memory_space<vmem>>
        %get3A_621 = tpu.memref_squeeze %get3A_620 : memref<1x64x128xf32, #tpu.memory_space<vmem>> -> memref<64x128xf32, #tpu.memory_space<vmem>>
        %get3A_622 = arith.constant 0 : i32
        %get3A_623 = tpu.memref_slice %get3A_621[%add3A_566, %get3A_622] : memref<64x128xf32, #tpu.memory_space<vmem>> -> memref<1x128xf32, #tpu.memory_space<vmem>>
        %get3A_624 = tpu.memref_squeeze %get3A_623 : memref<1x128xf32, #tpu.memory_space<vmem>> -> memref<128xf32, #tpu.memory_space<vmem>>
        %get3A_625 = arith.constant 32 : index
        %get3A_626 = tpu.vector_load %get3A_624[%get3A_625] {strides = array<i32>} : memref<128xf32, #tpu.memory_space<vmem>>, vector<16xf32>,
        %get3A_627 = vector.shape_cast %get3A_626 : vector<16xf32> to vector<16xf32>
        %mul3A_628 = arith.mulf %get3A_617, %get3A_627 : vector<16xf32>
        %get3A_629 = arith.constant 0 : i32
        %get3A_630 = arith.constant 0 : i32
        %get3A_631 = tpu.memref_slice %arg9[%scan3A_543, %get3A_629, %get3A_630] : memref<4x64x128xf32, #tpu.memory_space<vmem>> -> memref<1x64x128xf32, #tpu.memory_space<vmem>>
        %get3A_632 = tpu.memref_squeeze %get3A_631 : memref<1x64x128xf32, #tpu.memory_space<vmem>> -> memref<64x128xf32, #tpu.memory_space<vmem>>
        %get3A_633 = arith.constant 0 : i32
        %get3A_634 = tpu.memref_slice %get3A_632[%add3A_563, %get3A_633] : memref<64x128xf32, #tpu.memory_space<vmem>> -> memref<1x128xf32, #tpu.memory_space<vmem>>
        %get3A_635 = tpu.memref_squeeze %get3A_634 : memref<1x128xf32, #tpu.memory_space<vmem>> -> memref<128xf32, #tpu.memory_space<vmem>>
        %get3A_636 = arith.constant 48 : index
        %get3A_637 = tpu.vector_load %get3A_635[%get3A_636] {strides = array<i32>} : memref<128xf32, #tpu.memory_space<vmem>>, vector<16xf32>,
        %get3A_638 = vector.shape_cast %get3A_637 : vector<16xf32> to vector<16xf32>
        %get3A_639 = arith.constant 0 : i32
        %get3A_640 = arith.constant 0 : i32
        %get3A_641 = tpu.memref_slice %arg10[%scan3A_544, %get3A_639, %get3A_640] : memref<4x64x128xf32, #tpu.memory_space<vmem>> -> memref<1x64x128xf32, #tpu.memory_space<vmem>>
        %get3A_642 = tpu.memref_squeeze %get3A_641 : memref<1x64x128xf32, #tpu.memory_space<vmem>> -> memref<64x128xf32, #tpu.memory_space<vmem>>
        %get3A_643 = arith.constant 0 : i32
        %get3A_644 = tpu.memref_slice %get3A_642[%add3A_566, %get3A_643] : memref<64x128xf32, #tpu.memory_space<vmem>> -> memref<1x128xf32, #tpu.memory_space<vmem>>
        %get3A_645 = tpu.memref_squeeze %get3A_644 : memref<1x128xf32, #tpu.memory_space<vmem>> -> memref<128xf32, #tpu.memory_space<vmem>>
        %get3A_646 = arith.constant 48 : index
        %get3A_647 = tpu.vector_load %get3A_645[%get3A_646] {strides = array<i32>} : memref<128xf32, #tpu.memory_space<vmem>>, vector<16xf32>,
        %get3A_648 = vector.shape_cast %get3A_647 : vector<16xf32> to vector<16xf32>
        %mul3A_649 = arith.mulf %get3A_638, %get3A_648 : vector<16xf32>
        %get3A_650 = arith.constant 0 : i32
        %get3A_651 = arith.constant 0 : i32
        %get3A_652 = tpu.memref_slice %arg9[%scan3A_543, %get3A_650, %get3A_651] : memref<4x64x128xf32, #tpu.memory_space<vmem>> -> memref<1x64x128xf32, #tpu.memory_space<vmem>>
        %get3A_653 = tpu.memref_squeeze %get3A_652 : memref<1x64x128xf32, #tpu.memory_space<vmem>> -> memref<64x128xf32, #tpu.memory_space<vmem>>
        %get3A_654 = arith.constant 0 : i32
        %get3A_655 = tpu.memref_slice %get3A_653[%add3A_563, %get3A_654] : memref<64x128xf32, #tpu.memory_space<vmem>> -> memref<1x128xf32, #tpu.memory_space<vmem>>
        %get3A_656 = tpu.memref_squeeze %get3A_655 : memref<1x128xf32, #tpu.memory_space<vmem>> -> memref<128xf32, #tpu.memory_space<vmem>>
        %get3A_657 = arith.constant 64 : index
        %get3A_658 = tpu.vector_load %get3A_656[%get3A_657] {strides = array<i32>} : memref<128xf32, #tpu.memory_space<vmem>>, vector<16xf32>,
        %get3A_659 = vector.shape_cast %get3A_658 : vector<16xf32> to vector<16xf32>
        %get3A_660 = arith.constant 0 : i32
        %get3A_661 = arith.constant 0 : i32
        %get3A_662 = tpu.memref_slice %arg10[%scan3A_544, %get3A_660, %get3A_661] : memref<4x64x128xf32, #tpu.memory_space<vmem>> -> memref<1x64x128xf32, #tpu.memory_space<vmem>>
        %get3A_663 = tpu.memref_squeeze %get3A_662 : memref<1x64x128xf32, #tpu.memory_space<vmem>> -> memref<64x128xf32, #tpu.memory_space<vmem>>
        %get3A_664 = arith.constant 0 : i32
        %get3A_665 = tpu.memref_slice %get3A_663[%add3A_566, %get3A_664] : memref<64x128xf32, #tpu.memory_space<vmem>> -> memref<1x128xf32, #tpu.memory_space<vmem>>
        %get3A_666 = tpu.memref_squeeze %get3A_665 : memref<1x128xf32, #tpu.memory_space<vmem>> -> memref<128xf32, #tpu.memory_space<vmem>>
        %get3A_667 = arith.constant 64 : index
        %get3A_668 = tpu.vector_load %get3A_666[%get3A_667] {strides = array<i32>} : memref<128xf32, #tpu.memory_space<vmem>>, vector<16xf32>,
        %get3A_669 = vector.shape_cast %get3A_668 : vector<16xf32> to vector<16xf32>
        %mul3A_670 = arith.mulf %get3A_659, %get3A_669 : vector<16xf32>
        %get3A_671 = arith.constant 0 : i32
        %get3A_672 = arith.constant 0 : i32
        %get3A_673 = tpu.memref_slice %arg9[%scan3A_543, %get3A_671, %get3A_672] : memref<4x64x128xf32, #tpu.memory_space<vmem>> -> memref<1x64x128xf32, #tpu.memory_space<vmem>>
        %get3A_674 = tpu.memref_squeeze %get3A_673 : memref<1x64x128xf32, #tpu.memory_space<vmem>> -> memref<64x128xf32, #tpu.memory_space<vmem>>
        %get3A_675 = arith.constant 0 : i32
        %get3A_676 = tpu.memref_slice %get3A_674[%add3A_563, %get3A_675] : memref<64x128xf32, #tpu.memory_space<vmem>> -> memref<1x128xf32, #tpu.memory_space<vmem>>
        %get3A_677 = tpu.memref_squeeze %get3A_676 : memref<1x128xf32, #tpu.memory_space<vmem>> -> memref<128xf32, #tpu.memory_space<vmem>>
        %get3A_678 = arith.constant 80 : index
        %get3A_679 = tpu.vector_load %get3A_677[%get3A_678] {strides = array<i32>} : memref<128xf32, #tpu.memory_space<vmem>>, vector<16xf32>,
        %get3A_680 = vector.shape_cast %get3A_679 : vector<16xf32> to vector<16xf32>
        %get3A_681 = arith.constant 0 : i32
        %get3A_682 = arith.constant 0 : i32
        %get3A_683 = tpu.memref_slice %arg10[%scan3A_544, %get3A_681, %get3A_682] : memref<4x64x128xf32, #tpu.memory_space<vmem>> -> memref<1x64x128xf32, #tpu.memory_space<vmem>>
        %get3A_684 = tpu.memref_squeeze %get3A_683 : memref<1x64x128xf32, #tpu.memory_space<vmem>> -> memref<64x128xf32, #tpu.memory_space<vmem>>
        %get3A_685 = arith.constant 0 : i32
        %get3A_686 = tpu.memref_slice %get3A_684[%add3A_566, %get3A_685] : memref<64x128xf32, #tpu.memory_space<vmem>> -> memref<1x128xf32, #tpu.memory_space<vmem>>
        %get3A_687 = tpu.memref_squeeze %get3A_686 : memref<1x128xf32, #tpu.memory_space<vmem>> -> memref<128xf32, #tpu.memory_space<vmem>>
        %get3A_688 = arith.constant 80 : index
        %get3A_689 = tpu.vector_load %get3A_687[%get3A_688] {strides = array<i32>} : memref<128xf32, #tpu.memory_space<vmem>>, vector<16xf32>,
        %get3A_690 = vector.shape_cast %get3A_689 : vector<16xf32> to vector<16xf32>
        %mul3A_691 = arith.mulf %get3A_680, %get3A_690 : vector<16xf32>
        %get3A_692 = arith.constant 0 : i32
        %get3A_693 = arith.constant 0 : i32
        %get3A_694 = tpu.memref_slice %arg9[%scan3A_543, %get3A_692, %get3A_693] : memref<4x64x128xf32, #tpu.memory_space<vmem>> -> memref<1x64x128xf32, #tpu.memory_space<vmem>>
        %get3A_695 = tpu.memref_squeeze %get3A_694 : memref<1x64x128xf32, #tpu.memory_space<vmem>> -> memref<64x128xf32, #tpu.memory_space<vmem>>
        %get3A_696 = arith.constant 0 : i32
        %get3A_697 = tpu.memref_slice %get3A_695[%add3A_563, %get3A_696] : memref<64x128xf32, #tpu.memory_space<vmem>> -> memref<1x128xf32, #tpu.memory_space<vmem>>
        %get3A_698 = tpu.memref_squeeze %get3A_697 : memref<1x128xf32, #tpu.memory_space<vmem>> -> memref<128xf32, #tpu.memory_space<vmem>>
        %get3A_699 = arith.constant 96 : index
        %get3A_700 = tpu.vector_load %get3A_698[%get3A_699] {strides = array<i32>} : memref<128xf32, #tpu.memory_space<vmem>>, vector<16xf32>,
        %get3A_701 = vector.shape_cast %get3A_700 : vector<16xf32> to vector<16xf32>
        %get3A_702 = arith.constant 0 : i32
        %get3A_703 = arith.constant 0 : i32
        %get3A_704 = tpu.memref_slice %arg10[%scan3A_544, %get3A_702, %get3A_703] : memref<4x64x128xf32, #tpu.memory_space<vmem>> -> memref<1x64x128xf32, #tpu.memory_space<vmem>>
        %get3A_705 = tpu.memref_squeeze %get3A_704 : memref<1x64x128xf32, #tpu.memory_space<vmem>> -> memref<64x128xf32, #tpu.memory_space<vmem>>
        %get3A_706 = arith.constant 0 : i32
        %get3A_707 = tpu.memref_slice %get3A_705[%add3A_566, %get3A_706] : memref<64x128xf32, #tpu.memory_space<vmem>> -> memref<1x128xf32, #tpu.memory_space<vmem>>
        %get3A_708 = tpu.memref_squeeze %get3A_707 : memref<1x128xf32, #tpu.memory_space<vmem>> -> memref<128xf32, #tpu.memory_space<vmem>>
        %get3A_709 = arith.constant 96 : index
        %get3A_710 = tpu.vector_load %get3A_708[%get3A_709] {strides = array<i32>} : memref<128xf32, #tpu.memory_space<vmem>>, vector<16xf32>,
        %get3A_711 = vector.shape_cast %get3A_710 : vector<16xf32> to vector<16xf32>
        %mul3A_712 = arith.mulf %get3A_701, %get3A_711 : vector<16xf32>
        %get3A_713 = arith.constant 0 : i32
        %get3A_714 = arith.constant 0 : i32
        %get3A_715 = tpu.memref_slice %arg9[%scan3A_543, %get3A_713, %get3A_714] : memref<4x64x128xf32, #tpu.memory_space<vmem>> -> memref<1x64x128xf32, #tpu.memory_space<vmem>>
        %get3A_716 = tpu.memref_squeeze %get3A_715 : memref<1x64x128xf32, #tpu.memory_space<vmem>> -> memref<64x128xf32, #tpu.memory_space<vmem>>
        %get3A_717 = arith.constant 0 : i32
        %get3A_718 = tpu.memref_slice %get3A_716[%add3A_563, %get3A_717] : memref<64x128xf32, #tpu.memory_space<vmem>> -> memref<1x128xf32, #tpu.memory_space<vmem>>
        %get3A_719 = tpu.memref_squeeze %get3A_718 : memref<1x128xf32, #tpu.memory_space<vmem>> -> memref<128xf32, #tpu.memory_space<vmem>>
        %get3A_720 = arith.constant 112 : index
        %get3A_721 = tpu.vector_load %get3A_719[%get3A_720] {strides = array<i32>} : memref<128xf32, #tpu.memory_space<vmem>>, vector<16xf32>,
        %get3A_722 = vector.shape_cast %get3A_721 : vector<16xf32> to vector<16xf32>
        %get3A_723 = arith.constant 0 : i32
        %get3A_724 = arith.constant 0 : i32
        %get3A_725 = tpu.memref_slice %arg10[%scan3A_544, %get3A_723, %get3A_724] : memref<4x64x128xf32, #tpu.memory_space<vmem>> -> memref<1x64x128xf32, #tpu.memory_space<vmem>>
        %get3A_726 = tpu.memref_squeeze %get3A_725 : memref<1x64x128xf32, #tpu.memory_space<vmem>> -> memref<64x128xf32, #tpu.memory_space<vmem>>
        %get3A_727 = arith.constant 0 : i32
        %get3A_728 = tpu.memref_slice %get3A_726[%add3A_566, %get3A_727] : memref<64x128xf32, #tpu.memory_space<vmem>> -> memref<1x128xf32, #tpu.memory_space<vmem>>
        %get3A_729 = tpu.memref_squeeze %get3A_728 : memref<1x128xf32, #tpu.memory_space<vmem>> -> memref<128xf32, #tpu.memory_space<vmem>>
        %get3A_730 = arith.constant 112 : index
        %get3A_731 = tpu.vector_load %get3A_729[%get3A_730] {strides = array<i32>} : memref<128xf32, #tpu.memory_space<vmem>>, vector<16xf32>,
        %get3A_732 = vector.shape_cast %get3A_731 : vector<16xf32> to vector<16xf32>
        %mul3A_733 = arith.mulf %get3A_722, %get3A_732 : vector<16xf32>
        %add3A_734 = arith.addf %mul3A_586, %mul3A_607 : vector<16xf32>
        %add3A_735 = arith.addf %mul3A_628, %mul3A_649 : vector<16xf32>
        %add3A_736 = arith.addf %mul3A_670, %mul3A_691 : vector<16xf32>
        %add3A_737 = arith.addf %mul3A_712, %mul3A_733 : vector<16xf32>
        %add3A_738 = arith.addf %add3A_734, %add3A_735 : vector<16xf32>
        %add3A_739 = arith.addf %add3A_736, %add3A_737 : vector<16xf32>
        %add3A_740 = arith.addf %add3A_738, %add3A_739 : vector<16xf32>
        %xor3A = arith.constant 8 : i32
        %xor3A_741 = vector.broadcast %xor3A : i32 to vector<16xi32>
        %xor3A_742 = arith.xori %iota3A, %xor3A_741 : vector<16xi32>
        %broadcast_in_dim3A_743 = vector.shape_cast %xor3A_742 : vector<16xi32> to vector<16x1xi32>
        %gather3A = vector.shape_cast %broadcast_in_dim3A_743 : vector<16x1xi32> to vector<16xi32>
        %gather3A_744 = tpu.dynamic_gather %add3A_740[%gather3A] in [0] : vector<16xf32>, vector<16xi32> -> vector<16xf32>
        %add3A_745 = arith.addf %add3A_740, %gather3A_744 : vector<16xf32>
        %xor3A_746 = arith.constant 4 : i32
        %xor3A_747 = vector.broadcast %xor3A_746 : i32 to vector<16xi32>
        %xor3A_748 = arith.xori %iota3A, %xor3A_747 : vector<16xi32>
        %broadcast_in_dim3A_749 = vector.shape_cast %xor3A_748 : vector<16xi32> to vector<16x1xi32>
        %gather3A_750 = vector.shape_cast %broadcast_in_dim3A_749 : vector<16x1xi32> to vector<16xi32>
        %gather3A_751 = tpu.dynamic_gather %add3A_745[%gather3A_750] in [0] : vector<16xf32>, vector<16xi32> -> vector<16xf32>
        %add3A_752 = arith.addf %add3A_745, %gather3A_751 : vector<16xf32>
        %xor3A_753 = arith.constant 2 : i32
        %xor3A_754 = vector.broadcast %xor3A_753 : i32 to vector<16xi32>
        %xor3A_755 = arith.xori %iota3A, %xor3A_754 : vector<16xi32>
        %broadcast_in_dim3A_756 = vector.shape_cast %xor3A_755 : vector<16xi32> to vector<16x1xi32>
        %gather3A_757 = vector.shape_cast %broadcast_in_dim3A_756 : vector<16x1xi32> to vector<16xi32>
        %gather3A_758 = tpu.dynamic_gather %add3A_752[%gather3A_757] in [0] : vector<16xf32>, vector<16xi32> -> vector<16xf32>
        %add3A_759 = arith.addf %add3A_752, %gather3A_758 : vector<16xf32>
        %xor3A_760 = arith.constant 1 : i32
        %xor3A_761 = vector.broadcast %xor3A_760 : i32 to vector<16xi32>
        %xor3A_762 = arith.xori %iota3A, %xor3A_761 : vector<16xi32>
        %broadcast_in_dim3A_763 = vector.shape_cast %xor3A_762 : vector<16xi32> to vector<16x1xi32>
        %gather3A_764 = vector.shape_cast %broadcast_in_dim3A_763 : vector<16x1xi32> to vector<16xi32>
        %gather3A_765 = tpu.dynamic_gather %add3A_759[%gather3A_764] in [0] : vector<16xf32>, vector<16xi32> -> vector<16xf32>
        %add3A_766 = arith.addf %add3A_759, %gather3A_765 : vector<16xf32>
        %eq3A = vector.broadcast %scan3A_559 : i32 to vector<16xi32>
        %eq3A_767 = arith.cmpi eq, %iota3A, %eq3A : vector<16xi32>
        %select_n3A = arith.select %eq3A_767, %add3A_766, %scan3A_560 : vector<16xi1>, vector<16xf32>
        %scan3A_768 = arith.constant 1 : i32
        %scan3A_769 = arith.addi %scan3A_559, %scan3A_768 : i32
        %mul3A_770 = arith.constant 16 : i32
        %mul3A_771 = arith.muli %scan3A_540, %mul3A_770 : i32
        %add3A_772 = arith.addi %mul3A_771, %scan3A_769 : i32
        %mul3A_773 = arith.constant 16 : i32
        %mul3A_774 = arith.muli %scan3A_540, %mul3A_773 : i32
        %add3A_775 = arith.addi %mul3A_774, %scan3A_769 : i32
        %get3A_776 = arith.constant 0 : i32
        %get3A_777 = arith.constant 0 : i32
        %get3A_778 = tpu.memref_slice %arg9[%scan3A_543, %get3A_776, %get3A_777] : memref<4x64x128xf32, #tpu.memory_space<vmem>> -> memref<1x64x128xf32, #tpu.memory_space<vmem>>
        %get3A_779 = tpu.memref_squeeze %get3A_778 : memref<1x64x128xf32, #tpu.memory_space<vmem>> -> memref<64x128xf32, #tpu.memory_space<vmem>>
        %get3A_780 = arith.constant 0 : i32
        %get3A_781 = tpu.memref_slice %get3A_779[%add3A_772, %get3A_780] : memref<64x128xf32, #tpu.memory_space<vmem>> -> memref<1x128xf32, #tpu.memory_space<vmem>>
        %get3A_782 = tpu.memref_squeeze %get3A_781 : memref<1x128xf32, #tpu.memory_space<vmem>> -> memref<128xf32, #tpu.memory_space<vmem>>
        %get3A_783 = arith.constant 0 : index
        %get3A_784 = tpu.vector_load %get3A_782[%get3A_783] {strides = array<i32>} : memref<128xf32, #tpu.memory_space<vmem>>, vector<16xf32>,
        %get3A_785 = vector.shape_cast %get3A_784 : vector<16xf32> to vector<16xf32>
        %get3A_786 = arith.constant 0 : i32
        %get3A_787 = arith.constant 0 : i32
        %get3A_788 = tpu.memref_slice %arg10[%scan3A_544, %get3A_786, %get3A_787] : memref<4x64x128xf32, #tpu.memory_space<vmem>> -> memref<1x64x128xf32, #tpu.memory_space<vmem>>
        %get3A_789 = tpu.memref_squeeze %get3A_788 : memref<1x64x128xf32, #tpu.memory_space<vmem>> -> memref<64x128xf32, #tpu.memory_space<vmem>>
        %get3A_790 = arith.constant 0 : i32
        %get3A_791 = tpu.memref_slice %get3A_789[%add3A_775, %get3A_790] : memref<64x128xf32, #tpu.memory_space<vmem>> -> memref<1x128xf32, #tpu.memory_space<vmem>>
        %get3A_792 = tpu.memref_squeeze %get3A_791 : memref<1x128xf32, #tpu.memory_space<vmem>> -> memref<128xf32, #tpu.memory_space<vmem>>
        %get3A_793 = arith.constant 0 : index
        %get3A_794 = tpu.vector_load %get3A_792[%get3A_793] {strides = array<i32>} : memref<128xf32, #tpu.memory_space<vmem>>, vector<16xf32>,
        %get3A_795 = vector.shape_cast %get3A_794 : vector<16xf32> to vector<16xf32>
        %mul3A_796 = arith.mulf %get3A_785, %get3A_795 : vector<16xf32>
        %get3A_797 = arith.constant 0 : i32
        %get3A_798 = arith.constant 0 : i32
        %get3A_799 = tpu.memref_slice %arg9[%scan3A_543, %get3A_797, %get3A_798] : memref<4x64x128xf32, #tpu.memory_space<vmem>> -> memref<1x64x128xf32, #tpu.memory_space<vmem>>
        %get3A_800 = tpu.memref_squeeze %get3A_799 : memref<1x64x128xf32, #tpu.memory_space<vmem>> -> memref<64x128xf32, #tpu.memory_space<vmem>>
        %get3A_801 = arith.constant 0 : i32
        %get3A_802 = tpu.memref_slice %get3A_800[%add3A_772, %get3A_801] : memref<64x128xf32, #tpu.memory_space<vmem>> -> memref<1x128xf32, #tpu.memory_space<vmem>>
        %get3A_803 = tpu.memref_squeeze %get3A_802 : memref<1x128xf32, #tpu.memory_space<vmem>> -> memref<128xf32, #tpu.memory_space<vmem>>
        %get3A_804 = arith.constant 16 : index
        %get3A_805 = tpu.vector_load %get3A_803[%get3A_804] {strides = array<i32>} : memref<128xf32, #tpu.memory_space<vmem>>, vector<16xf32>,
        %get3A_806 = vector.shape_cast %get3A_805 : vector<16xf32> to vector<16xf32>
        %get3A_807 = arith.constant 0 : i32
        %get3A_808 = arith.constant 0 : i32
        %get3A_809 = tpu.memref_slice %arg10[%scan3A_544, %get3A_807, %get3A_808] : memref<4x64x128xf32, #tpu.memory_space<vmem>> -> memref<1x64x128xf32, #tpu.memory_space<vmem>>
        %get3A_810 = tpu.memref_squeeze %get3A_809 : memref<1x64x128xf32, #tpu.memory_space<vmem>> -> memref<64x128xf32, #tpu.memory_space<vmem>>
        %get3A_811 = arith.constant 0 : i32
        %get3A_812 = tpu.memref_slice %get3A_810[%add3A_775, %get3A_811] : memref<64x128xf32, #tpu.memory_space<vmem>> -> memref<1x128xf32, #tpu.memory_space<vmem>>
        %get3A_813 = tpu.memref_squeeze %get3A_812 : memref<1x128xf32, #tpu.memory_space<vmem>> -> memref<128xf32, #tpu.memory_space<vmem>>
        %get3A_814 = arith.constant 16 : index
        %get3A_815 = tpu.vector_load %get3A_813[%get3A_814] {strides = array<i32>} : memref<128xf32, #tpu.memory_space<vmem>>, vector<16xf32>,
        %get3A_816 = vector.shape_cast %get3A_815 : vector<16xf32> to vector<16xf32>
        %mul3A_817 = arith.mulf %get3A_806, %get3A_816 : vector<16xf32>
        %get3A_818 = arith.constant 0 : i32
        %get3A_819 = arith.constant 0 : i32
        %get3A_820 = tpu.memref_slice %arg9[%scan3A_543, %get3A_818, %get3A_819] : memref<4x64x128xf32, #tpu.memory_space<vmem>> -> memref<1x64x128xf32, #tpu.memory_space<vmem>>
        %get3A_821 = tpu.memref_squeeze %get3A_820 : memref<1x64x128xf32, #tpu.memory_space<vmem>> -> memref<64x128xf32, #tpu.memory_space<vmem>>
        %get3A_822 = arith.constant 0 : i32
        %get3A_823 = tpu.memref_slice %get3A_821[%add3A_772, %get3A_822] : memref<64x128xf32, #tpu.memory_space<vmem>> -> memref<1x128xf32, #tpu.memory_space<vmem>>
        %get3A_824 = tpu.memref_squeeze %get3A_823 : memref<1x128xf32, #tpu.memory_space<vmem>> -> memref<128xf32, #tpu.memory_space<vmem>>
        %get3A_825 = arith.constant 32 : index
        %get3A_826 = tpu.vector_load %get3A_824[%get3A_825] {strides = array<i32>} : memref<128xf32, #tpu.memory_space<vmem>>, vector<16xf32>,
        %get3A_827 = vector.shape_cast %get3A_826 : vector<16xf32> to vector<16xf32>
        %get3A_828 = arith.constant 0 : i32
        %get3A_829 = arith.constant 0 : i32
        %get3A_830 = tpu.memref_slice %arg10[%scan3A_544, %get3A_828, %get3A_829] : memref<4x64x128xf32, #tpu.memory_space<vmem>> -> memref<1x64x128xf32, #tpu.memory_space<vmem>>
        %get3A_831 = tpu.memref_squeeze %get3A_830 : memref<1x64x128xf32, #tpu.memory_space<vmem>> -> memref<64x128xf32, #tpu.memory_space<vmem>>
        %get3A_832 = arith.constant 0 : i32
        %get3A_833 = tpu.memref_slice %get3A_831[%add3A_775, %get3A_832] : memref<64x128xf32, #tpu.memory_space<vmem>> -> memref<1x128xf32, #tpu.memory_space<vmem>>
        %get3A_834 = tpu.memref_squeeze %get3A_833 : memref<1x128xf32, #tpu.memory_space<vmem>> -> memref<128xf32, #tpu.memory_space<vmem>>
        %get3A_835 = arith.constant 32 : index
        %get3A_836 = tpu.vector_load %get3A_834[%get3A_835] {strides = array<i32>} : memref<128xf32, #tpu.memory_space<vmem>>, vector<16xf32>,
        %get3A_837 = vector.shape_cast %get3A_836 : vector<16xf32> to vector<16xf32>
        %mul3A_838 = arith.mulf %get3A_827, %get3A_837 : vector<16xf32>
        %get3A_839 = arith.constant 0 : i32
        %get3A_840 = arith.constant 0 : i32
        %get3A_841 = tpu.memref_slice %arg9[%scan3A_543, %get3A_839, %get3A_840] : memref<4x64x128xf32, #tpu.memory_space<vmem>> -> memref<1x64x128xf32, #tpu.memory_space<vmem>>
        %get3A_842 = tpu.memref_squeeze %get3A_841 : memref<1x64x128xf32, #tpu.memory_space<vmem>> -> memref<64x128xf32, #tpu.memory_space<vmem>>
        %get3A_843 = arith.constant 0 : i32
        %get3A_844 = tpu.memref_slice %get3A_842[%add3A_772, %get3A_843] : memref<64x128xf32, #tpu.memory_space<vmem>> -> memref<1x128xf32, #tpu.memory_space<vmem>>
        %get3A_845 = tpu.memref_squeeze %get3A_844 : memref<1x128xf32, #tpu.memory_space<vmem>> -> memref<128xf32, #tpu.memory_space<vmem>>
        %get3A_846 = arith.constant 48 : index
        %get3A_847 = tpu.vector_load %get3A_845[%get3A_846] {strides = array<i32>} : memref<128xf32, #tpu.memory_space<vmem>>, vector<16xf32>,
        %get3A_848 = vector.shape_cast %get3A_847 : vector<16xf32> to vector<16xf32>
        %get3A_849 = arith.constant 0 : i32
        %get3A_850 = arith.constant 0 : i32
        %get3A_851 = tpu.memref_slice %arg10[%scan3A_544, %get3A_849, %get3A_850] : memref<4x64x128xf32, #tpu.memory_space<vmem>> -> memref<1x64x128xf32, #tpu.memory_space<vmem>>
        %get3A_852 = tpu.memref_squeeze %get3A_851 : memref<1x64x128xf32, #tpu.memory_space<vmem>> -> memref<64x128xf32, #tpu.memory_space<vmem>>
        %get3A_853 = arith.constant 0 : i32
        %get3A_854 = tpu.memref_slice %get3A_852[%add3A_775, %get3A_853] : memref<64x128xf32, #tpu.memory_space<vmem>> -> memref<1x128xf32, #tpu.memory_space<vmem>>
        %get3A_855 = tpu.memref_squeeze %get3A_854 : memref<1x128xf32, #tpu.memory_space<vmem>> -> memref<128xf32, #tpu.memory_space<vmem>>
        %get3A_856 = arith.constant 48 : index
        %get3A_857 = tpu.vector_load %get3A_855[%get3A_856] {strides = array<i32>} : memref<128xf32, #tpu.memory_space<vmem>>, vector<16xf32>,
        %get3A_858 = vector.shape_cast %get3A_857 : vector<16xf32> to vector<16xf32>
        %mul3A_859 = arith.mulf %get3A_848, %get3A_858 : vector<16xf32>
        %get3A_860 = arith.constant 0 : i32
        %get3A_861 = arith.constant 0 : i32
        %get3A_862 = tpu.memref_slice %arg9[%scan3A_543, %get3A_860, %get3A_861] : memref<4x64x128xf32, #tpu.memory_space<vmem>> -> memref<1x64x128xf32, #tpu.memory_space<vmem>>
        %get3A_863 = tpu.memref_squeeze %get3A_862 : memref<1x64x128xf32, #tpu.memory_space<vmem>> -> memref<64x128xf32, #tpu.memory_space<vmem>>
        %get3A_864 = arith.constant 0 : i32
        %get3A_865 = tpu.memref_slice %get3A_863[%add3A_772, %get3A_864] : memref<64x128xf32, #tpu.memory_space<vmem>> -> memref<1x128xf32, #tpu.memory_space<vmem>>
        %get3A_866 = tpu.memref_squeeze %get3A_865 : memref<1x128xf32, #tpu.memory_space<vmem>> -> memref<128xf32, #tpu.memory_space<vmem>>
        %get3A_867 = arith.constant 64 : index
        %get3A_868 = tpu.vector_load %get3A_866[%get3A_867] {strides = array<i32>} : memref<128xf32, #tpu.memory_space<vmem>>, vector<16xf32>,
        %get3A_869 = vector.shape_cast %get3A_868 : vector<16xf32> to vector<16xf32>
        %get3A_870 = arith.constant 0 : i32
        %get3A_871 = arith.constant 0 : i32
        %get3A_872 = tpu.memref_slice %arg10[%scan3A_544, %get3A_870, %get3A_871] : memref<4x64x128xf32, #tpu.memory_space<vmem>> -> memref<1x64x128xf32, #tpu.memory_space<vmem>>
        %get3A_873 = tpu.memref_squeeze %get3A_872 : memref<1x64x128xf32, #tpu.memory_space<vmem>> -> memref<64x128xf32, #tpu.memory_space<vmem>>
        %get3A_874 = arith.constant 0 : i32
        %get3A_875 = tpu.memref_slice %get3A_873[%add3A_775, %get3A_874] : memref<64x128xf32, #tpu.memory_space<vmem>> -> memref<1x128xf32, #tpu.memory_space<vmem>>
        %get3A_876 = tpu.memref_squeeze %get3A_875 : memref<1x128xf32, #tpu.memory_space<vmem>> -> memref<128xf32, #tpu.memory_space<vmem>>
        %get3A_877 = arith.constant 64 : index
        %get3A_878 = tpu.vector_load %get3A_876[%get3A_877] {strides = array<i32>} : memref<128xf32, #tpu.memory_space<vmem>>, vector<16xf32>,
        %get3A_879 = vector.shape_cast %get3A_878 : vector<16xf32> to vector<16xf32>
        %mul3A_880 = arith.mulf %get3A_869, %get3A_879 : vector<16xf32>
        %get3A_881 = arith.constant 0 : i32
        %get3A_882 = arith.constant 0 : i32
        %get3A_883 = tpu.memref_slice %arg9[%scan3A_543, %get3A_881, %get3A_882] : memref<4x64x128xf32, #tpu.memory_space<vmem>> -> memref<1x64x128xf32, #tpu.memory_space<vmem>>
        %get3A_884 = tpu.memref_squeeze %get3A_883 : memref<1x64x128xf32, #tpu.memory_space<vmem>> -> memref<64x128xf32, #tpu.memory_space<vmem>>
        %get3A_885 = arith.constant 0 : i32
        %get3A_886 = tpu.memref_slice %get3A_884[%add3A_772, %get3A_885] : memref<64x128xf32, #tpu.memory_space<vmem>> -> memref<1x128xf32, #tpu.memory_space<vmem>>
        %get3A_887 = tpu.memref_squeeze %get3A_886 : memref<1x128xf32, #tpu.memory_space<vmem>> -> memref<128xf32, #tpu.memory_space<vmem>>
        %get3A_888 = arith.constant 80 : index
        %get3A_889 = tpu.vector_load %get3A_887[%get3A_888] {strides = array<i32>} : memref<128xf32, #tpu.memory_space<vmem>>, vector<16xf32>,
        %get3A_890 = vector.shape_cast %get3A_889 : vector<16xf32> to vector<16xf32>
        %get3A_891 = arith.constant 0 : i32
        %get3A_892 = arith.constant 0 : i32
        %get3A_893 = tpu.memref_slice %arg10[%scan3A_544, %get3A_891, %get3A_892] : memref<4x64x128xf32, #tpu.memory_space<vmem>> -> memref<1x64x128xf32, #tpu.memory_space<vmem>>
        %get3A_894 = tpu.memref_squeeze %get3A_893 : memref<1x64x128xf32, #tpu.memory_space<vmem>> -> memref<64x128xf32, #tpu.memory_space<vmem>>
        %get3A_895 = arith.constant 0 : i32
        %get3A_896 = tpu.memref_slice %get3A_894[%add3A_775, %get3A_895] : memref<64x128xf32, #tpu.memory_space<vmem>> -> memref<1x128xf32, #tpu.memory_space<vmem>>
        %get3A_897 = tpu.memref_squeeze %get3A_896 : memref<1x128xf32, #tpu.memory_space<vmem>> -> memref<128xf32, #tpu.memory_space<vmem>>
        %get3A_898 = arith.constant 80 : index
        %get3A_899 = tpu.vector_load %get3A_897[%get3A_898] {strides = array<i32>} : memref<128xf32, #tpu.memory_space<vmem>>, vector<16xf32>,
        %get3A_900 = vector.shape_cast %get3A_899 : vector<16xf32> to vector<16xf32>
        %mul3A_901 = arith.mulf %get3A_890, %get3A_900 : vector<16xf32>
        %get3A_902 = arith.constant 0 : i32
        %get3A_903 = arith.constant 0 : i32
        %get3A_904 = tpu.memref_slice %arg9[%scan3A_543, %get3A_902, %get3A_903] : memref<4x64x128xf32, #tpu.memory_space<vmem>> -> memref<1x64x128xf32, #tpu.memory_space<vmem>>
        %get3A_905 = tpu.memref_squeeze %get3A_904 : memref<1x64x128xf32, #tpu.memory_space<vmem>> -> memref<64x128xf32, #tpu.memory_space<vmem>>
        %get3A_906 = arith.constant 0 : i32
        %get3A_907 = tpu.memref_slice %get3A_905[%add3A_772, %get3A_906] : memref<64x128xf32, #tpu.memory_space<vmem>> -> memref<1x128xf32, #tpu.memory_space<vmem>>
        %get3A_908 = tpu.memref_squeeze %get3A_907 : memref<1x128xf32, #tpu.memory_space<vmem>> -> memref<128xf32, #tpu.memory_space<vmem>>
        %get3A_909 = arith.constant 96 : index
        %get3A_910 = tpu.vector_load %get3A_908[%get3A_909] {strides = array<i32>} : memref<128xf32, #tpu.memory_space<vmem>>, vector<16xf32>,
        %get3A_911 = vector.shape_cast %get3A_910 : vector<16xf32> to vector<16xf32>
        %get3A_912 = arith.constant 0 : i32
        %get3A_913 = arith.constant 0 : i32
        %get3A_914 = tpu.memref_slice %arg10[%scan3A_544, %get3A_912, %get3A_913] : memref<4x64x128xf32, #tpu.memory_space<vmem>> -> memref<1x64x128xf32, #tpu.memory_space<vmem>>
        %get3A_915 = tpu.memref_squeeze %get3A_914 : memref<1x64x128xf32, #tpu.memory_space<vmem>> -> memref<64x128xf32, #tpu.memory_space<vmem>>
        %get3A_916 = arith.constant 0 : i32
        %get3A_917 = tpu.memref_slice %get3A_915[%add3A_775, %get3A_916] : memref<64x128xf32, #tpu.memory_space<vmem>> -> memref<1x128xf32, #tpu.memory_space<vmem>>
        %get3A_918 = tpu.memref_squeeze %get3A_917 : memref<1x128xf32, #tpu.memory_space<vmem>> -> memref<128xf32, #tpu.memory_space<vmem>>
        %get3A_919 = arith.constant 96 : index
        %get3A_920 = tpu.vector_load %get3A_918[%get3A_919] {strides = array<i32>} : memref<128xf32, #tpu.memory_space<vmem>>, vector<16xf32>,
        %get3A_921 = vector.shape_cast %get3A_920 : vector<16xf32> to vector<16xf32>
        %mul3A_922 = arith.mulf %get3A_911, %get3A_921 : vector<16xf32>
        %get3A_923 = arith.constant 0 : i32
        %get3A_924 = arith.constant 0 : i32
        %get3A_925 = tpu.memref_slice %arg9[%scan3A_543, %get3A_923, %get3A_924] : memref<4x64x128xf32, #tpu.memory_space<vmem>> -> memref<1x64x128xf32, #tpu.memory_space<vmem>>
        %get3A_926 = tpu.memref_squeeze %get3A_925 : memref<1x64x128xf32, #tpu.memory_space<vmem>> -> memref<64x128xf32, #tpu.memory_space<vmem>>
        %get3A_927 = arith.constant 0 : i32
        %get3A_928 = tpu.memref_slice %get3A_926[%add3A_772, %get3A_927] : memref<64x128xf32, #tpu.memory_space<vmem>> -> memref<1x128xf32, #tpu.memory_space<vmem>>
        %get3A_929 = tpu.memref_squeeze %get3A_928 : memref<1x128xf32, #tpu.memory_space<vmem>> -> memref<128xf32, #tpu.memory_space<vmem>>
        %get3A_930 = arith.constant 112 : index
        %get3A_931 = tpu.vector_load %get3A_929[%get3A_930] {strides = array<i32>} : memref<128xf32, #tpu.memory_space<vmem>>, vector<16xf32>,
        %get3A_932 = vector.shape_cast %get3A_931 : vector<16xf32> to vector<16xf32>
        %get3A_933 = arith.constant 0 : i32
        %get3A_934 = arith.constant 0 : i32
        %get3A_935 = tpu.memref_slice %arg10[%scan3A_544, %get3A_933, %get3A_934] : memref<4x64x128xf32, #tpu.memory_space<vmem>> -> memref<1x64x128xf32, #tpu.memory_space<vmem>>
        %get3A_936 = tpu.memref_squeeze %get3A_935 : memref<1x64x128xf32, #tpu.memory_space<vmem>> -> memref<64x128xf32, #tpu.memory_space<vmem>>
        %get3A_937 = arith.constant 0 : i32
        %get3A_938 = tpu.memref_slice %get3A_936[%add3A_775, %get3A_937] : memref<64x128xf32, #tpu.memory_space<vmem>> -> memref<1x128xf32, #tpu.memory_space<vmem>>
        %get3A_939 = tpu.memref_squeeze %get3A_938 : memref<1x128xf32, #tpu.memory_space<vmem>> -> memref<128xf32, #tpu.memory_space<vmem>>
        %get3A_940 = arith.constant 112 : index
        %get3A_941 = tpu.vector_load %get3A_939[%get3A_940] {strides = array<i32>} : memref<128xf32, #tpu.memory_space<vmem>>, vector<16xf32>,
        %get3A_942 = vector.shape_cast %get3A_941 : vector<16xf32> to vector<16xf32>
        %mul3A_943 = arith.mulf %get3A_932, %get3A_942 : vector<16xf32>
        %add3A_944 = arith.addf %mul3A_796, %mul3A_817 : vector<16xf32>
        %add3A_945 = arith.addf %mul3A_838, %mul3A_859 : vector<16xf32>
        %add3A_946 = arith.addf %mul3A_880, %mul3A_901 : vector<16xf32>
        %add3A_947 = arith.addf %mul3A_922, %mul3A_943 : vector<16xf32>
        %add3A_948 = arith.addf %add3A_944, %add3A_945 : vector<16xf32>
        %add3A_949 = arith.addf %add3A_946, %add3A_947 : vector<16xf32>
        %add3A_950 = arith.addf %add3A_948, %add3A_949 : vector<16xf32>
        %xor3A_951 = arith.constant 8 : i32
        %xor3A_952 = vector.broadcast %xor3A_951 : i32 to vector<16xi32>
        %xor3A_953 = arith.xori %iota3A, %xor3A_952 : vector<16xi32>
        %broadcast_in_dim3A_954 = vector.shape_cast %xor3A_953 : vector<16xi32> to vector<16x1xi32>
        %gather3A_955 = vector.shape_cast %broadcast_in_dim3A_954 : vector<16x1xi32> to vector<16xi32>
        %gather3A_956 = tpu.dynamic_gather %add3A_950[%gather3A_955] in [0] : vector<16xf32>, vector<16xi32> -> vector<16xf32>
        %add3A_957 = arith.addf %add3A_950, %gather3A_956 : vector<16xf32>
        %xor3A_958 = arith.constant 4 : i32
        %xor3A_959 = vector.broadcast %xor3A_958 : i32 to vector<16xi32>
        %xor3A_960 = arith.xori %iota3A, %xor3A_959 : vector<16xi32>
        %broadcast_in_dim3A_961 = vector.shape_cast %xor3A_960 : vector<16xi32> to vector<16x1xi32>
        %gather3A_962 = vector.shape_cast %broadcast_in_dim3A_961 : vector<16x1xi32> to vector<16xi32>
        %gather3A_963 = tpu.dynamic_gather %add3A_957[%gather3A_962] in [0] : vector<16xf32>, vector<16xi32> -> vector<16xf32>
        %add3A_964 = arith.addf %add3A_957, %gather3A_963 : vector<16xf32>
        %xor3A_965 = arith.constant 2 : i32
        %xor3A_966 = vector.broadcast %xor3A_965 : i32 to vector<16xi32>
        %xor3A_967 = arith.xori %iota3A, %xor3A_966 : vector<16xi32>
        %broadcast_in_dim3A_968 = vector.shape_cast %xor3A_967 : vector<16xi32> to vector<16x1xi32>
        %gather3A_969 = vector.shape_cast %broadcast_in_dim3A_968 : vector<16x1xi32> to vector<16xi32>
        %gather3A_970 = tpu.dynamic_gather %add3A_964[%gather3A_969] in [0] : vector<16xf32>, vector<16xi32> -> vector<16xf32>
        %add3A_971 = arith.addf %add3A_964, %gather3A_970 : vector<16xf32>
        %xor3A_972 = arith.constant 1 : i32
        %xor3A_973 = vector.broadcast %xor3A_972 : i32 to vector<16xi32>
        %xor3A_974 = arith.xori %iota3A, %xor3A_973 : vector<16xi32>
        %broadcast_in_dim3A_975 = vector.shape_cast %xor3A_974 : vector<16xi32> to vector<16x1xi32>
        %gather3A_976 = vector.shape_cast %broadcast_in_dim3A_975 : vector<16x1xi32> to vector<16xi32>
        %gather3A_977 = tpu.dynamic_gather %add3A_971[%gather3A_976] in [0] : vector<16xf32>, vector<16xi32> -> vector<16xf32>
        %add3A_978 = arith.addf %add3A_971, %gather3A_977 : vector<16xf32>
        %eq3A_979 = vector.broadcast %scan3A_769 : i32 to vector<16xi32>
        %eq3A_980 = arith.cmpi eq, %iota3A, %eq3A_979 : vector<16xi32>
        %select_n3A_981 = arith.select %eq3A_980, %add3A_978, %select_n3A : vector<16xi1>, vector<16xf32>
        scf.yield %select_n3A_981 : vector<16xf32>
      }
      %scan3A_550 = arith.constant 16 : i32
      %mul3A_551 = arith.constant 16 : i32
      %mul3A_552 = arith.muli %scan3A_540, %mul3A_551 : i32
      %add3A_553 = arith.constant 128 : i32
      %add3A_554 = arith.addi %add3A_553, %mul3A_552 : i32
      %swap3A = arith.index_cast %add3A_554 : i32 to index
      %swap3A_555 = tpu.vector_load %arg11[%swap3A] {strides = array<i32>} : memref<512xf32, #tpu.memory_space<vmem>>, vector<16xf32>,
      %swap3A_556 = vector.shape_cast %swap3A_555 : vector<16xf32> to vector<16xf32>
      %swap3A_557 = vector.shape_cast %scan3A_549 : vector<16xf32> to vector<16xf32>
      tpu.vector_store %arg11[%swap3A], %swap3A_557 {strides = array<i32>} : memref<512xf32, #tpu.memory_space<vmem>>, vector<16xf32>,
      %scan3A_558 = arith.constant 0 : i32
      scf.yield %scan3A_558 : i32
    }
    %scan3A_268 = arith.constant 4 : i32
    %add3A_269 = arith.constant 128 : i32
    %add3A_270 = arith.addi %mul3A_2, %add3A_269 : i32
    %dma_start3A_271 = arith.constant 128 : i32
    %dma_start3A_272 = tpu.memref_slice %arg11[%dma_start3A_271] : memref<512xf32, #tpu.memory_space<vmem>> -> memref<64xf32, #tpu.memory_space<vmem>>
    %dma_start3A_273 = tpu.memref_slice %arg6[%add3A_270] : memref<16384xf32, #tpu.memory_space<hbm>> -> memref<64xf32, #tpu.memory_space<hbm>>
    %dma_start3A_274 = tpu.memref_slice %arg6[%add3A_270] : memref<16384xf32, #tpu.memory_space<hbm>> -> memref<64xf32, #tpu.memory_space<hbm>>
    %dma_start3A_275 = arith.constant 128 : i32
    %dma_start3A_276 = tpu.memref_slice %arg11[%dma_start3A_275] : memref<512xf32, #tpu.memory_space<vmem>> -> memref<64xf32, #tpu.memory_space<vmem>>
    tpu.enqueue_dma source(%dma_start3A_276 : memref<64xf32, #tpu.memory_space<vmem>>) target(%dma_start3A_274 : memref<64xf32, #tpu.memory_space<hbm>>) target_semaphore(%arg17 : memref<!tpu.dma_semaphore, #tpu.memory_space<semaphore_mem>>)
    %dma_start3A_277 = arith.constant 2 : i32
    %dma_start3A_278 = arith.constant 0 : i32
    %dma_start3A_279 = arith.constant 0 : i32
    %dma_start3A_280 = tpu.memref_slice %arg9[%dma_start3A_277, %dma_start3A_278, %dma_start3A_279] : memref<4x64x128xf32, #tpu.memory_space<vmem>> -> memref<1x64x128xf32, #tpu.memory_space<vmem>>
    %dma_start3A_281 = tpu.memref_squeeze %dma_start3A_280 : memref<1x64x128xf32, #tpu.memory_space<vmem>> -> memref<64x128xf32, #tpu.memory_space<vmem>>
    %dma_start3A_282 = arith.constant 384 : i32
    %dma_start3A_283 = tpu.memref_slice %arg7[%dma_start3A_282] : memref<512xi32, #tpu.memory_space<vmem>> -> memref<64xi32, #tpu.memory_space<vmem>>
    %dma_start3A_284 = arith.constant 0 : i32
    %dma_start3A_285 = arith.constant 0 : i32
    %dma_start3A_286 = tpu.memref_slice %arg4[%dma_start3A_284, %dma_start3A_285] : memref<100000x128xf32, #tpu.memory_space<hbm>> -> memref<100000x128xf32, #tpu.memory_space<hbm>>
    tpu.enqueue_indirect_dma source(%dma_start3A_286 : memref<100000x128xf32, #tpu.memory_space<hbm>>) target(%dma_start3A_281 : memref<64x128xf32, #tpu.memory_space<vmem>>) offsets(%dma_start3A_283 : memref<64xi32, #tpu.memory_space<vmem>>) semaphore(%arg14 : memref<!tpu.dma_semaphore, #tpu.memory_space<semaphore_mem>>)
    %dma_start3A_287 = arith.constant 2 : i32
    %dma_start3A_288 = arith.constant 0 : i32
    %dma_start3A_289 = arith.constant 0 : i32
    %dma_start3A_290 = tpu.memref_slice %arg10[%dma_start3A_287, %dma_start3A_288, %dma_start3A_289] : memref<4x64x128xf32, #tpu.memory_space<vmem>> -> memref<1x64x128xf32, #tpu.memory_space<vmem>>
    %dma_start3A_291 = tpu.memref_squeeze %dma_start3A_290 : memref<1x64x128xf32, #tpu.memory_space<vmem>> -> memref<64x128xf32, #tpu.memory_space<vmem>>
    %dma_start3A_292 = arith.constant 384 : i32
    %dma_start3A_293 = tpu.memref_slice %arg8[%dma_start3A_292] : memref<512xi32, #tpu.memory_space<vmem>> -> memref<64xi32, #tpu.memory_space<vmem>>
    %dma_start3A_294 = arith.constant 0 : i32
    %dma_start3A_295 = arith.constant 0 : i32
    %dma_start3A_296 = tpu.memref_slice %arg5[%dma_start3A_294, %dma_start3A_295] : memref<100000x128xf32, #tpu.memory_space<hbm>> -> memref<100000x128xf32, #tpu.memory_space<hbm>>
    tpu.enqueue_indirect_dma source(%dma_start3A_296 : memref<100000x128xf32, #tpu.memory_space<hbm>>) target(%dma_start3A_291 : memref<64x128xf32, #tpu.memory_space<vmem>>) offsets(%dma_start3A_293 : memref<64xi32, #tpu.memory_space<vmem>>) semaphore(%arg14 : memref<!tpu.dma_semaphore, #tpu.memory_space<semaphore_mem>>)
    %dma_wait3A_297 = arith.constant 3 : i32
    %dma_wait3A_298 = arith.constant 0 : i32
    %dma_wait3A_299 = arith.constant 0 : i32
    %dma_wait3A_300 = tpu.memref_slice %arg9[%dma_wait3A_297, %dma_wait3A_298, %dma_wait3A_299] : memref<4x64x128xf32, #tpu.memory_space<vmem>> -> memref<1x64x128xf32, #tpu.memory_space<vmem>>
    %dma_wait3A_301 = tpu.memref_squeeze %dma_wait3A_300 : memref<1x64x128xf32, #tpu.memory_space<vmem>> -> memref<64x128xf32, #tpu.memory_space<vmem>>
    %dma_wait3A_302 = arith.constant 192 : i32
    %dma_wait3A_303 = tpu.memref_slice %arg7[%dma_wait3A_302] : memref<512xi32, #tpu.memory_space<vmem>> -> memref<64xi32, #tpu.memory_space<vmem>>
    %dma_wait3A_304 = arith.constant 0 : i32
    %dma_wait3A_305 = arith.constant 0 : i32
    %dma_wait3A_306 = tpu.memref_slice %arg4[%dma_wait3A_304, %dma_wait3A_305] : memref<100000x128xf32, #tpu.memory_space<hbm>> -> memref<100000x128xf32, #tpu.memory_space<hbm>>
    tpu.wait_indirect_dma semaphore(%arg15 : memref<!tpu.dma_semaphore, #tpu.memory_space<semaphore_mem>>) src(%dma_wait3A_306 : memref<100000x128xf32, #tpu.memory_space<hbm>>) dst(%dma_wait3A_301 : memref<64x128xf32, #tpu.memory_space<vmem>>)
    %dma_wait3A_307 = arith.constant 3 : i32
    %dma_wait3A_308 = arith.constant 0 : i32
    %dma_wait3A_309 = arith.constant 0 : i32
    %dma_wait3A_310 = tpu.memref_slice %arg10[%dma_wait3A_307, %dma_wait3A_308, %dma_wait3A_309] : memref<4x64x128xf32, #tpu.memory_space<vmem>> -> memref<1x64x128xf32, #tpu.memory_space<vmem>>
    %dma_wait3A_311 = tpu.memref_squeeze %dma_wait3A_310 : memref<1x64x128xf32, #tpu.memory_space<vmem>> -> memref<64x128xf32, #tpu.memory_space<vmem>>
    %dma_wait3A_312 = arith.constant 192 : i32
    %dma_wait3A_313 = tpu.memref_slice %arg8[%dma_wait3A_312] : memref<512xi32, #tpu.memory_space<vmem>> -> memref<64xi32, #tpu.memory_space<vmem>>
    %dma_wait3A_314 = arith.constant 0 : i32
    %dma_wait3A_315 = arith.constant 0 : i32
    %dma_wait3A_316 = tpu.memref_slice %arg5[%dma_wait3A_314, %dma_wait3A_315] : memref<100000x128xf32, #tpu.memory_space<hbm>> -> memref<100000x128xf32, #tpu.memory_space<hbm>>
    tpu.wait_indirect_dma semaphore(%arg15 : memref<!tpu.dma_semaphore, #tpu.memory_space<semaphore_mem>>) src(%dma_wait3A_316 : memref<100000x128xf32, #tpu.memory_space<hbm>>) dst(%dma_wait3A_311 : memref<64x128xf32, #tpu.memory_space<vmem>>)
    %scan3A_317 = arith.constant 0 : i32
    %scan3A_318 = arith.constant 0 : i32
    %scan3A_319 = arith.constant 4 : i32
    %scan3A_320 = arith.addi %scan3A_318, %scan3A_319 : i32
    %scan3A_321 = arith.constant 1 : i32
    %scan3A_322 = scf.for %scan3A_540 = %scan3A_318 to %scan3A_320 step %scan3A_321 iter_args(%scan3A_541 = %scan3A_317) -> (i32)  : i32 {
      %broadcast_in_dim3A = arith.constant 0.000000e+00 : f32
      %broadcast_in_dim3A_542 = vector.broadcast %broadcast_in_dim3A : f32 to vector<16xf32>
      %scan3A_543 = arith.constant 3 : i32
      %scan3A_544 = arith.constant 3 : i32
      %scan3A_545 = arith.constant 0 : i32
      %scan3A_546 = arith.constant 16 : i32
      %scan3A_547 = arith.addi %scan3A_545, %scan3A_546 : i32
      %scan3A_548 = arith.constant 2 : i32
      %scan3A_549 = scf.for %scan3A_559 = %scan3A_545 to %scan3A_547 step %scan3A_548 iter_args(%scan3A_560 = %broadcast_in_dim3A_542) -> (vector<16xf32>)  : i32 {
        %mul3A_561 = arith.constant 16 : i32
        %mul3A_562 = arith.muli %scan3A_540, %mul3A_561 : i32
        %add3A_563 = arith.addi %mul3A_562, %scan3A_559 : i32
        %mul3A_564 = arith.constant 16 : i32
        %mul3A_565 = arith.muli %scan3A_540, %mul3A_564 : i32
        %add3A_566 = arith.addi %mul3A_565, %scan3A_559 : i32
        %get3A = arith.constant 0 : i32
        %get3A_567 = arith.constant 0 : i32
        %get3A_568 = tpu.memref_slice %arg9[%scan3A_543, %get3A, %get3A_567] : memref<4x64x128xf32, #tpu.memory_space<vmem>> -> memref<1x64x128xf32, #tpu.memory_space<vmem>>
        %get3A_569 = tpu.memref_squeeze %get3A_568 : memref<1x64x128xf32, #tpu.memory_space<vmem>> -> memref<64x128xf32, #tpu.memory_space<vmem>>
        %get3A_570 = arith.constant 0 : i32
        %get3A_571 = tpu.memref_slice %get3A_569[%add3A_563, %get3A_570] : memref<64x128xf32, #tpu.memory_space<vmem>> -> memref<1x128xf32, #tpu.memory_space<vmem>>
        %get3A_572 = tpu.memref_squeeze %get3A_571 : memref<1x128xf32, #tpu.memory_space<vmem>> -> memref<128xf32, #tpu.memory_space<vmem>>
        %get3A_573 = arith.constant 0 : index
        %get3A_574 = tpu.vector_load %get3A_572[%get3A_573] {strides = array<i32>} : memref<128xf32, #tpu.memory_space<vmem>>, vector<16xf32>,
        %get3A_575 = vector.shape_cast %get3A_574 : vector<16xf32> to vector<16xf32>
        %get3A_576 = arith.constant 0 : i32
        %get3A_577 = arith.constant 0 : i32
        %get3A_578 = tpu.memref_slice %arg10[%scan3A_544, %get3A_576, %get3A_577] : memref<4x64x128xf32, #tpu.memory_space<vmem>> -> memref<1x64x128xf32, #tpu.memory_space<vmem>>
        %get3A_579 = tpu.memref_squeeze %get3A_578 : memref<1x64x128xf32, #tpu.memory_space<vmem>> -> memref<64x128xf32, #tpu.memory_space<vmem>>
        %get3A_580 = arith.constant 0 : i32
        %get3A_581 = tpu.memref_slice %get3A_579[%add3A_566, %get3A_580] : memref<64x128xf32, #tpu.memory_space<vmem>> -> memref<1x128xf32, #tpu.memory_space<vmem>>
        %get3A_582 = tpu.memref_squeeze %get3A_581 : memref<1x128xf32, #tpu.memory_space<vmem>> -> memref<128xf32, #tpu.memory_space<vmem>>
        %get3A_583 = arith.constant 0 : index
        %get3A_584 = tpu.vector_load %get3A_582[%get3A_583] {strides = array<i32>} : memref<128xf32, #tpu.memory_space<vmem>>, vector<16xf32>,
        %get3A_585 = vector.shape_cast %get3A_584 : vector<16xf32> to vector<16xf32>
        %mul3A_586 = arith.mulf %get3A_575, %get3A_585 : vector<16xf32>
        %get3A_587 = arith.constant 0 : i32
        %get3A_588 = arith.constant 0 : i32
        %get3A_589 = tpu.memref_slice %arg9[%scan3A_543, %get3A_587, %get3A_588] : memref<4x64x128xf32, #tpu.memory_space<vmem>> -> memref<1x64x128xf32, #tpu.memory_space<vmem>>
        %get3A_590 = tpu.memref_squeeze %get3A_589 : memref<1x64x128xf32, #tpu.memory_space<vmem>> -> memref<64x128xf32, #tpu.memory_space<vmem>>
        %get3A_591 = arith.constant 0 : i32
        %get3A_592 = tpu.memref_slice %get3A_590[%add3A_563, %get3A_591] : memref<64x128xf32, #tpu.memory_space<vmem>> -> memref<1x128xf32, #tpu.memory_space<vmem>>
        %get3A_593 = tpu.memref_squeeze %get3A_592 : memref<1x128xf32, #tpu.memory_space<vmem>> -> memref<128xf32, #tpu.memory_space<vmem>>
        %get3A_594 = arith.constant 16 : index
        %get3A_595 = tpu.vector_load %get3A_593[%get3A_594] {strides = array<i32>} : memref<128xf32, #tpu.memory_space<vmem>>, vector<16xf32>,
        %get3A_596 = vector.shape_cast %get3A_595 : vector<16xf32> to vector<16xf32>
        %get3A_597 = arith.constant 0 : i32
        %get3A_598 = arith.constant 0 : i32
        %get3A_599 = tpu.memref_slice %arg10[%scan3A_544, %get3A_597, %get3A_598] : memref<4x64x128xf32, #tpu.memory_space<vmem>> -> memref<1x64x128xf32, #tpu.memory_space<vmem>>
        %get3A_600 = tpu.memref_squeeze %get3A_599 : memref<1x64x128xf32, #tpu.memory_space<vmem>> -> memref<64x128xf32, #tpu.memory_space<vmem>>
        %get3A_601 = arith.constant 0 : i32
        %get3A_602 = tpu.memref_slice %get3A_600[%add3A_566, %get3A_601] : memref<64x128xf32, #tpu.memory_space<vmem>> -> memref<1x128xf32, #tpu.memory_space<vmem>>
        %get3A_603 = tpu.memref_squeeze %get3A_602 : memref<1x128xf32, #tpu.memory_space<vmem>> -> memref<128xf32, #tpu.memory_space<vmem>>
        %get3A_604 = arith.constant 16 : index
        %get3A_605 = tpu.vector_load %get3A_603[%get3A_604] {strides = array<i32>} : memref<128xf32, #tpu.memory_space<vmem>>, vector<16xf32>,
        %get3A_606 = vector.shape_cast %get3A_605 : vector<16xf32> to vector<16xf32>
        %mul3A_607 = arith.mulf %get3A_596, %get3A_606 : vector<16xf32>
        %get3A_608 = arith.constant 0 : i32
        %get3A_609 = arith.constant 0 : i32
        %get3A_610 = tpu.memref_slice %arg9[%scan3A_543, %get3A_608, %get3A_609] : memref<4x64x128xf32, #tpu.memory_space<vmem>> -> memref<1x64x128xf32, #tpu.memory_space<vmem>>
        %get3A_611 = tpu.memref_squeeze %get3A_610 : memref<1x64x128xf32, #tpu.memory_space<vmem>> -> memref<64x128xf32, #tpu.memory_space<vmem>>
        %get3A_612 = arith.constant 0 : i32
        %get3A_613 = tpu.memref_slice %get3A_611[%add3A_563, %get3A_612] : memref<64x128xf32, #tpu.memory_space<vmem>> -> memref<1x128xf32, #tpu.memory_space<vmem>>
        %get3A_614 = tpu.memref_squeeze %get3A_613 : memref<1x128xf32, #tpu.memory_space<vmem>> -> memref<128xf32, #tpu.memory_space<vmem>>
        %get3A_615 = arith.constant 32 : index
        %get3A_616 = tpu.vector_load %get3A_614[%get3A_615] {strides = array<i32>} : memref<128xf32, #tpu.memory_space<vmem>>, vector<16xf32>,
        %get3A_617 = vector.shape_cast %get3A_616 : vector<16xf32> to vector<16xf32>
        %get3A_618 = arith.constant 0 : i32
        %get3A_619 = arith.constant 0 : i32
        %get3A_620 = tpu.memref_slice %arg10[%scan3A_544, %get3A_618, %get3A_619] : memref<4x64x128xf32, #tpu.memory_space<vmem>> -> memref<1x64x128xf32, #tpu.memory_space<vmem>>
        %get3A_621 = tpu.memref_squeeze %get3A_620 : memref<1x64x128xf32, #tpu.memory_space<vmem>> -> memref<64x128xf32, #tpu.memory_space<vmem>>
        %get3A_622 = arith.constant 0 : i32
        %get3A_623 = tpu.memref_slice %get3A_621[%add3A_566, %get3A_622] : memref<64x128xf32, #tpu.memory_space<vmem>> -> memref<1x128xf32, #tpu.memory_space<vmem>>
        %get3A_624 = tpu.memref_squeeze %get3A_623 : memref<1x128xf32, #tpu.memory_space<vmem>> -> memref<128xf32, #tpu.memory_space<vmem>>
        %get3A_625 = arith.constant 32 : index
        %get3A_626 = tpu.vector_load %get3A_624[%get3A_625] {strides = array<i32>} : memref<128xf32, #tpu.memory_space<vmem>>, vector<16xf32>,
        %get3A_627 = vector.shape_cast %get3A_626 : vector<16xf32> to vector<16xf32>
        %mul3A_628 = arith.mulf %get3A_617, %get3A_627 : vector<16xf32>
        %get3A_629 = arith.constant 0 : i32
        %get3A_630 = arith.constant 0 : i32
        %get3A_631 = tpu.memref_slice %arg9[%scan3A_543, %get3A_629, %get3A_630] : memref<4x64x128xf32, #tpu.memory_space<vmem>> -> memref<1x64x128xf32, #tpu.memory_space<vmem>>
        %get3A_632 = tpu.memref_squeeze %get3A_631 : memref<1x64x128xf32, #tpu.memory_space<vmem>> -> memref<64x128xf32, #tpu.memory_space<vmem>>
        %get3A_633 = arith.constant 0 : i32
        %get3A_634 = tpu.memref_slice %get3A_632[%add3A_563, %get3A_633] : memref<64x128xf32, #tpu.memory_space<vmem>> -> memref<1x128xf32, #tpu.memory_space<vmem>>
        %get3A_635 = tpu.memref_squeeze %get3A_634 : memref<1x128xf32, #tpu.memory_space<vmem>> -> memref<128xf32, #tpu.memory_space<vmem>>
        %get3A_636 = arith.constant 48 : index
        %get3A_637 = tpu.vector_load %get3A_635[%get3A_636] {strides = array<i32>} : memref<128xf32, #tpu.memory_space<vmem>>, vector<16xf32>,
        %get3A_638 = vector.shape_cast %get3A_637 : vector<16xf32> to vector<16xf32>
        %get3A_639 = arith.constant 0 : i32
        %get3A_640 = arith.constant 0 : i32
        %get3A_641 = tpu.memref_slice %arg10[%scan3A_544, %get3A_639, %get3A_640] : memref<4x64x128xf32, #tpu.memory_space<vmem>> -> memref<1x64x128xf32, #tpu.memory_space<vmem>>
        %get3A_642 = tpu.memref_squeeze %get3A_641 : memref<1x64x128xf32, #tpu.memory_space<vmem>> -> memref<64x128xf32, #tpu.memory_space<vmem>>
        %get3A_643 = arith.constant 0 : i32
        %get3A_644 = tpu.memref_slice %get3A_642[%add3A_566, %get3A_643] : memref<64x128xf32, #tpu.memory_space<vmem>> -> memref<1x128xf32, #tpu.memory_space<vmem>>
        %get3A_645 = tpu.memref_squeeze %get3A_644 : memref<1x128xf32, #tpu.memory_space<vmem>> -> memref<128xf32, #tpu.memory_space<vmem>>
        %get3A_646 = arith.constant 48 : index
        %get3A_647 = tpu.vector_load %get3A_645[%get3A_646] {strides = array<i32>} : memref<128xf32, #tpu.memory_space<vmem>>, vector<16xf32>,
        %get3A_648 = vector.shape_cast %get3A_647 : vector<16xf32> to vector<16xf32>
        %mul3A_649 = arith.mulf %get3A_638, %get3A_648 : vector<16xf32>
        %get3A_650 = arith.constant 0 : i32
        %get3A_651 = arith.constant 0 : i32
        %get3A_652 = tpu.memref_slice %arg9[%scan3A_543, %get3A_650, %get3A_651] : memref<4x64x128xf32, #tpu.memory_space<vmem>> -> memref<1x64x128xf32, #tpu.memory_space<vmem>>
        %get3A_653 = tpu.memref_squeeze %get3A_652 : memref<1x64x128xf32, #tpu.memory_space<vmem>> -> memref<64x128xf32, #tpu.memory_space<vmem>>
        %get3A_654 = arith.constant 0 : i32
        %get3A_655 = tpu.memref_slice %get3A_653[%add3A_563, %get3A_654] : memref<64x128xf32, #tpu.memory_space<vmem>> -> memref<1x128xf32, #tpu.memory_space<vmem>>
        %get3A_656 = tpu.memref_squeeze %get3A_655 : memref<1x128xf32, #tpu.memory_space<vmem>> -> memref<128xf32, #tpu.memory_space<vmem>>
        %get3A_657 = arith.constant 64 : index
        %get3A_658 = tpu.vector_load %get3A_656[%get3A_657] {strides = array<i32>} : memref<128xf32, #tpu.memory_space<vmem>>, vector<16xf32>,
        %get3A_659 = vector.shape_cast %get3A_658 : vector<16xf32> to vector<16xf32>
        %get3A_660 = arith.constant 0 : i32
        %get3A_661 = arith.constant 0 : i32
        %get3A_662 = tpu.memref_slice %arg10[%scan3A_544, %get3A_660, %get3A_661] : memref<4x64x128xf32, #tpu.memory_space<vmem>> -> memref<1x64x128xf32, #tpu.memory_space<vmem>>
        %get3A_663 = tpu.memref_squeeze %get3A_662 : memref<1x64x128xf32, #tpu.memory_space<vmem>> -> memref<64x128xf32, #tpu.memory_space<vmem>>
        %get3A_664 = arith.constant 0 : i32
        %get3A_665 = tpu.memref_slice %get3A_663[%add3A_566, %get3A_664] : memref<64x128xf32, #tpu.memory_space<vmem>> -> memref<1x128xf32, #tpu.memory_space<vmem>>
        %get3A_666 = tpu.memref_squeeze %get3A_665 : memref<1x128xf32, #tpu.memory_space<vmem>> -> memref<128xf32, #tpu.memory_space<vmem>>
        %get3A_667 = arith.constant 64 : index
        %get3A_668 = tpu.vector_load %get3A_666[%get3A_667] {strides = array<i32>} : memref<128xf32, #tpu.memory_space<vmem>>, vector<16xf32>,
        %get3A_669 = vector.shape_cast %get3A_668 : vector<16xf32> to vector<16xf32>
        %mul3A_670 = arith.mulf %get3A_659, %get3A_669 : vector<16xf32>
        %get3A_671 = arith.constant 0 : i32
        %get3A_672 = arith.constant 0 : i32
        %get3A_673 = tpu.memref_slice %arg9[%scan3A_543, %get3A_671, %get3A_672] : memref<4x64x128xf32, #tpu.memory_space<vmem>> -> memref<1x64x128xf32, #tpu.memory_space<vmem>>
        %get3A_674 = tpu.memref_squeeze %get3A_673 : memref<1x64x128xf32, #tpu.memory_space<vmem>> -> memref<64x128xf32, #tpu.memory_space<vmem>>
        %get3A_675 = arith.constant 0 : i32
        %get3A_676 = tpu.memref_slice %get3A_674[%add3A_563, %get3A_675] : memref<64x128xf32, #tpu.memory_space<vmem>> -> memref<1x128xf32, #tpu.memory_space<vmem>>
        %get3A_677 = tpu.memref_squeeze %get3A_676 : memref<1x128xf32, #tpu.memory_space<vmem>> -> memref<128xf32, #tpu.memory_space<vmem>>
        %get3A_678 = arith.constant 80 : index
        %get3A_679 = tpu.vector_load %get3A_677[%get3A_678] {strides = array<i32>} : memref<128xf32, #tpu.memory_space<vmem>>, vector<16xf32>,
        %get3A_680 = vector.shape_cast %get3A_679 : vector<16xf32> to vector<16xf32>
        %get3A_681 = arith.constant 0 : i32
        %get3A_682 = arith.constant 0 : i32
        %get3A_683 = tpu.memref_slice %arg10[%scan3A_544, %get3A_681, %get3A_682] : memref<4x64x128xf32, #tpu.memory_space<vmem>> -> memref<1x64x128xf32, #tpu.memory_space<vmem>>
        %get3A_684 = tpu.memref_squeeze %get3A_683 : memref<1x64x128xf32, #tpu.memory_space<vmem>> -> memref<64x128xf32, #tpu.memory_space<vmem>>
        %get3A_685 = arith.constant 0 : i32
        %get3A_686 = tpu.memref_slice %get3A_684[%add3A_566, %get3A_685] : memref<64x128xf32, #tpu.memory_space<vmem>> -> memref<1x128xf32, #tpu.memory_space<vmem>>
        %get3A_687 = tpu.memref_squeeze %get3A_686 : memref<1x128xf32, #tpu.memory_space<vmem>> -> memref<128xf32, #tpu.memory_space<vmem>>
        %get3A_688 = arith.constant 80 : index
        %get3A_689 = tpu.vector_load %get3A_687[%get3A_688] {strides = array<i32>} : memref<128xf32, #tpu.memory_space<vmem>>, vector<16xf32>,
        %get3A_690 = vector.shape_cast %get3A_689 : vector<16xf32> to vector<16xf32>
        %mul3A_691 = arith.mulf %get3A_680, %get3A_690 : vector<16xf32>
        %get3A_692 = arith.constant 0 : i32
        %get3A_693 = arith.constant 0 : i32
        %get3A_694 = tpu.memref_slice %arg9[%scan3A_543, %get3A_692, %get3A_693] : memref<4x64x128xf32, #tpu.memory_space<vmem>> -> memref<1x64x128xf32, #tpu.memory_space<vmem>>
        %get3A_695 = tpu.memref_squeeze %get3A_694 : memref<1x64x128xf32, #tpu.memory_space<vmem>> -> memref<64x128xf32, #tpu.memory_space<vmem>>
        %get3A_696 = arith.constant 0 : i32
        %get3A_697 = tpu.memref_slice %get3A_695[%add3A_563, %get3A_696] : memref<64x128xf32, #tpu.memory_space<vmem>> -> memref<1x128xf32, #tpu.memory_space<vmem>>
        %get3A_698 = tpu.memref_squeeze %get3A_697 : memref<1x128xf32, #tpu.memory_space<vmem>> -> memref<128xf32, #tpu.memory_space<vmem>>
        %get3A_699 = arith.constant 96 : index
        %get3A_700 = tpu.vector_load %get3A_698[%get3A_699] {strides = array<i32>} : memref<128xf32, #tpu.memory_space<vmem>>, vector<16xf32>,
        %get3A_701 = vector.shape_cast %get3A_700 : vector<16xf32> to vector<16xf32>
        %get3A_702 = arith.constant 0 : i32
        %get3A_703 = arith.constant 0 : i32
        %get3A_704 = tpu.memref_slice %arg10[%scan3A_544, %get3A_702, %get3A_703] : memref<4x64x128xf32, #tpu.memory_space<vmem>> -> memref<1x64x128xf32, #tpu.memory_space<vmem>>
        %get3A_705 = tpu.memref_squeeze %get3A_704 : memref<1x64x128xf32, #tpu.memory_space<vmem>> -> memref<64x128xf32, #tpu.memory_space<vmem>>
        %get3A_706 = arith.constant 0 : i32
        %get3A_707 = tpu.memref_slice %get3A_705[%add3A_566, %get3A_706] : memref<64x128xf32, #tpu.memory_space<vmem>> -> memref<1x128xf32, #tpu.memory_space<vmem>>
        %get3A_708 = tpu.memref_squeeze %get3A_707 : memref<1x128xf32, #tpu.memory_space<vmem>> -> memref<128xf32, #tpu.memory_space<vmem>>
        %get3A_709 = arith.constant 96 : index
        %get3A_710 = tpu.vector_load %get3A_708[%get3A_709] {strides = array<i32>} : memref<128xf32, #tpu.memory_space<vmem>>, vector<16xf32>,
        %get3A_711 = vector.shape_cast %get3A_710 : vector<16xf32> to vector<16xf32>
        %mul3A_712 = arith.mulf %get3A_701, %get3A_711 : vector<16xf32>
        %get3A_713 = arith.constant 0 : i32
        %get3A_714 = arith.constant 0 : i32
        %get3A_715 = tpu.memref_slice %arg9[%scan3A_543, %get3A_713, %get3A_714] : memref<4x64x128xf32, #tpu.memory_space<vmem>> -> memref<1x64x128xf32, #tpu.memory_space<vmem>>
        %get3A_716 = tpu.memref_squeeze %get3A_715 : memref<1x64x128xf32, #tpu.memory_space<vmem>> -> memref<64x128xf32, #tpu.memory_space<vmem>>
        %get3A_717 = arith.constant 0 : i32
        %get3A_718 = tpu.memref_slice %get3A_716[%add3A_563, %get3A_717] : memref<64x128xf32, #tpu.memory_space<vmem>> -> memref<1x128xf32, #tpu.memory_space<vmem>>
        %get3A_719 = tpu.memref_squeeze %get3A_718 : memref<1x128xf32, #tpu.memory_space<vmem>> -> memref<128xf32, #tpu.memory_space<vmem>>
        %get3A_720 = arith.constant 112 : index
        %get3A_721 = tpu.vector_load %get3A_719[%get3A_720] {strides = array<i32>} : memref<128xf32, #tpu.memory_space<vmem>>, vector<16xf32>,
        %get3A_722 = vector.shape_cast %get3A_721 : vector<16xf32> to vector<16xf32>
        %get3A_723 = arith.constant 0 : i32
        %get3A_724 = arith.constant 0 : i32
        %get3A_725 = tpu.memref_slice %arg10[%scan3A_544, %get3A_723, %get3A_724] : memref<4x64x128xf32, #tpu.memory_space<vmem>> -> memref<1x64x128xf32, #tpu.memory_space<vmem>>
        %get3A_726 = tpu.memref_squeeze %get3A_725 : memref<1x64x128xf32, #tpu.memory_space<vmem>> -> memref<64x128xf32, #tpu.memory_space<vmem>>
        %get3A_727 = arith.constant 0 : i32
        %get3A_728 = tpu.memref_slice %get3A_726[%add3A_566, %get3A_727] : memref<64x128xf32, #tpu.memory_space<vmem>> -> memref<1x128xf32, #tpu.memory_space<vmem>>
        %get3A_729 = tpu.memref_squeeze %get3A_728 : memref<1x128xf32, #tpu.memory_space<vmem>> -> memref<128xf32, #tpu.memory_space<vmem>>
        %get3A_730 = arith.constant 112 : index
        %get3A_731 = tpu.vector_load %get3A_729[%get3A_730] {strides = array<i32>} : memref<128xf32, #tpu.memory_space<vmem>>, vector<16xf32>,
        %get3A_732 = vector.shape_cast %get3A_731 : vector<16xf32> to vector<16xf32>
        %mul3A_733 = arith.mulf %get3A_722, %get3A_732 : vector<16xf32>
        %add3A_734 = arith.addf %mul3A_586, %mul3A_607 : vector<16xf32>
        %add3A_735 = arith.addf %mul3A_628, %mul3A_649 : vector<16xf32>
        %add3A_736 = arith.addf %mul3A_670, %mul3A_691 : vector<16xf32>
        %add3A_737 = arith.addf %mul3A_712, %mul3A_733 : vector<16xf32>
        %add3A_738 = arith.addf %add3A_734, %add3A_735 : vector<16xf32>
        %add3A_739 = arith.addf %add3A_736, %add3A_737 : vector<16xf32>
        %add3A_740 = arith.addf %add3A_738, %add3A_739 : vector<16xf32>
        %xor3A = arith.constant 8 : i32
        %xor3A_741 = vector.broadcast %xor3A : i32 to vector<16xi32>
        %xor3A_742 = arith.xori %iota3A, %xor3A_741 : vector<16xi32>
        %broadcast_in_dim3A_743 = vector.shape_cast %xor3A_742 : vector<16xi32> to vector<16x1xi32>
        %gather3A = vector.shape_cast %broadcast_in_dim3A_743 : vector<16x1xi32> to vector<16xi32>
        %gather3A_744 = tpu.dynamic_gather %add3A_740[%gather3A] in [0] : vector<16xf32>, vector<16xi32> -> vector<16xf32>
        %add3A_745 = arith.addf %add3A_740, %gather3A_744 : vector<16xf32>
        %xor3A_746 = arith.constant 4 : i32
        %xor3A_747 = vector.broadcast %xor3A_746 : i32 to vector<16xi32>
        %xor3A_748 = arith.xori %iota3A, %xor3A_747 : vector<16xi32>
        %broadcast_in_dim3A_749 = vector.shape_cast %xor3A_748 : vector<16xi32> to vector<16x1xi32>
        %gather3A_750 = vector.shape_cast %broadcast_in_dim3A_749 : vector<16x1xi32> to vector<16xi32>
        %gather3A_751 = tpu.dynamic_gather %add3A_745[%gather3A_750] in [0] : vector<16xf32>, vector<16xi32> -> vector<16xf32>
        %add3A_752 = arith.addf %add3A_745, %gather3A_751 : vector<16xf32>
        %xor3A_753 = arith.constant 2 : i32
        %xor3A_754 = vector.broadcast %xor3A_753 : i32 to vector<16xi32>
        %xor3A_755 = arith.xori %iota3A, %xor3A_754 : vector<16xi32>
        %broadcast_in_dim3A_756 = vector.shape_cast %xor3A_755 : vector<16xi32> to vector<16x1xi32>
        %gather3A_757 = vector.shape_cast %broadcast_in_dim3A_756 : vector<16x1xi32> to vector<16xi32>
        %gather3A_758 = tpu.dynamic_gather %add3A_752[%gather3A_757] in [0] : vector<16xf32>, vector<16xi32> -> vector<16xf32>
        %add3A_759 = arith.addf %add3A_752, %gather3A_758 : vector<16xf32>
        %xor3A_760 = arith.constant 1 : i32
        %xor3A_761 = vector.broadcast %xor3A_760 : i32 to vector<16xi32>
        %xor3A_762 = arith.xori %iota3A, %xor3A_761 : vector<16xi32>
        %broadcast_in_dim3A_763 = vector.shape_cast %xor3A_762 : vector<16xi32> to vector<16x1xi32>
        %gather3A_764 = vector.shape_cast %broadcast_in_dim3A_763 : vector<16x1xi32> to vector<16xi32>
        %gather3A_765 = tpu.dynamic_gather %add3A_759[%gather3A_764] in [0] : vector<16xf32>, vector<16xi32> -> vector<16xf32>
        %add3A_766 = arith.addf %add3A_759, %gather3A_765 : vector<16xf32>
        %eq3A = vector.broadcast %scan3A_559 : i32 to vector<16xi32>
        %eq3A_767 = arith.cmpi eq, %iota3A, %eq3A : vector<16xi32>
        %select_n3A = arith.select %eq3A_767, %add3A_766, %scan3A_560 : vector<16xi1>, vector<16xf32>
        %scan3A_768 = arith.constant 1 : i32
        %scan3A_769 = arith.addi %scan3A_559, %scan3A_768 : i32
        %mul3A_770 = arith.constant 16 : i32
        %mul3A_771 = arith.muli %scan3A_540, %mul3A_770 : i32
        %add3A_772 = arith.addi %mul3A_771, %scan3A_769 : i32
        %mul3A_773 = arith.constant 16 : i32
        %mul3A_774 = arith.muli %scan3A_540, %mul3A_773 : i32
        %add3A_775 = arith.addi %mul3A_774, %scan3A_769 : i32
        %get3A_776 = arith.constant 0 : i32
        %get3A_777 = arith.constant 0 : i32
        %get3A_778 = tpu.memref_slice %arg9[%scan3A_543, %get3A_776, %get3A_777] : memref<4x64x128xf32, #tpu.memory_space<vmem>> -> memref<1x64x128xf32, #tpu.memory_space<vmem>>
        %get3A_779 = tpu.memref_squeeze %get3A_778 : memref<1x64x128xf32, #tpu.memory_space<vmem>> -> memref<64x128xf32, #tpu.memory_space<vmem>>
        %get3A_780 = arith.constant 0 : i32
        %get3A_781 = tpu.memref_slice %get3A_779[%add3A_772, %get3A_780] : memref<64x128xf32, #tpu.memory_space<vmem>> -> memref<1x128xf32, #tpu.memory_space<vmem>>
        %get3A_782 = tpu.memref_squeeze %get3A_781 : memref<1x128xf32, #tpu.memory_space<vmem>> -> memref<128xf32, #tpu.memory_space<vmem>>
        %get3A_783 = arith.constant 0 : index
        %get3A_784 = tpu.vector_load %get3A_782[%get3A_783] {strides = array<i32>} : memref<128xf32, #tpu.memory_space<vmem>>, vector<16xf32>,
        %get3A_785 = vector.shape_cast %get3A_784 : vector<16xf32> to vector<16xf32>
        %get3A_786 = arith.constant 0 : i32
        %get3A_787 = arith.constant 0 : i32
        %get3A_788 = tpu.memref_slice %arg10[%scan3A_544, %get3A_786, %get3A_787] : memref<4x64x128xf32, #tpu.memory_space<vmem>> -> memref<1x64x128xf32, #tpu.memory_space<vmem>>
        %get3A_789 = tpu.memref_squeeze %get3A_788 : memref<1x64x128xf32, #tpu.memory_space<vmem>> -> memref<64x128xf32, #tpu.memory_space<vmem>>
        %get3A_790 = arith.constant 0 : i32
        %get3A_791 = tpu.memref_slice %get3A_789[%add3A_775, %get3A_790] : memref<64x128xf32, #tpu.memory_space<vmem>> -> memref<1x128xf32, #tpu.memory_space<vmem>>
        %get3A_792 = tpu.memref_squeeze %get3A_791 : memref<1x128xf32, #tpu.memory_space<vmem>> -> memref<128xf32, #tpu.memory_space<vmem>>
        %get3A_793 = arith.constant 0 : index
        %get3A_794 = tpu.vector_load %get3A_792[%get3A_793] {strides = array<i32>} : memref<128xf32, #tpu.memory_space<vmem>>, vector<16xf32>,
        %get3A_795 = vector.shape_cast %get3A_794 : vector<16xf32> to vector<16xf32>
        %mul3A_796 = arith.mulf %get3A_785, %get3A_795 : vector<16xf32>
        %get3A_797 = arith.constant 0 : i32
        %get3A_798 = arith.constant 0 : i32
        %get3A_799 = tpu.memref_slice %arg9[%scan3A_543, %get3A_797, %get3A_798] : memref<4x64x128xf32, #tpu.memory_space<vmem>> -> memref<1x64x128xf32, #tpu.memory_space<vmem>>
        %get3A_800 = tpu.memref_squeeze %get3A_799 : memref<1x64x128xf32, #tpu.memory_space<vmem>> -> memref<64x128xf32, #tpu.memory_space<vmem>>
        %get3A_801 = arith.constant 0 : i32
        %get3A_802 = tpu.memref_slice %get3A_800[%add3A_772, %get3A_801] : memref<64x128xf32, #tpu.memory_space<vmem>> -> memref<1x128xf32, #tpu.memory_space<vmem>>
        %get3A_803 = tpu.memref_squeeze %get3A_802 : memref<1x128xf32, #tpu.memory_space<vmem>> -> memref<128xf32, #tpu.memory_space<vmem>>
        %get3A_804 = arith.constant 16 : index
        %get3A_805 = tpu.vector_load %get3A_803[%get3A_804] {strides = array<i32>} : memref<128xf32, #tpu.memory_space<vmem>>, vector<16xf32>,
        %get3A_806 = vector.shape_cast %get3A_805 : vector<16xf32> to vector<16xf32>
        %get3A_807 = arith.constant 0 : i32
        %get3A_808 = arith.constant 0 : i32
        %get3A_809 = tpu.memref_slice %arg10[%scan3A_544, %get3A_807, %get3A_808] : memref<4x64x128xf32, #tpu.memory_space<vmem>> -> memref<1x64x128xf32, #tpu.memory_space<vmem>>
        %get3A_810 = tpu.memref_squeeze %get3A_809 : memref<1x64x128xf32, #tpu.memory_space<vmem>> -> memref<64x128xf32, #tpu.memory_space<vmem>>
        %get3A_811 = arith.constant 0 : i32
        %get3A_812 = tpu.memref_slice %get3A_810[%add3A_775, %get3A_811] : memref<64x128xf32, #tpu.memory_space<vmem>> -> memref<1x128xf32, #tpu.memory_space<vmem>>
        %get3A_813 = tpu.memref_squeeze %get3A_812 : memref<1x128xf32, #tpu.memory_space<vmem>> -> memref<128xf32, #tpu.memory_space<vmem>>
        %get3A_814 = arith.constant 16 : index
        %get3A_815 = tpu.vector_load %get3A_813[%get3A_814] {strides = array<i32>} : memref<128xf32, #tpu.memory_space<vmem>>, vector<16xf32>,
        %get3A_816 = vector.shape_cast %get3A_815 : vector<16xf32> to vector<16xf32>
        %mul3A_817 = arith.mulf %get3A_806, %get3A_816 : vector<16xf32>
        %get3A_818 = arith.constant 0 : i32
        %get3A_819 = arith.constant 0 : i32
        %get3A_820 = tpu.memref_slice %arg9[%scan3A_543, %get3A_818, %get3A_819] : memref<4x64x128xf32, #tpu.memory_space<vmem>> -> memref<1x64x128xf32, #tpu.memory_space<vmem>>
        %get3A_821 = tpu.memref_squeeze %get3A_820 : memref<1x64x128xf32, #tpu.memory_space<vmem>> -> memref<64x128xf32, #tpu.memory_space<vmem>>
        %get3A_822 = arith.constant 0 : i32
        %get3A_823 = tpu.memref_slice %get3A_821[%add3A_772, %get3A_822] : memref<64x128xf32, #tpu.memory_space<vmem>> -> memref<1x128xf32, #tpu.memory_space<vmem>>
        %get3A_824 = tpu.memref_squeeze %get3A_823 : memref<1x128xf32, #tpu.memory_space<vmem>> -> memref<128xf32, #tpu.memory_space<vmem>>
        %get3A_825 = arith.constant 32 : index
        %get3A_826 = tpu.vector_load %get3A_824[%get3A_825] {strides = array<i32>} : memref<128xf32, #tpu.memory_space<vmem>>, vector<16xf32>,
        %get3A_827 = vector.shape_cast %get3A_826 : vector<16xf32> to vector<16xf32>
        %get3A_828 = arith.constant 0 : i32
        %get3A_829 = arith.constant 0 : i32
        %get3A_830 = tpu.memref_slice %arg10[%scan3A_544, %get3A_828, %get3A_829] : memref<4x64x128xf32, #tpu.memory_space<vmem>> -> memref<1x64x128xf32, #tpu.memory_space<vmem>>
        %get3A_831 = tpu.memref_squeeze %get3A_830 : memref<1x64x128xf32, #tpu.memory_space<vmem>> -> memref<64x128xf32, #tpu.memory_space<vmem>>
        %get3A_832 = arith.constant 0 : i32
        %get3A_833 = tpu.memref_slice %get3A_831[%add3A_775, %get3A_832] : memref<64x128xf32, #tpu.memory_space<vmem>> -> memref<1x128xf32, #tpu.memory_space<vmem>>
        %get3A_834 = tpu.memref_squeeze %get3A_833 : memref<1x128xf32, #tpu.memory_space<vmem>> -> memref<128xf32, #tpu.memory_space<vmem>>
        %get3A_835 = arith.constant 32 : index
        %get3A_836 = tpu.vector_load %get3A_834[%get3A_835] {strides = array<i32>} : memref<128xf32, #tpu.memory_space<vmem>>, vector<16xf32>,
        %get3A_837 = vector.shape_cast %get3A_836 : vector<16xf32> to vector<16xf32>
        %mul3A_838 = arith.mulf %get3A_827, %get3A_837 : vector<16xf32>
        %get3A_839 = arith.constant 0 : i32
        %get3A_840 = arith.constant 0 : i32
        %get3A_841 = tpu.memref_slice %arg9[%scan3A_543, %get3A_839, %get3A_840] : memref<4x64x128xf32, #tpu.memory_space<vmem>> -> memref<1x64x128xf32, #tpu.memory_space<vmem>>
        %get3A_842 = tpu.memref_squeeze %get3A_841 : memref<1x64x128xf32, #tpu.memory_space<vmem>> -> memref<64x128xf32, #tpu.memory_space<vmem>>
        %get3A_843 = arith.constant 0 : i32
        %get3A_844 = tpu.memref_slice %get3A_842[%add3A_772, %get3A_843] : memref<64x128xf32, #tpu.memory_space<vmem>> -> memref<1x128xf32, #tpu.memory_space<vmem>>
        %get3A_845 = tpu.memref_squeeze %get3A_844 : memref<1x128xf32, #tpu.memory_space<vmem>> -> memref<128xf32, #tpu.memory_space<vmem>>
        %get3A_846 = arith.constant 48 : index
        %get3A_847 = tpu.vector_load %get3A_845[%get3A_846] {strides = array<i32>} : memref<128xf32, #tpu.memory_space<vmem>>, vector<16xf32>,
        %get3A_848 = vector.shape_cast %get3A_847 : vector<16xf32> to vector<16xf32>
        %get3A_849 = arith.constant 0 : i32
        %get3A_850 = arith.constant 0 : i32
        %get3A_851 = tpu.memref_slice %arg10[%scan3A_544, %get3A_849, %get3A_850] : memref<4x64x128xf32, #tpu.memory_space<vmem>> -> memref<1x64x128xf32, #tpu.memory_space<vmem>>
        %get3A_852 = tpu.memref_squeeze %get3A_851 : memref<1x64x128xf32, #tpu.memory_space<vmem>> -> memref<64x128xf32, #tpu.memory_space<vmem>>
        %get3A_853 = arith.constant 0 : i32
        %get3A_854 = tpu.memref_slice %get3A_852[%add3A_775, %get3A_853] : memref<64x128xf32, #tpu.memory_space<vmem>> -> memref<1x128xf32, #tpu.memory_space<vmem>>
        %get3A_855 = tpu.memref_squeeze %get3A_854 : memref<1x128xf32, #tpu.memory_space<vmem>> -> memref<128xf32, #tpu.memory_space<vmem>>
        %get3A_856 = arith.constant 48 : index
        %get3A_857 = tpu.vector_load %get3A_855[%get3A_856] {strides = array<i32>} : memref<128xf32, #tpu.memory_space<vmem>>, vector<16xf32>,
        %get3A_858 = vector.shape_cast %get3A_857 : vector<16xf32> to vector<16xf32>
        %mul3A_859 = arith.mulf %get3A_848, %get3A_858 : vector<16xf32>
        %get3A_860 = arith.constant 0 : i32
        %get3A_861 = arith.constant 0 : i32
        %get3A_862 = tpu.memref_slice %arg9[%scan3A_543, %get3A_860, %get3A_861] : memref<4x64x128xf32, #tpu.memory_space<vmem>> -> memref<1x64x128xf32, #tpu.memory_space<vmem>>
        %get3A_863 = tpu.memref_squeeze %get3A_862 : memref<1x64x128xf32, #tpu.memory_space<vmem>> -> memref<64x128xf32, #tpu.memory_space<vmem>>
        %get3A_864 = arith.constant 0 : i32
        %get3A_865 = tpu.memref_slice %get3A_863[%add3A_772, %get3A_864] : memref<64x128xf32, #tpu.memory_space<vmem>> -> memref<1x128xf32, #tpu.memory_space<vmem>>
        %get3A_866 = tpu.memref_squeeze %get3A_865 : memref<1x128xf32, #tpu.memory_space<vmem>> -> memref<128xf32, #tpu.memory_space<vmem>>
        %get3A_867 = arith.constant 64 : index
        %get3A_868 = tpu.vector_load %get3A_866[%get3A_867] {strides = array<i32>} : memref<128xf32, #tpu.memory_space<vmem>>, vector<16xf32>,
        %get3A_869 = vector.shape_cast %get3A_868 : vector<16xf32> to vector<16xf32>
        %get3A_870 = arith.constant 0 : i32
        %get3A_871 = arith.constant 0 : i32
        %get3A_872 = tpu.memref_slice %arg10[%scan3A_544, %get3A_870, %get3A_871] : memref<4x64x128xf32, #tpu.memory_space<vmem>> -> memref<1x64x128xf32, #tpu.memory_space<vmem>>
        %get3A_873 = tpu.memref_squeeze %get3A_872 : memref<1x64x128xf32, #tpu.memory_space<vmem>> -> memref<64x128xf32, #tpu.memory_space<vmem>>
        %get3A_874 = arith.constant 0 : i32
        %get3A_875 = tpu.memref_slice %get3A_873[%add3A_775, %get3A_874] : memref<64x128xf32, #tpu.memory_space<vmem>> -> memref<1x128xf32, #tpu.memory_space<vmem>>
        %get3A_876 = tpu.memref_squeeze %get3A_875 : memref<1x128xf32, #tpu.memory_space<vmem>> -> memref<128xf32, #tpu.memory_space<vmem>>
        %get3A_877 = arith.constant 64 : index
        %get3A_878 = tpu.vector_load %get3A_876[%get3A_877] {strides = array<i32>} : memref<128xf32, #tpu.memory_space<vmem>>, vector<16xf32>,
        %get3A_879 = vector.shape_cast %get3A_878 : vector<16xf32> to vector<16xf32>
        %mul3A_880 = arith.mulf %get3A_869, %get3A_879 : vector<16xf32>
        %get3A_881 = arith.constant 0 : i32
        %get3A_882 = arith.constant 0 : i32
        %get3A_883 = tpu.memref_slice %arg9[%scan3A_543, %get3A_881, %get3A_882] : memref<4x64x128xf32, #tpu.memory_space<vmem>> -> memref<1x64x128xf32, #tpu.memory_space<vmem>>
        %get3A_884 = tpu.memref_squeeze %get3A_883 : memref<1x64x128xf32, #tpu.memory_space<vmem>> -> memref<64x128xf32, #tpu.memory_space<vmem>>
        %get3A_885 = arith.constant 0 : i32
        %get3A_886 = tpu.memref_slice %get3A_884[%add3A_772, %get3A_885] : memref<64x128xf32, #tpu.memory_space<vmem>> -> memref<1x128xf32, #tpu.memory_space<vmem>>
        %get3A_887 = tpu.memref_squeeze %get3A_886 : memref<1x128xf32, #tpu.memory_space<vmem>> -> memref<128xf32, #tpu.memory_space<vmem>>
        %get3A_888 = arith.constant 80 : index
        %get3A_889 = tpu.vector_load %get3A_887[%get3A_888] {strides = array<i32>} : memref<128xf32, #tpu.memory_space<vmem>>, vector<16xf32>,
        %get3A_890 = vector.shape_cast %get3A_889 : vector<16xf32> to vector<16xf32>
        %get3A_891 = arith.constant 0 : i32
        %get3A_892 = arith.constant 0 : i32
        %get3A_893 = tpu.memref_slice %arg10[%scan3A_544, %get3A_891, %get3A_892] : memref<4x64x128xf32, #tpu.memory_space<vmem>> -> memref<1x64x128xf32, #tpu.memory_space<vmem>>
        %get3A_894 = tpu.memref_squeeze %get3A_893 : memref<1x64x128xf32, #tpu.memory_space<vmem>> -> memref<64x128xf32, #tpu.memory_space<vmem>>
        %get3A_895 = arith.constant 0 : i32
        %get3A_896 = tpu.memref_slice %get3A_894[%add3A_775, %get3A_895] : memref<64x128xf32, #tpu.memory_space<vmem>> -> memref<1x128xf32, #tpu.memory_space<vmem>>
        %get3A_897 = tpu.memref_squeeze %get3A_896 : memref<1x128xf32, #tpu.memory_space<vmem>> -> memref<128xf32, #tpu.memory_space<vmem>>
        %get3A_898 = arith.constant 80 : index
        %get3A_899 = tpu.vector_load %get3A_897[%get3A_898] {strides = array<i32>} : memref<128xf32, #tpu.memory_space<vmem>>, vector<16xf32>,
        %get3A_900 = vector.shape_cast %get3A_899 : vector<16xf32> to vector<16xf32>
        %mul3A_901 = arith.mulf %get3A_890, %get3A_900 : vector<16xf32>
        %get3A_902 = arith.constant 0 : i32
        %get3A_903 = arith.constant 0 : i32
        %get3A_904 = tpu.memref_slice %arg9[%scan3A_543, %get3A_902, %get3A_903] : memref<4x64x128xf32, #tpu.memory_space<vmem>> -> memref<1x64x128xf32, #tpu.memory_space<vmem>>
        %get3A_905 = tpu.memref_squeeze %get3A_904 : memref<1x64x128xf32, #tpu.memory_space<vmem>> -> memref<64x128xf32, #tpu.memory_space<vmem>>
        %get3A_906 = arith.constant 0 : i32
        %get3A_907 = tpu.memref_slice %get3A_905[%add3A_772, %get3A_906] : memref<64x128xf32, #tpu.memory_space<vmem>> -> memref<1x128xf32, #tpu.memory_space<vmem>>
        %get3A_908 = tpu.memref_squeeze %get3A_907 : memref<1x128xf32, #tpu.memory_space<vmem>> -> memref<128xf32, #tpu.memory_space<vmem>>
        %get3A_909 = arith.constant 96 : index
        %get3A_910 = tpu.vector_load %get3A_908[%get3A_909] {strides = array<i32>} : memref<128xf32, #tpu.memory_space<vmem>>, vector<16xf32>,
        %get3A_911 = vector.shape_cast %get3A_910 : vector<16xf32> to vector<16xf32>
        %get3A_912 = arith.constant 0 : i32
        %get3A_913 = arith.constant 0 : i32
        %get3A_914 = tpu.memref_slice %arg10[%scan3A_544, %get3A_912, %get3A_913] : memref<4x64x128xf32, #tpu.memory_space<vmem>> -> memref<1x64x128xf32, #tpu.memory_space<vmem>>
        %get3A_915 = tpu.memref_squeeze %get3A_914 : memref<1x64x128xf32, #tpu.memory_space<vmem>> -> memref<64x128xf32, #tpu.memory_space<vmem>>
        %get3A_916 = arith.constant 0 : i32
        %get3A_917 = tpu.memref_slice %get3A_915[%add3A_775, %get3A_916] : memref<64x128xf32, #tpu.memory_space<vmem>> -> memref<1x128xf32, #tpu.memory_space<vmem>>
        %get3A_918 = tpu.memref_squeeze %get3A_917 : memref<1x128xf32, #tpu.memory_space<vmem>> -> memref<128xf32, #tpu.memory_space<vmem>>
        %get3A_919 = arith.constant 96 : index
        %get3A_920 = tpu.vector_load %get3A_918[%get3A_919] {strides = array<i32>} : memref<128xf32, #tpu.memory_space<vmem>>, vector<16xf32>,
        %get3A_921 = vector.shape_cast %get3A_920 : vector<16xf32> to vector<16xf32>
        %mul3A_922 = arith.mulf %get3A_911, %get3A_921 : vector<16xf32>
        %get3A_923 = arith.constant 0 : i32
        %get3A_924 = arith.constant 0 : i32
        %get3A_925 = tpu.memref_slice %arg9[%scan3A_543, %get3A_923, %get3A_924] : memref<4x64x128xf32, #tpu.memory_space<vmem>> -> memref<1x64x128xf32, #tpu.memory_space<vmem>>
        %get3A_926 = tpu.memref_squeeze %get3A_925 : memref<1x64x128xf32, #tpu.memory_space<vmem>> -> memref<64x128xf32, #tpu.memory_space<vmem>>
        %get3A_927 = arith.constant 0 : i32
        %get3A_928 = tpu.memref_slice %get3A_926[%add3A_772, %get3A_927] : memref<64x128xf32, #tpu.memory_space<vmem>> -> memref<1x128xf32, #tpu.memory_space<vmem>>
        %get3A_929 = tpu.memref_squeeze %get3A_928 : memref<1x128xf32, #tpu.memory_space<vmem>> -> memref<128xf32, #tpu.memory_space<vmem>>
        %get3A_930 = arith.constant 112 : index
        %get3A_931 = tpu.vector_load %get3A_929[%get3A_930] {strides = array<i32>} : memref<128xf32, #tpu.memory_space<vmem>>, vector<16xf32>,
        %get3A_932 = vector.shape_cast %get3A_931 : vector<16xf32> to vector<16xf32>
        %get3A_933 = arith.constant 0 : i32
        %get3A_934 = arith.constant 0 : i32
        %get3A_935 = tpu.memref_slice %arg10[%scan3A_544, %get3A_933, %get3A_934] : memref<4x64x128xf32, #tpu.memory_space<vmem>> -> memref<1x64x128xf32, #tpu.memory_space<vmem>>
        %get3A_936 = tpu.memref_squeeze %get3A_935 : memref<1x64x128xf32, #tpu.memory_space<vmem>> -> memref<64x128xf32, #tpu.memory_space<vmem>>
        %get3A_937 = arith.constant 0 : i32
        %get3A_938 = tpu.memref_slice %get3A_936[%add3A_775, %get3A_937] : memref<64x128xf32, #tpu.memory_space<vmem>> -> memref<1x128xf32, #tpu.memory_space<vmem>>
        %get3A_939 = tpu.memref_squeeze %get3A_938 : memref<1x128xf32, #tpu.memory_space<vmem>> -> memref<128xf32, #tpu.memory_space<vmem>>
        %get3A_940 = arith.constant 112 : index
        %get3A_941 = tpu.vector_load %get3A_939[%get3A_940] {strides = array<i32>} : memref<128xf32, #tpu.memory_space<vmem>>, vector<16xf32>,
        %get3A_942 = vector.shape_cast %get3A_941 : vector<16xf32> to vector<16xf32>
        %mul3A_943 = arith.mulf %get3A_932, %get3A_942 : vector<16xf32>
        %add3A_944 = arith.addf %mul3A_796, %mul3A_817 : vector<16xf32>
        %add3A_945 = arith.addf %mul3A_838, %mul3A_859 : vector<16xf32>
        %add3A_946 = arith.addf %mul3A_880, %mul3A_901 : vector<16xf32>
        %add3A_947 = arith.addf %mul3A_922, %mul3A_943 : vector<16xf32>
        %add3A_948 = arith.addf %add3A_944, %add3A_945 : vector<16xf32>
        %add3A_949 = arith.addf %add3A_946, %add3A_947 : vector<16xf32>
        %add3A_950 = arith.addf %add3A_948, %add3A_949 : vector<16xf32>
        %xor3A_951 = arith.constant 8 : i32
        %xor3A_952 = vector.broadcast %xor3A_951 : i32 to vector<16xi32>
        %xor3A_953 = arith.xori %iota3A, %xor3A_952 : vector<16xi32>
        %broadcast_in_dim3A_954 = vector.shape_cast %xor3A_953 : vector<16xi32> to vector<16x1xi32>
        %gather3A_955 = vector.shape_cast %broadcast_in_dim3A_954 : vector<16x1xi32> to vector<16xi32>
        %gather3A_956 = tpu.dynamic_gather %add3A_950[%gather3A_955] in [0] : vector<16xf32>, vector<16xi32> -> vector<16xf32>
        %add3A_957 = arith.addf %add3A_950, %gather3A_956 : vector<16xf32>
        %xor3A_958 = arith.constant 4 : i32
        %xor3A_959 = vector.broadcast %xor3A_958 : i32 to vector<16xi32>
        %xor3A_960 = arith.xori %iota3A, %xor3A_959 : vector<16xi32>
        %broadcast_in_dim3A_961 = vector.shape_cast %xor3A_960 : vector<16xi32> to vector<16x1xi32>
        %gather3A_962 = vector.shape_cast %broadcast_in_dim3A_961 : vector<16x1xi32> to vector<16xi32>
        %gather3A_963 = tpu.dynamic_gather %add3A_957[%gather3A_962] in [0] : vector<16xf32>, vector<16xi32> -> vector<16xf32>
        %add3A_964 = arith.addf %add3A_957, %gather3A_963 : vector<16xf32>
        %xor3A_965 = arith.constant 2 : i32
        %xor3A_966 = vector.broadcast %xor3A_965 : i32 to vector<16xi32>
        %xor3A_967 = arith.xori %iota3A, %xor3A_966 : vector<16xi32>
        %broadcast_in_dim3A_968 = vector.shape_cast %xor3A_967 : vector<16xi32> to vector<16x1xi32>
        %gather3A_969 = vector.shape_cast %broadcast_in_dim3A_968 : vector<16x1xi32> to vector<16xi32>
        %gather3A_970 = tpu.dynamic_gather %add3A_964[%gather3A_969] in [0] : vector<16xf32>, vector<16xi32> -> vector<16xf32>
        %add3A_971 = arith.addf %add3A_964, %gather3A_970 : vector<16xf32>
        %xor3A_972 = arith.constant 1 : i32
        %xor3A_973 = vector.broadcast %xor3A_972 : i32 to vector<16xi32>
        %xor3A_974 = arith.xori %iota3A, %xor3A_973 : vector<16xi32>
        %broadcast_in_dim3A_975 = vector.shape_cast %xor3A_974 : vector<16xi32> to vector<16x1xi32>
        %gather3A_976 = vector.shape_cast %broadcast_in_dim3A_975 : vector<16x1xi32> to vector<16xi32>
        %gather3A_977 = tpu.dynamic_gather %add3A_971[%gather3A_976] in [0] : vector<16xf32>, vector<16xi32> -> vector<16xf32>
        %add3A_978 = arith.addf %add3A_971, %gather3A_977 : vector<16xf32>
        %eq3A_979 = vector.broadcast %scan3A_769 : i32 to vector<16xi32>
        %eq3A_980 = arith.cmpi eq, %iota3A, %eq3A_979 : vector<16xi32>
        %select_n3A_981 = arith.select %eq3A_980, %add3A_978, %select_n3A : vector<16xi1>, vector<16xf32>
        scf.yield %select_n3A_981 : vector<16xf32>
      }
      %scan3A_550 = arith.constant 16 : i32
      %mul3A_551 = arith.constant 16 : i32
      %mul3A_552 = arith.muli %scan3A_540, %mul3A_551 : i32
      %add3A_553 = arith.constant 192 : i32
      %add3A_554 = arith.addi %add3A_553, %mul3A_552 : i32
      %swap3A = arith.index_cast %add3A_554 : i32 to index
      %swap3A_555 = tpu.vector_load %arg11[%swap3A] {strides = array<i32>} : memref<512xf32, #tpu.memory_space<vmem>>, vector<16xf32>,
      %swap3A_556 = vector.shape_cast %swap3A_555 : vector<16xf32> to vector<16xf32>
      %swap3A_557 = vector.shape_cast %scan3A_549 : vector<16xf32> to vector<16xf32>
      tpu.vector_store %arg11[%swap3A], %swap3A_557 {strides = array<i32>} : memref<512xf32, #tpu.memory_space<vmem>>, vector<16xf32>,
      %scan3A_558 = arith.constant 0 : i32
      scf.yield %scan3A_558 : i32
    }
    %scan3A_323 = arith.constant 4 : i32
    %add3A_324 = arith.constant 192 : i32
    %add3A_325 = arith.addi %mul3A_2, %add3A_324 : i32
    %dma_start3A_326 = arith.constant 192 : i32
    %dma_start3A_327 = tpu.memref_slice %arg11[%dma_start3A_326] : memref<512xf32, #tpu.memory_space<vmem>> -> memref<64xf32, #tpu.memory_space<vmem>>
    %dma_start3A_328 = tpu.memref_slice %arg6[%add3A_325] : memref<16384xf32, #tpu.memory_space<hbm>> -> memref<64xf32, #tpu.memory_space<hbm>>
    %dma_start3A_329 = tpu.memref_slice %arg6[%add3A_325] : memref<16384xf32, #tpu.memory_space<hbm>> -> memref<64xf32, #tpu.memory_space<hbm>>
    %dma_start3A_330 = arith.constant 192 : i32
    %dma_start3A_331 = tpu.memref_slice %arg11[%dma_start3A_330] : memref<512xf32, #tpu.memory_space<vmem>> -> memref<64xf32, #tpu.memory_space<vmem>>
    tpu.enqueue_dma source(%dma_start3A_331 : memref<64xf32, #tpu.memory_space<vmem>>) target(%dma_start3A_329 : memref<64xf32, #tpu.memory_space<hbm>>) target_semaphore(%arg17 : memref<!tpu.dma_semaphore, #tpu.memory_space<semaphore_mem>>)
    %dma_start3A_332 = arith.constant 3 : i32
    %dma_start3A_333 = arith.constant 0 : i32
    %dma_start3A_334 = arith.constant 0 : i32
    %dma_start3A_335 = tpu.memref_slice %arg9[%dma_start3A_332, %dma_start3A_333, %dma_start3A_334] : memref<4x64x128xf32, #tpu.memory_space<vmem>> -> memref<1x64x128xf32, #tpu.memory_space<vmem>>
    %dma_start3A_336 = tpu.memref_squeeze %dma_start3A_335 : memref<1x64x128xf32, #tpu.memory_space<vmem>> -> memref<64x128xf32, #tpu.memory_space<vmem>>
    %dma_start3A_337 = arith.constant 448 : i32
    %dma_start3A_338 = tpu.memref_slice %arg7[%dma_start3A_337] : memref<512xi32, #tpu.memory_space<vmem>> -> memref<64xi32, #tpu.memory_space<vmem>>
    %dma_start3A_339 = arith.constant 0 : i32
    %dma_start3A_340 = arith.constant 0 : i32
    %dma_start3A_341 = tpu.memref_slice %arg4[%dma_start3A_339, %dma_start3A_340] : memref<100000x128xf32, #tpu.memory_space<hbm>> -> memref<100000x128xf32, #tpu.memory_space<hbm>>
    tpu.enqueue_indirect_dma source(%dma_start3A_341 : memref<100000x128xf32, #tpu.memory_space<hbm>>) target(%dma_start3A_336 : memref<64x128xf32, #tpu.memory_space<vmem>>) offsets(%dma_start3A_338 : memref<64xi32, #tpu.memory_space<vmem>>) semaphore(%arg15 : memref<!tpu.dma_semaphore, #tpu.memory_space<semaphore_mem>>)
    %dma_start3A_342 = arith.constant 3 : i32
    %dma_start3A_343 = arith.constant 0 : i32
    %dma_start3A_344 = arith.constant 0 : i32
    %dma_start3A_345 = tpu.memref_slice %arg10[%dma_start3A_342, %dma_start3A_343, %dma_start3A_344] : memref<4x64x128xf32, #tpu.memory_space<vmem>> -> memref<1x64x128xf32, #tpu.memory_space<vmem>>
    %dma_start3A_346 = tpu.memref_squeeze %dma_start3A_345 : memref<1x64x128xf32, #tpu.memory_space<vmem>> -> memref<64x128xf32, #tpu.memory_space<vmem>>
    %dma_start3A_347 = arith.constant 448 : i32
    %dma_start3A_348 = tpu.memref_slice %arg8[%dma_start3A_347] : memref<512xi32, #tpu.memory_space<vmem>> -> memref<64xi32, #tpu.memory_space<vmem>>
    %dma_start3A_349 = arith.constant 0 : i32
    %dma_start3A_350 = arith.constant 0 : i32
    %dma_start3A_351 = tpu.memref_slice %arg5[%dma_start3A_349, %dma_start3A_350] : memref<100000x128xf32, #tpu.memory_space<hbm>> -> memref<100000x128xf32, #tpu.memory_space<hbm>>
    tpu.enqueue_indirect_dma source(%dma_start3A_351 : memref<100000x128xf32, #tpu.memory_space<hbm>>) target(%dma_start3A_346 : memref<64x128xf32, #tpu.memory_space<vmem>>) offsets(%dma_start3A_348 : memref<64xi32, #tpu.memory_space<vmem>>) semaphore(%arg15 : memref<!tpu.dma_semaphore, #tpu.memory_space<semaphore_mem>>)
    %dma_wait3A_352 = arith.constant 0 : i32
    %dma_wait3A_353 = arith.constant 0 : i32
    %dma_wait3A_354 = arith.constant 0 : i32
    %dma_wait3A_355 = tpu.memref_slice %arg9[%dma_wait3A_352, %dma_wait3A_353, %dma_wait3A_354] : memref<4x64x128xf32, #tpu.memory_space<vmem>> -> memref<1x64x128xf32, #tpu.memory_space<vmem>>
    %dma_wait3A_356 = tpu.memref_squeeze %dma_wait3A_355 : memref<1x64x128xf32, #tpu.memory_space<vmem>> -> memref<64x128xf32, #tpu.memory_space<vmem>>
    %dma_wait3A_357 = arith.constant 256 : i32
    %dma_wait3A_358 = tpu.memref_slice %arg7[%dma_wait3A_357] : memref<512xi32, #tpu.memory_space<vmem>> -> memref<64xi32, #tpu.memory_space<vmem>>
    %dma_wait3A_359 = arith.constant 0 : i32
    %dma_wait3A_360 = arith.constant 0 : i32
    %dma_wait3A_361 = tpu.memref_slice %arg4[%dma_wait3A_359, %dma_wait3A_360] : memref<100000x128xf32, #tpu.memory_space<hbm>> -> memref<100000x128xf32, #tpu.memory_space<hbm>>
    tpu.wait_indirect_dma semaphore(%arg12 : memref<!tpu.dma_semaphore, #tpu.memory_space<semaphore_mem>>) src(%dma_wait3A_361 : memref<100000x128xf32, #tpu.memory_space<hbm>>) dst(%dma_wait3A_356 : memref<64x128xf32, #tpu.memory_space<vmem>>)
    %dma_wait3A_362 = arith.constant 0 : i32
    %dma_wait3A_363 = arith.constant 0 : i32
    %dma_wait3A_364 = arith.constant 0 : i32
    %dma_wait3A_365 = tpu.memref_slice %arg10[%dma_wait3A_362, %dma_wait3A_363, %dma_wait3A_364] : memref<4x64x128xf32, #tpu.memory_space<vmem>> -> memref<1x64x128xf32, #tpu.memory_space<vmem>>
    %dma_wait3A_366 = tpu.memref_squeeze %dma_wait3A_365 : memref<1x64x128xf32, #tpu.memory_space<vmem>> -> memref<64x128xf32, #tpu.memory_space<vmem>>
    %dma_wait3A_367 = arith.constant 256 : i32
    %dma_wait3A_368 = tpu.memref_slice %arg8[%dma_wait3A_367] : memref<512xi32, #tpu.memory_space<vmem>> -> memref<64xi32, #tpu.memory_space<vmem>>
    %dma_wait3A_369 = arith.constant 0 : i32
    %dma_wait3A_370 = arith.constant 0 : i32
    %dma_wait3A_371 = tpu.memref_slice %arg5[%dma_wait3A_369, %dma_wait3A_370] : memref<100000x128xf32, #tpu.memory_space<hbm>> -> memref<100000x128xf32, #tpu.memory_space<hbm>>
    tpu.wait_indirect_dma semaphore(%arg12 : memref<!tpu.dma_semaphore, #tpu.memory_space<semaphore_mem>>) src(%dma_wait3A_371 : memref<100000x128xf32, #tpu.memory_space<hbm>>) dst(%dma_wait3A_366 : memref<64x128xf32, #tpu.memory_space<vmem>>)
    %scan3A_372 = arith.constant 0 : i32
    %scan3A_373 = arith.constant 0 : i32
    %scan3A_374 = arith.constant 4 : i32
    %scan3A_375 = arith.addi %scan3A_373, %scan3A_374 : i32
    %scan3A_376 = arith.constant 1 : i32
    %scan3A_377 = scf.for %scan3A_540 = %scan3A_373 to %scan3A_375 step %scan3A_376 iter_args(%scan3A_541 = %scan3A_372) -> (i32)  : i32 {
      %broadcast_in_dim3A = arith.constant 0.000000e+00 : f32
      %broadcast_in_dim3A_542 = vector.broadcast %broadcast_in_dim3A : f32 to vector<16xf32>
      %scan3A_543 = arith.constant 0 : i32
      %scan3A_544 = arith.constant 0 : i32
      %scan3A_545 = arith.constant 0 : i32
      %scan3A_546 = arith.constant 16 : i32
      %scan3A_547 = arith.addi %scan3A_545, %scan3A_546 : i32
      %scan3A_548 = arith.constant 2 : i32
      %scan3A_549 = scf.for %scan3A_559 = %scan3A_545 to %scan3A_547 step %scan3A_548 iter_args(%scan3A_560 = %broadcast_in_dim3A_542) -> (vector<16xf32>)  : i32 {
        %mul3A_561 = arith.constant 16 : i32
        %mul3A_562 = arith.muli %scan3A_540, %mul3A_561 : i32
        %add3A_563 = arith.addi %mul3A_562, %scan3A_559 : i32
        %mul3A_564 = arith.constant 16 : i32
        %mul3A_565 = arith.muli %scan3A_540, %mul3A_564 : i32
        %add3A_566 = arith.addi %mul3A_565, %scan3A_559 : i32
        %get3A = arith.constant 0 : i32
        %get3A_567 = arith.constant 0 : i32
        %get3A_568 = tpu.memref_slice %arg9[%scan3A_543, %get3A, %get3A_567] : memref<4x64x128xf32, #tpu.memory_space<vmem>> -> memref<1x64x128xf32, #tpu.memory_space<vmem>>
        %get3A_569 = tpu.memref_squeeze %get3A_568 : memref<1x64x128xf32, #tpu.memory_space<vmem>> -> memref<64x128xf32, #tpu.memory_space<vmem>>
        %get3A_570 = arith.constant 0 : i32
        %get3A_571 = tpu.memref_slice %get3A_569[%add3A_563, %get3A_570] : memref<64x128xf32, #tpu.memory_space<vmem>> -> memref<1x128xf32, #tpu.memory_space<vmem>>
        %get3A_572 = tpu.memref_squeeze %get3A_571 : memref<1x128xf32, #tpu.memory_space<vmem>> -> memref<128xf32, #tpu.memory_space<vmem>>
        %get3A_573 = arith.constant 0 : index
        %get3A_574 = tpu.vector_load %get3A_572[%get3A_573] {strides = array<i32>} : memref<128xf32, #tpu.memory_space<vmem>>, vector<16xf32>,
        %get3A_575 = vector.shape_cast %get3A_574 : vector<16xf32> to vector<16xf32>
        %get3A_576 = arith.constant 0 : i32
        %get3A_577 = arith.constant 0 : i32
        %get3A_578 = tpu.memref_slice %arg10[%scan3A_544, %get3A_576, %get3A_577] : memref<4x64x128xf32, #tpu.memory_space<vmem>> -> memref<1x64x128xf32, #tpu.memory_space<vmem>>
        %get3A_579 = tpu.memref_squeeze %get3A_578 : memref<1x64x128xf32, #tpu.memory_space<vmem>> -> memref<64x128xf32, #tpu.memory_space<vmem>>
        %get3A_580 = arith.constant 0 : i32
        %get3A_581 = tpu.memref_slice %get3A_579[%add3A_566, %get3A_580] : memref<64x128xf32, #tpu.memory_space<vmem>> -> memref<1x128xf32, #tpu.memory_space<vmem>>
        %get3A_582 = tpu.memref_squeeze %get3A_581 : memref<1x128xf32, #tpu.memory_space<vmem>> -> memref<128xf32, #tpu.memory_space<vmem>>
        %get3A_583 = arith.constant 0 : index
        %get3A_584 = tpu.vector_load %get3A_582[%get3A_583] {strides = array<i32>} : memref<128xf32, #tpu.memory_space<vmem>>, vector<16xf32>,
        %get3A_585 = vector.shape_cast %get3A_584 : vector<16xf32> to vector<16xf32>
        %mul3A_586 = arith.mulf %get3A_575, %get3A_585 : vector<16xf32>
        %get3A_587 = arith.constant 0 : i32
        %get3A_588 = arith.constant 0 : i32
        %get3A_589 = tpu.memref_slice %arg9[%scan3A_543, %get3A_587, %get3A_588] : memref<4x64x128xf32, #tpu.memory_space<vmem>> -> memref<1x64x128xf32, #tpu.memory_space<vmem>>
        %get3A_590 = tpu.memref_squeeze %get3A_589 : memref<1x64x128xf32, #tpu.memory_space<vmem>> -> memref<64x128xf32, #tpu.memory_space<vmem>>
        %get3A_591 = arith.constant 0 : i32
        %get3A_592 = tpu.memref_slice %get3A_590[%add3A_563, %get3A_591] : memref<64x128xf32, #tpu.memory_space<vmem>> -> memref<1x128xf32, #tpu.memory_space<vmem>>
        %get3A_593 = tpu.memref_squeeze %get3A_592 : memref<1x128xf32, #tpu.memory_space<vmem>> -> memref<128xf32, #tpu.memory_space<vmem>>
        %get3A_594 = arith.constant 16 : index
        %get3A_595 = tpu.vector_load %get3A_593[%get3A_594] {strides = array<i32>} : memref<128xf32, #tpu.memory_space<vmem>>, vector<16xf32>,
        %get3A_596 = vector.shape_cast %get3A_595 : vector<16xf32> to vector<16xf32>
        %get3A_597 = arith.constant 0 : i32
        %get3A_598 = arith.constant 0 : i32
        %get3A_599 = tpu.memref_slice %arg10[%scan3A_544, %get3A_597, %get3A_598] : memref<4x64x128xf32, #tpu.memory_space<vmem>> -> memref<1x64x128xf32, #tpu.memory_space<vmem>>
        %get3A_600 = tpu.memref_squeeze %get3A_599 : memref<1x64x128xf32, #tpu.memory_space<vmem>> -> memref<64x128xf32, #tpu.memory_space<vmem>>
        %get3A_601 = arith.constant 0 : i32
        %get3A_602 = tpu.memref_slice %get3A_600[%add3A_566, %get3A_601] : memref<64x128xf32, #tpu.memory_space<vmem>> -> memref<1x128xf32, #tpu.memory_space<vmem>>
        %get3A_603 = tpu.memref_squeeze %get3A_602 : memref<1x128xf32, #tpu.memory_space<vmem>> -> memref<128xf32, #tpu.memory_space<vmem>>
        %get3A_604 = arith.constant 16 : index
        %get3A_605 = tpu.vector_load %get3A_603[%get3A_604] {strides = array<i32>} : memref<128xf32, #tpu.memory_space<vmem>>, vector<16xf32>,
        %get3A_606 = vector.shape_cast %get3A_605 : vector<16xf32> to vector<16xf32>
        %mul3A_607 = arith.mulf %get3A_596, %get3A_606 : vector<16xf32>
        %get3A_608 = arith.constant 0 : i32
        %get3A_609 = arith.constant 0 : i32
        %get3A_610 = tpu.memref_slice %arg9[%scan3A_543, %get3A_608, %get3A_609] : memref<4x64x128xf32, #tpu.memory_space<vmem>> -> memref<1x64x128xf32, #tpu.memory_space<vmem>>
        %get3A_611 = tpu.memref_squeeze %get3A_610 : memref<1x64x128xf32, #tpu.memory_space<vmem>> -> memref<64x128xf32, #tpu.memory_space<vmem>>
        %get3A_612 = arith.constant 0 : i32
        %get3A_613 = tpu.memref_slice %get3A_611[%add3A_563, %get3A_612] : memref<64x128xf32, #tpu.memory_space<vmem>> -> memref<1x128xf32, #tpu.memory_space<vmem>>
        %get3A_614 = tpu.memref_squeeze %get3A_613 : memref<1x128xf32, #tpu.memory_space<vmem>> -> memref<128xf32, #tpu.memory_space<vmem>>
        %get3A_615 = arith.constant 32 : index
        %get3A_616 = tpu.vector_load %get3A_614[%get3A_615] {strides = array<i32>} : memref<128xf32, #tpu.memory_space<vmem>>, vector<16xf32>,
        %get3A_617 = vector.shape_cast %get3A_616 : vector<16xf32> to vector<16xf32>
        %get3A_618 = arith.constant 0 : i32
        %get3A_619 = arith.constant 0 : i32
        %get3A_620 = tpu.memref_slice %arg10[%scan3A_544, %get3A_618, %get3A_619] : memref<4x64x128xf32, #tpu.memory_space<vmem>> -> memref<1x64x128xf32, #tpu.memory_space<vmem>>
        %get3A_621 = tpu.memref_squeeze %get3A_620 : memref<1x64x128xf32, #tpu.memory_space<vmem>> -> memref<64x128xf32, #tpu.memory_space<vmem>>
        %get3A_622 = arith.constant 0 : i32
        %get3A_623 = tpu.memref_slice %get3A_621[%add3A_566, %get3A_622] : memref<64x128xf32, #tpu.memory_space<vmem>> -> memref<1x128xf32, #tpu.memory_space<vmem>>
        %get3A_624 = tpu.memref_squeeze %get3A_623 : memref<1x128xf32, #tpu.memory_space<vmem>> -> memref<128xf32, #tpu.memory_space<vmem>>
        %get3A_625 = arith.constant 32 : index
        %get3A_626 = tpu.vector_load %get3A_624[%get3A_625] {strides = array<i32>} : memref<128xf32, #tpu.memory_space<vmem>>, vector<16xf32>,
        %get3A_627 = vector.shape_cast %get3A_626 : vector<16xf32> to vector<16xf32>
        %mul3A_628 = arith.mulf %get3A_617, %get3A_627 : vector<16xf32>
        %get3A_629 = arith.constant 0 : i32
        %get3A_630 = arith.constant 0 : i32
        %get3A_631 = tpu.memref_slice %arg9[%scan3A_543, %get3A_629, %get3A_630] : memref<4x64x128xf32, #tpu.memory_space<vmem>> -> memref<1x64x128xf32, #tpu.memory_space<vmem>>
        %get3A_632 = tpu.memref_squeeze %get3A_631 : memref<1x64x128xf32, #tpu.memory_space<vmem>> -> memref<64x128xf32, #tpu.memory_space<vmem>>
        %get3A_633 = arith.constant 0 : i32
        %get3A_634 = tpu.memref_slice %get3A_632[%add3A_563, %get3A_633] : memref<64x128xf32, #tpu.memory_space<vmem>> -> memref<1x128xf32, #tpu.memory_space<vmem>>
        %get3A_635 = tpu.memref_squeeze %get3A_634 : memref<1x128xf32, #tpu.memory_space<vmem>> -> memref<128xf32, #tpu.memory_space<vmem>>
        %get3A_636 = arith.constant 48 : index
        %get3A_637 = tpu.vector_load %get3A_635[%get3A_636] {strides = array<i32>} : memref<128xf32, #tpu.memory_space<vmem>>, vector<16xf32>,
        %get3A_638 = vector.shape_cast %get3A_637 : vector<16xf32> to vector<16xf32>
        %get3A_639 = arith.constant 0 : i32
        %get3A_640 = arith.constant 0 : i32
        %get3A_641 = tpu.memref_slice %arg10[%scan3A_544, %get3A_639, %get3A_640] : memref<4x64x128xf32, #tpu.memory_space<vmem>> -> memref<1x64x128xf32, #tpu.memory_space<vmem>>
        %get3A_642 = tpu.memref_squeeze %get3A_641 : memref<1x64x128xf32, #tpu.memory_space<vmem>> -> memref<64x128xf32, #tpu.memory_space<vmem>>
        %get3A_643 = arith.constant 0 : i32
        %get3A_644 = tpu.memref_slice %get3A_642[%add3A_566, %get3A_643] : memref<64x128xf32, #tpu.memory_space<vmem>> -> memref<1x128xf32, #tpu.memory_space<vmem>>
        %get3A_645 = tpu.memref_squeeze %get3A_644 : memref<1x128xf32, #tpu.memory_space<vmem>> -> memref<128xf32, #tpu.memory_space<vmem>>
        %get3A_646 = arith.constant 48 : index
        %get3A_647 = tpu.vector_load %get3A_645[%get3A_646] {strides = array<i32>} : memref<128xf32, #tpu.memory_space<vmem>>, vector<16xf32>,
        %get3A_648 = vector.shape_cast %get3A_647 : vector<16xf32> to vector<16xf32>
        %mul3A_649 = arith.mulf %get3A_638, %get3A_648 : vector<16xf32>
        %get3A_650 = arith.constant 0 : i32
        %get3A_651 = arith.constant 0 : i32
        %get3A_652 = tpu.memref_slice %arg9[%scan3A_543, %get3A_650, %get3A_651] : memref<4x64x128xf32, #tpu.memory_space<vmem>> -> memref<1x64x128xf32, #tpu.memory_space<vmem>>
        %get3A_653 = tpu.memref_squeeze %get3A_652 : memref<1x64x128xf32, #tpu.memory_space<vmem>> -> memref<64x128xf32, #tpu.memory_space<vmem>>
        %get3A_654 = arith.constant 0 : i32
        %get3A_655 = tpu.memref_slice %get3A_653[%add3A_563, %get3A_654] : memref<64x128xf32, #tpu.memory_space<vmem>> -> memref<1x128xf32, #tpu.memory_space<vmem>>
        %get3A_656 = tpu.memref_squeeze %get3A_655 : memref<1x128xf32, #tpu.memory_space<vmem>> -> memref<128xf32, #tpu.memory_space<vmem>>
        %get3A_657 = arith.constant 64 : index
        %get3A_658 = tpu.vector_load %get3A_656[%get3A_657] {strides = array<i32>} : memref<128xf32, #tpu.memory_space<vmem>>, vector<16xf32>,
        %get3A_659 = vector.shape_cast %get3A_658 : vector<16xf32> to vector<16xf32>
        %get3A_660 = arith.constant 0 : i32
        %get3A_661 = arith.constant 0 : i32
        %get3A_662 = tpu.memref_slice %arg10[%scan3A_544, %get3A_660, %get3A_661] : memref<4x64x128xf32, #tpu.memory_space<vmem>> -> memref<1x64x128xf32, #tpu.memory_space<vmem>>
        %get3A_663 = tpu.memref_squeeze %get3A_662 : memref<1x64x128xf32, #tpu.memory_space<vmem>> -> memref<64x128xf32, #tpu.memory_space<vmem>>
        %get3A_664 = arith.constant 0 : i32
        %get3A_665 = tpu.memref_slice %get3A_663[%add3A_566, %get3A_664] : memref<64x128xf32, #tpu.memory_space<vmem>> -> memref<1x128xf32, #tpu.memory_space<vmem>>
        %get3A_666 = tpu.memref_squeeze %get3A_665 : memref<1x128xf32, #tpu.memory_space<vmem>> -> memref<128xf32, #tpu.memory_space<vmem>>
        %get3A_667 = arith.constant 64 : index
        %get3A_668 = tpu.vector_load %get3A_666[%get3A_667] {strides = array<i32>} : memref<128xf32, #tpu.memory_space<vmem>>, vector<16xf32>,
        %get3A_669 = vector.shape_cast %get3A_668 : vector<16xf32> to vector<16xf32>
        %mul3A_670 = arith.mulf %get3A_659, %get3A_669 : vector<16xf32>
        %get3A_671 = arith.constant 0 : i32
        %get3A_672 = arith.constant 0 : i32
        %get3A_673 = tpu.memref_slice %arg9[%scan3A_543, %get3A_671, %get3A_672] : memref<4x64x128xf32, #tpu.memory_space<vmem>> -> memref<1x64x128xf32, #tpu.memory_space<vmem>>
        %get3A_674 = tpu.memref_squeeze %get3A_673 : memref<1x64x128xf32, #tpu.memory_space<vmem>> -> memref<64x128xf32, #tpu.memory_space<vmem>>
        %get3A_675 = arith.constant 0 : i32
        %get3A_676 = tpu.memref_slice %get3A_674[%add3A_563, %get3A_675] : memref<64x128xf32, #tpu.memory_space<vmem>> -> memref<1x128xf32, #tpu.memory_space<vmem>>
        %get3A_677 = tpu.memref_squeeze %get3A_676 : memref<1x128xf32, #tpu.memory_space<vmem>> -> memref<128xf32, #tpu.memory_space<vmem>>
        %get3A_678 = arith.constant 80 : index
        %get3A_679 = tpu.vector_load %get3A_677[%get3A_678] {strides = array<i32>} : memref<128xf32, #tpu.memory_space<vmem>>, vector<16xf32>,
        %get3A_680 = vector.shape_cast %get3A_679 : vector<16xf32> to vector<16xf32>
        %get3A_681 = arith.constant 0 : i32
        %get3A_682 = arith.constant 0 : i32
        %get3A_683 = tpu.memref_slice %arg10[%scan3A_544, %get3A_681, %get3A_682] : memref<4x64x128xf32, #tpu.memory_space<vmem>> -> memref<1x64x128xf32, #tpu.memory_space<vmem>>
        %get3A_684 = tpu.memref_squeeze %get3A_683 : memref<1x64x128xf32, #tpu.memory_space<vmem>> -> memref<64x128xf32, #tpu.memory_space<vmem>>
        %get3A_685 = arith.constant 0 : i32
        %get3A_686 = tpu.memref_slice %get3A_684[%add3A_566, %get3A_685] : memref<64x128xf32, #tpu.memory_space<vmem>> -> memref<1x128xf32, #tpu.memory_space<vmem>>
        %get3A_687 = tpu.memref_squeeze %get3A_686 : memref<1x128xf32, #tpu.memory_space<vmem>> -> memref<128xf32, #tpu.memory_space<vmem>>
        %get3A_688 = arith.constant 80 : index
        %get3A_689 = tpu.vector_load %get3A_687[%get3A_688] {strides = array<i32>} : memref<128xf32, #tpu.memory_space<vmem>>, vector<16xf32>,
        %get3A_690 = vector.shape_cast %get3A_689 : vector<16xf32> to vector<16xf32>
        %mul3A_691 = arith.mulf %get3A_680, %get3A_690 : vector<16xf32>
        %get3A_692 = arith.constant 0 : i32
        %get3A_693 = arith.constant 0 : i32
        %get3A_694 = tpu.memref_slice %arg9[%scan3A_543, %get3A_692, %get3A_693] : memref<4x64x128xf32, #tpu.memory_space<vmem>> -> memref<1x64x128xf32, #tpu.memory_space<vmem>>
        %get3A_695 = tpu.memref_squeeze %get3A_694 : memref<1x64x128xf32, #tpu.memory_space<vmem>> -> memref<64x128xf32, #tpu.memory_space<vmem>>
        %get3A_696 = arith.constant 0 : i32
        %get3A_697 = tpu.memref_slice %get3A_695[%add3A_563, %get3A_696] : memref<64x128xf32, #tpu.memory_space<vmem>> -> memref<1x128xf32, #tpu.memory_space<vmem>>
        %get3A_698 = tpu.memref_squeeze %get3A_697 : memref<1x128xf32, #tpu.memory_space<vmem>> -> memref<128xf32, #tpu.memory_space<vmem>>
        %get3A_699 = arith.constant 96 : index
        %get3A_700 = tpu.vector_load %get3A_698[%get3A_699] {strides = array<i32>} : memref<128xf32, #tpu.memory_space<vmem>>, vector<16xf32>,
        %get3A_701 = vector.shape_cast %get3A_700 : vector<16xf32> to vector<16xf32>
        %get3A_702 = arith.constant 0 : i32
        %get3A_703 = arith.constant 0 : i32
        %get3A_704 = tpu.memref_slice %arg10[%scan3A_544, %get3A_702, %get3A_703] : memref<4x64x128xf32, #tpu.memory_space<vmem>> -> memref<1x64x128xf32, #tpu.memory_space<vmem>>
        %get3A_705 = tpu.memref_squeeze %get3A_704 : memref<1x64x128xf32, #tpu.memory_space<vmem>> -> memref<64x128xf32, #tpu.memory_space<vmem>>
        %get3A_706 = arith.constant 0 : i32
        %get3A_707 = tpu.memref_slice %get3A_705[%add3A_566, %get3A_706] : memref<64x128xf32, #tpu.memory_space<vmem>> -> memref<1x128xf32, #tpu.memory_space<vmem>>
        %get3A_708 = tpu.memref_squeeze %get3A_707 : memref<1x128xf32, #tpu.memory_space<vmem>> -> memref<128xf32, #tpu.memory_space<vmem>>
        %get3A_709 = arith.constant 96 : index
        %get3A_710 = tpu.vector_load %get3A_708[%get3A_709] {strides = array<i32>} : memref<128xf32, #tpu.memory_space<vmem>>, vector<16xf32>,
        %get3A_711 = vector.shape_cast %get3A_710 : vector<16xf32> to vector<16xf32>
        %mul3A_712 = arith.mulf %get3A_701, %get3A_711 : vector<16xf32>
        %get3A_713 = arith.constant 0 : i32
        %get3A_714 = arith.constant 0 : i32
        %get3A_715 = tpu.memref_slice %arg9[%scan3A_543, %get3A_713, %get3A_714] : memref<4x64x128xf32, #tpu.memory_space<vmem>> -> memref<1x64x128xf32, #tpu.memory_space<vmem>>
        %get3A_716 = tpu.memref_squeeze %get3A_715 : memref<1x64x128xf32, #tpu.memory_space<vmem>> -> memref<64x128xf32, #tpu.memory_space<vmem>>
        %get3A_717 = arith.constant 0 : i32
        %get3A_718 = tpu.memref_slice %get3A_716[%add3A_563, %get3A_717] : memref<64x128xf32, #tpu.memory_space<vmem>> -> memref<1x128xf32, #tpu.memory_space<vmem>>
        %get3A_719 = tpu.memref_squeeze %get3A_718 : memref<1x128xf32, #tpu.memory_space<vmem>> -> memref<128xf32, #tpu.memory_space<vmem>>
        %get3A_720 = arith.constant 112 : index
        %get3A_721 = tpu.vector_load %get3A_719[%get3A_720] {strides = array<i32>} : memref<128xf32, #tpu.memory_space<vmem>>, vector<16xf32>,
        %get3A_722 = vector.shape_cast %get3A_721 : vector<16xf32> to vector<16xf32>
        %get3A_723 = arith.constant 0 : i32
        %get3A_724 = arith.constant 0 : i32
        %get3A_725 = tpu.memref_slice %arg10[%scan3A_544, %get3A_723, %get3A_724] : memref<4x64x128xf32, #tpu.memory_space<vmem>> -> memref<1x64x128xf32, #tpu.memory_space<vmem>>
        %get3A_726 = tpu.memref_squeeze %get3A_725 : memref<1x64x128xf32, #tpu.memory_space<vmem>> -> memref<64x128xf32, #tpu.memory_space<vmem>>
        %get3A_727 = arith.constant 0 : i32
        %get3A_728 = tpu.memref_slice %get3A_726[%add3A_566, %get3A_727] : memref<64x128xf32, #tpu.memory_space<vmem>> -> memref<1x128xf32, #tpu.memory_space<vmem>>
        %get3A_729 = tpu.memref_squeeze %get3A_728 : memref<1x128xf32, #tpu.memory_space<vmem>> -> memref<128xf32, #tpu.memory_space<vmem>>
        %get3A_730 = arith.constant 112 : index
        %get3A_731 = tpu.vector_load %get3A_729[%get3A_730] {strides = array<i32>} : memref<128xf32, #tpu.memory_space<vmem>>, vector<16xf32>,
        %get3A_732 = vector.shape_cast %get3A_731 : vector<16xf32> to vector<16xf32>
        %mul3A_733 = arith.mulf %get3A_722, %get3A_732 : vector<16xf32>
        %add3A_734 = arith.addf %mul3A_586, %mul3A_607 : vector<16xf32>
        %add3A_735 = arith.addf %mul3A_628, %mul3A_649 : vector<16xf32>
        %add3A_736 = arith.addf %mul3A_670, %mul3A_691 : vector<16xf32>
        %add3A_737 = arith.addf %mul3A_712, %mul3A_733 : vector<16xf32>
        %add3A_738 = arith.addf %add3A_734, %add3A_735 : vector<16xf32>
        %add3A_739 = arith.addf %add3A_736, %add3A_737 : vector<16xf32>
        %add3A_740 = arith.addf %add3A_738, %add3A_739 : vector<16xf32>
        %xor3A = arith.constant 8 : i32
        %xor3A_741 = vector.broadcast %xor3A : i32 to vector<16xi32>
        %xor3A_742 = arith.xori %iota3A, %xor3A_741 : vector<16xi32>
        %broadcast_in_dim3A_743 = vector.shape_cast %xor3A_742 : vector<16xi32> to vector<16x1xi32>
        %gather3A = vector.shape_cast %broadcast_in_dim3A_743 : vector<16x1xi32> to vector<16xi32>
        %gather3A_744 = tpu.dynamic_gather %add3A_740[%gather3A] in [0] : vector<16xf32>, vector<16xi32> -> vector<16xf32>
        %add3A_745 = arith.addf %add3A_740, %gather3A_744 : vector<16xf32>
        %xor3A_746 = arith.constant 4 : i32
        %xor3A_747 = vector.broadcast %xor3A_746 : i32 to vector<16xi32>
        %xor3A_748 = arith.xori %iota3A, %xor3A_747 : vector<16xi32>
        %broadcast_in_dim3A_749 = vector.shape_cast %xor3A_748 : vector<16xi32> to vector<16x1xi32>
        %gather3A_750 = vector.shape_cast %broadcast_in_dim3A_749 : vector<16x1xi32> to vector<16xi32>
        %gather3A_751 = tpu.dynamic_gather %add3A_745[%gather3A_750] in [0] : vector<16xf32>, vector<16xi32> -> vector<16xf32>
        %add3A_752 = arith.addf %add3A_745, %gather3A_751 : vector<16xf32>
        %xor3A_753 = arith.constant 2 : i32
        %xor3A_754 = vector.broadcast %xor3A_753 : i32 to vector<16xi32>
        %xor3A_755 = arith.xori %iota3A, %xor3A_754 : vector<16xi32>
        %broadcast_in_dim3A_756 = vector.shape_cast %xor3A_755 : vector<16xi32> to vector<16x1xi32>
        %gather3A_757 = vector.shape_cast %broadcast_in_dim3A_756 : vector<16x1xi32> to vector<16xi32>
        %gather3A_758 = tpu.dynamic_gather %add3A_752[%gather3A_757] in [0] : vector<16xf32>, vector<16xi32> -> vector<16xf32>
        %add3A_759 = arith.addf %add3A_752, %gather3A_758 : vector<16xf32>
        %xor3A_760 = arith.constant 1 : i32
        %xor3A_761 = vector.broadcast %xor3A_760 : i32 to vector<16xi32>
        %xor3A_762 = arith.xori %iota3A, %xor3A_761 : vector<16xi32>
        %broadcast_in_dim3A_763 = vector.shape_cast %xor3A_762 : vector<16xi32> to vector<16x1xi32>
        %gather3A_764 = vector.shape_cast %broadcast_in_dim3A_763 : vector<16x1xi32> to vector<16xi32>
        %gather3A_765 = tpu.dynamic_gather %add3A_759[%gather3A_764] in [0] : vector<16xf32>, vector<16xi32> -> vector<16xf32>
        %add3A_766 = arith.addf %add3A_759, %gather3A_765 : vector<16xf32>
        %eq3A = vector.broadcast %scan3A_559 : i32 to vector<16xi32>
        %eq3A_767 = arith.cmpi eq, %iota3A, %eq3A : vector<16xi32>
        %select_n3A = arith.select %eq3A_767, %add3A_766, %scan3A_560 : vector<16xi1>, vector<16xf32>
        %scan3A_768 = arith.constant 1 : i32
        %scan3A_769 = arith.addi %scan3A_559, %scan3A_768 : i32
        %mul3A_770 = arith.constant 16 : i32
        %mul3A_771 = arith.muli %scan3A_540, %mul3A_770 : i32
        %add3A_772 = arith.addi %mul3A_771, %scan3A_769 : i32
        %mul3A_773 = arith.constant 16 : i32
        %mul3A_774 = arith.muli %scan3A_540, %mul3A_773 : i32
        %add3A_775 = arith.addi %mul3A_774, %scan3A_769 : i32
        %get3A_776 = arith.constant 0 : i32
        %get3A_777 = arith.constant 0 : i32
        %get3A_778 = tpu.memref_slice %arg9[%scan3A_543, %get3A_776, %get3A_777] : memref<4x64x128xf32, #tpu.memory_space<vmem>> -> memref<1x64x128xf32, #tpu.memory_space<vmem>>
        %get3A_779 = tpu.memref_squeeze %get3A_778 : memref<1x64x128xf32, #tpu.memory_space<vmem>> -> memref<64x128xf32, #tpu.memory_space<vmem>>
        %get3A_780 = arith.constant 0 : i32
        %get3A_781 = tpu.memref_slice %get3A_779[%add3A_772, %get3A_780] : memref<64x128xf32, #tpu.memory_space<vmem>> -> memref<1x128xf32, #tpu.memory_space<vmem>>
        %get3A_782 = tpu.memref_squeeze %get3A_781 : memref<1x128xf32, #tpu.memory_space<vmem>> -> memref<128xf32, #tpu.memory_space<vmem>>
        %get3A_783 = arith.constant 0 : index
        %get3A_784 = tpu.vector_load %get3A_782[%get3A_783] {strides = array<i32>} : memref<128xf32, #tpu.memory_space<vmem>>, vector<16xf32>,
        %get3A_785 = vector.shape_cast %get3A_784 : vector<16xf32> to vector<16xf32>
        %get3A_786 = arith.constant 0 : i32
        %get3A_787 = arith.constant 0 : i32
        %get3A_788 = tpu.memref_slice %arg10[%scan3A_544, %get3A_786, %get3A_787] : memref<4x64x128xf32, #tpu.memory_space<vmem>> -> memref<1x64x128xf32, #tpu.memory_space<vmem>>
        %get3A_789 = tpu.memref_squeeze %get3A_788 : memref<1x64x128xf32, #tpu.memory_space<vmem>> -> memref<64x128xf32, #tpu.memory_space<vmem>>
        %get3A_790 = arith.constant 0 : i32
        %get3A_791 = tpu.memref_slice %get3A_789[%add3A_775, %get3A_790] : memref<64x128xf32, #tpu.memory_space<vmem>> -> memref<1x128xf32, #tpu.memory_space<vmem>>
        %get3A_792 = tpu.memref_squeeze %get3A_791 : memref<1x128xf32, #tpu.memory_space<vmem>> -> memref<128xf32, #tpu.memory_space<vmem>>
        %get3A_793 = arith.constant 0 : index
        %get3A_794 = tpu.vector_load %get3A_792[%get3A_793] {strides = array<i32>} : memref<128xf32, #tpu.memory_space<vmem>>, vector<16xf32>,
        %get3A_795 = vector.shape_cast %get3A_794 : vector<16xf32> to vector<16xf32>
        %mul3A_796 = arith.mulf %get3A_785, %get3A_795 : vector<16xf32>
        %get3A_797 = arith.constant 0 : i32
        %get3A_798 = arith.constant 0 : i32
        %get3A_799 = tpu.memref_slice %arg9[%scan3A_543, %get3A_797, %get3A_798] : memref<4x64x128xf32, #tpu.memory_space<vmem>> -> memref<1x64x128xf32, #tpu.memory_space<vmem>>
        %get3A_800 = tpu.memref_squeeze %get3A_799 : memref<1x64x128xf32, #tpu.memory_space<vmem>> -> memref<64x128xf32, #tpu.memory_space<vmem>>
        %get3A_801 = arith.constant 0 : i32
        %get3A_802 = tpu.memref_slice %get3A_800[%add3A_772, %get3A_801] : memref<64x128xf32, #tpu.memory_space<vmem>> -> memref<1x128xf32, #tpu.memory_space<vmem>>
        %get3A_803 = tpu.memref_squeeze %get3A_802 : memref<1x128xf32, #tpu.memory_space<vmem>> -> memref<128xf32, #tpu.memory_space<vmem>>
        %get3A_804 = arith.constant 16 : index
        %get3A_805 = tpu.vector_load %get3A_803[%get3A_804] {strides = array<i32>} : memref<128xf32, #tpu.memory_space<vmem>>, vector<16xf32>,
        %get3A_806 = vector.shape_cast %get3A_805 : vector<16xf32> to vector<16xf32>
        %get3A_807 = arith.constant 0 : i32
        %get3A_808 = arith.constant 0 : i32
        %get3A_809 = tpu.memref_slice %arg10[%scan3A_544, %get3A_807, %get3A_808] : memref<4x64x128xf32, #tpu.memory_space<vmem>> -> memref<1x64x128xf32, #tpu.memory_space<vmem>>
        %get3A_810 = tpu.memref_squeeze %get3A_809 : memref<1x64x128xf32, #tpu.memory_space<vmem>> -> memref<64x128xf32, #tpu.memory_space<vmem>>
        %get3A_811 = arith.constant 0 : i32
        %get3A_812 = tpu.memref_slice %get3A_810[%add3A_775, %get3A_811] : memref<64x128xf32, #tpu.memory_space<vmem>> -> memref<1x128xf32, #tpu.memory_space<vmem>>
        %get3A_813 = tpu.memref_squeeze %get3A_812 : memref<1x128xf32, #tpu.memory_space<vmem>> -> memref<128xf32, #tpu.memory_space<vmem>>
        %get3A_814 = arith.constant 16 : index
        %get3A_815 = tpu.vector_load %get3A_813[%get3A_814] {strides = array<i32>} : memref<128xf32, #tpu.memory_space<vmem>>, vector<16xf32>,
        %get3A_816 = vector.shape_cast %get3A_815 : vector<16xf32> to vector<16xf32>
        %mul3A_817 = arith.mulf %get3A_806, %get3A_816 : vector<16xf32>
        %get3A_818 = arith.constant 0 : i32
        %get3A_819 = arith.constant 0 : i32
        %get3A_820 = tpu.memref_slice %arg9[%scan3A_543, %get3A_818, %get3A_819] : memref<4x64x128xf32, #tpu.memory_space<vmem>> -> memref<1x64x128xf32, #tpu.memory_space<vmem>>
        %get3A_821 = tpu.memref_squeeze %get3A_820 : memref<1x64x128xf32, #tpu.memory_space<vmem>> -> memref<64x128xf32, #tpu.memory_space<vmem>>
        %get3A_822 = arith.constant 0 : i32
        %get3A_823 = tpu.memref_slice %get3A_821[%add3A_772, %get3A_822] : memref<64x128xf32, #tpu.memory_space<vmem>> -> memref<1x128xf32, #tpu.memory_space<vmem>>
        %get3A_824 = tpu.memref_squeeze %get3A_823 : memref<1x128xf32, #tpu.memory_space<vmem>> -> memref<128xf32, #tpu.memory_space<vmem>>
        %get3A_825 = arith.constant 32 : index
        %get3A_826 = tpu.vector_load %get3A_824[%get3A_825] {strides = array<i32>} : memref<128xf32, #tpu.memory_space<vmem>>, vector<16xf32>,
        %get3A_827 = vector.shape_cast %get3A_826 : vector<16xf32> to vector<16xf32>
        %get3A_828 = arith.constant 0 : i32
        %get3A_829 = arith.constant 0 : i32
        %get3A_830 = tpu.memref_slice %arg10[%scan3A_544, %get3A_828, %get3A_829] : memref<4x64x128xf32, #tpu.memory_space<vmem>> -> memref<1x64x128xf32, #tpu.memory_space<vmem>>
        %get3A_831 = tpu.memref_squeeze %get3A_830 : memref<1x64x128xf32, #tpu.memory_space<vmem>> -> memref<64x128xf32, #tpu.memory_space<vmem>>
        %get3A_832 = arith.constant 0 : i32
        %get3A_833 = tpu.memref_slice %get3A_831[%add3A_775, %get3A_832] : memref<64x128xf32, #tpu.memory_space<vmem>> -> memref<1x128xf32, #tpu.memory_space<vmem>>
        %get3A_834 = tpu.memref_squeeze %get3A_833 : memref<1x128xf32, #tpu.memory_space<vmem>> -> memref<128xf32, #tpu.memory_space<vmem>>
        %get3A_835 = arith.constant 32 : index
        %get3A_836 = tpu.vector_load %get3A_834[%get3A_835] {strides = array<i32>} : memref<128xf32, #tpu.memory_space<vmem>>, vector<16xf32>,
        %get3A_837 = vector.shape_cast %get3A_836 : vector<16xf32> to vector<16xf32>
        %mul3A_838 = arith.mulf %get3A_827, %get3A_837 : vector<16xf32>
        %get3A_839 = arith.constant 0 : i32
        %get3A_840 = arith.constant 0 : i32
        %get3A_841 = tpu.memref_slice %arg9[%scan3A_543, %get3A_839, %get3A_840] : memref<4x64x128xf32, #tpu.memory_space<vmem>> -> memref<1x64x128xf32, #tpu.memory_space<vmem>>
        %get3A_842 = tpu.memref_squeeze %get3A_841 : memref<1x64x128xf32, #tpu.memory_space<vmem>> -> memref<64x128xf32, #tpu.memory_space<vmem>>
        %get3A_843 = arith.constant 0 : i32
        %get3A_844 = tpu.memref_slice %get3A_842[%add3A_772, %get3A_843] : memref<64x128xf32, #tpu.memory_space<vmem>> -> memref<1x128xf32, #tpu.memory_space<vmem>>
        %get3A_845 = tpu.memref_squeeze %get3A_844 : memref<1x128xf32, #tpu.memory_space<vmem>> -> memref<128xf32, #tpu.memory_space<vmem>>
        %get3A_846 = arith.constant 48 : index
        %get3A_847 = tpu.vector_load %get3A_845[%get3A_846] {strides = array<i32>} : memref<128xf32, #tpu.memory_space<vmem>>, vector<16xf32>,
        %get3A_848 = vector.shape_cast %get3A_847 : vector<16xf32> to vector<16xf32>
        %get3A_849 = arith.constant 0 : i32
        %get3A_850 = arith.constant 0 : i32
        %get3A_851 = tpu.memref_slice %arg10[%scan3A_544, %get3A_849, %get3A_850] : memref<4x64x128xf32, #tpu.memory_space<vmem>> -> memref<1x64x128xf32, #tpu.memory_space<vmem>>
        %get3A_852 = tpu.memref_squeeze %get3A_851 : memref<1x64x128xf32, #tpu.memory_space<vmem>> -> memref<64x128xf32, #tpu.memory_space<vmem>>
        %get3A_853 = arith.constant 0 : i32
        %get3A_854 = tpu.memref_slice %get3A_852[%add3A_775, %get3A_853] : memref<64x128xf32, #tpu.memory_space<vmem>> -> memref<1x128xf32, #tpu.memory_space<vmem>>
        %get3A_855 = tpu.memref_squeeze %get3A_854 : memref<1x128xf32, #tpu.memory_space<vmem>> -> memref<128xf32, #tpu.memory_space<vmem>>
        %get3A_856 = arith.constant 48 : index
        %get3A_857 = tpu.vector_load %get3A_855[%get3A_856] {strides = array<i32>} : memref<128xf32, #tpu.memory_space<vmem>>, vector<16xf32>,
        %get3A_858 = vector.shape_cast %get3A_857 : vector<16xf32> to vector<16xf32>
        %mul3A_859 = arith.mulf %get3A_848, %get3A_858 : vector<16xf32>
        %get3A_860 = arith.constant 0 : i32
        %get3A_861 = arith.constant 0 : i32
        %get3A_862 = tpu.memref_slice %arg9[%scan3A_543, %get3A_860, %get3A_861] : memref<4x64x128xf32, #tpu.memory_space<vmem>> -> memref<1x64x128xf32, #tpu.memory_space<vmem>>
        %get3A_863 = tpu.memref_squeeze %get3A_862 : memref<1x64x128xf32, #tpu.memory_space<vmem>> -> memref<64x128xf32, #tpu.memory_space<vmem>>
        %get3A_864 = arith.constant 0 : i32
        %get3A_865 = tpu.memref_slice %get3A_863[%add3A_772, %get3A_864] : memref<64x128xf32, #tpu.memory_space<vmem>> -> memref<1x128xf32, #tpu.memory_space<vmem>>
        %get3A_866 = tpu.memref_squeeze %get3A_865 : memref<1x128xf32, #tpu.memory_space<vmem>> -> memref<128xf32, #tpu.memory_space<vmem>>
        %get3A_867 = arith.constant 64 : index
        %get3A_868 = tpu.vector_load %get3A_866[%get3A_867] {strides = array<i32>} : memref<128xf32, #tpu.memory_space<vmem>>, vector<16xf32>,
        %get3A_869 = vector.shape_cast %get3A_868 : vector<16xf32> to vector<16xf32>
        %get3A_870 = arith.constant 0 : i32
        %get3A_871 = arith.constant 0 : i32
        %get3A_872 = tpu.memref_slice %arg10[%scan3A_544, %get3A_870, %get3A_871] : memref<4x64x128xf32, #tpu.memory_space<vmem>> -> memref<1x64x128xf32, #tpu.memory_space<vmem>>
        %get3A_873 = tpu.memref_squeeze %get3A_872 : memref<1x64x128xf32, #tpu.memory_space<vmem>> -> memref<64x128xf32, #tpu.memory_space<vmem>>
        %get3A_874 = arith.constant 0 : i32
        %get3A_875 = tpu.memref_slice %get3A_873[%add3A_775, %get3A_874] : memref<64x128xf32, #tpu.memory_space<vmem>> -> memref<1x128xf32, #tpu.memory_space<vmem>>
        %get3A_876 = tpu.memref_squeeze %get3A_875 : memref<1x128xf32, #tpu.memory_space<vmem>> -> memref<128xf32, #tpu.memory_space<vmem>>
        %get3A_877 = arith.constant 64 : index
        %get3A_878 = tpu.vector_load %get3A_876[%get3A_877] {strides = array<i32>} : memref<128xf32, #tpu.memory_space<vmem>>, vector<16xf32>,
        %get3A_879 = vector.shape_cast %get3A_878 : vector<16xf32> to vector<16xf32>
        %mul3A_880 = arith.mulf %get3A_869, %get3A_879 : vector<16xf32>
        %get3A_881 = arith.constant 0 : i32
        %get3A_882 = arith.constant 0 : i32
        %get3A_883 = tpu.memref_slice %arg9[%scan3A_543, %get3A_881, %get3A_882] : memref<4x64x128xf32, #tpu.memory_space<vmem>> -> memref<1x64x128xf32, #tpu.memory_space<vmem>>
        %get3A_884 = tpu.memref_squeeze %get3A_883 : memref<1x64x128xf32, #tpu.memory_space<vmem>> -> memref<64x128xf32, #tpu.memory_space<vmem>>
        %get3A_885 = arith.constant 0 : i32
        %get3A_886 = tpu.memref_slice %get3A_884[%add3A_772, %get3A_885] : memref<64x128xf32, #tpu.memory_space<vmem>> -> memref<1x128xf32, #tpu.memory_space<vmem>>
        %get3A_887 = tpu.memref_squeeze %get3A_886 : memref<1x128xf32, #tpu.memory_space<vmem>> -> memref<128xf32, #tpu.memory_space<vmem>>
        %get3A_888 = arith.constant 80 : index
        %get3A_889 = tpu.vector_load %get3A_887[%get3A_888] {strides = array<i32>} : memref<128xf32, #tpu.memory_space<vmem>>, vector<16xf32>,
        %get3A_890 = vector.shape_cast %get3A_889 : vector<16xf32> to vector<16xf32>
        %get3A_891 = arith.constant 0 : i32
        %get3A_892 = arith.constant 0 : i32
        %get3A_893 = tpu.memref_slice %arg10[%scan3A_544, %get3A_891, %get3A_892] : memref<4x64x128xf32, #tpu.memory_space<vmem>> -> memref<1x64x128xf32, #tpu.memory_space<vmem>>
        %get3A_894 = tpu.memref_squeeze %get3A_893 : memref<1x64x128xf32, #tpu.memory_space<vmem>> -> memref<64x128xf32, #tpu.memory_space<vmem>>
        %get3A_895 = arith.constant 0 : i32
        %get3A_896 = tpu.memref_slice %get3A_894[%add3A_775, %get3A_895] : memref<64x128xf32, #tpu.memory_space<vmem>> -> memref<1x128xf32, #tpu.memory_space<vmem>>
        %get3A_897 = tpu.memref_squeeze %get3A_896 : memref<1x128xf32, #tpu.memory_space<vmem>> -> memref<128xf32, #tpu.memory_space<vmem>>
        %get3A_898 = arith.constant 80 : index
        %get3A_899 = tpu.vector_load %get3A_897[%get3A_898] {strides = array<i32>} : memref<128xf32, #tpu.memory_space<vmem>>, vector<16xf32>,
        %get3A_900 = vector.shape_cast %get3A_899 : vector<16xf32> to vector<16xf32>
        %mul3A_901 = arith.mulf %get3A_890, %get3A_900 : vector<16xf32>
        %get3A_902 = arith.constant 0 : i32
        %get3A_903 = arith.constant 0 : i32
        %get3A_904 = tpu.memref_slice %arg9[%scan3A_543, %get3A_902, %get3A_903] : memref<4x64x128xf32, #tpu.memory_space<vmem>> -> memref<1x64x128xf32, #tpu.memory_space<vmem>>
        %get3A_905 = tpu.memref_squeeze %get3A_904 : memref<1x64x128xf32, #tpu.memory_space<vmem>> -> memref<64x128xf32, #tpu.memory_space<vmem>>
        %get3A_906 = arith.constant 0 : i32
        %get3A_907 = tpu.memref_slice %get3A_905[%add3A_772, %get3A_906] : memref<64x128xf32, #tpu.memory_space<vmem>> -> memref<1x128xf32, #tpu.memory_space<vmem>>
        %get3A_908 = tpu.memref_squeeze %get3A_907 : memref<1x128xf32, #tpu.memory_space<vmem>> -> memref<128xf32, #tpu.memory_space<vmem>>
        %get3A_909 = arith.constant 96 : index
        %get3A_910 = tpu.vector_load %get3A_908[%get3A_909] {strides = array<i32>} : memref<128xf32, #tpu.memory_space<vmem>>, vector<16xf32>,
        %get3A_911 = vector.shape_cast %get3A_910 : vector<16xf32> to vector<16xf32>
        %get3A_912 = arith.constant 0 : i32
        %get3A_913 = arith.constant 0 : i32
        %get3A_914 = tpu.memref_slice %arg10[%scan3A_544, %get3A_912, %get3A_913] : memref<4x64x128xf32, #tpu.memory_space<vmem>> -> memref<1x64x128xf32, #tpu.memory_space<vmem>>
        %get3A_915 = tpu.memref_squeeze %get3A_914 : memref<1x64x128xf32, #tpu.memory_space<vmem>> -> memref<64x128xf32, #tpu.memory_space<vmem>>
        %get3A_916 = arith.constant 0 : i32
        %get3A_917 = tpu.memref_slice %get3A_915[%add3A_775, %get3A_916] : memref<64x128xf32, #tpu.memory_space<vmem>> -> memref<1x128xf32, #tpu.memory_space<vmem>>
        %get3A_918 = tpu.memref_squeeze %get3A_917 : memref<1x128xf32, #tpu.memory_space<vmem>> -> memref<128xf32, #tpu.memory_space<vmem>>
        %get3A_919 = arith.constant 96 : index
        %get3A_920 = tpu.vector_load %get3A_918[%get3A_919] {strides = array<i32>} : memref<128xf32, #tpu.memory_space<vmem>>, vector<16xf32>,
        %get3A_921 = vector.shape_cast %get3A_920 : vector<16xf32> to vector<16xf32>
        %mul3A_922 = arith.mulf %get3A_911, %get3A_921 : vector<16xf32>
        %get3A_923 = arith.constant 0 : i32
        %get3A_924 = arith.constant 0 : i32
        %get3A_925 = tpu.memref_slice %arg9[%scan3A_543, %get3A_923, %get3A_924] : memref<4x64x128xf32, #tpu.memory_space<vmem>> -> memref<1x64x128xf32, #tpu.memory_space<vmem>>
        %get3A_926 = tpu.memref_squeeze %get3A_925 : memref<1x64x128xf32, #tpu.memory_space<vmem>> -> memref<64x128xf32, #tpu.memory_space<vmem>>
        %get3A_927 = arith.constant 0 : i32
        %get3A_928 = tpu.memref_slice %get3A_926[%add3A_772, %get3A_927] : memref<64x128xf32, #tpu.memory_space<vmem>> -> memref<1x128xf32, #tpu.memory_space<vmem>>
        %get3A_929 = tpu.memref_squeeze %get3A_928 : memref<1x128xf32, #tpu.memory_space<vmem>> -> memref<128xf32, #tpu.memory_space<vmem>>
        %get3A_930 = arith.constant 112 : index
        %get3A_931 = tpu.vector_load %get3A_929[%get3A_930] {strides = array<i32>} : memref<128xf32, #tpu.memory_space<vmem>>, vector<16xf32>,
        %get3A_932 = vector.shape_cast %get3A_931 : vector<16xf32> to vector<16xf32>
        %get3A_933 = arith.constant 0 : i32
        %get3A_934 = arith.constant 0 : i32
        %get3A_935 = tpu.memref_slice %arg10[%scan3A_544, %get3A_933, %get3A_934] : memref<4x64x128xf32, #tpu.memory_space<vmem>> -> memref<1x64x128xf32, #tpu.memory_space<vmem>>
        %get3A_936 = tpu.memref_squeeze %get3A_935 : memref<1x64x128xf32, #tpu.memory_space<vmem>> -> memref<64x128xf32, #tpu.memory_space<vmem>>
        %get3A_937 = arith.constant 0 : i32
        %get3A_938 = tpu.memref_slice %get3A_936[%add3A_775, %get3A_937] : memref<64x128xf32, #tpu.memory_space<vmem>> -> memref<1x128xf32, #tpu.memory_space<vmem>>
        %get3A_939 = tpu.memref_squeeze %get3A_938 : memref<1x128xf32, #tpu.memory_space<vmem>> -> memref<128xf32, #tpu.memory_space<vmem>>
        %get3A_940 = arith.constant 112 : index
        %get3A_941 = tpu.vector_load %get3A_939[%get3A_940] {strides = array<i32>} : memref<128xf32, #tpu.memory_space<vmem>>, vector<16xf32>,
        %get3A_942 = vector.shape_cast %get3A_941 : vector<16xf32> to vector<16xf32>
        %mul3A_943 = arith.mulf %get3A_932, %get3A_942 : vector<16xf32>
        %add3A_944 = arith.addf %mul3A_796, %mul3A_817 : vector<16xf32>
        %add3A_945 = arith.addf %mul3A_838, %mul3A_859 : vector<16xf32>
        %add3A_946 = arith.addf %mul3A_880, %mul3A_901 : vector<16xf32>
        %add3A_947 = arith.addf %mul3A_922, %mul3A_943 : vector<16xf32>
        %add3A_948 = arith.addf %add3A_944, %add3A_945 : vector<16xf32>
        %add3A_949 = arith.addf %add3A_946, %add3A_947 : vector<16xf32>
        %add3A_950 = arith.addf %add3A_948, %add3A_949 : vector<16xf32>
        %xor3A_951 = arith.constant 8 : i32
        %xor3A_952 = vector.broadcast %xor3A_951 : i32 to vector<16xi32>
        %xor3A_953 = arith.xori %iota3A, %xor3A_952 : vector<16xi32>
        %broadcast_in_dim3A_954 = vector.shape_cast %xor3A_953 : vector<16xi32> to vector<16x1xi32>
        %gather3A_955 = vector.shape_cast %broadcast_in_dim3A_954 : vector<16x1xi32> to vector<16xi32>
        %gather3A_956 = tpu.dynamic_gather %add3A_950[%gather3A_955] in [0] : vector<16xf32>, vector<16xi32> -> vector<16xf32>
        %add3A_957 = arith.addf %add3A_950, %gather3A_956 : vector<16xf32>
        %xor3A_958 = arith.constant 4 : i32
        %xor3A_959 = vector.broadcast %xor3A_958 : i32 to vector<16xi32>
        %xor3A_960 = arith.xori %iota3A, %xor3A_959 : vector<16xi32>
        %broadcast_in_dim3A_961 = vector.shape_cast %xor3A_960 : vector<16xi32> to vector<16x1xi32>
        %gather3A_962 = vector.shape_cast %broadcast_in_dim3A_961 : vector<16x1xi32> to vector<16xi32>
        %gather3A_963 = tpu.dynamic_gather %add3A_957[%gather3A_962] in [0] : vector<16xf32>, vector<16xi32> -> vector<16xf32>
        %add3A_964 = arith.addf %add3A_957, %gather3A_963 : vector<16xf32>
        %xor3A_965 = arith.constant 2 : i32
        %xor3A_966 = vector.broadcast %xor3A_965 : i32 to vector<16xi32>
        %xor3A_967 = arith.xori %iota3A, %xor3A_966 : vector<16xi32>
        %broadcast_in_dim3A_968 = vector.shape_cast %xor3A_967 : vector<16xi32> to vector<16x1xi32>
        %gather3A_969 = vector.shape_cast %broadcast_in_dim3A_968 : vector<16x1xi32> to vector<16xi32>
        %gather3A_970 = tpu.dynamic_gather %add3A_964[%gather3A_969] in [0] : vector<16xf32>, vector<16xi32> -> vector<16xf32>
        %add3A_971 = arith.addf %add3A_964, %gather3A_970 : vector<16xf32>
        %xor3A_972 = arith.constant 1 : i32
        %xor3A_973 = vector.broadcast %xor3A_972 : i32 to vector<16xi32>
        %xor3A_974 = arith.xori %iota3A, %xor3A_973 : vector<16xi32>
        %broadcast_in_dim3A_975 = vector.shape_cast %xor3A_974 : vector<16xi32> to vector<16x1xi32>
        %gather3A_976 = vector.shape_cast %broadcast_in_dim3A_975 : vector<16x1xi32> to vector<16xi32>
        %gather3A_977 = tpu.dynamic_gather %add3A_971[%gather3A_976] in [0] : vector<16xf32>, vector<16xi32> -> vector<16xf32>
        %add3A_978 = arith.addf %add3A_971, %gather3A_977 : vector<16xf32>
        %eq3A_979 = vector.broadcast %scan3A_769 : i32 to vector<16xi32>
        %eq3A_980 = arith.cmpi eq, %iota3A, %eq3A_979 : vector<16xi32>
        %select_n3A_981 = arith.select %eq3A_980, %add3A_978, %select_n3A : vector<16xi1>, vector<16xf32>
        scf.yield %select_n3A_981 : vector<16xf32>
      }
      %scan3A_550 = arith.constant 16 : i32
      %mul3A_551 = arith.constant 16 : i32
      %mul3A_552 = arith.muli %scan3A_540, %mul3A_551 : i32
      %add3A_553 = arith.constant 256 : i32
      %add3A_554 = arith.addi %add3A_553, %mul3A_552 : i32
      %swap3A = arith.index_cast %add3A_554 : i32 to index
      %swap3A_555 = tpu.vector_load %arg11[%swap3A] {strides = array<i32>} : memref<512xf32, #tpu.memory_space<vmem>>, vector<16xf32>,
      %swap3A_556 = vector.shape_cast %swap3A_555 : vector<16xf32> to vector<16xf32>
      %swap3A_557 = vector.shape_cast %scan3A_549 : vector<16xf32> to vector<16xf32>
      tpu.vector_store %arg11[%swap3A], %swap3A_557 {strides = array<i32>} : memref<512xf32, #tpu.memory_space<vmem>>, vector<16xf32>,
      %scan3A_558 = arith.constant 0 : i32
      scf.yield %scan3A_558 : i32
    }
    %scan3A_378 = arith.constant 4 : i32
    %add3A_379 = arith.constant 256 : i32
    %add3A_380 = arith.addi %mul3A_2, %add3A_379 : i32
    %dma_start3A_381 = arith.constant 256 : i32
    %dma_start3A_382 = tpu.memref_slice %arg11[%dma_start3A_381] : memref<512xf32, #tpu.memory_space<vmem>> -> memref<64xf32, #tpu.memory_space<vmem>>
    %dma_start3A_383 = tpu.memref_slice %arg6[%add3A_380] : memref<16384xf32, #tpu.memory_space<hbm>> -> memref<64xf32, #tpu.memory_space<hbm>>
    %dma_start3A_384 = tpu.memref_slice %arg6[%add3A_380] : memref<16384xf32, #tpu.memory_space<hbm>> -> memref<64xf32, #tpu.memory_space<hbm>>
    %dma_start3A_385 = arith.constant 256 : i32
    %dma_start3A_386 = tpu.memref_slice %arg11[%dma_start3A_385] : memref<512xf32, #tpu.memory_space<vmem>> -> memref<64xf32, #tpu.memory_space<vmem>>
    tpu.enqueue_dma source(%dma_start3A_386 : memref<64xf32, #tpu.memory_space<vmem>>) target(%dma_start3A_384 : memref<64xf32, #tpu.memory_space<hbm>>) target_semaphore(%arg17 : memref<!tpu.dma_semaphore, #tpu.memory_space<semaphore_mem>>)
    %dma_wait3A_387 = arith.constant 1 : i32
    %dma_wait3A_388 = arith.constant 0 : i32
    %dma_wait3A_389 = arith.constant 0 : i32
    %dma_wait3A_390 = tpu.memref_slice %arg9[%dma_wait3A_387, %dma_wait3A_388, %dma_wait3A_389] : memref<4x64x128xf32, #tpu.memory_space<vmem>> -> memref<1x64x128xf32, #tpu.memory_space<vmem>>
    %dma_wait3A_391 = tpu.memref_squeeze %dma_wait3A_390 : memref<1x64x128xf32, #tpu.memory_space<vmem>> -> memref<64x128xf32, #tpu.memory_space<vmem>>
    %dma_wait3A_392 = arith.constant 320 : i32
    %dma_wait3A_393 = tpu.memref_slice %arg7[%dma_wait3A_392] : memref<512xi32, #tpu.memory_space<vmem>> -> memref<64xi32, #tpu.memory_space<vmem>>
    %dma_wait3A_394 = arith.constant 0 : i32
    %dma_wait3A_395 = arith.constant 0 : i32
    %dma_wait3A_396 = tpu.memref_slice %arg4[%dma_wait3A_394, %dma_wait3A_395] : memref<100000x128xf32, #tpu.memory_space<hbm>> -> memref<100000x128xf32, #tpu.memory_space<hbm>>
    tpu.wait_indirect_dma semaphore(%arg13 : memref<!tpu.dma_semaphore, #tpu.memory_space<semaphore_mem>>) src(%dma_wait3A_396 : memref<100000x128xf32, #tpu.memory_space<hbm>>) dst(%dma_wait3A_391 : memref<64x128xf32, #tpu.memory_space<vmem>>)
    %dma_wait3A_397 = arith.constant 1 : i32
    %dma_wait3A_398 = arith.constant 0 : i32
    %dma_wait3A_399 = arith.constant 0 : i32
    %dma_wait3A_400 = tpu.memref_slice %arg10[%dma_wait3A_397, %dma_wait3A_398, %dma_wait3A_399] : memref<4x64x128xf32, #tpu.memory_space<vmem>> -> memref<1x64x128xf32, #tpu.memory_space<vmem>>
    %dma_wait3A_401 = tpu.memref_squeeze %dma_wait3A_400 : memref<1x64x128xf32, #tpu.memory_space<vmem>> -> memref<64x128xf32, #tpu.memory_space<vmem>>
    %dma_wait3A_402 = arith.constant 320 : i32
    %dma_wait3A_403 = tpu.memref_slice %arg8[%dma_wait3A_402] : memref<512xi32, #tpu.memory_space<vmem>> -> memref<64xi32, #tpu.memory_space<vmem>>
    %dma_wait3A_404 = arith.constant 0 : i32
    %dma_wait3A_405 = arith.constant 0 : i32
    %dma_wait3A_406 = tpu.memref_slice %arg5[%dma_wait3A_404, %dma_wait3A_405] : memref<100000x128xf32, #tpu.memory_space<hbm>> -> memref<100000x128xf32, #tpu.memory_space<hbm>>
    tpu.wait_indirect_dma semaphore(%arg13 : memref<!tpu.dma_semaphore, #tpu.memory_space<semaphore_mem>>) src(%dma_wait3A_406 : memref<100000x128xf32, #tpu.memory_space<hbm>>) dst(%dma_wait3A_401 : memref<64x128xf32, #tpu.memory_space<vmem>>)
    %scan3A_407 = arith.constant 0 : i32
    %scan3A_408 = arith.constant 0 : i32
    %scan3A_409 = arith.constant 4 : i32
    %scan3A_410 = arith.addi %scan3A_408, %scan3A_409 : i32
    %scan3A_411 = arith.constant 1 : i32
    %scan3A_412 = scf.for %scan3A_540 = %scan3A_408 to %scan3A_410 step %scan3A_411 iter_args(%scan3A_541 = %scan3A_407) -> (i32)  : i32 {
      %broadcast_in_dim3A = arith.constant 0.000000e+00 : f32
      %broadcast_in_dim3A_542 = vector.broadcast %broadcast_in_dim3A : f32 to vector<16xf32>
      %scan3A_543 = arith.constant 1 : i32
      %scan3A_544 = arith.constant 1 : i32
      %scan3A_545 = arith.constant 0 : i32
      %scan3A_546 = arith.constant 16 : i32
      %scan3A_547 = arith.addi %scan3A_545, %scan3A_546 : i32
      %scan3A_548 = arith.constant 2 : i32
      %scan3A_549 = scf.for %scan3A_559 = %scan3A_545 to %scan3A_547 step %scan3A_548 iter_args(%scan3A_560 = %broadcast_in_dim3A_542) -> (vector<16xf32>)  : i32 {
        %mul3A_561 = arith.constant 16 : i32
        %mul3A_562 = arith.muli %scan3A_540, %mul3A_561 : i32
        %add3A_563 = arith.addi %mul3A_562, %scan3A_559 : i32
        %mul3A_564 = arith.constant 16 : i32
        %mul3A_565 = arith.muli %scan3A_540, %mul3A_564 : i32
        %add3A_566 = arith.addi %mul3A_565, %scan3A_559 : i32
        %get3A = arith.constant 0 : i32
        %get3A_567 = arith.constant 0 : i32
        %get3A_568 = tpu.memref_slice %arg9[%scan3A_543, %get3A, %get3A_567] : memref<4x64x128xf32, #tpu.memory_space<vmem>> -> memref<1x64x128xf32, #tpu.memory_space<vmem>>
        %get3A_569 = tpu.memref_squeeze %get3A_568 : memref<1x64x128xf32, #tpu.memory_space<vmem>> -> memref<64x128xf32, #tpu.memory_space<vmem>>
        %get3A_570 = arith.constant 0 : i32
        %get3A_571 = tpu.memref_slice %get3A_569[%add3A_563, %get3A_570] : memref<64x128xf32, #tpu.memory_space<vmem>> -> memref<1x128xf32, #tpu.memory_space<vmem>>
        %get3A_572 = tpu.memref_squeeze %get3A_571 : memref<1x128xf32, #tpu.memory_space<vmem>> -> memref<128xf32, #tpu.memory_space<vmem>>
        %get3A_573 = arith.constant 0 : index
        %get3A_574 = tpu.vector_load %get3A_572[%get3A_573] {strides = array<i32>} : memref<128xf32, #tpu.memory_space<vmem>>, vector<16xf32>,
        %get3A_575 = vector.shape_cast %get3A_574 : vector<16xf32> to vector<16xf32>
        %get3A_576 = arith.constant 0 : i32
        %get3A_577 = arith.constant 0 : i32
        %get3A_578 = tpu.memref_slice %arg10[%scan3A_544, %get3A_576, %get3A_577] : memref<4x64x128xf32, #tpu.memory_space<vmem>> -> memref<1x64x128xf32, #tpu.memory_space<vmem>>
        %get3A_579 = tpu.memref_squeeze %get3A_578 : memref<1x64x128xf32, #tpu.memory_space<vmem>> -> memref<64x128xf32, #tpu.memory_space<vmem>>
        %get3A_580 = arith.constant 0 : i32
        %get3A_581 = tpu.memref_slice %get3A_579[%add3A_566, %get3A_580] : memref<64x128xf32, #tpu.memory_space<vmem>> -> memref<1x128xf32, #tpu.memory_space<vmem>>
        %get3A_582 = tpu.memref_squeeze %get3A_581 : memref<1x128xf32, #tpu.memory_space<vmem>> -> memref<128xf32, #tpu.memory_space<vmem>>
        %get3A_583 = arith.constant 0 : index
        %get3A_584 = tpu.vector_load %get3A_582[%get3A_583] {strides = array<i32>} : memref<128xf32, #tpu.memory_space<vmem>>, vector<16xf32>,
        %get3A_585 = vector.shape_cast %get3A_584 : vector<16xf32> to vector<16xf32>
        %mul3A_586 = arith.mulf %get3A_575, %get3A_585 : vector<16xf32>
        %get3A_587 = arith.constant 0 : i32
        %get3A_588 = arith.constant 0 : i32
        %get3A_589 = tpu.memref_slice %arg9[%scan3A_543, %get3A_587, %get3A_588] : memref<4x64x128xf32, #tpu.memory_space<vmem>> -> memref<1x64x128xf32, #tpu.memory_space<vmem>>
        %get3A_590 = tpu.memref_squeeze %get3A_589 : memref<1x64x128xf32, #tpu.memory_space<vmem>> -> memref<64x128xf32, #tpu.memory_space<vmem>>
        %get3A_591 = arith.constant 0 : i32
        %get3A_592 = tpu.memref_slice %get3A_590[%add3A_563, %get3A_591] : memref<64x128xf32, #tpu.memory_space<vmem>> -> memref<1x128xf32, #tpu.memory_space<vmem>>
        %get3A_593 = tpu.memref_squeeze %get3A_592 : memref<1x128xf32, #tpu.memory_space<vmem>> -> memref<128xf32, #tpu.memory_space<vmem>>
        %get3A_594 = arith.constant 16 : index
        %get3A_595 = tpu.vector_load %get3A_593[%get3A_594] {strides = array<i32>} : memref<128xf32, #tpu.memory_space<vmem>>, vector<16xf32>,
        %get3A_596 = vector.shape_cast %get3A_595 : vector<16xf32> to vector<16xf32>
        %get3A_597 = arith.constant 0 : i32
        %get3A_598 = arith.constant 0 : i32
        %get3A_599 = tpu.memref_slice %arg10[%scan3A_544, %get3A_597, %get3A_598] : memref<4x64x128xf32, #tpu.memory_space<vmem>> -> memref<1x64x128xf32, #tpu.memory_space<vmem>>
        %get3A_600 = tpu.memref_squeeze %get3A_599 : memref<1x64x128xf32, #tpu.memory_space<vmem>> -> memref<64x128xf32, #tpu.memory_space<vmem>>
        %get3A_601 = arith.constant 0 : i32
        %get3A_602 = tpu.memref_slice %get3A_600[%add3A_566, %get3A_601] : memref<64x128xf32, #tpu.memory_space<vmem>> -> memref<1x128xf32, #tpu.memory_space<vmem>>
        %get3A_603 = tpu.memref_squeeze %get3A_602 : memref<1x128xf32, #tpu.memory_space<vmem>> -> memref<128xf32, #tpu.memory_space<vmem>>
        %get3A_604 = arith.constant 16 : index
        %get3A_605 = tpu.vector_load %get3A_603[%get3A_604] {strides = array<i32>} : memref<128xf32, #tpu.memory_space<vmem>>, vector<16xf32>,
        %get3A_606 = vector.shape_cast %get3A_605 : vector<16xf32> to vector<16xf32>
        %mul3A_607 = arith.mulf %get3A_596, %get3A_606 : vector<16xf32>
        %get3A_608 = arith.constant 0 : i32
        %get3A_609 = arith.constant 0 : i32
        %get3A_610 = tpu.memref_slice %arg9[%scan3A_543, %get3A_608, %get3A_609] : memref<4x64x128xf32, #tpu.memory_space<vmem>> -> memref<1x64x128xf32, #tpu.memory_space<vmem>>
        %get3A_611 = tpu.memref_squeeze %get3A_610 : memref<1x64x128xf32, #tpu.memory_space<vmem>> -> memref<64x128xf32, #tpu.memory_space<vmem>>
        %get3A_612 = arith.constant 0 : i32
        %get3A_613 = tpu.memref_slice %get3A_611[%add3A_563, %get3A_612] : memref<64x128xf32, #tpu.memory_space<vmem>> -> memref<1x128xf32, #tpu.memory_space<vmem>>
        %get3A_614 = tpu.memref_squeeze %get3A_613 : memref<1x128xf32, #tpu.memory_space<vmem>> -> memref<128xf32, #tpu.memory_space<vmem>>
        %get3A_615 = arith.constant 32 : index
        %get3A_616 = tpu.vector_load %get3A_614[%get3A_615] {strides = array<i32>} : memref<128xf32, #tpu.memory_space<vmem>>, vector<16xf32>,
        %get3A_617 = vector.shape_cast %get3A_616 : vector<16xf32> to vector<16xf32>
        %get3A_618 = arith.constant 0 : i32
        %get3A_619 = arith.constant 0 : i32
        %get3A_620 = tpu.memref_slice %arg10[%scan3A_544, %get3A_618, %get3A_619] : memref<4x64x128xf32, #tpu.memory_space<vmem>> -> memref<1x64x128xf32, #tpu.memory_space<vmem>>
        %get3A_621 = tpu.memref_squeeze %get3A_620 : memref<1x64x128xf32, #tpu.memory_space<vmem>> -> memref<64x128xf32, #tpu.memory_space<vmem>>
        %get3A_622 = arith.constant 0 : i32
        %get3A_623 = tpu.memref_slice %get3A_621[%add3A_566, %get3A_622] : memref<64x128xf32, #tpu.memory_space<vmem>> -> memref<1x128xf32, #tpu.memory_space<vmem>>
        %get3A_624 = tpu.memref_squeeze %get3A_623 : memref<1x128xf32, #tpu.memory_space<vmem>> -> memref<128xf32, #tpu.memory_space<vmem>>
        %get3A_625 = arith.constant 32 : index
        %get3A_626 = tpu.vector_load %get3A_624[%get3A_625] {strides = array<i32>} : memref<128xf32, #tpu.memory_space<vmem>>, vector<16xf32>,
        %get3A_627 = vector.shape_cast %get3A_626 : vector<16xf32> to vector<16xf32>
        %mul3A_628 = arith.mulf %get3A_617, %get3A_627 : vector<16xf32>
        %get3A_629 = arith.constant 0 : i32
        %get3A_630 = arith.constant 0 : i32
        %get3A_631 = tpu.memref_slice %arg9[%scan3A_543, %get3A_629, %get3A_630] : memref<4x64x128xf32, #tpu.memory_space<vmem>> -> memref<1x64x128xf32, #tpu.memory_space<vmem>>
        %get3A_632 = tpu.memref_squeeze %get3A_631 : memref<1x64x128xf32, #tpu.memory_space<vmem>> -> memref<64x128xf32, #tpu.memory_space<vmem>>
        %get3A_633 = arith.constant 0 : i32
        %get3A_634 = tpu.memref_slice %get3A_632[%add3A_563, %get3A_633] : memref<64x128xf32, #tpu.memory_space<vmem>> -> memref<1x128xf32, #tpu.memory_space<vmem>>
        %get3A_635 = tpu.memref_squeeze %get3A_634 : memref<1x128xf32, #tpu.memory_space<vmem>> -> memref<128xf32, #tpu.memory_space<vmem>>
        %get3A_636 = arith.constant 48 : index
        %get3A_637 = tpu.vector_load %get3A_635[%get3A_636] {strides = array<i32>} : memref<128xf32, #tpu.memory_space<vmem>>, vector<16xf32>,
        %get3A_638 = vector.shape_cast %get3A_637 : vector<16xf32> to vector<16xf32>
        %get3A_639 = arith.constant 0 : i32
        %get3A_640 = arith.constant 0 : i32
        %get3A_641 = tpu.memref_slice %arg10[%scan3A_544, %get3A_639, %get3A_640] : memref<4x64x128xf32, #tpu.memory_space<vmem>> -> memref<1x64x128xf32, #tpu.memory_space<vmem>>
        %get3A_642 = tpu.memref_squeeze %get3A_641 : memref<1x64x128xf32, #tpu.memory_space<vmem>> -> memref<64x128xf32, #tpu.memory_space<vmem>>
        %get3A_643 = arith.constant 0 : i32
        %get3A_644 = tpu.memref_slice %get3A_642[%add3A_566, %get3A_643] : memref<64x128xf32, #tpu.memory_space<vmem>> -> memref<1x128xf32, #tpu.memory_space<vmem>>
        %get3A_645 = tpu.memref_squeeze %get3A_644 : memref<1x128xf32, #tpu.memory_space<vmem>> -> memref<128xf32, #tpu.memory_space<vmem>>
        %get3A_646 = arith.constant 48 : index
        %get3A_647 = tpu.vector_load %get3A_645[%get3A_646] {strides = array<i32>} : memref<128xf32, #tpu.memory_space<vmem>>, vector<16xf32>,
        %get3A_648 = vector.shape_cast %get3A_647 : vector<16xf32> to vector<16xf32>
        %mul3A_649 = arith.mulf %get3A_638, %get3A_648 : vector<16xf32>
        %get3A_650 = arith.constant 0 : i32
        %get3A_651 = arith.constant 0 : i32
        %get3A_652 = tpu.memref_slice %arg9[%scan3A_543, %get3A_650, %get3A_651] : memref<4x64x128xf32, #tpu.memory_space<vmem>> -> memref<1x64x128xf32, #tpu.memory_space<vmem>>
        %get3A_653 = tpu.memref_squeeze %get3A_652 : memref<1x64x128xf32, #tpu.memory_space<vmem>> -> memref<64x128xf32, #tpu.memory_space<vmem>>
        %get3A_654 = arith.constant 0 : i32
        %get3A_655 = tpu.memref_slice %get3A_653[%add3A_563, %get3A_654] : memref<64x128xf32, #tpu.memory_space<vmem>> -> memref<1x128xf32, #tpu.memory_space<vmem>>
        %get3A_656 = tpu.memref_squeeze %get3A_655 : memref<1x128xf32, #tpu.memory_space<vmem>> -> memref<128xf32, #tpu.memory_space<vmem>>
        %get3A_657 = arith.constant 64 : index
        %get3A_658 = tpu.vector_load %get3A_656[%get3A_657] {strides = array<i32>} : memref<128xf32, #tpu.memory_space<vmem>>, vector<16xf32>,
        %get3A_659 = vector.shape_cast %get3A_658 : vector<16xf32> to vector<16xf32>
        %get3A_660 = arith.constant 0 : i32
        %get3A_661 = arith.constant 0 : i32
        %get3A_662 = tpu.memref_slice %arg10[%scan3A_544, %get3A_660, %get3A_661] : memref<4x64x128xf32, #tpu.memory_space<vmem>> -> memref<1x64x128xf32, #tpu.memory_space<vmem>>
        %get3A_663 = tpu.memref_squeeze %get3A_662 : memref<1x64x128xf32, #tpu.memory_space<vmem>> -> memref<64x128xf32, #tpu.memory_space<vmem>>
        %get3A_664 = arith.constant 0 : i32
        %get3A_665 = tpu.memref_slice %get3A_663[%add3A_566, %get3A_664] : memref<64x128xf32, #tpu.memory_space<vmem>> -> memref<1x128xf32, #tpu.memory_space<vmem>>
        %get3A_666 = tpu.memref_squeeze %get3A_665 : memref<1x128xf32, #tpu.memory_space<vmem>> -> memref<128xf32, #tpu.memory_space<vmem>>
        %get3A_667 = arith.constant 64 : index
        %get3A_668 = tpu.vector_load %get3A_666[%get3A_667] {strides = array<i32>} : memref<128xf32, #tpu.memory_space<vmem>>, vector<16xf32>,
        %get3A_669 = vector.shape_cast %get3A_668 : vector<16xf32> to vector<16xf32>
        %mul3A_670 = arith.mulf %get3A_659, %get3A_669 : vector<16xf32>
        %get3A_671 = arith.constant 0 : i32
        %get3A_672 = arith.constant 0 : i32
        %get3A_673 = tpu.memref_slice %arg9[%scan3A_543, %get3A_671, %get3A_672] : memref<4x64x128xf32, #tpu.memory_space<vmem>> -> memref<1x64x128xf32, #tpu.memory_space<vmem>>
        %get3A_674 = tpu.memref_squeeze %get3A_673 : memref<1x64x128xf32, #tpu.memory_space<vmem>> -> memref<64x128xf32, #tpu.memory_space<vmem>>
        %get3A_675 = arith.constant 0 : i32
        %get3A_676 = tpu.memref_slice %get3A_674[%add3A_563, %get3A_675] : memref<64x128xf32, #tpu.memory_space<vmem>> -> memref<1x128xf32, #tpu.memory_space<vmem>>
        %get3A_677 = tpu.memref_squeeze %get3A_676 : memref<1x128xf32, #tpu.memory_space<vmem>> -> memref<128xf32, #tpu.memory_space<vmem>>
        %get3A_678 = arith.constant 80 : index
        %get3A_679 = tpu.vector_load %get3A_677[%get3A_678] {strides = array<i32>} : memref<128xf32, #tpu.memory_space<vmem>>, vector<16xf32>,
        %get3A_680 = vector.shape_cast %get3A_679 : vector<16xf32> to vector<16xf32>
        %get3A_681 = arith.constant 0 : i32
        %get3A_682 = arith.constant 0 : i32
        %get3A_683 = tpu.memref_slice %arg10[%scan3A_544, %get3A_681, %get3A_682] : memref<4x64x128xf32, #tpu.memory_space<vmem>> -> memref<1x64x128xf32, #tpu.memory_space<vmem>>
        %get3A_684 = tpu.memref_squeeze %get3A_683 : memref<1x64x128xf32, #tpu.memory_space<vmem>> -> memref<64x128xf32, #tpu.memory_space<vmem>>
        %get3A_685 = arith.constant 0 : i32
        %get3A_686 = tpu.memref_slice %get3A_684[%add3A_566, %get3A_685] : memref<64x128xf32, #tpu.memory_space<vmem>> -> memref<1x128xf32, #tpu.memory_space<vmem>>
        %get3A_687 = tpu.memref_squeeze %get3A_686 : memref<1x128xf32, #tpu.memory_space<vmem>> -> memref<128xf32, #tpu.memory_space<vmem>>
        %get3A_688 = arith.constant 80 : index
        %get3A_689 = tpu.vector_load %get3A_687[%get3A_688] {strides = array<i32>} : memref<128xf32, #tpu.memory_space<vmem>>, vector<16xf32>,
        %get3A_690 = vector.shape_cast %get3A_689 : vector<16xf32> to vector<16xf32>
        %mul3A_691 = arith.mulf %get3A_680, %get3A_690 : vector<16xf32>
        %get3A_692 = arith.constant 0 : i32
        %get3A_693 = arith.constant 0 : i32
        %get3A_694 = tpu.memref_slice %arg9[%scan3A_543, %get3A_692, %get3A_693] : memref<4x64x128xf32, #tpu.memory_space<vmem>> -> memref<1x64x128xf32, #tpu.memory_space<vmem>>
        %get3A_695 = tpu.memref_squeeze %get3A_694 : memref<1x64x128xf32, #tpu.memory_space<vmem>> -> memref<64x128xf32, #tpu.memory_space<vmem>>
        %get3A_696 = arith.constant 0 : i32
        %get3A_697 = tpu.memref_slice %get3A_695[%add3A_563, %get3A_696] : memref<64x128xf32, #tpu.memory_space<vmem>> -> memref<1x128xf32, #tpu.memory_space<vmem>>
        %get3A_698 = tpu.memref_squeeze %get3A_697 : memref<1x128xf32, #tpu.memory_space<vmem>> -> memref<128xf32, #tpu.memory_space<vmem>>
        %get3A_699 = arith.constant 96 : index
        %get3A_700 = tpu.vector_load %get3A_698[%get3A_699] {strides = array<i32>} : memref<128xf32, #tpu.memory_space<vmem>>, vector<16xf32>,
        %get3A_701 = vector.shape_cast %get3A_700 : vector<16xf32> to vector<16xf32>
        %get3A_702 = arith.constant 0 : i32
        %get3A_703 = arith.constant 0 : i32
        %get3A_704 = tpu.memref_slice %arg10[%scan3A_544, %get3A_702, %get3A_703] : memref<4x64x128xf32, #tpu.memory_space<vmem>> -> memref<1x64x128xf32, #tpu.memory_space<vmem>>
        %get3A_705 = tpu.memref_squeeze %get3A_704 : memref<1x64x128xf32, #tpu.memory_space<vmem>> -> memref<64x128xf32, #tpu.memory_space<vmem>>
        %get3A_706 = arith.constant 0 : i32
        %get3A_707 = tpu.memref_slice %get3A_705[%add3A_566, %get3A_706] : memref<64x128xf32, #tpu.memory_space<vmem>> -> memref<1x128xf32, #tpu.memory_space<vmem>>
        %get3A_708 = tpu.memref_squeeze %get3A_707 : memref<1x128xf32, #tpu.memory_space<vmem>> -> memref<128xf32, #tpu.memory_space<vmem>>
        %get3A_709 = arith.constant 96 : index
        %get3A_710 = tpu.vector_load %get3A_708[%get3A_709] {strides = array<i32>} : memref<128xf32, #tpu.memory_space<vmem>>, vector<16xf32>,
        %get3A_711 = vector.shape_cast %get3A_710 : vector<16xf32> to vector<16xf32>
        %mul3A_712 = arith.mulf %get3A_701, %get3A_711 : vector<16xf32>
        %get3A_713 = arith.constant 0 : i32
        %get3A_714 = arith.constant 0 : i32
        %get3A_715 = tpu.memref_slice %arg9[%scan3A_543, %get3A_713, %get3A_714] : memref<4x64x128xf32, #tpu.memory_space<vmem>> -> memref<1x64x128xf32, #tpu.memory_space<vmem>>
        %get3A_716 = tpu.memref_squeeze %get3A_715 : memref<1x64x128xf32, #tpu.memory_space<vmem>> -> memref<64x128xf32, #tpu.memory_space<vmem>>
        %get3A_717 = arith.constant 0 : i32
        %get3A_718 = tpu.memref_slice %get3A_716[%add3A_563, %get3A_717] : memref<64x128xf32, #tpu.memory_space<vmem>> -> memref<1x128xf32, #tpu.memory_space<vmem>>
        %get3A_719 = tpu.memref_squeeze %get3A_718 : memref<1x128xf32, #tpu.memory_space<vmem>> -> memref<128xf32, #tpu.memory_space<vmem>>
        %get3A_720 = arith.constant 112 : index
        %get3A_721 = tpu.vector_load %get3A_719[%get3A_720] {strides = array<i32>} : memref<128xf32, #tpu.memory_space<vmem>>, vector<16xf32>,
        %get3A_722 = vector.shape_cast %get3A_721 : vector<16xf32> to vector<16xf32>
        %get3A_723 = arith.constant 0 : i32
        %get3A_724 = arith.constant 0 : i32
        %get3A_725 = tpu.memref_slice %arg10[%scan3A_544, %get3A_723, %get3A_724] : memref<4x64x128xf32, #tpu.memory_space<vmem>> -> memref<1x64x128xf32, #tpu.memory_space<vmem>>
        %get3A_726 = tpu.memref_squeeze %get3A_725 : memref<1x64x128xf32, #tpu.memory_space<vmem>> -> memref<64x128xf32, #tpu.memory_space<vmem>>
        %get3A_727 = arith.constant 0 : i32
        %get3A_728 = tpu.memref_slice %get3A_726[%add3A_566, %get3A_727] : memref<64x128xf32, #tpu.memory_space<vmem>> -> memref<1x128xf32, #tpu.memory_space<vmem>>
        %get3A_729 = tpu.memref_squeeze %get3A_728 : memref<1x128xf32, #tpu.memory_space<vmem>> -> memref<128xf32, #tpu.memory_space<vmem>>
        %get3A_730 = arith.constant 112 : index
        %get3A_731 = tpu.vector_load %get3A_729[%get3A_730] {strides = array<i32>} : memref<128xf32, #tpu.memory_space<vmem>>, vector<16xf32>,
        %get3A_732 = vector.shape_cast %get3A_731 : vector<16xf32> to vector<16xf32>
        %mul3A_733 = arith.mulf %get3A_722, %get3A_732 : vector<16xf32>
        %add3A_734 = arith.addf %mul3A_586, %mul3A_607 : vector<16xf32>
        %add3A_735 = arith.addf %mul3A_628, %mul3A_649 : vector<16xf32>
        %add3A_736 = arith.addf %mul3A_670, %mul3A_691 : vector<16xf32>
        %add3A_737 = arith.addf %mul3A_712, %mul3A_733 : vector<16xf32>
        %add3A_738 = arith.addf %add3A_734, %add3A_735 : vector<16xf32>
        %add3A_739 = arith.addf %add3A_736, %add3A_737 : vector<16xf32>
        %add3A_740 = arith.addf %add3A_738, %add3A_739 : vector<16xf32>
        %xor3A = arith.constant 8 : i32
        %xor3A_741 = vector.broadcast %xor3A : i32 to vector<16xi32>
        %xor3A_742 = arith.xori %iota3A, %xor3A_741 : vector<16xi32>
        %broadcast_in_dim3A_743 = vector.shape_cast %xor3A_742 : vector<16xi32> to vector<16x1xi32>
        %gather3A = vector.shape_cast %broadcast_in_dim3A_743 : vector<16x1xi32> to vector<16xi32>
        %gather3A_744 = tpu.dynamic_gather %add3A_740[%gather3A] in [0] : vector<16xf32>, vector<16xi32> -> vector<16xf32>
        %add3A_745 = arith.addf %add3A_740, %gather3A_744 : vector<16xf32>
        %xor3A_746 = arith.constant 4 : i32
        %xor3A_747 = vector.broadcast %xor3A_746 : i32 to vector<16xi32>
        %xor3A_748 = arith.xori %iota3A, %xor3A_747 : vector<16xi32>
        %broadcast_in_dim3A_749 = vector.shape_cast %xor3A_748 : vector<16xi32> to vector<16x1xi32>
        %gather3A_750 = vector.shape_cast %broadcast_in_dim3A_749 : vector<16x1xi32> to vector<16xi32>
        %gather3A_751 = tpu.dynamic_gather %add3A_745[%gather3A_750] in [0] : vector<16xf32>, vector<16xi32> -> vector<16xf32>
        %add3A_752 = arith.addf %add3A_745, %gather3A_751 : vector<16xf32>
        %xor3A_753 = arith.constant 2 : i32
        %xor3A_754 = vector.broadcast %xor3A_753 : i32 to vector<16xi32>
        %xor3A_755 = arith.xori %iota3A, %xor3A_754 : vector<16xi32>
        %broadcast_in_dim3A_756 = vector.shape_cast %xor3A_755 : vector<16xi32> to vector<16x1xi32>
        %gather3A_757 = vector.shape_cast %broadcast_in_dim3A_756 : vector<16x1xi32> to vector<16xi32>
        %gather3A_758 = tpu.dynamic_gather %add3A_752[%gather3A_757] in [0] : vector<16xf32>, vector<16xi32> -> vector<16xf32>
        %add3A_759 = arith.addf %add3A_752, %gather3A_758 : vector<16xf32>
        %xor3A_760 = arith.constant 1 : i32
        %xor3A_761 = vector.broadcast %xor3A_760 : i32 to vector<16xi32>
        %xor3A_762 = arith.xori %iota3A, %xor3A_761 : vector<16xi32>
        %broadcast_in_dim3A_763 = vector.shape_cast %xor3A_762 : vector<16xi32> to vector<16x1xi32>
        %gather3A_764 = vector.shape_cast %broadcast_in_dim3A_763 : vector<16x1xi32> to vector<16xi32>
        %gather3A_765 = tpu.dynamic_gather %add3A_759[%gather3A_764] in [0] : vector<16xf32>, vector<16xi32> -> vector<16xf32>
        %add3A_766 = arith.addf %add3A_759, %gather3A_765 : vector<16xf32>
        %eq3A = vector.broadcast %scan3A_559 : i32 to vector<16xi32>
        %eq3A_767 = arith.cmpi eq, %iota3A, %eq3A : vector<16xi32>
        %select_n3A = arith.select %eq3A_767, %add3A_766, %scan3A_560 : vector<16xi1>, vector<16xf32>
        %scan3A_768 = arith.constant 1 : i32
        %scan3A_769 = arith.addi %scan3A_559, %scan3A_768 : i32
        %mul3A_770 = arith.constant 16 : i32
        %mul3A_771 = arith.muli %scan3A_540, %mul3A_770 : i32
        %add3A_772 = arith.addi %mul3A_771, %scan3A_769 : i32
        %mul3A_773 = arith.constant 16 : i32
        %mul3A_774 = arith.muli %scan3A_540, %mul3A_773 : i32
        %add3A_775 = arith.addi %mul3A_774, %scan3A_769 : i32
        %get3A_776 = arith.constant 0 : i32
        %get3A_777 = arith.constant 0 : i32
        %get3A_778 = tpu.memref_slice %arg9[%scan3A_543, %get3A_776, %get3A_777] : memref<4x64x128xf32, #tpu.memory_space<vmem>> -> memref<1x64x128xf32, #tpu.memory_space<vmem>>
        %get3A_779 = tpu.memref_squeeze %get3A_778 : memref<1x64x128xf32, #tpu.memory_space<vmem>> -> memref<64x128xf32, #tpu.memory_space<vmem>>
        %get3A_780 = arith.constant 0 : i32
        %get3A_781 = tpu.memref_slice %get3A_779[%add3A_772, %get3A_780] : memref<64x128xf32, #tpu.memory_space<vmem>> -> memref<1x128xf32, #tpu.memory_space<vmem>>
        %get3A_782 = tpu.memref_squeeze %get3A_781 : memref<1x128xf32, #tpu.memory_space<vmem>> -> memref<128xf32, #tpu.memory_space<vmem>>
        %get3A_783 = arith.constant 0 : index
        %get3A_784 = tpu.vector_load %get3A_782[%get3A_783] {strides = array<i32>} : memref<128xf32, #tpu.memory_space<vmem>>, vector<16xf32>,
        %get3A_785 = vector.shape_cast %get3A_784 : vector<16xf32> to vector<16xf32>
        %get3A_786 = arith.constant 0 : i32
        %get3A_787 = arith.constant 0 : i32
        %get3A_788 = tpu.memref_slice %arg10[%scan3A_544, %get3A_786, %get3A_787] : memref<4x64x128xf32, #tpu.memory_space<vmem>> -> memref<1x64x128xf32, #tpu.memory_space<vmem>>
        %get3A_789 = tpu.memref_squeeze %get3A_788 : memref<1x64x128xf32, #tpu.memory_space<vmem>> -> memref<64x128xf32, #tpu.memory_space<vmem>>
        %get3A_790 = arith.constant 0 : i32
        %get3A_791 = tpu.memref_slice %get3A_789[%add3A_775, %get3A_790] : memref<64x128xf32, #tpu.memory_space<vmem>> -> memref<1x128xf32, #tpu.memory_space<vmem>>
        %get3A_792 = tpu.memref_squeeze %get3A_791 : memref<1x128xf32, #tpu.memory_space<vmem>> -> memref<128xf32, #tpu.memory_space<vmem>>
        %get3A_793 = arith.constant 0 : index
        %get3A_794 = tpu.vector_load %get3A_792[%get3A_793] {strides = array<i32>} : memref<128xf32, #tpu.memory_space<vmem>>, vector<16xf32>,
        %get3A_795 = vector.shape_cast %get3A_794 : vector<16xf32> to vector<16xf32>
        %mul3A_796 = arith.mulf %get3A_785, %get3A_795 : vector<16xf32>
        %get3A_797 = arith.constant 0 : i32
        %get3A_798 = arith.constant 0 : i32
        %get3A_799 = tpu.memref_slice %arg9[%scan3A_543, %get3A_797, %get3A_798] : memref<4x64x128xf32, #tpu.memory_space<vmem>> -> memref<1x64x128xf32, #tpu.memory_space<vmem>>
        %get3A_800 = tpu.memref_squeeze %get3A_799 : memref<1x64x128xf32, #tpu.memory_space<vmem>> -> memref<64x128xf32, #tpu.memory_space<vmem>>
        %get3A_801 = arith.constant 0 : i32
        %get3A_802 = tpu.memref_slice %get3A_800[%add3A_772, %get3A_801] : memref<64x128xf32, #tpu.memory_space<vmem>> -> memref<1x128xf32, #tpu.memory_space<vmem>>
        %get3A_803 = tpu.memref_squeeze %get3A_802 : memref<1x128xf32, #tpu.memory_space<vmem>> -> memref<128xf32, #tpu.memory_space<vmem>>
        %get3A_804 = arith.constant 16 : index
        %get3A_805 = tpu.vector_load %get3A_803[%get3A_804] {strides = array<i32>} : memref<128xf32, #tpu.memory_space<vmem>>, vector<16xf32>,
        %get3A_806 = vector.shape_cast %get3A_805 : vector<16xf32> to vector<16xf32>
        %get3A_807 = arith.constant 0 : i32
        %get3A_808 = arith.constant 0 : i32
        %get3A_809 = tpu.memref_slice %arg10[%scan3A_544, %get3A_807, %get3A_808] : memref<4x64x128xf32, #tpu.memory_space<vmem>> -> memref<1x64x128xf32, #tpu.memory_space<vmem>>
        %get3A_810 = tpu.memref_squeeze %get3A_809 : memref<1x64x128xf32, #tpu.memory_space<vmem>> -> memref<64x128xf32, #tpu.memory_space<vmem>>
        %get3A_811 = arith.constant 0 : i32
        %get3A_812 = tpu.memref_slice %get3A_810[%add3A_775, %get3A_811] : memref<64x128xf32, #tpu.memory_space<vmem>> -> memref<1x128xf32, #tpu.memory_space<vmem>>
        %get3A_813 = tpu.memref_squeeze %get3A_812 : memref<1x128xf32, #tpu.memory_space<vmem>> -> memref<128xf32, #tpu.memory_space<vmem>>
        %get3A_814 = arith.constant 16 : index
        %get3A_815 = tpu.vector_load %get3A_813[%get3A_814] {strides = array<i32>} : memref<128xf32, #tpu.memory_space<vmem>>, vector<16xf32>,
        %get3A_816 = vector.shape_cast %get3A_815 : vector<16xf32> to vector<16xf32>
        %mul3A_817 = arith.mulf %get3A_806, %get3A_816 : vector<16xf32>
        %get3A_818 = arith.constant 0 : i32
        %get3A_819 = arith.constant 0 : i32
        %get3A_820 = tpu.memref_slice %arg9[%scan3A_543, %get3A_818, %get3A_819] : memref<4x64x128xf32, #tpu.memory_space<vmem>> -> memref<1x64x128xf32, #tpu.memory_space<vmem>>
        %get3A_821 = tpu.memref_squeeze %get3A_820 : memref<1x64x128xf32, #tpu.memory_space<vmem>> -> memref<64x128xf32, #tpu.memory_space<vmem>>
        %get3A_822 = arith.constant 0 : i32
        %get3A_823 = tpu.memref_slice %get3A_821[%add3A_772, %get3A_822] : memref<64x128xf32, #tpu.memory_space<vmem>> -> memref<1x128xf32, #tpu.memory_space<vmem>>
        %get3A_824 = tpu.memref_squeeze %get3A_823 : memref<1x128xf32, #tpu.memory_space<vmem>> -> memref<128xf32, #tpu.memory_space<vmem>>
        %get3A_825 = arith.constant 32 : index
        %get3A_826 = tpu.vector_load %get3A_824[%get3A_825] {strides = array<i32>} : memref<128xf32, #tpu.memory_space<vmem>>, vector<16xf32>,
        %get3A_827 = vector.shape_cast %get3A_826 : vector<16xf32> to vector<16xf32>
        %get3A_828 = arith.constant 0 : i32
        %get3A_829 = arith.constant 0 : i32
        %get3A_830 = tpu.memref_slice %arg10[%scan3A_544, %get3A_828, %get3A_829] : memref<4x64x128xf32, #tpu.memory_space<vmem>> -> memref<1x64x128xf32, #tpu.memory_space<vmem>>
        %get3A_831 = tpu.memref_squeeze %get3A_830 : memref<1x64x128xf32, #tpu.memory_space<vmem>> -> memref<64x128xf32, #tpu.memory_space<vmem>>
        %get3A_832 = arith.constant 0 : i32
        %get3A_833 = tpu.memref_slice %get3A_831[%add3A_775, %get3A_832] : memref<64x128xf32, #tpu.memory_space<vmem>> -> memref<1x128xf32, #tpu.memory_space<vmem>>
        %get3A_834 = tpu.memref_squeeze %get3A_833 : memref<1x128xf32, #tpu.memory_space<vmem>> -> memref<128xf32, #tpu.memory_space<vmem>>
        %get3A_835 = arith.constant 32 : index
        %get3A_836 = tpu.vector_load %get3A_834[%get3A_835] {strides = array<i32>} : memref<128xf32, #tpu.memory_space<vmem>>, vector<16xf32>,
        %get3A_837 = vector.shape_cast %get3A_836 : vector<16xf32> to vector<16xf32>
        %mul3A_838 = arith.mulf %get3A_827, %get3A_837 : vector<16xf32>
        %get3A_839 = arith.constant 0 : i32
        %get3A_840 = arith.constant 0 : i32
        %get3A_841 = tpu.memref_slice %arg9[%scan3A_543, %get3A_839, %get3A_840] : memref<4x64x128xf32, #tpu.memory_space<vmem>> -> memref<1x64x128xf32, #tpu.memory_space<vmem>>
        %get3A_842 = tpu.memref_squeeze %get3A_841 : memref<1x64x128xf32, #tpu.memory_space<vmem>> -> memref<64x128xf32, #tpu.memory_space<vmem>>
        %get3A_843 = arith.constant 0 : i32
        %get3A_844 = tpu.memref_slice %get3A_842[%add3A_772, %get3A_843] : memref<64x128xf32, #tpu.memory_space<vmem>> -> memref<1x128xf32, #tpu.memory_space<vmem>>
        %get3A_845 = tpu.memref_squeeze %get3A_844 : memref<1x128xf32, #tpu.memory_space<vmem>> -> memref<128xf32, #tpu.memory_space<vmem>>
        %get3A_846 = arith.constant 48 : index
        %get3A_847 = tpu.vector_load %get3A_845[%get3A_846] {strides = array<i32>} : memref<128xf32, #tpu.memory_space<vmem>>, vector<16xf32>,
        %get3A_848 = vector.shape_cast %get3A_847 : vector<16xf32> to vector<16xf32>
        %get3A_849 = arith.constant 0 : i32
        %get3A_850 = arith.constant 0 : i32
        %get3A_851 = tpu.memref_slice %arg10[%scan3A_544, %get3A_849, %get3A_850] : memref<4x64x128xf32, #tpu.memory_space<vmem>> -> memref<1x64x128xf32, #tpu.memory_space<vmem>>
        %get3A_852 = tpu.memref_squeeze %get3A_851 : memref<1x64x128xf32, #tpu.memory_space<vmem>> -> memref<64x128xf32, #tpu.memory_space<vmem>>
        %get3A_853 = arith.constant 0 : i32
        %get3A_854 = tpu.memref_slice %get3A_852[%add3A_775, %get3A_853] : memref<64x128xf32, #tpu.memory_space<vmem>> -> memref<1x128xf32, #tpu.memory_space<vmem>>
        %get3A_855 = tpu.memref_squeeze %get3A_854 : memref<1x128xf32, #tpu.memory_space<vmem>> -> memref<128xf32, #tpu.memory_space<vmem>>
        %get3A_856 = arith.constant 48 : index
        %get3A_857 = tpu.vector_load %get3A_855[%get3A_856] {strides = array<i32>} : memref<128xf32, #tpu.memory_space<vmem>>, vector<16xf32>,
        %get3A_858 = vector.shape_cast %get3A_857 : vector<16xf32> to vector<16xf32>
        %mul3A_859 = arith.mulf %get3A_848, %get3A_858 : vector<16xf32>
        %get3A_860 = arith.constant 0 : i32
        %get3A_861 = arith.constant 0 : i32
        %get3A_862 = tpu.memref_slice %arg9[%scan3A_543, %get3A_860, %get3A_861] : memref<4x64x128xf32, #tpu.memory_space<vmem>> -> memref<1x64x128xf32, #tpu.memory_space<vmem>>
        %get3A_863 = tpu.memref_squeeze %get3A_862 : memref<1x64x128xf32, #tpu.memory_space<vmem>> -> memref<64x128xf32, #tpu.memory_space<vmem>>
        %get3A_864 = arith.constant 0 : i32
        %get3A_865 = tpu.memref_slice %get3A_863[%add3A_772, %get3A_864] : memref<64x128xf32, #tpu.memory_space<vmem>> -> memref<1x128xf32, #tpu.memory_space<vmem>>
        %get3A_866 = tpu.memref_squeeze %get3A_865 : memref<1x128xf32, #tpu.memory_space<vmem>> -> memref<128xf32, #tpu.memory_space<vmem>>
        %get3A_867 = arith.constant 64 : index
        %get3A_868 = tpu.vector_load %get3A_866[%get3A_867] {strides = array<i32>} : memref<128xf32, #tpu.memory_space<vmem>>, vector<16xf32>,
        %get3A_869 = vector.shape_cast %get3A_868 : vector<16xf32> to vector<16xf32>
        %get3A_870 = arith.constant 0 : i32
        %get3A_871 = arith.constant 0 : i32
        %get3A_872 = tpu.memref_slice %arg10[%scan3A_544, %get3A_870, %get3A_871] : memref<4x64x128xf32, #tpu.memory_space<vmem>> -> memref<1x64x128xf32, #tpu.memory_space<vmem>>
        %get3A_873 = tpu.memref_squeeze %get3A_872 : memref<1x64x128xf32, #tpu.memory_space<vmem>> -> memref<64x128xf32, #tpu.memory_space<vmem>>
        %get3A_874 = arith.constant 0 : i32
        %get3A_875 = tpu.memref_slice %get3A_873[%add3A_775, %get3A_874] : memref<64x128xf32, #tpu.memory_space<vmem>> -> memref<1x128xf32, #tpu.memory_space<vmem>>
        %get3A_876 = tpu.memref_squeeze %get3A_875 : memref<1x128xf32, #tpu.memory_space<vmem>> -> memref<128xf32, #tpu.memory_space<vmem>>
        %get3A_877 = arith.constant 64 : index
        %get3A_878 = tpu.vector_load %get3A_876[%get3A_877] {strides = array<i32>} : memref<128xf32, #tpu.memory_space<vmem>>, vector<16xf32>,
        %get3A_879 = vector.shape_cast %get3A_878 : vector<16xf32> to vector<16xf32>
        %mul3A_880 = arith.mulf %get3A_869, %get3A_879 : vector<16xf32>
        %get3A_881 = arith.constant 0 : i32
        %get3A_882 = arith.constant 0 : i32
        %get3A_883 = tpu.memref_slice %arg9[%scan3A_543, %get3A_881, %get3A_882] : memref<4x64x128xf32, #tpu.memory_space<vmem>> -> memref<1x64x128xf32, #tpu.memory_space<vmem>>
        %get3A_884 = tpu.memref_squeeze %get3A_883 : memref<1x64x128xf32, #tpu.memory_space<vmem>> -> memref<64x128xf32, #tpu.memory_space<vmem>>
        %get3A_885 = arith.constant 0 : i32
        %get3A_886 = tpu.memref_slice %get3A_884[%add3A_772, %get3A_885] : memref<64x128xf32, #tpu.memory_space<vmem>> -> memref<1x128xf32, #tpu.memory_space<vmem>>
        %get3A_887 = tpu.memref_squeeze %get3A_886 : memref<1x128xf32, #tpu.memory_space<vmem>> -> memref<128xf32, #tpu.memory_space<vmem>>
        %get3A_888 = arith.constant 80 : index
        %get3A_889 = tpu.vector_load %get3A_887[%get3A_888] {strides = array<i32>} : memref<128xf32, #tpu.memory_space<vmem>>, vector<16xf32>,
        %get3A_890 = vector.shape_cast %get3A_889 : vector<16xf32> to vector<16xf32>
        %get3A_891 = arith.constant 0 : i32
        %get3A_892 = arith.constant 0 : i32
        %get3A_893 = tpu.memref_slice %arg10[%scan3A_544, %get3A_891, %get3A_892] : memref<4x64x128xf32, #tpu.memory_space<vmem>> -> memref<1x64x128xf32, #tpu.memory_space<vmem>>
        %get3A_894 = tpu.memref_squeeze %get3A_893 : memref<1x64x128xf32, #tpu.memory_space<vmem>> -> memref<64x128xf32, #tpu.memory_space<vmem>>
        %get3A_895 = arith.constant 0 : i32
        %get3A_896 = tpu.memref_slice %get3A_894[%add3A_775, %get3A_895] : memref<64x128xf32, #tpu.memory_space<vmem>> -> memref<1x128xf32, #tpu.memory_space<vmem>>
        %get3A_897 = tpu.memref_squeeze %get3A_896 : memref<1x128xf32, #tpu.memory_space<vmem>> -> memref<128xf32, #tpu.memory_space<vmem>>
        %get3A_898 = arith.constant 80 : index
        %get3A_899 = tpu.vector_load %get3A_897[%get3A_898] {strides = array<i32>} : memref<128xf32, #tpu.memory_space<vmem>>, vector<16xf32>,
        %get3A_900 = vector.shape_cast %get3A_899 : vector<16xf32> to vector<16xf32>
        %mul3A_901 = arith.mulf %get3A_890, %get3A_900 : vector<16xf32>
        %get3A_902 = arith.constant 0 : i32
        %get3A_903 = arith.constant 0 : i32
        %get3A_904 = tpu.memref_slice %arg9[%scan3A_543, %get3A_902, %get3A_903] : memref<4x64x128xf32, #tpu.memory_space<vmem>> -> memref<1x64x128xf32, #tpu.memory_space<vmem>>
        %get3A_905 = tpu.memref_squeeze %get3A_904 : memref<1x64x128xf32, #tpu.memory_space<vmem>> -> memref<64x128xf32, #tpu.memory_space<vmem>>
        %get3A_906 = arith.constant 0 : i32
        %get3A_907 = tpu.memref_slice %get3A_905[%add3A_772, %get3A_906] : memref<64x128xf32, #tpu.memory_space<vmem>> -> memref<1x128xf32, #tpu.memory_space<vmem>>
        %get3A_908 = tpu.memref_squeeze %get3A_907 : memref<1x128xf32, #tpu.memory_space<vmem>> -> memref<128xf32, #tpu.memory_space<vmem>>
        %get3A_909 = arith.constant 96 : index
        %get3A_910 = tpu.vector_load %get3A_908[%get3A_909] {strides = array<i32>} : memref<128xf32, #tpu.memory_space<vmem>>, vector<16xf32>,
        %get3A_911 = vector.shape_cast %get3A_910 : vector<16xf32> to vector<16xf32>
        %get3A_912 = arith.constant 0 : i32
        %get3A_913 = arith.constant 0 : i32
        %get3A_914 = tpu.memref_slice %arg10[%scan3A_544, %get3A_912, %get3A_913] : memref<4x64x128xf32, #tpu.memory_space<vmem>> -> memref<1x64x128xf32, #tpu.memory_space<vmem>>
        %get3A_915 = tpu.memref_squeeze %get3A_914 : memref<1x64x128xf32, #tpu.memory_space<vmem>> -> memref<64x128xf32, #tpu.memory_space<vmem>>
        %get3A_916 = arith.constant 0 : i32
        %get3A_917 = tpu.memref_slice %get3A_915[%add3A_775, %get3A_916] : memref<64x128xf32, #tpu.memory_space<vmem>> -> memref<1x128xf32, #tpu.memory_space<vmem>>
        %get3A_918 = tpu.memref_squeeze %get3A_917 : memref<1x128xf32, #tpu.memory_space<vmem>> -> memref<128xf32, #tpu.memory_space<vmem>>
        %get3A_919 = arith.constant 96 : index
        %get3A_920 = tpu.vector_load %get3A_918[%get3A_919] {strides = array<i32>} : memref<128xf32, #tpu.memory_space<vmem>>, vector<16xf32>,
        %get3A_921 = vector.shape_cast %get3A_920 : vector<16xf32> to vector<16xf32>
        %mul3A_922 = arith.mulf %get3A_911, %get3A_921 : vector<16xf32>
        %get3A_923 = arith.constant 0 : i32
        %get3A_924 = arith.constant 0 : i32
        %get3A_925 = tpu.memref_slice %arg9[%scan3A_543, %get3A_923, %get3A_924] : memref<4x64x128xf32, #tpu.memory_space<vmem>> -> memref<1x64x128xf32, #tpu.memory_space<vmem>>
        %get3A_926 = tpu.memref_squeeze %get3A_925 : memref<1x64x128xf32, #tpu.memory_space<vmem>> -> memref<64x128xf32, #tpu.memory_space<vmem>>
        %get3A_927 = arith.constant 0 : i32
        %get3A_928 = tpu.memref_slice %get3A_926[%add3A_772, %get3A_927] : memref<64x128xf32, #tpu.memory_space<vmem>> -> memref<1x128xf32, #tpu.memory_space<vmem>>
        %get3A_929 = tpu.memref_squeeze %get3A_928 : memref<1x128xf32, #tpu.memory_space<vmem>> -> memref<128xf32, #tpu.memory_space<vmem>>
        %get3A_930 = arith.constant 112 : index
        %get3A_931 = tpu.vector_load %get3A_929[%get3A_930] {strides = array<i32>} : memref<128xf32, #tpu.memory_space<vmem>>, vector<16xf32>,
        %get3A_932 = vector.shape_cast %get3A_931 : vector<16xf32> to vector<16xf32>
        %get3A_933 = arith.constant 0 : i32
        %get3A_934 = arith.constant 0 : i32
        %get3A_935 = tpu.memref_slice %arg10[%scan3A_544, %get3A_933, %get3A_934] : memref<4x64x128xf32, #tpu.memory_space<vmem>> -> memref<1x64x128xf32, #tpu.memory_space<vmem>>
        %get3A_936 = tpu.memref_squeeze %get3A_935 : memref<1x64x128xf32, #tpu.memory_space<vmem>> -> memref<64x128xf32, #tpu.memory_space<vmem>>
        %get3A_937 = arith.constant 0 : i32
        %get3A_938 = tpu.memref_slice %get3A_936[%add3A_775, %get3A_937] : memref<64x128xf32, #tpu.memory_space<vmem>> -> memref<1x128xf32, #tpu.memory_space<vmem>>
        %get3A_939 = tpu.memref_squeeze %get3A_938 : memref<1x128xf32, #tpu.memory_space<vmem>> -> memref<128xf32, #tpu.memory_space<vmem>>
        %get3A_940 = arith.constant 112 : index
        %get3A_941 = tpu.vector_load %get3A_939[%get3A_940] {strides = array<i32>} : memref<128xf32, #tpu.memory_space<vmem>>, vector<16xf32>,
        %get3A_942 = vector.shape_cast %get3A_941 : vector<16xf32> to vector<16xf32>
        %mul3A_943 = arith.mulf %get3A_932, %get3A_942 : vector<16xf32>
        %add3A_944 = arith.addf %mul3A_796, %mul3A_817 : vector<16xf32>
        %add3A_945 = arith.addf %mul3A_838, %mul3A_859 : vector<16xf32>
        %add3A_946 = arith.addf %mul3A_880, %mul3A_901 : vector<16xf32>
        %add3A_947 = arith.addf %mul3A_922, %mul3A_943 : vector<16xf32>
        %add3A_948 = arith.addf %add3A_944, %add3A_945 : vector<16xf32>
        %add3A_949 = arith.addf %add3A_946, %add3A_947 : vector<16xf32>
        %add3A_950 = arith.addf %add3A_948, %add3A_949 : vector<16xf32>
        %xor3A_951 = arith.constant 8 : i32
        %xor3A_952 = vector.broadcast %xor3A_951 : i32 to vector<16xi32>
        %xor3A_953 = arith.xori %iota3A, %xor3A_952 : vector<16xi32>
        %broadcast_in_dim3A_954 = vector.shape_cast %xor3A_953 : vector<16xi32> to vector<16x1xi32>
        %gather3A_955 = vector.shape_cast %broadcast_in_dim3A_954 : vector<16x1xi32> to vector<16xi32>
        %gather3A_956 = tpu.dynamic_gather %add3A_950[%gather3A_955] in [0] : vector<16xf32>, vector<16xi32> -> vector<16xf32>
        %add3A_957 = arith.addf %add3A_950, %gather3A_956 : vector<16xf32>
        %xor3A_958 = arith.constant 4 : i32
        %xor3A_959 = vector.broadcast %xor3A_958 : i32 to vector<16xi32>
        %xor3A_960 = arith.xori %iota3A, %xor3A_959 : vector<16xi32>
        %broadcast_in_dim3A_961 = vector.shape_cast %xor3A_960 : vector<16xi32> to vector<16x1xi32>
        %gather3A_962 = vector.shape_cast %broadcast_in_dim3A_961 : vector<16x1xi32> to vector<16xi32>
        %gather3A_963 = tpu.dynamic_gather %add3A_957[%gather3A_962] in [0] : vector<16xf32>, vector<16xi32> -> vector<16xf32>
        %add3A_964 = arith.addf %add3A_957, %gather3A_963 : vector<16xf32>
        %xor3A_965 = arith.constant 2 : i32
        %xor3A_966 = vector.broadcast %xor3A_965 : i32 to vector<16xi32>
        %xor3A_967 = arith.xori %iota3A, %xor3A_966 : vector<16xi32>
        %broadcast_in_dim3A_968 = vector.shape_cast %xor3A_967 : vector<16xi32> to vector<16x1xi32>
        %gather3A_969 = vector.shape_cast %broadcast_in_dim3A_968 : vector<16x1xi32> to vector<16xi32>
        %gather3A_970 = tpu.dynamic_gather %add3A_964[%gather3A_969] in [0] : vector<16xf32>, vector<16xi32> -> vector<16xf32>
        %add3A_971 = arith.addf %add3A_964, %gather3A_970 : vector<16xf32>
        %xor3A_972 = arith.constant 1 : i32
        %xor3A_973 = vector.broadcast %xor3A_972 : i32 to vector<16xi32>
        %xor3A_974 = arith.xori %iota3A, %xor3A_973 : vector<16xi32>
        %broadcast_in_dim3A_975 = vector.shape_cast %xor3A_974 : vector<16xi32> to vector<16x1xi32>
        %gather3A_976 = vector.shape_cast %broadcast_in_dim3A_975 : vector<16x1xi32> to vector<16xi32>
        %gather3A_977 = tpu.dynamic_gather %add3A_971[%gather3A_976] in [0] : vector<16xf32>, vector<16xi32> -> vector<16xf32>
        %add3A_978 = arith.addf %add3A_971, %gather3A_977 : vector<16xf32>
        %eq3A_979 = vector.broadcast %scan3A_769 : i32 to vector<16xi32>
        %eq3A_980 = arith.cmpi eq, %iota3A, %eq3A_979 : vector<16xi32>
        %select_n3A_981 = arith.select %eq3A_980, %add3A_978, %select_n3A : vector<16xi1>, vector<16xf32>
        scf.yield %select_n3A_981 : vector<16xf32>
      }
      %scan3A_550 = arith.constant 16 : i32
      %mul3A_551 = arith.constant 16 : i32
      %mul3A_552 = arith.muli %scan3A_540, %mul3A_551 : i32
      %add3A_553 = arith.constant 320 : i32
      %add3A_554 = arith.addi %add3A_553, %mul3A_552 : i32
      %swap3A = arith.index_cast %add3A_554 : i32 to index
      %swap3A_555 = tpu.vector_load %arg11[%swap3A] {strides = array<i32>} : memref<512xf32, #tpu.memory_space<vmem>>, vector<16xf32>,
      %swap3A_556 = vector.shape_cast %swap3A_555 : vector<16xf32> to vector<16xf32>
      %swap3A_557 = vector.shape_cast %scan3A_549 : vector<16xf32> to vector<16xf32>
      tpu.vector_store %arg11[%swap3A], %swap3A_557 {strides = array<i32>} : memref<512xf32, #tpu.memory_space<vmem>>, vector<16xf32>,
      %scan3A_558 = arith.constant 0 : i32
      scf.yield %scan3A_558 : i32
    }
    %scan3A_413 = arith.constant 4 : i32
    %add3A_414 = arith.constant 320 : i32
    %add3A_415 = arith.addi %mul3A_2, %add3A_414 : i32
    %dma_start3A_416 = arith.constant 320 : i32
    %dma_start3A_417 = tpu.memref_slice %arg11[%dma_start3A_416] : memref<512xf32, #tpu.memory_space<vmem>> -> memref<64xf32, #tpu.memory_space<vmem>>
    %dma_start3A_418 = tpu.memref_slice %arg6[%add3A_415] : memref<16384xf32, #tpu.memory_space<hbm>> -> memref<64xf32, #tpu.memory_space<hbm>>
    %dma_start3A_419 = tpu.memref_slice %arg6[%add3A_415] : memref<16384xf32, #tpu.memory_space<hbm>> -> memref<64xf32, #tpu.memory_space<hbm>>
    %dma_start3A_420 = arith.constant 320 : i32
    %dma_start3A_421 = tpu.memref_slice %arg11[%dma_start3A_420] : memref<512xf32, #tpu.memory_space<vmem>> -> memref<64xf32, #tpu.memory_space<vmem>>
    tpu.enqueue_dma source(%dma_start3A_421 : memref<64xf32, #tpu.memory_space<vmem>>) target(%dma_start3A_419 : memref<64xf32, #tpu.memory_space<hbm>>) target_semaphore(%arg17 : memref<!tpu.dma_semaphore, #tpu.memory_space<semaphore_mem>>)
    %dma_wait3A_422 = arith.constant 2 : i32
    %dma_wait3A_423 = arith.constant 0 : i32
    %dma_wait3A_424 = arith.constant 0 : i32
    %dma_wait3A_425 = tpu.memref_slice %arg9[%dma_wait3A_422, %dma_wait3A_423, %dma_wait3A_424] : memref<4x64x128xf32, #tpu.memory_space<vmem>> -> memref<1x64x128xf32, #tpu.memory_space<vmem>>
    %dma_wait3A_426 = tpu.memref_squeeze %dma_wait3A_425 : memref<1x64x128xf32, #tpu.memory_space<vmem>> -> memref<64x128xf32, #tpu.memory_space<vmem>>
    %dma_wait3A_427 = arith.constant 384 : i32
    %dma_wait3A_428 = tpu.memref_slice %arg7[%dma_wait3A_427] : memref<512xi32, #tpu.memory_space<vmem>> -> memref<64xi32, #tpu.memory_space<vmem>>
    %dma_wait3A_429 = arith.constant 0 : i32
    %dma_wait3A_430 = arith.constant 0 : i32
    %dma_wait3A_431 = tpu.memref_slice %arg4[%dma_wait3A_429, %dma_wait3A_430] : memref<100000x128xf32, #tpu.memory_space<hbm>> -> memref<100000x128xf32, #tpu.memory_space<hbm>>
    tpu.wait_indirect_dma semaphore(%arg14 : memref<!tpu.dma_semaphore, #tpu.memory_space<semaphore_mem>>) src(%dma_wait3A_431 : memref<100000x128xf32, #tpu.memory_space<hbm>>) dst(%dma_wait3A_426 : memref<64x128xf32, #tpu.memory_space<vmem>>)
    %dma_wait3A_432 = arith.constant 2 : i32
    %dma_wait3A_433 = arith.constant 0 : i32
    %dma_wait3A_434 = arith.constant 0 : i32
    %dma_wait3A_435 = tpu.memref_slice %arg10[%dma_wait3A_432, %dma_wait3A_433, %dma_wait3A_434] : memref<4x64x128xf32, #tpu.memory_space<vmem>> -> memref<1x64x128xf32, #tpu.memory_space<vmem>>
    %dma_wait3A_436 = tpu.memref_squeeze %dma_wait3A_435 : memref<1x64x128xf32, #tpu.memory_space<vmem>> -> memref<64x128xf32, #tpu.memory_space<vmem>>
    %dma_wait3A_437 = arith.constant 384 : i32
    %dma_wait3A_438 = tpu.memref_slice %arg8[%dma_wait3A_437] : memref<512xi32, #tpu.memory_space<vmem>> -> memref<64xi32, #tpu.memory_space<vmem>>
    %dma_wait3A_439 = arith.constant 0 : i32
    %dma_wait3A_440 = arith.constant 0 : i32
    %dma_wait3A_441 = tpu.memref_slice %arg5[%dma_wait3A_439, %dma_wait3A_440] : memref<100000x128xf32, #tpu.memory_space<hbm>> -> memref<100000x128xf32, #tpu.memory_space<hbm>>
    tpu.wait_indirect_dma semaphore(%arg14 : memref<!tpu.dma_semaphore, #tpu.memory_space<semaphore_mem>>) src(%dma_wait3A_441 : memref<100000x128xf32, #tpu.memory_space<hbm>>) dst(%dma_wait3A_436 : memref<64x128xf32, #tpu.memory_space<vmem>>)
    %scan3A_442 = arith.constant 0 : i32
    %scan3A_443 = arith.constant 0 : i32
    %scan3A_444 = arith.constant 4 : i32
    %scan3A_445 = arith.addi %scan3A_443, %scan3A_444 : i32
    %scan3A_446 = arith.constant 1 : i32
    %scan3A_447 = scf.for %scan3A_540 = %scan3A_443 to %scan3A_445 step %scan3A_446 iter_args(%scan3A_541 = %scan3A_442) -> (i32)  : i32 {
      %broadcast_in_dim3A = arith.constant 0.000000e+00 : f32
      %broadcast_in_dim3A_542 = vector.broadcast %broadcast_in_dim3A : f32 to vector<16xf32>
      %scan3A_543 = arith.constant 2 : i32
      %scan3A_544 = arith.constant 2 : i32
      %scan3A_545 = arith.constant 0 : i32
      %scan3A_546 = arith.constant 16 : i32
      %scan3A_547 = arith.addi %scan3A_545, %scan3A_546 : i32
      %scan3A_548 = arith.constant 2 : i32
      %scan3A_549 = scf.for %scan3A_559 = %scan3A_545 to %scan3A_547 step %scan3A_548 iter_args(%scan3A_560 = %broadcast_in_dim3A_542) -> (vector<16xf32>)  : i32 {
        %mul3A_561 = arith.constant 16 : i32
        %mul3A_562 = arith.muli %scan3A_540, %mul3A_561 : i32
        %add3A_563 = arith.addi %mul3A_562, %scan3A_559 : i32
        %mul3A_564 = arith.constant 16 : i32
        %mul3A_565 = arith.muli %scan3A_540, %mul3A_564 : i32
        %add3A_566 = arith.addi %mul3A_565, %scan3A_559 : i32
        %get3A = arith.constant 0 : i32
        %get3A_567 = arith.constant 0 : i32
        %get3A_568 = tpu.memref_slice %arg9[%scan3A_543, %get3A, %get3A_567] : memref<4x64x128xf32, #tpu.memory_space<vmem>> -> memref<1x64x128xf32, #tpu.memory_space<vmem>>
        %get3A_569 = tpu.memref_squeeze %get3A_568 : memref<1x64x128xf32, #tpu.memory_space<vmem>> -> memref<64x128xf32, #tpu.memory_space<vmem>>
        %get3A_570 = arith.constant 0 : i32
        %get3A_571 = tpu.memref_slice %get3A_569[%add3A_563, %get3A_570] : memref<64x128xf32, #tpu.memory_space<vmem>> -> memref<1x128xf32, #tpu.memory_space<vmem>>
        %get3A_572 = tpu.memref_squeeze %get3A_571 : memref<1x128xf32, #tpu.memory_space<vmem>> -> memref<128xf32, #tpu.memory_space<vmem>>
        %get3A_573 = arith.constant 0 : index
        %get3A_574 = tpu.vector_load %get3A_572[%get3A_573] {strides = array<i32>} : memref<128xf32, #tpu.memory_space<vmem>>, vector<16xf32>,
        %get3A_575 = vector.shape_cast %get3A_574 : vector<16xf32> to vector<16xf32>
        %get3A_576 = arith.constant 0 : i32
        %get3A_577 = arith.constant 0 : i32
        %get3A_578 = tpu.memref_slice %arg10[%scan3A_544, %get3A_576, %get3A_577] : memref<4x64x128xf32, #tpu.memory_space<vmem>> -> memref<1x64x128xf32, #tpu.memory_space<vmem>>
        %get3A_579 = tpu.memref_squeeze %get3A_578 : memref<1x64x128xf32, #tpu.memory_space<vmem>> -> memref<64x128xf32, #tpu.memory_space<vmem>>
        %get3A_580 = arith.constant 0 : i32
        %get3A_581 = tpu.memref_slice %get3A_579[%add3A_566, %get3A_580] : memref<64x128xf32, #tpu.memory_space<vmem>> -> memref<1x128xf32, #tpu.memory_space<vmem>>
        %get3A_582 = tpu.memref_squeeze %get3A_581 : memref<1x128xf32, #tpu.memory_space<vmem>> -> memref<128xf32, #tpu.memory_space<vmem>>
        %get3A_583 = arith.constant 0 : index
        %get3A_584 = tpu.vector_load %get3A_582[%get3A_583] {strides = array<i32>} : memref<128xf32, #tpu.memory_space<vmem>>, vector<16xf32>,
        %get3A_585 = vector.shape_cast %get3A_584 : vector<16xf32> to vector<16xf32>
        %mul3A_586 = arith.mulf %get3A_575, %get3A_585 : vector<16xf32>
        %get3A_587 = arith.constant 0 : i32
        %get3A_588 = arith.constant 0 : i32
        %get3A_589 = tpu.memref_slice %arg9[%scan3A_543, %get3A_587, %get3A_588] : memref<4x64x128xf32, #tpu.memory_space<vmem>> -> memref<1x64x128xf32, #tpu.memory_space<vmem>>
        %get3A_590 = tpu.memref_squeeze %get3A_589 : memref<1x64x128xf32, #tpu.memory_space<vmem>> -> memref<64x128xf32, #tpu.memory_space<vmem>>
        %get3A_591 = arith.constant 0 : i32
        %get3A_592 = tpu.memref_slice %get3A_590[%add3A_563, %get3A_591] : memref<64x128xf32, #tpu.memory_space<vmem>> -> memref<1x128xf32, #tpu.memory_space<vmem>>
        %get3A_593 = tpu.memref_squeeze %get3A_592 : memref<1x128xf32, #tpu.memory_space<vmem>> -> memref<128xf32, #tpu.memory_space<vmem>>
        %get3A_594 = arith.constant 16 : index
        %get3A_595 = tpu.vector_load %get3A_593[%get3A_594] {strides = array<i32>} : memref<128xf32, #tpu.memory_space<vmem>>, vector<16xf32>,
        %get3A_596 = vector.shape_cast %get3A_595 : vector<16xf32> to vector<16xf32>
        %get3A_597 = arith.constant 0 : i32
        %get3A_598 = arith.constant 0 : i32
        %get3A_599 = tpu.memref_slice %arg10[%scan3A_544, %get3A_597, %get3A_598] : memref<4x64x128xf32, #tpu.memory_space<vmem>> -> memref<1x64x128xf32, #tpu.memory_space<vmem>>
        %get3A_600 = tpu.memref_squeeze %get3A_599 : memref<1x64x128xf32, #tpu.memory_space<vmem>> -> memref<64x128xf32, #tpu.memory_space<vmem>>
        %get3A_601 = arith.constant 0 : i32
        %get3A_602 = tpu.memref_slice %get3A_600[%add3A_566, %get3A_601] : memref<64x128xf32, #tpu.memory_space<vmem>> -> memref<1x128xf32, #tpu.memory_space<vmem>>
        %get3A_603 = tpu.memref_squeeze %get3A_602 : memref<1x128xf32, #tpu.memory_space<vmem>> -> memref<128xf32, #tpu.memory_space<vmem>>
        %get3A_604 = arith.constant 16 : index
        %get3A_605 = tpu.vector_load %get3A_603[%get3A_604] {strides = array<i32>} : memref<128xf32, #tpu.memory_space<vmem>>, vector<16xf32>,
        %get3A_606 = vector.shape_cast %get3A_605 : vector<16xf32> to vector<16xf32>
        %mul3A_607 = arith.mulf %get3A_596, %get3A_606 : vector<16xf32>
        %get3A_608 = arith.constant 0 : i32
        %get3A_609 = arith.constant 0 : i32
        %get3A_610 = tpu.memref_slice %arg9[%scan3A_543, %get3A_608, %get3A_609] : memref<4x64x128xf32, #tpu.memory_space<vmem>> -> memref<1x64x128xf32, #tpu.memory_space<vmem>>
        %get3A_611 = tpu.memref_squeeze %get3A_610 : memref<1x64x128xf32, #tpu.memory_space<vmem>> -> memref<64x128xf32, #tpu.memory_space<vmem>>
        %get3A_612 = arith.constant 0 : i32
        %get3A_613 = tpu.memref_slice %get3A_611[%add3A_563, %get3A_612] : memref<64x128xf32, #tpu.memory_space<vmem>> -> memref<1x128xf32, #tpu.memory_space<vmem>>
        %get3A_614 = tpu.memref_squeeze %get3A_613 : memref<1x128xf32, #tpu.memory_space<vmem>> -> memref<128xf32, #tpu.memory_space<vmem>>
        %get3A_615 = arith.constant 32 : index
        %get3A_616 = tpu.vector_load %get3A_614[%get3A_615] {strides = array<i32>} : memref<128xf32, #tpu.memory_space<vmem>>, vector<16xf32>,
        %get3A_617 = vector.shape_cast %get3A_616 : vector<16xf32> to vector<16xf32>
        %get3A_618 = arith.constant 0 : i32
        %get3A_619 = arith.constant 0 : i32
        %get3A_620 = tpu.memref_slice %arg10[%scan3A_544, %get3A_618, %get3A_619] : memref<4x64x128xf32, #tpu.memory_space<vmem>> -> memref<1x64x128xf32, #tpu.memory_space<vmem>>
        %get3A_621 = tpu.memref_squeeze %get3A_620 : memref<1x64x128xf32, #tpu.memory_space<vmem>> -> memref<64x128xf32, #tpu.memory_space<vmem>>
        %get3A_622 = arith.constant 0 : i32
        %get3A_623 = tpu.memref_slice %get3A_621[%add3A_566, %get3A_622] : memref<64x128xf32, #tpu.memory_space<vmem>> -> memref<1x128xf32, #tpu.memory_space<vmem>>
        %get3A_624 = tpu.memref_squeeze %get3A_623 : memref<1x128xf32, #tpu.memory_space<vmem>> -> memref<128xf32, #tpu.memory_space<vmem>>
        %get3A_625 = arith.constant 32 : index
        %get3A_626 = tpu.vector_load %get3A_624[%get3A_625] {strides = array<i32>} : memref<128xf32, #tpu.memory_space<vmem>>, vector<16xf32>,
        %get3A_627 = vector.shape_cast %get3A_626 : vector<16xf32> to vector<16xf32>
        %mul3A_628 = arith.mulf %get3A_617, %get3A_627 : vector<16xf32>
        %get3A_629 = arith.constant 0 : i32
        %get3A_630 = arith.constant 0 : i32
        %get3A_631 = tpu.memref_slice %arg9[%scan3A_543, %get3A_629, %get3A_630] : memref<4x64x128xf32, #tpu.memory_space<vmem>> -> memref<1x64x128xf32, #tpu.memory_space<vmem>>
        %get3A_632 = tpu.memref_squeeze %get3A_631 : memref<1x64x128xf32, #tpu.memory_space<vmem>> -> memref<64x128xf32, #tpu.memory_space<vmem>>
        %get3A_633 = arith.constant 0 : i32
        %get3A_634 = tpu.memref_slice %get3A_632[%add3A_563, %get3A_633] : memref<64x128xf32, #tpu.memory_space<vmem>> -> memref<1x128xf32, #tpu.memory_space<vmem>>
        %get3A_635 = tpu.memref_squeeze %get3A_634 : memref<1x128xf32, #tpu.memory_space<vmem>> -> memref<128xf32, #tpu.memory_space<vmem>>
        %get3A_636 = arith.constant 48 : index
        %get3A_637 = tpu.vector_load %get3A_635[%get3A_636] {strides = array<i32>} : memref<128xf32, #tpu.memory_space<vmem>>, vector<16xf32>,
        %get3A_638 = vector.shape_cast %get3A_637 : vector<16xf32> to vector<16xf32>
        %get3A_639 = arith.constant 0 : i32
        %get3A_640 = arith.constant 0 : i32
        %get3A_641 = tpu.memref_slice %arg10[%scan3A_544, %get3A_639, %get3A_640] : memref<4x64x128xf32, #tpu.memory_space<vmem>> -> memref<1x64x128xf32, #tpu.memory_space<vmem>>
        %get3A_642 = tpu.memref_squeeze %get3A_641 : memref<1x64x128xf32, #tpu.memory_space<vmem>> -> memref<64x128xf32, #tpu.memory_space<vmem>>
        %get3A_643 = arith.constant 0 : i32
        %get3A_644 = tpu.memref_slice %get3A_642[%add3A_566, %get3A_643] : memref<64x128xf32, #tpu.memory_space<vmem>> -> memref<1x128xf32, #tpu.memory_space<vmem>>
        %get3A_645 = tpu.memref_squeeze %get3A_644 : memref<1x128xf32, #tpu.memory_space<vmem>> -> memref<128xf32, #tpu.memory_space<vmem>>
        %get3A_646 = arith.constant 48 : index
        %get3A_647 = tpu.vector_load %get3A_645[%get3A_646] {strides = array<i32>} : memref<128xf32, #tpu.memory_space<vmem>>, vector<16xf32>,
        %get3A_648 = vector.shape_cast %get3A_647 : vector<16xf32> to vector<16xf32>
        %mul3A_649 = arith.mulf %get3A_638, %get3A_648 : vector<16xf32>
        %get3A_650 = arith.constant 0 : i32
        %get3A_651 = arith.constant 0 : i32
        %get3A_652 = tpu.memref_slice %arg9[%scan3A_543, %get3A_650, %get3A_651] : memref<4x64x128xf32, #tpu.memory_space<vmem>> -> memref<1x64x128xf32, #tpu.memory_space<vmem>>
        %get3A_653 = tpu.memref_squeeze %get3A_652 : memref<1x64x128xf32, #tpu.memory_space<vmem>> -> memref<64x128xf32, #tpu.memory_space<vmem>>
        %get3A_654 = arith.constant 0 : i32
        %get3A_655 = tpu.memref_slice %get3A_653[%add3A_563, %get3A_654] : memref<64x128xf32, #tpu.memory_space<vmem>> -> memref<1x128xf32, #tpu.memory_space<vmem>>
        %get3A_656 = tpu.memref_squeeze %get3A_655 : memref<1x128xf32, #tpu.memory_space<vmem>> -> memref<128xf32, #tpu.memory_space<vmem>>
        %get3A_657 = arith.constant 64 : index
        %get3A_658 = tpu.vector_load %get3A_656[%get3A_657] {strides = array<i32>} : memref<128xf32, #tpu.memory_space<vmem>>, vector<16xf32>,
        %get3A_659 = vector.shape_cast %get3A_658 : vector<16xf32> to vector<16xf32>
        %get3A_660 = arith.constant 0 : i32
        %get3A_661 = arith.constant 0 : i32
        %get3A_662 = tpu.memref_slice %arg10[%scan3A_544, %get3A_660, %get3A_661] : memref<4x64x128xf32, #tpu.memory_space<vmem>> -> memref<1x64x128xf32, #tpu.memory_space<vmem>>
        %get3A_663 = tpu.memref_squeeze %get3A_662 : memref<1x64x128xf32, #tpu.memory_space<vmem>> -> memref<64x128xf32, #tpu.memory_space<vmem>>
        %get3A_664 = arith.constant 0 : i32
        %get3A_665 = tpu.memref_slice %get3A_663[%add3A_566, %get3A_664] : memref<64x128xf32, #tpu.memory_space<vmem>> -> memref<1x128xf32, #tpu.memory_space<vmem>>
        %get3A_666 = tpu.memref_squeeze %get3A_665 : memref<1x128xf32, #tpu.memory_space<vmem>> -> memref<128xf32, #tpu.memory_space<vmem>>
        %get3A_667 = arith.constant 64 : index
        %get3A_668 = tpu.vector_load %get3A_666[%get3A_667] {strides = array<i32>} : memref<128xf32, #tpu.memory_space<vmem>>, vector<16xf32>,
        %get3A_669 = vector.shape_cast %get3A_668 : vector<16xf32> to vector<16xf32>
        %mul3A_670 = arith.mulf %get3A_659, %get3A_669 : vector<16xf32>
        %get3A_671 = arith.constant 0 : i32
        %get3A_672 = arith.constant 0 : i32
        %get3A_673 = tpu.memref_slice %arg9[%scan3A_543, %get3A_671, %get3A_672] : memref<4x64x128xf32, #tpu.memory_space<vmem>> -> memref<1x64x128xf32, #tpu.memory_space<vmem>>
        %get3A_674 = tpu.memref_squeeze %get3A_673 : memref<1x64x128xf32, #tpu.memory_space<vmem>> -> memref<64x128xf32, #tpu.memory_space<vmem>>
        %get3A_675 = arith.constant 0 : i32
        %get3A_676 = tpu.memref_slice %get3A_674[%add3A_563, %get3A_675] : memref<64x128xf32, #tpu.memory_space<vmem>> -> memref<1x128xf32, #tpu.memory_space<vmem>>
        %get3A_677 = tpu.memref_squeeze %get3A_676 : memref<1x128xf32, #tpu.memory_space<vmem>> -> memref<128xf32, #tpu.memory_space<vmem>>
        %get3A_678 = arith.constant 80 : index
        %get3A_679 = tpu.vector_load %get3A_677[%get3A_678] {strides = array<i32>} : memref<128xf32, #tpu.memory_space<vmem>>, vector<16xf32>,
        %get3A_680 = vector.shape_cast %get3A_679 : vector<16xf32> to vector<16xf32>
        %get3A_681 = arith.constant 0 : i32
        %get3A_682 = arith.constant 0 : i32
        %get3A_683 = tpu.memref_slice %arg10[%scan3A_544, %get3A_681, %get3A_682] : memref<4x64x128xf32, #tpu.memory_space<vmem>> -> memref<1x64x128xf32, #tpu.memory_space<vmem>>
        %get3A_684 = tpu.memref_squeeze %get3A_683 : memref<1x64x128xf32, #tpu.memory_space<vmem>> -> memref<64x128xf32, #tpu.memory_space<vmem>>
        %get3A_685 = arith.constant 0 : i32
        %get3A_686 = tpu.memref_slice %get3A_684[%add3A_566, %get3A_685] : memref<64x128xf32, #tpu.memory_space<vmem>> -> memref<1x128xf32, #tpu.memory_space<vmem>>
        %get3A_687 = tpu.memref_squeeze %get3A_686 : memref<1x128xf32, #tpu.memory_space<vmem>> -> memref<128xf32, #tpu.memory_space<vmem>>
        %get3A_688 = arith.constant 80 : index
        %get3A_689 = tpu.vector_load %get3A_687[%get3A_688] {strides = array<i32>} : memref<128xf32, #tpu.memory_space<vmem>>, vector<16xf32>,
        %get3A_690 = vector.shape_cast %get3A_689 : vector<16xf32> to vector<16xf32>
        %mul3A_691 = arith.mulf %get3A_680, %get3A_690 : vector<16xf32>
        %get3A_692 = arith.constant 0 : i32
        %get3A_693 = arith.constant 0 : i32
        %get3A_694 = tpu.memref_slice %arg9[%scan3A_543, %get3A_692, %get3A_693] : memref<4x64x128xf32, #tpu.memory_space<vmem>> -> memref<1x64x128xf32, #tpu.memory_space<vmem>>
        %get3A_695 = tpu.memref_squeeze %get3A_694 : memref<1x64x128xf32, #tpu.memory_space<vmem>> -> memref<64x128xf32, #tpu.memory_space<vmem>>
        %get3A_696 = arith.constant 0 : i32
        %get3A_697 = tpu.memref_slice %get3A_695[%add3A_563, %get3A_696] : memref<64x128xf32, #tpu.memory_space<vmem>> -> memref<1x128xf32, #tpu.memory_space<vmem>>
        %get3A_698 = tpu.memref_squeeze %get3A_697 : memref<1x128xf32, #tpu.memory_space<vmem>> -> memref<128xf32, #tpu.memory_space<vmem>>
        %get3A_699 = arith.constant 96 : index
        %get3A_700 = tpu.vector_load %get3A_698[%get3A_699] {strides = array<i32>} : memref<128xf32, #tpu.memory_space<vmem>>, vector<16xf32>,
        %get3A_701 = vector.shape_cast %get3A_700 : vector<16xf32> to vector<16xf32>
        %get3A_702 = arith.constant 0 : i32
        %get3A_703 = arith.constant 0 : i32
        %get3A_704 = tpu.memref_slice %arg10[%scan3A_544, %get3A_702, %get3A_703] : memref<4x64x128xf32, #tpu.memory_space<vmem>> -> memref<1x64x128xf32, #tpu.memory_space<vmem>>
        %get3A_705 = tpu.memref_squeeze %get3A_704 : memref<1x64x128xf32, #tpu.memory_space<vmem>> -> memref<64x128xf32, #tpu.memory_space<vmem>>
        %get3A_706 = arith.constant 0 : i32
        %get3A_707 = tpu.memref_slice %get3A_705[%add3A_566, %get3A_706] : memref<64x128xf32, #tpu.memory_space<vmem>> -> memref<1x128xf32, #tpu.memory_space<vmem>>
        %get3A_708 = tpu.memref_squeeze %get3A_707 : memref<1x128xf32, #tpu.memory_space<vmem>> -> memref<128xf32, #tpu.memory_space<vmem>>
        %get3A_709 = arith.constant 96 : index
        %get3A_710 = tpu.vector_load %get3A_708[%get3A_709] {strides = array<i32>} : memref<128xf32, #tpu.memory_space<vmem>>, vector<16xf32>,
        %get3A_711 = vector.shape_cast %get3A_710 : vector<16xf32> to vector<16xf32>
        %mul3A_712 = arith.mulf %get3A_701, %get3A_711 : vector<16xf32>
        %get3A_713 = arith.constant 0 : i32
        %get3A_714 = arith.constant 0 : i32
        %get3A_715 = tpu.memref_slice %arg9[%scan3A_543, %get3A_713, %get3A_714] : memref<4x64x128xf32, #tpu.memory_space<vmem>> -> memref<1x64x128xf32, #tpu.memory_space<vmem>>
        %get3A_716 = tpu.memref_squeeze %get3A_715 : memref<1x64x128xf32, #tpu.memory_space<vmem>> -> memref<64x128xf32, #tpu.memory_space<vmem>>
        %get3A_717 = arith.constant 0 : i32
        %get3A_718 = tpu.memref_slice %get3A_716[%add3A_563, %get3A_717] : memref<64x128xf32, #tpu.memory_space<vmem>> -> memref<1x128xf32, #tpu.memory_space<vmem>>
        %get3A_719 = tpu.memref_squeeze %get3A_718 : memref<1x128xf32, #tpu.memory_space<vmem>> -> memref<128xf32, #tpu.memory_space<vmem>>
        %get3A_720 = arith.constant 112 : index
        %get3A_721 = tpu.vector_load %get3A_719[%get3A_720] {strides = array<i32>} : memref<128xf32, #tpu.memory_space<vmem>>, vector<16xf32>,
        %get3A_722 = vector.shape_cast %get3A_721 : vector<16xf32> to vector<16xf32>
        %get3A_723 = arith.constant 0 : i32
        %get3A_724 = arith.constant 0 : i32
        %get3A_725 = tpu.memref_slice %arg10[%scan3A_544, %get3A_723, %get3A_724] : memref<4x64x128xf32, #tpu.memory_space<vmem>> -> memref<1x64x128xf32, #tpu.memory_space<vmem>>
        %get3A_726 = tpu.memref_squeeze %get3A_725 : memref<1x64x128xf32, #tpu.memory_space<vmem>> -> memref<64x128xf32, #tpu.memory_space<vmem>>
        %get3A_727 = arith.constant 0 : i32
        %get3A_728 = tpu.memref_slice %get3A_726[%add3A_566, %get3A_727] : memref<64x128xf32, #tpu.memory_space<vmem>> -> memref<1x128xf32, #tpu.memory_space<vmem>>
        %get3A_729 = tpu.memref_squeeze %get3A_728 : memref<1x128xf32, #tpu.memory_space<vmem>> -> memref<128xf32, #tpu.memory_space<vmem>>
        %get3A_730 = arith.constant 112 : index
        %get3A_731 = tpu.vector_load %get3A_729[%get3A_730] {strides = array<i32>} : memref<128xf32, #tpu.memory_space<vmem>>, vector<16xf32>,
        %get3A_732 = vector.shape_cast %get3A_731 : vector<16xf32> to vector<16xf32>
        %mul3A_733 = arith.mulf %get3A_722, %get3A_732 : vector<16xf32>
        %add3A_734 = arith.addf %mul3A_586, %mul3A_607 : vector<16xf32>
        %add3A_735 = arith.addf %mul3A_628, %mul3A_649 : vector<16xf32>
        %add3A_736 = arith.addf %mul3A_670, %mul3A_691 : vector<16xf32>
        %add3A_737 = arith.addf %mul3A_712, %mul3A_733 : vector<16xf32>
        %add3A_738 = arith.addf %add3A_734, %add3A_735 : vector<16xf32>
        %add3A_739 = arith.addf %add3A_736, %add3A_737 : vector<16xf32>
        %add3A_740 = arith.addf %add3A_738, %add3A_739 : vector<16xf32>
        %xor3A = arith.constant 8 : i32
        %xor3A_741 = vector.broadcast %xor3A : i32 to vector<16xi32>
        %xor3A_742 = arith.xori %iota3A, %xor3A_741 : vector<16xi32>
        %broadcast_in_dim3A_743 = vector.shape_cast %xor3A_742 : vector<16xi32> to vector<16x1xi32>
        %gather3A = vector.shape_cast %broadcast_in_dim3A_743 : vector<16x1xi32> to vector<16xi32>
        %gather3A_744 = tpu.dynamic_gather %add3A_740[%gather3A] in [0] : vector<16xf32>, vector<16xi32> -> vector<16xf32>
        %add3A_745 = arith.addf %add3A_740, %gather3A_744 : vector<16xf32>
        %xor3A_746 = arith.constant 4 : i32
        %xor3A_747 = vector.broadcast %xor3A_746 : i32 to vector<16xi32>
        %xor3A_748 = arith.xori %iota3A, %xor3A_747 : vector<16xi32>
        %broadcast_in_dim3A_749 = vector.shape_cast %xor3A_748 : vector<16xi32> to vector<16x1xi32>
        %gather3A_750 = vector.shape_cast %broadcast_in_dim3A_749 : vector<16x1xi32> to vector<16xi32>
        %gather3A_751 = tpu.dynamic_gather %add3A_745[%gather3A_750] in [0] : vector<16xf32>, vector<16xi32> -> vector<16xf32>
        %add3A_752 = arith.addf %add3A_745, %gather3A_751 : vector<16xf32>
        %xor3A_753 = arith.constant 2 : i32
        %xor3A_754 = vector.broadcast %xor3A_753 : i32 to vector<16xi32>
        %xor3A_755 = arith.xori %iota3A, %xor3A_754 : vector<16xi32>
        %broadcast_in_dim3A_756 = vector.shape_cast %xor3A_755 : vector<16xi32> to vector<16x1xi32>
        %gather3A_757 = vector.shape_cast %broadcast_in_dim3A_756 : vector<16x1xi32> to vector<16xi32>
        %gather3A_758 = tpu.dynamic_gather %add3A_752[%gather3A_757] in [0] : vector<16xf32>, vector<16xi32> -> vector<16xf32>
        %add3A_759 = arith.addf %add3A_752, %gather3A_758 : vector<16xf32>
        %xor3A_760 = arith.constant 1 : i32
        %xor3A_761 = vector.broadcast %xor3A_760 : i32 to vector<16xi32>
        %xor3A_762 = arith.xori %iota3A, %xor3A_761 : vector<16xi32>
        %broadcast_in_dim3A_763 = vector.shape_cast %xor3A_762 : vector<16xi32> to vector<16x1xi32>
        %gather3A_764 = vector.shape_cast %broadcast_in_dim3A_763 : vector<16x1xi32> to vector<16xi32>
        %gather3A_765 = tpu.dynamic_gather %add3A_759[%gather3A_764] in [0] : vector<16xf32>, vector<16xi32> -> vector<16xf32>
        %add3A_766 = arith.addf %add3A_759, %gather3A_765 : vector<16xf32>
        %eq3A = vector.broadcast %scan3A_559 : i32 to vector<16xi32>
        %eq3A_767 = arith.cmpi eq, %iota3A, %eq3A : vector<16xi32>
        %select_n3A = arith.select %eq3A_767, %add3A_766, %scan3A_560 : vector<16xi1>, vector<16xf32>
        %scan3A_768 = arith.constant 1 : i32
        %scan3A_769 = arith.addi %scan3A_559, %scan3A_768 : i32
        %mul3A_770 = arith.constant 16 : i32
        %mul3A_771 = arith.muli %scan3A_540, %mul3A_770 : i32
        %add3A_772 = arith.addi %mul3A_771, %scan3A_769 : i32
        %mul3A_773 = arith.constant 16 : i32
        %mul3A_774 = arith.muli %scan3A_540, %mul3A_773 : i32
        %add3A_775 = arith.addi %mul3A_774, %scan3A_769 : i32
        %get3A_776 = arith.constant 0 : i32
        %get3A_777 = arith.constant 0 : i32
        %get3A_778 = tpu.memref_slice %arg9[%scan3A_543, %get3A_776, %get3A_777] : memref<4x64x128xf32, #tpu.memory_space<vmem>> -> memref<1x64x128xf32, #tpu.memory_space<vmem>>
        %get3A_779 = tpu.memref_squeeze %get3A_778 : memref<1x64x128xf32, #tpu.memory_space<vmem>> -> memref<64x128xf32, #tpu.memory_space<vmem>>
        %get3A_780 = arith.constant 0 : i32
        %get3A_781 = tpu.memref_slice %get3A_779[%add3A_772, %get3A_780] : memref<64x128xf32, #tpu.memory_space<vmem>> -> memref<1x128xf32, #tpu.memory_space<vmem>>
        %get3A_782 = tpu.memref_squeeze %get3A_781 : memref<1x128xf32, #tpu.memory_space<vmem>> -> memref<128xf32, #tpu.memory_space<vmem>>
        %get3A_783 = arith.constant 0 : index
        %get3A_784 = tpu.vector_load %get3A_782[%get3A_783] {strides = array<i32>} : memref<128xf32, #tpu.memory_space<vmem>>, vector<16xf32>,
        %get3A_785 = vector.shape_cast %get3A_784 : vector<16xf32> to vector<16xf32>
        %get3A_786 = arith.constant 0 : i32
        %get3A_787 = arith.constant 0 : i32
        %get3A_788 = tpu.memref_slice %arg10[%scan3A_544, %get3A_786, %get3A_787] : memref<4x64x128xf32, #tpu.memory_space<vmem>> -> memref<1x64x128xf32, #tpu.memory_space<vmem>>
        %get3A_789 = tpu.memref_squeeze %get3A_788 : memref<1x64x128xf32, #tpu.memory_space<vmem>> -> memref<64x128xf32, #tpu.memory_space<vmem>>
        %get3A_790 = arith.constant 0 : i32
        %get3A_791 = tpu.memref_slice %get3A_789[%add3A_775, %get3A_790] : memref<64x128xf32, #tpu.memory_space<vmem>> -> memref<1x128xf32, #tpu.memory_space<vmem>>
        %get3A_792 = tpu.memref_squeeze %get3A_791 : memref<1x128xf32, #tpu.memory_space<vmem>> -> memref<128xf32, #tpu.memory_space<vmem>>
        %get3A_793 = arith.constant 0 : index
        %get3A_794 = tpu.vector_load %get3A_792[%get3A_793] {strides = array<i32>} : memref<128xf32, #tpu.memory_space<vmem>>, vector<16xf32>,
        %get3A_795 = vector.shape_cast %get3A_794 : vector<16xf32> to vector<16xf32>
        %mul3A_796 = arith.mulf %get3A_785, %get3A_795 : vector<16xf32>
        %get3A_797 = arith.constant 0 : i32
        %get3A_798 = arith.constant 0 : i32
        %get3A_799 = tpu.memref_slice %arg9[%scan3A_543, %get3A_797, %get3A_798] : memref<4x64x128xf32, #tpu.memory_space<vmem>> -> memref<1x64x128xf32, #tpu.memory_space<vmem>>
        %get3A_800 = tpu.memref_squeeze %get3A_799 : memref<1x64x128xf32, #tpu.memory_space<vmem>> -> memref<64x128xf32, #tpu.memory_space<vmem>>
        %get3A_801 = arith.constant 0 : i32
        %get3A_802 = tpu.memref_slice %get3A_800[%add3A_772, %get3A_801] : memref<64x128xf32, #tpu.memory_space<vmem>> -> memref<1x128xf32, #tpu.memory_space<vmem>>
        %get3A_803 = tpu.memref_squeeze %get3A_802 : memref<1x128xf32, #tpu.memory_space<vmem>> -> memref<128xf32, #tpu.memory_space<vmem>>
        %get3A_804 = arith.constant 16 : index
        %get3A_805 = tpu.vector_load %get3A_803[%get3A_804] {strides = array<i32>} : memref<128xf32, #tpu.memory_space<vmem>>, vector<16xf32>,
        %get3A_806 = vector.shape_cast %get3A_805 : vector<16xf32> to vector<16xf32>
        %get3A_807 = arith.constant 0 : i32
        %get3A_808 = arith.constant 0 : i32
        %get3A_809 = tpu.memref_slice %arg10[%scan3A_544, %get3A_807, %get3A_808] : memref<4x64x128xf32, #tpu.memory_space<vmem>> -> memref<1x64x128xf32, #tpu.memory_space<vmem>>
        %get3A_810 = tpu.memref_squeeze %get3A_809 : memref<1x64x128xf32, #tpu.memory_space<vmem>> -> memref<64x128xf32, #tpu.memory_space<vmem>>
        %get3A_811 = arith.constant 0 : i32
        %get3A_812 = tpu.memref_slice %get3A_810[%add3A_775, %get3A_811] : memref<64x128xf32, #tpu.memory_space<vmem>> -> memref<1x128xf32, #tpu.memory_space<vmem>>
        %get3A_813 = tpu.memref_squeeze %get3A_812 : memref<1x128xf32, #tpu.memory_space<vmem>> -> memref<128xf32, #tpu.memory_space<vmem>>
        %get3A_814 = arith.constant 16 : index
        %get3A_815 = tpu.vector_load %get3A_813[%get3A_814] {strides = array<i32>} : memref<128xf32, #tpu.memory_space<vmem>>, vector<16xf32>,
        %get3A_816 = vector.shape_cast %get3A_815 : vector<16xf32> to vector<16xf32>
        %mul3A_817 = arith.mulf %get3A_806, %get3A_816 : vector<16xf32>
        %get3A_818 = arith.constant 0 : i32
        %get3A_819 = arith.constant 0 : i32
        %get3A_820 = tpu.memref_slice %arg9[%scan3A_543, %get3A_818, %get3A_819] : memref<4x64x128xf32, #tpu.memory_space<vmem>> -> memref<1x64x128xf32, #tpu.memory_space<vmem>>
        %get3A_821 = tpu.memref_squeeze %get3A_820 : memref<1x64x128xf32, #tpu.memory_space<vmem>> -> memref<64x128xf32, #tpu.memory_space<vmem>>
        %get3A_822 = arith.constant 0 : i32
        %get3A_823 = tpu.memref_slice %get3A_821[%add3A_772, %get3A_822] : memref<64x128xf32, #tpu.memory_space<vmem>> -> memref<1x128xf32, #tpu.memory_space<vmem>>
        %get3A_824 = tpu.memref_squeeze %get3A_823 : memref<1x128xf32, #tpu.memory_space<vmem>> -> memref<128xf32, #tpu.memory_space<vmem>>
        %get3A_825 = arith.constant 32 : index
        %get3A_826 = tpu.vector_load %get3A_824[%get3A_825] {strides = array<i32>} : memref<128xf32, #tpu.memory_space<vmem>>, vector<16xf32>,
        %get3A_827 = vector.shape_cast %get3A_826 : vector<16xf32> to vector<16xf32>
        %get3A_828 = arith.constant 0 : i32
        %get3A_829 = arith.constant 0 : i32
        %get3A_830 = tpu.memref_slice %arg10[%scan3A_544, %get3A_828, %get3A_829] : memref<4x64x128xf32, #tpu.memory_space<vmem>> -> memref<1x64x128xf32, #tpu.memory_space<vmem>>
        %get3A_831 = tpu.memref_squeeze %get3A_830 : memref<1x64x128xf32, #tpu.memory_space<vmem>> -> memref<64x128xf32, #tpu.memory_space<vmem>>
        %get3A_832 = arith.constant 0 : i32
        %get3A_833 = tpu.memref_slice %get3A_831[%add3A_775, %get3A_832] : memref<64x128xf32, #tpu.memory_space<vmem>> -> memref<1x128xf32, #tpu.memory_space<vmem>>
        %get3A_834 = tpu.memref_squeeze %get3A_833 : memref<1x128xf32, #tpu.memory_space<vmem>> -> memref<128xf32, #tpu.memory_space<vmem>>
        %get3A_835 = arith.constant 32 : index
        %get3A_836 = tpu.vector_load %get3A_834[%get3A_835] {strides = array<i32>} : memref<128xf32, #tpu.memory_space<vmem>>, vector<16xf32>,
        %get3A_837 = vector.shape_cast %get3A_836 : vector<16xf32> to vector<16xf32>
        %mul3A_838 = arith.mulf %get3A_827, %get3A_837 : vector<16xf32>
        %get3A_839 = arith.constant 0 : i32
        %get3A_840 = arith.constant 0 : i32
        %get3A_841 = tpu.memref_slice %arg9[%scan3A_543, %get3A_839, %get3A_840] : memref<4x64x128xf32, #tpu.memory_space<vmem>> -> memref<1x64x128xf32, #tpu.memory_space<vmem>>
        %get3A_842 = tpu.memref_squeeze %get3A_841 : memref<1x64x128xf32, #tpu.memory_space<vmem>> -> memref<64x128xf32, #tpu.memory_space<vmem>>
        %get3A_843 = arith.constant 0 : i32
        %get3A_844 = tpu.memref_slice %get3A_842[%add3A_772, %get3A_843] : memref<64x128xf32, #tpu.memory_space<vmem>> -> memref<1x128xf32, #tpu.memory_space<vmem>>
        %get3A_845 = tpu.memref_squeeze %get3A_844 : memref<1x128xf32, #tpu.memory_space<vmem>> -> memref<128xf32, #tpu.memory_space<vmem>>
        %get3A_846 = arith.constant 48 : index
        %get3A_847 = tpu.vector_load %get3A_845[%get3A_846] {strides = array<i32>} : memref<128xf32, #tpu.memory_space<vmem>>, vector<16xf32>,
        %get3A_848 = vector.shape_cast %get3A_847 : vector<16xf32> to vector<16xf32>
        %get3A_849 = arith.constant 0 : i32
        %get3A_850 = arith.constant 0 : i32
        %get3A_851 = tpu.memref_slice %arg10[%scan3A_544, %get3A_849, %get3A_850] : memref<4x64x128xf32, #tpu.memory_space<vmem>> -> memref<1x64x128xf32, #tpu.memory_space<vmem>>
        %get3A_852 = tpu.memref_squeeze %get3A_851 : memref<1x64x128xf32, #tpu.memory_space<vmem>> -> memref<64x128xf32, #tpu.memory_space<vmem>>
        %get3A_853 = arith.constant 0 : i32
        %get3A_854 = tpu.memref_slice %get3A_852[%add3A_775, %get3A_853] : memref<64x128xf32, #tpu.memory_space<vmem>> -> memref<1x128xf32, #tpu.memory_space<vmem>>
        %get3A_855 = tpu.memref_squeeze %get3A_854 : memref<1x128xf32, #tpu.memory_space<vmem>> -> memref<128xf32, #tpu.memory_space<vmem>>
        %get3A_856 = arith.constant 48 : index
        %get3A_857 = tpu.vector_load %get3A_855[%get3A_856] {strides = array<i32>} : memref<128xf32, #tpu.memory_space<vmem>>, vector<16xf32>,
        %get3A_858 = vector.shape_cast %get3A_857 : vector<16xf32> to vector<16xf32>
        %mul3A_859 = arith.mulf %get3A_848, %get3A_858 : vector<16xf32>
        %get3A_860 = arith.constant 0 : i32
        %get3A_861 = arith.constant 0 : i32
        %get3A_862 = tpu.memref_slice %arg9[%scan3A_543, %get3A_860, %get3A_861] : memref<4x64x128xf32, #tpu.memory_space<vmem>> -> memref<1x64x128xf32, #tpu.memory_space<vmem>>
        %get3A_863 = tpu.memref_squeeze %get3A_862 : memref<1x64x128xf32, #tpu.memory_space<vmem>> -> memref<64x128xf32, #tpu.memory_space<vmem>>
        %get3A_864 = arith.constant 0 : i32
        %get3A_865 = tpu.memref_slice %get3A_863[%add3A_772, %get3A_864] : memref<64x128xf32, #tpu.memory_space<vmem>> -> memref<1x128xf32, #tpu.memory_space<vmem>>
        %get3A_866 = tpu.memref_squeeze %get3A_865 : memref<1x128xf32, #tpu.memory_space<vmem>> -> memref<128xf32, #tpu.memory_space<vmem>>
        %get3A_867 = arith.constant 64 : index
        %get3A_868 = tpu.vector_load %get3A_866[%get3A_867] {strides = array<i32>} : memref<128xf32, #tpu.memory_space<vmem>>, vector<16xf32>,
        %get3A_869 = vector.shape_cast %get3A_868 : vector<16xf32> to vector<16xf32>
        %get3A_870 = arith.constant 0 : i32
        %get3A_871 = arith.constant 0 : i32
        %get3A_872 = tpu.memref_slice %arg10[%scan3A_544, %get3A_870, %get3A_871] : memref<4x64x128xf32, #tpu.memory_space<vmem>> -> memref<1x64x128xf32, #tpu.memory_space<vmem>>
        %get3A_873 = tpu.memref_squeeze %get3A_872 : memref<1x64x128xf32, #tpu.memory_space<vmem>> -> memref<64x128xf32, #tpu.memory_space<vmem>>
        %get3A_874 = arith.constant 0 : i32
        %get3A_875 = tpu.memref_slice %get3A_873[%add3A_775, %get3A_874] : memref<64x128xf32, #tpu.memory_space<vmem>> -> memref<1x128xf32, #tpu.memory_space<vmem>>
        %get3A_876 = tpu.memref_squeeze %get3A_875 : memref<1x128xf32, #tpu.memory_space<vmem>> -> memref<128xf32, #tpu.memory_space<vmem>>
        %get3A_877 = arith.constant 64 : index
        %get3A_878 = tpu.vector_load %get3A_876[%get3A_877] {strides = array<i32>} : memref<128xf32, #tpu.memory_space<vmem>>, vector<16xf32>,
        %get3A_879 = vector.shape_cast %get3A_878 : vector<16xf32> to vector<16xf32>
        %mul3A_880 = arith.mulf %get3A_869, %get3A_879 : vector<16xf32>
        %get3A_881 = arith.constant 0 : i32
        %get3A_882 = arith.constant 0 : i32
        %get3A_883 = tpu.memref_slice %arg9[%scan3A_543, %get3A_881, %get3A_882] : memref<4x64x128xf32, #tpu.memory_space<vmem>> -> memref<1x64x128xf32, #tpu.memory_space<vmem>>
        %get3A_884 = tpu.memref_squeeze %get3A_883 : memref<1x64x128xf32, #tpu.memory_space<vmem>> -> memref<64x128xf32, #tpu.memory_space<vmem>>
        %get3A_885 = arith.constant 0 : i32
        %get3A_886 = tpu.memref_slice %get3A_884[%add3A_772, %get3A_885] : memref<64x128xf32, #tpu.memory_space<vmem>> -> memref<1x128xf32, #tpu.memory_space<vmem>>
        %get3A_887 = tpu.memref_squeeze %get3A_886 : memref<1x128xf32, #tpu.memory_space<vmem>> -> memref<128xf32, #tpu.memory_space<vmem>>
        %get3A_888 = arith.constant 80 : index
        %get3A_889 = tpu.vector_load %get3A_887[%get3A_888] {strides = array<i32>} : memref<128xf32, #tpu.memory_space<vmem>>, vector<16xf32>,
        %get3A_890 = vector.shape_cast %get3A_889 : vector<16xf32> to vector<16xf32>
        %get3A_891 = arith.constant 0 : i32
        %get3A_892 = arith.constant 0 : i32
        %get3A_893 = tpu.memref_slice %arg10[%scan3A_544, %get3A_891, %get3A_892] : memref<4x64x128xf32, #tpu.memory_space<vmem>> -> memref<1x64x128xf32, #tpu.memory_space<vmem>>
        %get3A_894 = tpu.memref_squeeze %get3A_893 : memref<1x64x128xf32, #tpu.memory_space<vmem>> -> memref<64x128xf32, #tpu.memory_space<vmem>>
        %get3A_895 = arith.constant 0 : i32
        %get3A_896 = tpu.memref_slice %get3A_894[%add3A_775, %get3A_895] : memref<64x128xf32, #tpu.memory_space<vmem>> -> memref<1x128xf32, #tpu.memory_space<vmem>>
        %get3A_897 = tpu.memref_squeeze %get3A_896 : memref<1x128xf32, #tpu.memory_space<vmem>> -> memref<128xf32, #tpu.memory_space<vmem>>
        %get3A_898 = arith.constant 80 : index
        %get3A_899 = tpu.vector_load %get3A_897[%get3A_898] {strides = array<i32>} : memref<128xf32, #tpu.memory_space<vmem>>, vector<16xf32>,
        %get3A_900 = vector.shape_cast %get3A_899 : vector<16xf32> to vector<16xf32>
        %mul3A_901 = arith.mulf %get3A_890, %get3A_900 : vector<16xf32>
        %get3A_902 = arith.constant 0 : i32
        %get3A_903 = arith.constant 0 : i32
        %get3A_904 = tpu.memref_slice %arg9[%scan3A_543, %get3A_902, %get3A_903] : memref<4x64x128xf32, #tpu.memory_space<vmem>> -> memref<1x64x128xf32, #tpu.memory_space<vmem>>
        %get3A_905 = tpu.memref_squeeze %get3A_904 : memref<1x64x128xf32, #tpu.memory_space<vmem>> -> memref<64x128xf32, #tpu.memory_space<vmem>>
        %get3A_906 = arith.constant 0 : i32
        %get3A_907 = tpu.memref_slice %get3A_905[%add3A_772, %get3A_906] : memref<64x128xf32, #tpu.memory_space<vmem>> -> memref<1x128xf32, #tpu.memory_space<vmem>>
        %get3A_908 = tpu.memref_squeeze %get3A_907 : memref<1x128xf32, #tpu.memory_space<vmem>> -> memref<128xf32, #tpu.memory_space<vmem>>
        %get3A_909 = arith.constant 96 : index
        %get3A_910 = tpu.vector_load %get3A_908[%get3A_909] {strides = array<i32>} : memref<128xf32, #tpu.memory_space<vmem>>, vector<16xf32>,
        %get3A_911 = vector.shape_cast %get3A_910 : vector<16xf32> to vector<16xf32>
        %get3A_912 = arith.constant 0 : i32
        %get3A_913 = arith.constant 0 : i32
        %get3A_914 = tpu.memref_slice %arg10[%scan3A_544, %get3A_912, %get3A_913] : memref<4x64x128xf32, #tpu.memory_space<vmem>> -> memref<1x64x128xf32, #tpu.memory_space<vmem>>
        %get3A_915 = tpu.memref_squeeze %get3A_914 : memref<1x64x128xf32, #tpu.memory_space<vmem>> -> memref<64x128xf32, #tpu.memory_space<vmem>>
        %get3A_916 = arith.constant 0 : i32
        %get3A_917 = tpu.memref_slice %get3A_915[%add3A_775, %get3A_916] : memref<64x128xf32, #tpu.memory_space<vmem>> -> memref<1x128xf32, #tpu.memory_space<vmem>>
        %get3A_918 = tpu.memref_squeeze %get3A_917 : memref<1x128xf32, #tpu.memory_space<vmem>> -> memref<128xf32, #tpu.memory_space<vmem>>
        %get3A_919 = arith.constant 96 : index
        %get3A_920 = tpu.vector_load %get3A_918[%get3A_919] {strides = array<i32>} : memref<128xf32, #tpu.memory_space<vmem>>, vector<16xf32>,
        %get3A_921 = vector.shape_cast %get3A_920 : vector<16xf32> to vector<16xf32>
        %mul3A_922 = arith.mulf %get3A_911, %get3A_921 : vector<16xf32>
        %get3A_923 = arith.constant 0 : i32
        %get3A_924 = arith.constant 0 : i32
        %get3A_925 = tpu.memref_slice %arg9[%scan3A_543, %get3A_923, %get3A_924] : memref<4x64x128xf32, #tpu.memory_space<vmem>> -> memref<1x64x128xf32, #tpu.memory_space<vmem>>
        %get3A_926 = tpu.memref_squeeze %get3A_925 : memref<1x64x128xf32, #tpu.memory_space<vmem>> -> memref<64x128xf32, #tpu.memory_space<vmem>>
        %get3A_927 = arith.constant 0 : i32
        %get3A_928 = tpu.memref_slice %get3A_926[%add3A_772, %get3A_927] : memref<64x128xf32, #tpu.memory_space<vmem>> -> memref<1x128xf32, #tpu.memory_space<vmem>>
        %get3A_929 = tpu.memref_squeeze %get3A_928 : memref<1x128xf32, #tpu.memory_space<vmem>> -> memref<128xf32, #tpu.memory_space<vmem>>
        %get3A_930 = arith.constant 112 : index
        %get3A_931 = tpu.vector_load %get3A_929[%get3A_930] {strides = array<i32>} : memref<128xf32, #tpu.memory_space<vmem>>, vector<16xf32>,
        %get3A_932 = vector.shape_cast %get3A_931 : vector<16xf32> to vector<16xf32>
        %get3A_933 = arith.constant 0 : i32
        %get3A_934 = arith.constant 0 : i32
        %get3A_935 = tpu.memref_slice %arg10[%scan3A_544, %get3A_933, %get3A_934] : memref<4x64x128xf32, #tpu.memory_space<vmem>> -> memref<1x64x128xf32, #tpu.memory_space<vmem>>
        %get3A_936 = tpu.memref_squeeze %get3A_935 : memref<1x64x128xf32, #tpu.memory_space<vmem>> -> memref<64x128xf32, #tpu.memory_space<vmem>>
        %get3A_937 = arith.constant 0 : i32
        %get3A_938 = tpu.memref_slice %get3A_936[%add3A_775, %get3A_937] : memref<64x128xf32, #tpu.memory_space<vmem>> -> memref<1x128xf32, #tpu.memory_space<vmem>>
        %get3A_939 = tpu.memref_squeeze %get3A_938 : memref<1x128xf32, #tpu.memory_space<vmem>> -> memref<128xf32, #tpu.memory_space<vmem>>
        %get3A_940 = arith.constant 112 : index
        %get3A_941 = tpu.vector_load %get3A_939[%get3A_940] {strides = array<i32>} : memref<128xf32, #tpu.memory_space<vmem>>, vector<16xf32>,
        %get3A_942 = vector.shape_cast %get3A_941 : vector<16xf32> to vector<16xf32>
        %mul3A_943 = arith.mulf %get3A_932, %get3A_942 : vector<16xf32>
        %add3A_944 = arith.addf %mul3A_796, %mul3A_817 : vector<16xf32>
        %add3A_945 = arith.addf %mul3A_838, %mul3A_859 : vector<16xf32>
        %add3A_946 = arith.addf %mul3A_880, %mul3A_901 : vector<16xf32>
        %add3A_947 = arith.addf %mul3A_922, %mul3A_943 : vector<16xf32>
        %add3A_948 = arith.addf %add3A_944, %add3A_945 : vector<16xf32>
        %add3A_949 = arith.addf %add3A_946, %add3A_947 : vector<16xf32>
        %add3A_950 = arith.addf %add3A_948, %add3A_949 : vector<16xf32>
        %xor3A_951 = arith.constant 8 : i32
        %xor3A_952 = vector.broadcast %xor3A_951 : i32 to vector<16xi32>
        %xor3A_953 = arith.xori %iota3A, %xor3A_952 : vector<16xi32>
        %broadcast_in_dim3A_954 = vector.shape_cast %xor3A_953 : vector<16xi32> to vector<16x1xi32>
        %gather3A_955 = vector.shape_cast %broadcast_in_dim3A_954 : vector<16x1xi32> to vector<16xi32>
        %gather3A_956 = tpu.dynamic_gather %add3A_950[%gather3A_955] in [0] : vector<16xf32>, vector<16xi32> -> vector<16xf32>
        %add3A_957 = arith.addf %add3A_950, %gather3A_956 : vector<16xf32>
        %xor3A_958 = arith.constant 4 : i32
        %xor3A_959 = vector.broadcast %xor3A_958 : i32 to vector<16xi32>
        %xor3A_960 = arith.xori %iota3A, %xor3A_959 : vector<16xi32>
        %broadcast_in_dim3A_961 = vector.shape_cast %xor3A_960 : vector<16xi32> to vector<16x1xi32>
        %gather3A_962 = vector.shape_cast %broadcast_in_dim3A_961 : vector<16x1xi32> to vector<16xi32>
        %gather3A_963 = tpu.dynamic_gather %add3A_957[%gather3A_962] in [0] : vector<16xf32>, vector<16xi32> -> vector<16xf32>
        %add3A_964 = arith.addf %add3A_957, %gather3A_963 : vector<16xf32>
        %xor3A_965 = arith.constant 2 : i32
        %xor3A_966 = vector.broadcast %xor3A_965 : i32 to vector<16xi32>
        %xor3A_967 = arith.xori %iota3A, %xor3A_966 : vector<16xi32>
        %broadcast_in_dim3A_968 = vector.shape_cast %xor3A_967 : vector<16xi32> to vector<16x1xi32>
        %gather3A_969 = vector.shape_cast %broadcast_in_dim3A_968 : vector<16x1xi32> to vector<16xi32>
        %gather3A_970 = tpu.dynamic_gather %add3A_964[%gather3A_969] in [0] : vector<16xf32>, vector<16xi32> -> vector<16xf32>
        %add3A_971 = arith.addf %add3A_964, %gather3A_970 : vector<16xf32>
        %xor3A_972 = arith.constant 1 : i32
        %xor3A_973 = vector.broadcast %xor3A_972 : i32 to vector<16xi32>
        %xor3A_974 = arith.xori %iota3A, %xor3A_973 : vector<16xi32>
        %broadcast_in_dim3A_975 = vector.shape_cast %xor3A_974 : vector<16xi32> to vector<16x1xi32>
        %gather3A_976 = vector.shape_cast %broadcast_in_dim3A_975 : vector<16x1xi32> to vector<16xi32>
        %gather3A_977 = tpu.dynamic_gather %add3A_971[%gather3A_976] in [0] : vector<16xf32>, vector<16xi32> -> vector<16xf32>
        %add3A_978 = arith.addf %add3A_971, %gather3A_977 : vector<16xf32>
        %eq3A_979 = vector.broadcast %scan3A_769 : i32 to vector<16xi32>
        %eq3A_980 = arith.cmpi eq, %iota3A, %eq3A_979 : vector<16xi32>
        %select_n3A_981 = arith.select %eq3A_980, %add3A_978, %select_n3A : vector<16xi1>, vector<16xf32>
        scf.yield %select_n3A_981 : vector<16xf32>
      }
      %scan3A_550 = arith.constant 16 : i32
      %mul3A_551 = arith.constant 16 : i32
      %mul3A_552 = arith.muli %scan3A_540, %mul3A_551 : i32
      %add3A_553 = arith.constant 384 : i32
      %add3A_554 = arith.addi %add3A_553, %mul3A_552 : i32
      %swap3A = arith.index_cast %add3A_554 : i32 to index
      %swap3A_555 = tpu.vector_load %arg11[%swap3A] {strides = array<i32>} : memref<512xf32, #tpu.memory_space<vmem>>, vector<16xf32>,
      %swap3A_556 = vector.shape_cast %swap3A_555 : vector<16xf32> to vector<16xf32>
      %swap3A_557 = vector.shape_cast %scan3A_549 : vector<16xf32> to vector<16xf32>
      tpu.vector_store %arg11[%swap3A], %swap3A_557 {strides = array<i32>} : memref<512xf32, #tpu.memory_space<vmem>>, vector<16xf32>,
      %scan3A_558 = arith.constant 0 : i32
      scf.yield %scan3A_558 : i32
    }
    %scan3A_448 = arith.constant 4 : i32
    %add3A_449 = arith.constant 384 : i32
    %add3A_450 = arith.addi %mul3A_2, %add3A_449 : i32
    %dma_start3A_451 = arith.constant 384 : i32
    %dma_start3A_452 = tpu.memref_slice %arg11[%dma_start3A_451] : memref<512xf32, #tpu.memory_space<vmem>> -> memref<64xf32, #tpu.memory_space<vmem>>
    %dma_start3A_453 = tpu.memref_slice %arg6[%add3A_450] : memref<16384xf32, #tpu.memory_space<hbm>> -> memref<64xf32, #tpu.memory_space<hbm>>
    %dma_start3A_454 = tpu.memref_slice %arg6[%add3A_450] : memref<16384xf32, #tpu.memory_space<hbm>> -> memref<64xf32, #tpu.memory_space<hbm>>
    %dma_start3A_455 = arith.constant 384 : i32
    %dma_start3A_456 = tpu.memref_slice %arg11[%dma_start3A_455] : memref<512xf32, #tpu.memory_space<vmem>> -> memref<64xf32, #tpu.memory_space<vmem>>
    tpu.enqueue_dma source(%dma_start3A_456 : memref<64xf32, #tpu.memory_space<vmem>>) target(%dma_start3A_454 : memref<64xf32, #tpu.memory_space<hbm>>) target_semaphore(%arg17 : memref<!tpu.dma_semaphore, #tpu.memory_space<semaphore_mem>>)
    %dma_wait3A_457 = arith.constant 3 : i32
    %dma_wait3A_458 = arith.constant 0 : i32
    %dma_wait3A_459 = arith.constant 0 : i32
    %dma_wait3A_460 = tpu.memref_slice %arg9[%dma_wait3A_457, %dma_wait3A_458, %dma_wait3A_459] : memref<4x64x128xf32, #tpu.memory_space<vmem>> -> memref<1x64x128xf32, #tpu.memory_space<vmem>>
    %dma_wait3A_461 = tpu.memref_squeeze %dma_wait3A_460 : memref<1x64x128xf32, #tpu.memory_space<vmem>> -> memref<64x128xf32, #tpu.memory_space<vmem>>
    %dma_wait3A_462 = arith.constant 448 : i32
    %dma_wait3A_463 = tpu.memref_slice %arg7[%dma_wait3A_462] : memref<512xi32, #tpu.memory_space<vmem>> -> memref<64xi32, #tpu.memory_space<vmem>>
    %dma_wait3A_464 = arith.constant 0 : i32
    %dma_wait3A_465 = arith.constant 0 : i32
    %dma_wait3A_466 = tpu.memref_slice %arg4[%dma_wait3A_464, %dma_wait3A_465] : memref<100000x128xf32, #tpu.memory_space<hbm>> -> memref<100000x128xf32, #tpu.memory_space<hbm>>
    tpu.wait_indirect_dma semaphore(%arg15 : memref<!tpu.dma_semaphore, #tpu.memory_space<semaphore_mem>>) src(%dma_wait3A_466 : memref<100000x128xf32, #tpu.memory_space<hbm>>) dst(%dma_wait3A_461 : memref<64x128xf32, #tpu.memory_space<vmem>>)
    %dma_wait3A_467 = arith.constant 3 : i32
    %dma_wait3A_468 = arith.constant 0 : i32
    %dma_wait3A_469 = arith.constant 0 : i32
    %dma_wait3A_470 = tpu.memref_slice %arg10[%dma_wait3A_467, %dma_wait3A_468, %dma_wait3A_469] : memref<4x64x128xf32, #tpu.memory_space<vmem>> -> memref<1x64x128xf32, #tpu.memory_space<vmem>>
    %dma_wait3A_471 = tpu.memref_squeeze %dma_wait3A_470 : memref<1x64x128xf32, #tpu.memory_space<vmem>> -> memref<64x128xf32, #tpu.memory_space<vmem>>
    %dma_wait3A_472 = arith.constant 448 : i32
    %dma_wait3A_473 = tpu.memref_slice %arg8[%dma_wait3A_472] : memref<512xi32, #tpu.memory_space<vmem>> -> memref<64xi32, #tpu.memory_space<vmem>>
    %dma_wait3A_474 = arith.constant 0 : i32
    %dma_wait3A_475 = arith.constant 0 : i32
    %dma_wait3A_476 = tpu.memref_slice %arg5[%dma_wait3A_474, %dma_wait3A_475] : memref<100000x128xf32, #tpu.memory_space<hbm>> -> memref<100000x128xf32, #tpu.memory_space<hbm>>
    tpu.wait_indirect_dma semaphore(%arg15 : memref<!tpu.dma_semaphore, #tpu.memory_space<semaphore_mem>>) src(%dma_wait3A_476 : memref<100000x128xf32, #tpu.memory_space<hbm>>) dst(%dma_wait3A_471 : memref<64x128xf32, #tpu.memory_space<vmem>>)
    %scan3A_477 = arith.constant 0 : i32
    %scan3A_478 = arith.constant 0 : i32
    %scan3A_479 = arith.constant 4 : i32
    %scan3A_480 = arith.addi %scan3A_478, %scan3A_479 : i32
    %scan3A_481 = arith.constant 1 : i32
    %scan3A_482 = scf.for %scan3A_540 = %scan3A_478 to %scan3A_480 step %scan3A_481 iter_args(%scan3A_541 = %scan3A_477) -> (i32)  : i32 {
      %broadcast_in_dim3A = arith.constant 0.000000e+00 : f32
      %broadcast_in_dim3A_542 = vector.broadcast %broadcast_in_dim3A : f32 to vector<16xf32>
      %scan3A_543 = arith.constant 3 : i32
      %scan3A_544 = arith.constant 3 : i32
      %scan3A_545 = arith.constant 0 : i32
      %scan3A_546 = arith.constant 16 : i32
      %scan3A_547 = arith.addi %scan3A_545, %scan3A_546 : i32
      %scan3A_548 = arith.constant 2 : i32
      %scan3A_549 = scf.for %scan3A_559 = %scan3A_545 to %scan3A_547 step %scan3A_548 iter_args(%scan3A_560 = %broadcast_in_dim3A_542) -> (vector<16xf32>)  : i32 {
        %mul3A_561 = arith.constant 16 : i32
        %mul3A_562 = arith.muli %scan3A_540, %mul3A_561 : i32
        %add3A_563 = arith.addi %mul3A_562, %scan3A_559 : i32
        %mul3A_564 = arith.constant 16 : i32
        %mul3A_565 = arith.muli %scan3A_540, %mul3A_564 : i32
        %add3A_566 = arith.addi %mul3A_565, %scan3A_559 : i32
        %get3A = arith.constant 0 : i32
        %get3A_567 = arith.constant 0 : i32
        %get3A_568 = tpu.memref_slice %arg9[%scan3A_543, %get3A, %get3A_567] : memref<4x64x128xf32, #tpu.memory_space<vmem>> -> memref<1x64x128xf32, #tpu.memory_space<vmem>>
        %get3A_569 = tpu.memref_squeeze %get3A_568 : memref<1x64x128xf32, #tpu.memory_space<vmem>> -> memref<64x128xf32, #tpu.memory_space<vmem>>
        %get3A_570 = arith.constant 0 : i32
        %get3A_571 = tpu.memref_slice %get3A_569[%add3A_563, %get3A_570] : memref<64x128xf32, #tpu.memory_space<vmem>> -> memref<1x128xf32, #tpu.memory_space<vmem>>
        %get3A_572 = tpu.memref_squeeze %get3A_571 : memref<1x128xf32, #tpu.memory_space<vmem>> -> memref<128xf32, #tpu.memory_space<vmem>>
        %get3A_573 = arith.constant 0 : index
        %get3A_574 = tpu.vector_load %get3A_572[%get3A_573] {strides = array<i32>} : memref<128xf32, #tpu.memory_space<vmem>>, vector<16xf32>,
        %get3A_575 = vector.shape_cast %get3A_574 : vector<16xf32> to vector<16xf32>
        %get3A_576 = arith.constant 0 : i32
        %get3A_577 = arith.constant 0 : i32
        %get3A_578 = tpu.memref_slice %arg10[%scan3A_544, %get3A_576, %get3A_577] : memref<4x64x128xf32, #tpu.memory_space<vmem>> -> memref<1x64x128xf32, #tpu.memory_space<vmem>>
        %get3A_579 = tpu.memref_squeeze %get3A_578 : memref<1x64x128xf32, #tpu.memory_space<vmem>> -> memref<64x128xf32, #tpu.memory_space<vmem>>
        %get3A_580 = arith.constant 0 : i32
        %get3A_581 = tpu.memref_slice %get3A_579[%add3A_566, %get3A_580] : memref<64x128xf32, #tpu.memory_space<vmem>> -> memref<1x128xf32, #tpu.memory_space<vmem>>
        %get3A_582 = tpu.memref_squeeze %get3A_581 : memref<1x128xf32, #tpu.memory_space<vmem>> -> memref<128xf32, #tpu.memory_space<vmem>>
        %get3A_583 = arith.constant 0 : index
        %get3A_584 = tpu.vector_load %get3A_582[%get3A_583] {strides = array<i32>} : memref<128xf32, #tpu.memory_space<vmem>>, vector<16xf32>,
        %get3A_585 = vector.shape_cast %get3A_584 : vector<16xf32> to vector<16xf32>
        %mul3A_586 = arith.mulf %get3A_575, %get3A_585 : vector<16xf32>
        %get3A_587 = arith.constant 0 : i32
        %get3A_588 = arith.constant 0 : i32
        %get3A_589 = tpu.memref_slice %arg9[%scan3A_543, %get3A_587, %get3A_588] : memref<4x64x128xf32, #tpu.memory_space<vmem>> -> memref<1x64x128xf32, #tpu.memory_space<vmem>>
        %get3A_590 = tpu.memref_squeeze %get3A_589 : memref<1x64x128xf32, #tpu.memory_space<vmem>> -> memref<64x128xf32, #tpu.memory_space<vmem>>
        %get3A_591 = arith.constant 0 : i32
        %get3A_592 = tpu.memref_slice %get3A_590[%add3A_563, %get3A_591] : memref<64x128xf32, #tpu.memory_space<vmem>> -> memref<1x128xf32, #tpu.memory_space<vmem>>
        %get3A_593 = tpu.memref_squeeze %get3A_592 : memref<1x128xf32, #tpu.memory_space<vmem>> -> memref<128xf32, #tpu.memory_space<vmem>>
        %get3A_594 = arith.constant 16 : index
        %get3A_595 = tpu.vector_load %get3A_593[%get3A_594] {strides = array<i32>} : memref<128xf32, #tpu.memory_space<vmem>>, vector<16xf32>,
        %get3A_596 = vector.shape_cast %get3A_595 : vector<16xf32> to vector<16xf32>
        %get3A_597 = arith.constant 0 : i32
        %get3A_598 = arith.constant 0 : i32
        %get3A_599 = tpu.memref_slice %arg10[%scan3A_544, %get3A_597, %get3A_598] : memref<4x64x128xf32, #tpu.memory_space<vmem>> -> memref<1x64x128xf32, #tpu.memory_space<vmem>>
        %get3A_600 = tpu.memref_squeeze %get3A_599 : memref<1x64x128xf32, #tpu.memory_space<vmem>> -> memref<64x128xf32, #tpu.memory_space<vmem>>
        %get3A_601 = arith.constant 0 : i32
        %get3A_602 = tpu.memref_slice %get3A_600[%add3A_566, %get3A_601] : memref<64x128xf32, #tpu.memory_space<vmem>> -> memref<1x128xf32, #tpu.memory_space<vmem>>
        %get3A_603 = tpu.memref_squeeze %get3A_602 : memref<1x128xf32, #tpu.memory_space<vmem>> -> memref<128xf32, #tpu.memory_space<vmem>>
        %get3A_604 = arith.constant 16 : index
        %get3A_605 = tpu.vector_load %get3A_603[%get3A_604] {strides = array<i32>} : memref<128xf32, #tpu.memory_space<vmem>>, vector<16xf32>,
        %get3A_606 = vector.shape_cast %get3A_605 : vector<16xf32> to vector<16xf32>
        %mul3A_607 = arith.mulf %get3A_596, %get3A_606 : vector<16xf32>
        %get3A_608 = arith.constant 0 : i32
        %get3A_609 = arith.constant 0 : i32
        %get3A_610 = tpu.memref_slice %arg9[%scan3A_543, %get3A_608, %get3A_609] : memref<4x64x128xf32, #tpu.memory_space<vmem>> -> memref<1x64x128xf32, #tpu.memory_space<vmem>>
        %get3A_611 = tpu.memref_squeeze %get3A_610 : memref<1x64x128xf32, #tpu.memory_space<vmem>> -> memref<64x128xf32, #tpu.memory_space<vmem>>
        %get3A_612 = arith.constant 0 : i32
        %get3A_613 = tpu.memref_slice %get3A_611[%add3A_563, %get3A_612] : memref<64x128xf32, #tpu.memory_space<vmem>> -> memref<1x128xf32, #tpu.memory_space<vmem>>
        %get3A_614 = tpu.memref_squeeze %get3A_613 : memref<1x128xf32, #tpu.memory_space<vmem>> -> memref<128xf32, #tpu.memory_space<vmem>>
        %get3A_615 = arith.constant 32 : index
        %get3A_616 = tpu.vector_load %get3A_614[%get3A_615] {strides = array<i32>} : memref<128xf32, #tpu.memory_space<vmem>>, vector<16xf32>,
        %get3A_617 = vector.shape_cast %get3A_616 : vector<16xf32> to vector<16xf32>
        %get3A_618 = arith.constant 0 : i32
        %get3A_619 = arith.constant 0 : i32
        %get3A_620 = tpu.memref_slice %arg10[%scan3A_544, %get3A_618, %get3A_619] : memref<4x64x128xf32, #tpu.memory_space<vmem>> -> memref<1x64x128xf32, #tpu.memory_space<vmem>>
        %get3A_621 = tpu.memref_squeeze %get3A_620 : memref<1x64x128xf32, #tpu.memory_space<vmem>> -> memref<64x128xf32, #tpu.memory_space<vmem>>
        %get3A_622 = arith.constant 0 : i32
        %get3A_623 = tpu.memref_slice %get3A_621[%add3A_566, %get3A_622] : memref<64x128xf32, #tpu.memory_space<vmem>> -> memref<1x128xf32, #tpu.memory_space<vmem>>
        %get3A_624 = tpu.memref_squeeze %get3A_623 : memref<1x128xf32, #tpu.memory_space<vmem>> -> memref<128xf32, #tpu.memory_space<vmem>>
        %get3A_625 = arith.constant 32 : index
        %get3A_626 = tpu.vector_load %get3A_624[%get3A_625] {strides = array<i32>} : memref<128xf32, #tpu.memory_space<vmem>>, vector<16xf32>,
        %get3A_627 = vector.shape_cast %get3A_626 : vector<16xf32> to vector<16xf32>
        %mul3A_628 = arith.mulf %get3A_617, %get3A_627 : vector<16xf32>
        %get3A_629 = arith.constant 0 : i32
        %get3A_630 = arith.constant 0 : i32
        %get3A_631 = tpu.memref_slice %arg9[%scan3A_543, %get3A_629, %get3A_630] : memref<4x64x128xf32, #tpu.memory_space<vmem>> -> memref<1x64x128xf32, #tpu.memory_space<vmem>>
        %get3A_632 = tpu.memref_squeeze %get3A_631 : memref<1x64x128xf32, #tpu.memory_space<vmem>> -> memref<64x128xf32, #tpu.memory_space<vmem>>
        %get3A_633 = arith.constant 0 : i32
        %get3A_634 = tpu.memref_slice %get3A_632[%add3A_563, %get3A_633] : memref<64x128xf32, #tpu.memory_space<vmem>> -> memref<1x128xf32, #tpu.memory_space<vmem>>
        %get3A_635 = tpu.memref_squeeze %get3A_634 : memref<1x128xf32, #tpu.memory_space<vmem>> -> memref<128xf32, #tpu.memory_space<vmem>>
        %get3A_636 = arith.constant 48 : index
        %get3A_637 = tpu.vector_load %get3A_635[%get3A_636] {strides = array<i32>} : memref<128xf32, #tpu.memory_space<vmem>>, vector<16xf32>,
        %get3A_638 = vector.shape_cast %get3A_637 : vector<16xf32> to vector<16xf32>
        %get3A_639 = arith.constant 0 : i32
        %get3A_640 = arith.constant 0 : i32
        %get3A_641 = tpu.memref_slice %arg10[%scan3A_544, %get3A_639, %get3A_640] : memref<4x64x128xf32, #tpu.memory_space<vmem>> -> memref<1x64x128xf32, #tpu.memory_space<vmem>>
        %get3A_642 = tpu.memref_squeeze %get3A_641 : memref<1x64x128xf32, #tpu.memory_space<vmem>> -> memref<64x128xf32, #tpu.memory_space<vmem>>
        %get3A_643 = arith.constant 0 : i32
        %get3A_644 = tpu.memref_slice %get3A_642[%add3A_566, %get3A_643] : memref<64x128xf32, #tpu.memory_space<vmem>> -> memref<1x128xf32, #tpu.memory_space<vmem>>
        %get3A_645 = tpu.memref_squeeze %get3A_644 : memref<1x128xf32, #tpu.memory_space<vmem>> -> memref<128xf32, #tpu.memory_space<vmem>>
        %get3A_646 = arith.constant 48 : index
        %get3A_647 = tpu.vector_load %get3A_645[%get3A_646] {strides = array<i32>} : memref<128xf32, #tpu.memory_space<vmem>>, vector<16xf32>,
        %get3A_648 = vector.shape_cast %get3A_647 : vector<16xf32> to vector<16xf32>
        %mul3A_649 = arith.mulf %get3A_638, %get3A_648 : vector<16xf32>
        %get3A_650 = arith.constant 0 : i32
        %get3A_651 = arith.constant 0 : i32
        %get3A_652 = tpu.memref_slice %arg9[%scan3A_543, %get3A_650, %get3A_651] : memref<4x64x128xf32, #tpu.memory_space<vmem>> -> memref<1x64x128xf32, #tpu.memory_space<vmem>>
        %get3A_653 = tpu.memref_squeeze %get3A_652 : memref<1x64x128xf32, #tpu.memory_space<vmem>> -> memref<64x128xf32, #tpu.memory_space<vmem>>
        %get3A_654 = arith.constant 0 : i32
        %get3A_655 = tpu.memref_slice %get3A_653[%add3A_563, %get3A_654] : memref<64x128xf32, #tpu.memory_space<vmem>> -> memref<1x128xf32, #tpu.memory_space<vmem>>
        %get3A_656 = tpu.memref_squeeze %get3A_655 : memref<1x128xf32, #tpu.memory_space<vmem>> -> memref<128xf32, #tpu.memory_space<vmem>>
        %get3A_657 = arith.constant 64 : index
        %get3A_658 = tpu.vector_load %get3A_656[%get3A_657] {strides = array<i32>} : memref<128xf32, #tpu.memory_space<vmem>>, vector<16xf32>,
        %get3A_659 = vector.shape_cast %get3A_658 : vector<16xf32> to vector<16xf32>
        %get3A_660 = arith.constant 0 : i32
        %get3A_661 = arith.constant 0 : i32
        %get3A_662 = tpu.memref_slice %arg10[%scan3A_544, %get3A_660, %get3A_661] : memref<4x64x128xf32, #tpu.memory_space<vmem>> -> memref<1x64x128xf32, #tpu.memory_space<vmem>>
        %get3A_663 = tpu.memref_squeeze %get3A_662 : memref<1x64x128xf32, #tpu.memory_space<vmem>> -> memref<64x128xf32, #tpu.memory_space<vmem>>
        %get3A_664 = arith.constant 0 : i32
        %get3A_665 = tpu.memref_slice %get3A_663[%add3A_566, %get3A_664] : memref<64x128xf32, #tpu.memory_space<vmem>> -> memref<1x128xf32, #tpu.memory_space<vmem>>
        %get3A_666 = tpu.memref_squeeze %get3A_665 : memref<1x128xf32, #tpu.memory_space<vmem>> -> memref<128xf32, #tpu.memory_space<vmem>>
        %get3A_667 = arith.constant 64 : index
        %get3A_668 = tpu.vector_load %get3A_666[%get3A_667] {strides = array<i32>} : memref<128xf32, #tpu.memory_space<vmem>>, vector<16xf32>,
        %get3A_669 = vector.shape_cast %get3A_668 : vector<16xf32> to vector<16xf32>
        %mul3A_670 = arith.mulf %get3A_659, %get3A_669 : vector<16xf32>
        %get3A_671 = arith.constant 0 : i32
        %get3A_672 = arith.constant 0 : i32
        %get3A_673 = tpu.memref_slice %arg9[%scan3A_543, %get3A_671, %get3A_672] : memref<4x64x128xf32, #tpu.memory_space<vmem>> -> memref<1x64x128xf32, #tpu.memory_space<vmem>>
        %get3A_674 = tpu.memref_squeeze %get3A_673 : memref<1x64x128xf32, #tpu.memory_space<vmem>> -> memref<64x128xf32, #tpu.memory_space<vmem>>
        %get3A_675 = arith.constant 0 : i32
        %get3A_676 = tpu.memref_slice %get3A_674[%add3A_563, %get3A_675] : memref<64x128xf32, #tpu.memory_space<vmem>> -> memref<1x128xf32, #tpu.memory_space<vmem>>
        %get3A_677 = tpu.memref_squeeze %get3A_676 : memref<1x128xf32, #tpu.memory_space<vmem>> -> memref<128xf32, #tpu.memory_space<vmem>>
        %get3A_678 = arith.constant 80 : index
        %get3A_679 = tpu.vector_load %get3A_677[%get3A_678] {strides = array<i32>} : memref<128xf32, #tpu.memory_space<vmem>>, vector<16xf32>,
        %get3A_680 = vector.shape_cast %get3A_679 : vector<16xf32> to vector<16xf32>
        %get3A_681 = arith.constant 0 : i32
        %get3A_682 = arith.constant 0 : i32
        %get3A_683 = tpu.memref_slice %arg10[%scan3A_544, %get3A_681, %get3A_682] : memref<4x64x128xf32, #tpu.memory_space<vmem>> -> memref<1x64x128xf32, #tpu.memory_space<vmem>>
        %get3A_684 = tpu.memref_squeeze %get3A_683 : memref<1x64x128xf32, #tpu.memory_space<vmem>> -> memref<64x128xf32, #tpu.memory_space<vmem>>
        %get3A_685 = arith.constant 0 : i32
        %get3A_686 = tpu.memref_slice %get3A_684[%add3A_566, %get3A_685] : memref<64x128xf32, #tpu.memory_space<vmem>> -> memref<1x128xf32, #tpu.memory_space<vmem>>
        %get3A_687 = tpu.memref_squeeze %get3A_686 : memref<1x128xf32, #tpu.memory_space<vmem>> -> memref<128xf32, #tpu.memory_space<vmem>>
        %get3A_688 = arith.constant 80 : index
        %get3A_689 = tpu.vector_load %get3A_687[%get3A_688] {strides = array<i32>} : memref<128xf32, #tpu.memory_space<vmem>>, vector<16xf32>,
        %get3A_690 = vector.shape_cast %get3A_689 : vector<16xf32> to vector<16xf32>
        %mul3A_691 = arith.mulf %get3A_680, %get3A_690 : vector<16xf32>
        %get3A_692 = arith.constant 0 : i32
        %get3A_693 = arith.constant 0 : i32
        %get3A_694 = tpu.memref_slice %arg9[%scan3A_543, %get3A_692, %get3A_693] : memref<4x64x128xf32, #tpu.memory_space<vmem>> -> memref<1x64x128xf32, #tpu.memory_space<vmem>>
        %get3A_695 = tpu.memref_squeeze %get3A_694 : memref<1x64x128xf32, #tpu.memory_space<vmem>> -> memref<64x128xf32, #tpu.memory_space<vmem>>
        %get3A_696 = arith.constant 0 : i32
        %get3A_697 = tpu.memref_slice %get3A_695[%add3A_563, %get3A_696] : memref<64x128xf32, #tpu.memory_space<vmem>> -> memref<1x128xf32, #tpu.memory_space<vmem>>
        %get3A_698 = tpu.memref_squeeze %get3A_697 : memref<1x128xf32, #tpu.memory_space<vmem>> -> memref<128xf32, #tpu.memory_space<vmem>>
        %get3A_699 = arith.constant 96 : index
        %get3A_700 = tpu.vector_load %get3A_698[%get3A_699] {strides = array<i32>} : memref<128xf32, #tpu.memory_space<vmem>>, vector<16xf32>,
        %get3A_701 = vector.shape_cast %get3A_700 : vector<16xf32> to vector<16xf32>
        %get3A_702 = arith.constant 0 : i32
        %get3A_703 = arith.constant 0 : i32
        %get3A_704 = tpu.memref_slice %arg10[%scan3A_544, %get3A_702, %get3A_703] : memref<4x64x128xf32, #tpu.memory_space<vmem>> -> memref<1x64x128xf32, #tpu.memory_space<vmem>>
        %get3A_705 = tpu.memref_squeeze %get3A_704 : memref<1x64x128xf32, #tpu.memory_space<vmem>> -> memref<64x128xf32, #tpu.memory_space<vmem>>
        %get3A_706 = arith.constant 0 : i32
        %get3A_707 = tpu.memref_slice %get3A_705[%add3A_566, %get3A_706] : memref<64x128xf32, #tpu.memory_space<vmem>> -> memref<1x128xf32, #tpu.memory_space<vmem>>
        %get3A_708 = tpu.memref_squeeze %get3A_707 : memref<1x128xf32, #tpu.memory_space<vmem>> -> memref<128xf32, #tpu.memory_space<vmem>>
        %get3A_709 = arith.constant 96 : index
        %get3A_710 = tpu.vector_load %get3A_708[%get3A_709] {strides = array<i32>} : memref<128xf32, #tpu.memory_space<vmem>>, vector<16xf32>,
        %get3A_711 = vector.shape_cast %get3A_710 : vector<16xf32> to vector<16xf32>
        %mul3A_712 = arith.mulf %get3A_701, %get3A_711 : vector<16xf32>
        %get3A_713 = arith.constant 0 : i32
        %get3A_714 = arith.constant 0 : i32
        %get3A_715 = tpu.memref_slice %arg9[%scan3A_543, %get3A_713, %get3A_714] : memref<4x64x128xf32, #tpu.memory_space<vmem>> -> memref<1x64x128xf32, #tpu.memory_space<vmem>>
        %get3A_716 = tpu.memref_squeeze %get3A_715 : memref<1x64x128xf32, #tpu.memory_space<vmem>> -> memref<64x128xf32, #tpu.memory_space<vmem>>
        %get3A_717 = arith.constant 0 : i32
        %get3A_718 = tpu.memref_slice %get3A_716[%add3A_563, %get3A_717] : memref<64x128xf32, #tpu.memory_space<vmem>> -> memref<1x128xf32, #tpu.memory_space<vmem>>
        %get3A_719 = tpu.memref_squeeze %get3A_718 : memref<1x128xf32, #tpu.memory_space<vmem>> -> memref<128xf32, #tpu.memory_space<vmem>>
        %get3A_720 = arith.constant 112 : index
        %get3A_721 = tpu.vector_load %get3A_719[%get3A_720] {strides = array<i32>} : memref<128xf32, #tpu.memory_space<vmem>>, vector<16xf32>,
        %get3A_722 = vector.shape_cast %get3A_721 : vector<16xf32> to vector<16xf32>
        %get3A_723 = arith.constant 0 : i32
        %get3A_724 = arith.constant 0 : i32
        %get3A_725 = tpu.memref_slice %arg10[%scan3A_544, %get3A_723, %get3A_724] : memref<4x64x128xf32, #tpu.memory_space<vmem>> -> memref<1x64x128xf32, #tpu.memory_space<vmem>>
        %get3A_726 = tpu.memref_squeeze %get3A_725 : memref<1x64x128xf32, #tpu.memory_space<vmem>> -> memref<64x128xf32, #tpu.memory_space<vmem>>
        %get3A_727 = arith.constant 0 : i32
        %get3A_728 = tpu.memref_slice %get3A_726[%add3A_566, %get3A_727] : memref<64x128xf32, #tpu.memory_space<vmem>> -> memref<1x128xf32, #tpu.memory_space<vmem>>
        %get3A_729 = tpu.memref_squeeze %get3A_728 : memref<1x128xf32, #tpu.memory_space<vmem>> -> memref<128xf32, #tpu.memory_space<vmem>>
        %get3A_730 = arith.constant 112 : index
        %get3A_731 = tpu.vector_load %get3A_729[%get3A_730] {strides = array<i32>} : memref<128xf32, #tpu.memory_space<vmem>>, vector<16xf32>,
        %get3A_732 = vector.shape_cast %get3A_731 : vector<16xf32> to vector<16xf32>
        %mul3A_733 = arith.mulf %get3A_722, %get3A_732 : vector<16xf32>
        %add3A_734 = arith.addf %mul3A_586, %mul3A_607 : vector<16xf32>
        %add3A_735 = arith.addf %mul3A_628, %mul3A_649 : vector<16xf32>
        %add3A_736 = arith.addf %mul3A_670, %mul3A_691 : vector<16xf32>
        %add3A_737 = arith.addf %mul3A_712, %mul3A_733 : vector<16xf32>
        %add3A_738 = arith.addf %add3A_734, %add3A_735 : vector<16xf32>
        %add3A_739 = arith.addf %add3A_736, %add3A_737 : vector<16xf32>
        %add3A_740 = arith.addf %add3A_738, %add3A_739 : vector<16xf32>
        %xor3A = arith.constant 8 : i32
        %xor3A_741 = vector.broadcast %xor3A : i32 to vector<16xi32>
        %xor3A_742 = arith.xori %iota3A, %xor3A_741 : vector<16xi32>
        %broadcast_in_dim3A_743 = vector.shape_cast %xor3A_742 : vector<16xi32> to vector<16x1xi32>
        %gather3A = vector.shape_cast %broadcast_in_dim3A_743 : vector<16x1xi32> to vector<16xi32>
        %gather3A_744 = tpu.dynamic_gather %add3A_740[%gather3A] in [0] : vector<16xf32>, vector<16xi32> -> vector<16xf32>
        %add3A_745 = arith.addf %add3A_740, %gather3A_744 : vector<16xf32>
        %xor3A_746 = arith.constant 4 : i32
        %xor3A_747 = vector.broadcast %xor3A_746 : i32 to vector<16xi32>
        %xor3A_748 = arith.xori %iota3A, %xor3A_747 : vector<16xi32>
        %broadcast_in_dim3A_749 = vector.shape_cast %xor3A_748 : vector<16xi32> to vector<16x1xi32>
        %gather3A_750 = vector.shape_cast %broadcast_in_dim3A_749 : vector<16x1xi32> to vector<16xi32>
        %gather3A_751 = tpu.dynamic_gather %add3A_745[%gather3A_750] in [0] : vector<16xf32>, vector<16xi32> -> vector<16xf32>
        %add3A_752 = arith.addf %add3A_745, %gather3A_751 : vector<16xf32>
        %xor3A_753 = arith.constant 2 : i32
        %xor3A_754 = vector.broadcast %xor3A_753 : i32 to vector<16xi32>
        %xor3A_755 = arith.xori %iota3A, %xor3A_754 : vector<16xi32>
        %broadcast_in_dim3A_756 = vector.shape_cast %xor3A_755 : vector<16xi32> to vector<16x1xi32>
        %gather3A_757 = vector.shape_cast %broadcast_in_dim3A_756 : vector<16x1xi32> to vector<16xi32>
        %gather3A_758 = tpu.dynamic_gather %add3A_752[%gather3A_757] in [0] : vector<16xf32>, vector<16xi32> -> vector<16xf32>
        %add3A_759 = arith.addf %add3A_752, %gather3A_758 : vector<16xf32>
        %xor3A_760 = arith.constant 1 : i32
        %xor3A_761 = vector.broadcast %xor3A_760 : i32 to vector<16xi32>
        %xor3A_762 = arith.xori %iota3A, %xor3A_761 : vector<16xi32>
        %broadcast_in_dim3A_763 = vector.shape_cast %xor3A_762 : vector<16xi32> to vector<16x1xi32>
        %gather3A_764 = vector.shape_cast %broadcast_in_dim3A_763 : vector<16x1xi32> to vector<16xi32>
        %gather3A_765 = tpu.dynamic_gather %add3A_759[%gather3A_764] in [0] : vector<16xf32>, vector<16xi32> -> vector<16xf32>
        %add3A_766 = arith.addf %add3A_759, %gather3A_765 : vector<16xf32>
        %eq3A = vector.broadcast %scan3A_559 : i32 to vector<16xi32>
        %eq3A_767 = arith.cmpi eq, %iota3A, %eq3A : vector<16xi32>
        %select_n3A = arith.select %eq3A_767, %add3A_766, %scan3A_560 : vector<16xi1>, vector<16xf32>
        %scan3A_768 = arith.constant 1 : i32
        %scan3A_769 = arith.addi %scan3A_559, %scan3A_768 : i32
        %mul3A_770 = arith.constant 16 : i32
        %mul3A_771 = arith.muli %scan3A_540, %mul3A_770 : i32
        %add3A_772 = arith.addi %mul3A_771, %scan3A_769 : i32
        %mul3A_773 = arith.constant 16 : i32
        %mul3A_774 = arith.muli %scan3A_540, %mul3A_773 : i32
        %add3A_775 = arith.addi %mul3A_774, %scan3A_769 : i32
        %get3A_776 = arith.constant 0 : i32
        %get3A_777 = arith.constant 0 : i32
        %get3A_778 = tpu.memref_slice %arg9[%scan3A_543, %get3A_776, %get3A_777] : memref<4x64x128xf32, #tpu.memory_space<vmem>> -> memref<1x64x128xf32, #tpu.memory_space<vmem>>
        %get3A_779 = tpu.memref_squeeze %get3A_778 : memref<1x64x128xf32, #tpu.memory_space<vmem>> -> memref<64x128xf32, #tpu.memory_space<vmem>>
        %get3A_780 = arith.constant 0 : i32
        %get3A_781 = tpu.memref_slice %get3A_779[%add3A_772, %get3A_780] : memref<64x128xf32, #tpu.memory_space<vmem>> -> memref<1x128xf32, #tpu.memory_space<vmem>>
        %get3A_782 = tpu.memref_squeeze %get3A_781 : memref<1x128xf32, #tpu.memory_space<vmem>> -> memref<128xf32, #tpu.memory_space<vmem>>
        %get3A_783 = arith.constant 0 : index
        %get3A_784 = tpu.vector_load %get3A_782[%get3A_783] {strides = array<i32>} : memref<128xf32, #tpu.memory_space<vmem>>, vector<16xf32>,
        %get3A_785 = vector.shape_cast %get3A_784 : vector<16xf32> to vector<16xf32>
        %get3A_786 = arith.constant 0 : i32
        %get3A_787 = arith.constant 0 : i32
        %get3A_788 = tpu.memref_slice %arg10[%scan3A_544, %get3A_786, %get3A_787] : memref<4x64x128xf32, #tpu.memory_space<vmem>> -> memref<1x64x128xf32, #tpu.memory_space<vmem>>
        %get3A_789 = tpu.memref_squeeze %get3A_788 : memref<1x64x128xf32, #tpu.memory_space<vmem>> -> memref<64x128xf32, #tpu.memory_space<vmem>>
        %get3A_790 = arith.constant 0 : i32
        %get3A_791 = tpu.memref_slice %get3A_789[%add3A_775, %get3A_790] : memref<64x128xf32, #tpu.memory_space<vmem>> -> memref<1x128xf32, #tpu.memory_space<vmem>>
        %get3A_792 = tpu.memref_squeeze %get3A_791 : memref<1x128xf32, #tpu.memory_space<vmem>> -> memref<128xf32, #tpu.memory_space<vmem>>
        %get3A_793 = arith.constant 0 : index
        %get3A_794 = tpu.vector_load %get3A_792[%get3A_793] {strides = array<i32>} : memref<128xf32, #tpu.memory_space<vmem>>, vector<16xf32>,
        %get3A_795 = vector.shape_cast %get3A_794 : vector<16xf32> to vector<16xf32>
        %mul3A_796 = arith.mulf %get3A_785, %get3A_795 : vector<16xf32>
        %get3A_797 = arith.constant 0 : i32
        %get3A_798 = arith.constant 0 : i32
        %get3A_799 = tpu.memref_slice %arg9[%scan3A_543, %get3A_797, %get3A_798] : memref<4x64x128xf32, #tpu.memory_space<vmem>> -> memref<1x64x128xf32, #tpu.memory_space<vmem>>
        %get3A_800 = tpu.memref_squeeze %get3A_799 : memref<1x64x128xf32, #tpu.memory_space<vmem>> -> memref<64x128xf32, #tpu.memory_space<vmem>>
        %get3A_801 = arith.constant 0 : i32
        %get3A_802 = tpu.memref_slice %get3A_800[%add3A_772, %get3A_801] : memref<64x128xf32, #tpu.memory_space<vmem>> -> memref<1x128xf32, #tpu.memory_space<vmem>>
        %get3A_803 = tpu.memref_squeeze %get3A_802 : memref<1x128xf32, #tpu.memory_space<vmem>> -> memref<128xf32, #tpu.memory_space<vmem>>
        %get3A_804 = arith.constant 16 : index
        %get3A_805 = tpu.vector_load %get3A_803[%get3A_804] {strides = array<i32>} : memref<128xf32, #tpu.memory_space<vmem>>, vector<16xf32>,
        %get3A_806 = vector.shape_cast %get3A_805 : vector<16xf32> to vector<16xf32>
        %get3A_807 = arith.constant 0 : i32
        %get3A_808 = arith.constant 0 : i32
        %get3A_809 = tpu.memref_slice %arg10[%scan3A_544, %get3A_807, %get3A_808] : memref<4x64x128xf32, #tpu.memory_space<vmem>> -> memref<1x64x128xf32, #tpu.memory_space<vmem>>
        %get3A_810 = tpu.memref_squeeze %get3A_809 : memref<1x64x128xf32, #tpu.memory_space<vmem>> -> memref<64x128xf32, #tpu.memory_space<vmem>>
        %get3A_811 = arith.constant 0 : i32
        %get3A_812 = tpu.memref_slice %get3A_810[%add3A_775, %get3A_811] : memref<64x128xf32, #tpu.memory_space<vmem>> -> memref<1x128xf32, #tpu.memory_space<vmem>>
        %get3A_813 = tpu.memref_squeeze %get3A_812 : memref<1x128xf32, #tpu.memory_space<vmem>> -> memref<128xf32, #tpu.memory_space<vmem>>
        %get3A_814 = arith.constant 16 : index
        %get3A_815 = tpu.vector_load %get3A_813[%get3A_814] {strides = array<i32>} : memref<128xf32, #tpu.memory_space<vmem>>, vector<16xf32>,
        %get3A_816 = vector.shape_cast %get3A_815 : vector<16xf32> to vector<16xf32>
        %mul3A_817 = arith.mulf %get3A_806, %get3A_816 : vector<16xf32>
        %get3A_818 = arith.constant 0 : i32
        %get3A_819 = arith.constant 0 : i32
        %get3A_820 = tpu.memref_slice %arg9[%scan3A_543, %get3A_818, %get3A_819] : memref<4x64x128xf32, #tpu.memory_space<vmem>> -> memref<1x64x128xf32, #tpu.memory_space<vmem>>
        %get3A_821 = tpu.memref_squeeze %get3A_820 : memref<1x64x128xf32, #tpu.memory_space<vmem>> -> memref<64x128xf32, #tpu.memory_space<vmem>>
        %get3A_822 = arith.constant 0 : i32
        %get3A_823 = tpu.memref_slice %get3A_821[%add3A_772, %get3A_822] : memref<64x128xf32, #tpu.memory_space<vmem>> -> memref<1x128xf32, #tpu.memory_space<vmem>>
        %get3A_824 = tpu.memref_squeeze %get3A_823 : memref<1x128xf32, #tpu.memory_space<vmem>> -> memref<128xf32, #tpu.memory_space<vmem>>
        %get3A_825 = arith.constant 32 : index
        %get3A_826 = tpu.vector_load %get3A_824[%get3A_825] {strides = array<i32>} : memref<128xf32, #tpu.memory_space<vmem>>, vector<16xf32>,
        %get3A_827 = vector.shape_cast %get3A_826 : vector<16xf32> to vector<16xf32>
        %get3A_828 = arith.constant 0 : i32
        %get3A_829 = arith.constant 0 : i32
        %get3A_830 = tpu.memref_slice %arg10[%scan3A_544, %get3A_828, %get3A_829] : memref<4x64x128xf32, #tpu.memory_space<vmem>> -> memref<1x64x128xf32, #tpu.memory_space<vmem>>
        %get3A_831 = tpu.memref_squeeze %get3A_830 : memref<1x64x128xf32, #tpu.memory_space<vmem>> -> memref<64x128xf32, #tpu.memory_space<vmem>>
        %get3A_832 = arith.constant 0 : i32
        %get3A_833 = tpu.memref_slice %get3A_831[%add3A_775, %get3A_832] : memref<64x128xf32, #tpu.memory_space<vmem>> -> memref<1x128xf32, #tpu.memory_space<vmem>>
        %get3A_834 = tpu.memref_squeeze %get3A_833 : memref<1x128xf32, #tpu.memory_space<vmem>> -> memref<128xf32, #tpu.memory_space<vmem>>
        %get3A_835 = arith.constant 32 : index
        %get3A_836 = tpu.vector_load %get3A_834[%get3A_835] {strides = array<i32>} : memref<128xf32, #tpu.memory_space<vmem>>, vector<16xf32>,
        %get3A_837 = vector.shape_cast %get3A_836 : vector<16xf32> to vector<16xf32>
        %mul3A_838 = arith.mulf %get3A_827, %get3A_837 : vector<16xf32>
        %get3A_839 = arith.constant 0 : i32
        %get3A_840 = arith.constant 0 : i32
        %get3A_841 = tpu.memref_slice %arg9[%scan3A_543, %get3A_839, %get3A_840] : memref<4x64x128xf32, #tpu.memory_space<vmem>> -> memref<1x64x128xf32, #tpu.memory_space<vmem>>
        %get3A_842 = tpu.memref_squeeze %get3A_841 : memref<1x64x128xf32, #tpu.memory_space<vmem>> -> memref<64x128xf32, #tpu.memory_space<vmem>>
        %get3A_843 = arith.constant 0 : i32
        %get3A_844 = tpu.memref_slice %get3A_842[%add3A_772, %get3A_843] : memref<64x128xf32, #tpu.memory_space<vmem>> -> memref<1x128xf32, #tpu.memory_space<vmem>>
        %get3A_845 = tpu.memref_squeeze %get3A_844 : memref<1x128xf32, #tpu.memory_space<vmem>> -> memref<128xf32, #tpu.memory_space<vmem>>
        %get3A_846 = arith.constant 48 : index
        %get3A_847 = tpu.vector_load %get3A_845[%get3A_846] {strides = array<i32>} : memref<128xf32, #tpu.memory_space<vmem>>, vector<16xf32>,
        %get3A_848 = vector.shape_cast %get3A_847 : vector<16xf32> to vector<16xf32>
        %get3A_849 = arith.constant 0 : i32
        %get3A_850 = arith.constant 0 : i32
        %get3A_851 = tpu.memref_slice %arg10[%scan3A_544, %get3A_849, %get3A_850] : memref<4x64x128xf32, #tpu.memory_space<vmem>> -> memref<1x64x128xf32, #tpu.memory_space<vmem>>
        %get3A_852 = tpu.memref_squeeze %get3A_851 : memref<1x64x128xf32, #tpu.memory_space<vmem>> -> memref<64x128xf32, #tpu.memory_space<vmem>>
        %get3A_853 = arith.constant 0 : i32
        %get3A_854 = tpu.memref_slice %get3A_852[%add3A_775, %get3A_853] : memref<64x128xf32, #tpu.memory_space<vmem>> -> memref<1x128xf32, #tpu.memory_space<vmem>>
        %get3A_855 = tpu.memref_squeeze %get3A_854 : memref<1x128xf32, #tpu.memory_space<vmem>> -> memref<128xf32, #tpu.memory_space<vmem>>
        %get3A_856 = arith.constant 48 : index
        %get3A_857 = tpu.vector_load %get3A_855[%get3A_856] {strides = array<i32>} : memref<128xf32, #tpu.memory_space<vmem>>, vector<16xf32>,
        %get3A_858 = vector.shape_cast %get3A_857 : vector<16xf32> to vector<16xf32>
        %mul3A_859 = arith.mulf %get3A_848, %get3A_858 : vector<16xf32>
        %get3A_860 = arith.constant 0 : i32
        %get3A_861 = arith.constant 0 : i32
        %get3A_862 = tpu.memref_slice %arg9[%scan3A_543, %get3A_860, %get3A_861] : memref<4x64x128xf32, #tpu.memory_space<vmem>> -> memref<1x64x128xf32, #tpu.memory_space<vmem>>
        %get3A_863 = tpu.memref_squeeze %get3A_862 : memref<1x64x128xf32, #tpu.memory_space<vmem>> -> memref<64x128xf32, #tpu.memory_space<vmem>>
        %get3A_864 = arith.constant 0 : i32
        %get3A_865 = tpu.memref_slice %get3A_863[%add3A_772, %get3A_864] : memref<64x128xf32, #tpu.memory_space<vmem>> -> memref<1x128xf32, #tpu.memory_space<vmem>>
        %get3A_866 = tpu.memref_squeeze %get3A_865 : memref<1x128xf32, #tpu.memory_space<vmem>> -> memref<128xf32, #tpu.memory_space<vmem>>
        %get3A_867 = arith.constant 64 : index
        %get3A_868 = tpu.vector_load %get3A_866[%get3A_867] {strides = array<i32>} : memref<128xf32, #tpu.memory_space<vmem>>, vector<16xf32>,
        %get3A_869 = vector.shape_cast %get3A_868 : vector<16xf32> to vector<16xf32>
        %get3A_870 = arith.constant 0 : i32
        %get3A_871 = arith.constant 0 : i32
        %get3A_872 = tpu.memref_slice %arg10[%scan3A_544, %get3A_870, %get3A_871] : memref<4x64x128xf32, #tpu.memory_space<vmem>> -> memref<1x64x128xf32, #tpu.memory_space<vmem>>
        %get3A_873 = tpu.memref_squeeze %get3A_872 : memref<1x64x128xf32, #tpu.memory_space<vmem>> -> memref<64x128xf32, #tpu.memory_space<vmem>>
        %get3A_874 = arith.constant 0 : i32
        %get3A_875 = tpu.memref_slice %get3A_873[%add3A_775, %get3A_874] : memref<64x128xf32, #tpu.memory_space<vmem>> -> memref<1x128xf32, #tpu.memory_space<vmem>>
        %get3A_876 = tpu.memref_squeeze %get3A_875 : memref<1x128xf32, #tpu.memory_space<vmem>> -> memref<128xf32, #tpu.memory_space<vmem>>
        %get3A_877 = arith.constant 64 : index
        %get3A_878 = tpu.vector_load %get3A_876[%get3A_877] {strides = array<i32>} : memref<128xf32, #tpu.memory_space<vmem>>, vector<16xf32>,
        %get3A_879 = vector.shape_cast %get3A_878 : vector<16xf32> to vector<16xf32>
        %mul3A_880 = arith.mulf %get3A_869, %get3A_879 : vector<16xf32>
        %get3A_881 = arith.constant 0 : i32
        %get3A_882 = arith.constant 0 : i32
        %get3A_883 = tpu.memref_slice %arg9[%scan3A_543, %get3A_881, %get3A_882] : memref<4x64x128xf32, #tpu.memory_space<vmem>> -> memref<1x64x128xf32, #tpu.memory_space<vmem>>
        %get3A_884 = tpu.memref_squeeze %get3A_883 : memref<1x64x128xf32, #tpu.memory_space<vmem>> -> memref<64x128xf32, #tpu.memory_space<vmem>>
        %get3A_885 = arith.constant 0 : i32
        %get3A_886 = tpu.memref_slice %get3A_884[%add3A_772, %get3A_885] : memref<64x128xf32, #tpu.memory_space<vmem>> -> memref<1x128xf32, #tpu.memory_space<vmem>>
        %get3A_887 = tpu.memref_squeeze %get3A_886 : memref<1x128xf32, #tpu.memory_space<vmem>> -> memref<128xf32, #tpu.memory_space<vmem>>
        %get3A_888 = arith.constant 80 : index
        %get3A_889 = tpu.vector_load %get3A_887[%get3A_888] {strides = array<i32>} : memref<128xf32, #tpu.memory_space<vmem>>, vector<16xf32>,
        %get3A_890 = vector.shape_cast %get3A_889 : vector<16xf32> to vector<16xf32>
        %get3A_891 = arith.constant 0 : i32
        %get3A_892 = arith.constant 0 : i32
        %get3A_893 = tpu.memref_slice %arg10[%scan3A_544, %get3A_891, %get3A_892] : memref<4x64x128xf32, #tpu.memory_space<vmem>> -> memref<1x64x128xf32, #tpu.memory_space<vmem>>
        %get3A_894 = tpu.memref_squeeze %get3A_893 : memref<1x64x128xf32, #tpu.memory_space<vmem>> -> memref<64x128xf32, #tpu.memory_space<vmem>>
        %get3A_895 = arith.constant 0 : i32
        %get3A_896 = tpu.memref_slice %get3A_894[%add3A_775, %get3A_895] : memref<64x128xf32, #tpu.memory_space<vmem>> -> memref<1x128xf32, #tpu.memory_space<vmem>>
        %get3A_897 = tpu.memref_squeeze %get3A_896 : memref<1x128xf32, #tpu.memory_space<vmem>> -> memref<128xf32, #tpu.memory_space<vmem>>
        %get3A_898 = arith.constant 80 : index
        %get3A_899 = tpu.vector_load %get3A_897[%get3A_898] {strides = array<i32>} : memref<128xf32, #tpu.memory_space<vmem>>, vector<16xf32>,
        %get3A_900 = vector.shape_cast %get3A_899 : vector<16xf32> to vector<16xf32>
        %mul3A_901 = arith.mulf %get3A_890, %get3A_900 : vector<16xf32>
        %get3A_902 = arith.constant 0 : i32
        %get3A_903 = arith.constant 0 : i32
        %get3A_904 = tpu.memref_slice %arg9[%scan3A_543, %get3A_902, %get3A_903] : memref<4x64x128xf32, #tpu.memory_space<vmem>> -> memref<1x64x128xf32, #tpu.memory_space<vmem>>
        %get3A_905 = tpu.memref_squeeze %get3A_904 : memref<1x64x128xf32, #tpu.memory_space<vmem>> -> memref<64x128xf32, #tpu.memory_space<vmem>>
        %get3A_906 = arith.constant 0 : i32
        %get3A_907 = tpu.memref_slice %get3A_905[%add3A_772, %get3A_906] : memref<64x128xf32, #tpu.memory_space<vmem>> -> memref<1x128xf32, #tpu.memory_space<vmem>>
        %get3A_908 = tpu.memref_squeeze %get3A_907 : memref<1x128xf32, #tpu.memory_space<vmem>> -> memref<128xf32, #tpu.memory_space<vmem>>
        %get3A_909 = arith.constant 96 : index
        %get3A_910 = tpu.vector_load %get3A_908[%get3A_909] {strides = array<i32>} : memref<128xf32, #tpu.memory_space<vmem>>, vector<16xf32>,
        %get3A_911 = vector.shape_cast %get3A_910 : vector<16xf32> to vector<16xf32>
        %get3A_912 = arith.constant 0 : i32
        %get3A_913 = arith.constant 0 : i32
        %get3A_914 = tpu.memref_slice %arg10[%scan3A_544, %get3A_912, %get3A_913] : memref<4x64x128xf32, #tpu.memory_space<vmem>> -> memref<1x64x128xf32, #tpu.memory_space<vmem>>
        %get3A_915 = tpu.memref_squeeze %get3A_914 : memref<1x64x128xf32, #tpu.memory_space<vmem>> -> memref<64x128xf32, #tpu.memory_space<vmem>>
        %get3A_916 = arith.constant 0 : i32
        %get3A_917 = tpu.memref_slice %get3A_915[%add3A_775, %get3A_916] : memref<64x128xf32, #tpu.memory_space<vmem>> -> memref<1x128xf32, #tpu.memory_space<vmem>>
        %get3A_918 = tpu.memref_squeeze %get3A_917 : memref<1x128xf32, #tpu.memory_space<vmem>> -> memref<128xf32, #tpu.memory_space<vmem>>
        %get3A_919 = arith.constant 96 : index
        %get3A_920 = tpu.vector_load %get3A_918[%get3A_919] {strides = array<i32>} : memref<128xf32, #tpu.memory_space<vmem>>, vector<16xf32>,
        %get3A_921 = vector.shape_cast %get3A_920 : vector<16xf32> to vector<16xf32>
        %mul3A_922 = arith.mulf %get3A_911, %get3A_921 : vector<16xf32>
        %get3A_923 = arith.constant 0 : i32
        %get3A_924 = arith.constant 0 : i32
        %get3A_925 = tpu.memref_slice %arg9[%scan3A_543, %get3A_923, %get3A_924] : memref<4x64x128xf32, #tpu.memory_space<vmem>> -> memref<1x64x128xf32, #tpu.memory_space<vmem>>
        %get3A_926 = tpu.memref_squeeze %get3A_925 : memref<1x64x128xf32, #tpu.memory_space<vmem>> -> memref<64x128xf32, #tpu.memory_space<vmem>>
        %get3A_927 = arith.constant 0 : i32
        %get3A_928 = tpu.memref_slice %get3A_926[%add3A_772, %get3A_927] : memref<64x128xf32, #tpu.memory_space<vmem>> -> memref<1x128xf32, #tpu.memory_space<vmem>>
        %get3A_929 = tpu.memref_squeeze %get3A_928 : memref<1x128xf32, #tpu.memory_space<vmem>> -> memref<128xf32, #tpu.memory_space<vmem>>
        %get3A_930 = arith.constant 112 : index
        %get3A_931 = tpu.vector_load %get3A_929[%get3A_930] {strides = array<i32>} : memref<128xf32, #tpu.memory_space<vmem>>, vector<16xf32>,
        %get3A_932 = vector.shape_cast %get3A_931 : vector<16xf32> to vector<16xf32>
        %get3A_933 = arith.constant 0 : i32
        %get3A_934 = arith.constant 0 : i32
        %get3A_935 = tpu.memref_slice %arg10[%scan3A_544, %get3A_933, %get3A_934] : memref<4x64x128xf32, #tpu.memory_space<vmem>> -> memref<1x64x128xf32, #tpu.memory_space<vmem>>
        %get3A_936 = tpu.memref_squeeze %get3A_935 : memref<1x64x128xf32, #tpu.memory_space<vmem>> -> memref<64x128xf32, #tpu.memory_space<vmem>>
        %get3A_937 = arith.constant 0 : i32
        %get3A_938 = tpu.memref_slice %get3A_936[%add3A_775, %get3A_937] : memref<64x128xf32, #tpu.memory_space<vmem>> -> memref<1x128xf32, #tpu.memory_space<vmem>>
        %get3A_939 = tpu.memref_squeeze %get3A_938 : memref<1x128xf32, #tpu.memory_space<vmem>> -> memref<128xf32, #tpu.memory_space<vmem>>
        %get3A_940 = arith.constant 112 : index
        %get3A_941 = tpu.vector_load %get3A_939[%get3A_940] {strides = array<i32>} : memref<128xf32, #tpu.memory_space<vmem>>, vector<16xf32>,
        %get3A_942 = vector.shape_cast %get3A_941 : vector<16xf32> to vector<16xf32>
        %mul3A_943 = arith.mulf %get3A_932, %get3A_942 : vector<16xf32>
        %add3A_944 = arith.addf %mul3A_796, %mul3A_817 : vector<16xf32>
        %add3A_945 = arith.addf %mul3A_838, %mul3A_859 : vector<16xf32>
        %add3A_946 = arith.addf %mul3A_880, %mul3A_901 : vector<16xf32>
        %add3A_947 = arith.addf %mul3A_922, %mul3A_943 : vector<16xf32>
        %add3A_948 = arith.addf %add3A_944, %add3A_945 : vector<16xf32>
        %add3A_949 = arith.addf %add3A_946, %add3A_947 : vector<16xf32>
        %add3A_950 = arith.addf %add3A_948, %add3A_949 : vector<16xf32>
        %xor3A_951 = arith.constant 8 : i32
        %xor3A_952 = vector.broadcast %xor3A_951 : i32 to vector<16xi32>
        %xor3A_953 = arith.xori %iota3A, %xor3A_952 : vector<16xi32>
        %broadcast_in_dim3A_954 = vector.shape_cast %xor3A_953 : vector<16xi32> to vector<16x1xi32>
        %gather3A_955 = vector.shape_cast %broadcast_in_dim3A_954 : vector<16x1xi32> to vector<16xi32>
        %gather3A_956 = tpu.dynamic_gather %add3A_950[%gather3A_955] in [0] : vector<16xf32>, vector<16xi32> -> vector<16xf32>
        %add3A_957 = arith.addf %add3A_950, %gather3A_956 : vector<16xf32>
        %xor3A_958 = arith.constant 4 : i32
        %xor3A_959 = vector.broadcast %xor3A_958 : i32 to vector<16xi32>
        %xor3A_960 = arith.xori %iota3A, %xor3A_959 : vector<16xi32>
        %broadcast_in_dim3A_961 = vector.shape_cast %xor3A_960 : vector<16xi32> to vector<16x1xi32>
        %gather3A_962 = vector.shape_cast %broadcast_in_dim3A_961 : vector<16x1xi32> to vector<16xi32>
        %gather3A_963 = tpu.dynamic_gather %add3A_957[%gather3A_962] in [0] : vector<16xf32>, vector<16xi32> -> vector<16xf32>
        %add3A_964 = arith.addf %add3A_957, %gather3A_963 : vector<16xf32>
        %xor3A_965 = arith.constant 2 : i32
        %xor3A_966 = vector.broadcast %xor3A_965 : i32 to vector<16xi32>
        %xor3A_967 = arith.xori %iota3A, %xor3A_966 : vector<16xi32>
        %broadcast_in_dim3A_968 = vector.shape_cast %xor3A_967 : vector<16xi32> to vector<16x1xi32>
        %gather3A_969 = vector.shape_cast %broadcast_in_dim3A_968 : vector<16x1xi32> to vector<16xi32>
        %gather3A_970 = tpu.dynamic_gather %add3A_964[%gather3A_969] in [0] : vector<16xf32>, vector<16xi32> -> vector<16xf32>
        %add3A_971 = arith.addf %add3A_964, %gather3A_970 : vector<16xf32>
        %xor3A_972 = arith.constant 1 : i32
        %xor3A_973 = vector.broadcast %xor3A_972 : i32 to vector<16xi32>
        %xor3A_974 = arith.xori %iota3A, %xor3A_973 : vector<16xi32>
        %broadcast_in_dim3A_975 = vector.shape_cast %xor3A_974 : vector<16xi32> to vector<16x1xi32>
        %gather3A_976 = vector.shape_cast %broadcast_in_dim3A_975 : vector<16x1xi32> to vector<16xi32>
        %gather3A_977 = tpu.dynamic_gather %add3A_971[%gather3A_976] in [0] : vector<16xf32>, vector<16xi32> -> vector<16xf32>
        %add3A_978 = arith.addf %add3A_971, %gather3A_977 : vector<16xf32>
        %eq3A_979 = vector.broadcast %scan3A_769 : i32 to vector<16xi32>
        %eq3A_980 = arith.cmpi eq, %iota3A, %eq3A_979 : vector<16xi32>
        %select_n3A_981 = arith.select %eq3A_980, %add3A_978, %select_n3A : vector<16xi1>, vector<16xf32>
        scf.yield %select_n3A_981 : vector<16xf32>
      }
      %scan3A_550 = arith.constant 16 : i32
      %mul3A_551 = arith.constant 16 : i32
      %mul3A_552 = arith.muli %scan3A_540, %mul3A_551 : i32
      %add3A_553 = arith.constant 448 : i32
      %add3A_554 = arith.addi %add3A_553, %mul3A_552 : i32
      %swap3A = arith.index_cast %add3A_554 : i32 to index
      %swap3A_555 = tpu.vector_load %arg11[%swap3A] {strides = array<i32>} : memref<512xf32, #tpu.memory_space<vmem>>, vector<16xf32>,
      %swap3A_556 = vector.shape_cast %swap3A_555 : vector<16xf32> to vector<16xf32>
      %swap3A_557 = vector.shape_cast %scan3A_549 : vector<16xf32> to vector<16xf32>
      tpu.vector_store %arg11[%swap3A], %swap3A_557 {strides = array<i32>} : memref<512xf32, #tpu.memory_space<vmem>>, vector<16xf32>,
      %scan3A_558 = arith.constant 0 : i32
      scf.yield %scan3A_558 : i32
    }
    %scan3A_483 = arith.constant 4 : i32
    %add3A_484 = arith.constant 448 : i32
    %add3A_485 = arith.addi %mul3A_2, %add3A_484 : i32
    %dma_start3A_486 = arith.constant 448 : i32
    %dma_start3A_487 = tpu.memref_slice %arg11[%dma_start3A_486] : memref<512xf32, #tpu.memory_space<vmem>> -> memref<64xf32, #tpu.memory_space<vmem>>
    %dma_start3A_488 = tpu.memref_slice %arg6[%add3A_485] : memref<16384xf32, #tpu.memory_space<hbm>> -> memref<64xf32, #tpu.memory_space<hbm>>
    %dma_start3A_489 = tpu.memref_slice %arg6[%add3A_485] : memref<16384xf32, #tpu.memory_space<hbm>> -> memref<64xf32, #tpu.memory_space<hbm>>
    %dma_start3A_490 = arith.constant 448 : i32
    %dma_start3A_491 = tpu.memref_slice %arg11[%dma_start3A_490] : memref<512xf32, #tpu.memory_space<vmem>> -> memref<64xf32, #tpu.memory_space<vmem>>
    tpu.enqueue_dma source(%dma_start3A_491 : memref<64xf32, #tpu.memory_space<vmem>>) target(%dma_start3A_489 : memref<64xf32, #tpu.memory_space<hbm>>) target_semaphore(%arg17 : memref<!tpu.dma_semaphore, #tpu.memory_space<semaphore_mem>>)
    %dma_wait3A_492 = arith.constant 0 : i32
    %dma_wait3A_493 = tpu.memref_slice %arg11[%dma_wait3A_492] : memref<512xf32, #tpu.memory_space<vmem>> -> memref<64xf32, #tpu.memory_space<vmem>>
    %dma_wait3A_494 = tpu.memref_slice %arg6[%add3A_160] : memref<16384xf32, #tpu.memory_space<hbm>> -> memref<64xf32, #tpu.memory_space<hbm>>
    %dma_wait3A_495 = tpu.memref_slice %arg6[%add3A_160] : memref<16384xf32, #tpu.memory_space<hbm>> -> memref<64xf32, #tpu.memory_space<hbm>>
    %dma_wait3A_496 = arith.constant 0 : i32
    %dma_wait3A_497 = tpu.memref_slice %arg11[%dma_wait3A_496] : memref<512xf32, #tpu.memory_space<vmem>> -> memref<64xf32, #tpu.memory_space<vmem>>
    tpu.wait_dma2 semaphore(%arg17 : memref<!tpu.dma_semaphore, #tpu.memory_space<semaphore_mem>>) src(%dma_wait3A_497 : memref<64xf32, #tpu.memory_space<vmem>>) dst(%dma_wait3A_495 : memref<64xf32, #tpu.memory_space<hbm>>)
    %dma_wait3A_498 = arith.constant 64 : i32
    %dma_wait3A_499 = tpu.memref_slice %arg11[%dma_wait3A_498] : memref<512xf32, #tpu.memory_space<vmem>> -> memref<64xf32, #tpu.memory_space<vmem>>
    %dma_wait3A_500 = tpu.memref_slice %arg6[%add3A_215] : memref<16384xf32, #tpu.memory_space<hbm>> -> memref<64xf32, #tpu.memory_space<hbm>>
    %dma_wait3A_501 = tpu.memref_slice %arg6[%add3A_215] : memref<16384xf32, #tpu.memory_space<hbm>> -> memref<64xf32, #tpu.memory_space<hbm>>
    %dma_wait3A_502 = arith.constant 64 : i32
    %dma_wait3A_503 = tpu.memref_slice %arg11[%dma_wait3A_502] : memref<512xf32, #tpu.memory_space<vmem>> -> memref<64xf32, #tpu.memory_space<vmem>>
    tpu.wait_dma2 semaphore(%arg17 : memref<!tpu.dma_semaphore, #tpu.memory_space<semaphore_mem>>) src(%dma_wait3A_503 : memref<64xf32, #tpu.memory_space<vmem>>) dst(%dma_wait3A_501 : memref<64xf32, #tpu.memory_space<hbm>>)
    %dma_wait3A_504 = arith.constant 128 : i32
    %dma_wait3A_505 = tpu.memref_slice %arg11[%dma_wait3A_504] : memref<512xf32, #tpu.memory_space<vmem>> -> memref<64xf32, #tpu.memory_space<vmem>>
    %dma_wait3A_506 = tpu.memref_slice %arg6[%add3A_270] : memref<16384xf32, #tpu.memory_space<hbm>> -> memref<64xf32, #tpu.memory_space<hbm>>
    %dma_wait3A_507 = tpu.memref_slice %arg6[%add3A_270] : memref<16384xf32, #tpu.memory_space<hbm>> -> memref<64xf32, #tpu.memory_space<hbm>>
    %dma_wait3A_508 = arith.constant 128 : i32
    %dma_wait3A_509 = tpu.memref_slice %arg11[%dma_wait3A_508] : memref<512xf32, #tpu.memory_space<vmem>> -> memref<64xf32, #tpu.memory_space<vmem>>
    tpu.wait_dma2 semaphore(%arg17 : memref<!tpu.dma_semaphore, #tpu.memory_space<semaphore_mem>>) src(%dma_wait3A_509 : memref<64xf32, #tpu.memory_space<vmem>>) dst(%dma_wait3A_507 : memref<64xf32, #tpu.memory_space<hbm>>)
    %dma_wait3A_510 = arith.constant 192 : i32
    %dma_wait3A_511 = tpu.memref_slice %arg11[%dma_wait3A_510] : memref<512xf32, #tpu.memory_space<vmem>> -> memref<64xf32, #tpu.memory_space<vmem>>
    %dma_wait3A_512 = tpu.memref_slice %arg6[%add3A_325] : memref<16384xf32, #tpu.memory_space<hbm>> -> memref<64xf32, #tpu.memory_space<hbm>>
    %dma_wait3A_513 = tpu.memref_slice %arg6[%add3A_325] : memref<16384xf32, #tpu.memory_space<hbm>> -> memref<64xf32, #tpu.memory_space<hbm>>
    %dma_wait3A_514 = arith.constant 192 : i32
    %dma_wait3A_515 = tpu.memref_slice %arg11[%dma_wait3A_514] : memref<512xf32, #tpu.memory_space<vmem>> -> memref<64xf32, #tpu.memory_space<vmem>>
    tpu.wait_dma2 semaphore(%arg17 : memref<!tpu.dma_semaphore, #tpu.memory_space<semaphore_mem>>) src(%dma_wait3A_515 : memref<64xf32, #tpu.memory_space<vmem>>) dst(%dma_wait3A_513 : memref<64xf32, #tpu.memory_space<hbm>>)
    %dma_wait3A_516 = arith.constant 256 : i32
    %dma_wait3A_517 = tpu.memref_slice %arg11[%dma_wait3A_516] : memref<512xf32, #tpu.memory_space<vmem>> -> memref<64xf32, #tpu.memory_space<vmem>>
    %dma_wait3A_518 = tpu.memref_slice %arg6[%add3A_380] : memref<16384xf32, #tpu.memory_space<hbm>> -> memref<64xf32, #tpu.memory_space<hbm>>
    %dma_wait3A_519 = tpu.memref_slice %arg6[%add3A_380] : memref<16384xf32, #tpu.memory_space<hbm>> -> memref<64xf32, #tpu.memory_space<hbm>>
    %dma_wait3A_520 = arith.constant 256 : i32
    %dma_wait3A_521 = tpu.memref_slice %arg11[%dma_wait3A_520] : memref<512xf32, #tpu.memory_space<vmem>> -> memref<64xf32, #tpu.memory_space<vmem>>
    tpu.wait_dma2 semaphore(%arg17 : memref<!tpu.dma_semaphore, #tpu.memory_space<semaphore_mem>>) src(%dma_wait3A_521 : memref<64xf32, #tpu.memory_space<vmem>>) dst(%dma_wait3A_519 : memref<64xf32, #tpu.memory_space<hbm>>)
    %dma_wait3A_522 = arith.constant 320 : i32
    %dma_wait3A_523 = tpu.memref_slice %arg11[%dma_wait3A_522] : memref<512xf32, #tpu.memory_space<vmem>> -> memref<64xf32, #tpu.memory_space<vmem>>
    %dma_wait3A_524 = tpu.memref_slice %arg6[%add3A_415] : memref<16384xf32, #tpu.memory_space<hbm>> -> memref<64xf32, #tpu.memory_space<hbm>>
    %dma_wait3A_525 = tpu.memref_slice %arg6[%add3A_415] : memref<16384xf32, #tpu.memory_space<hbm>> -> memref<64xf32, #tpu.memory_space<hbm>>
    %dma_wait3A_526 = arith.constant 320 : i32
    %dma_wait3A_527 = tpu.memref_slice %arg11[%dma_wait3A_526] : memref<512xf32, #tpu.memory_space<vmem>> -> memref<64xf32, #tpu.memory_space<vmem>>
    tpu.wait_dma2 semaphore(%arg17 : memref<!tpu.dma_semaphore, #tpu.memory_space<semaphore_mem>>) src(%dma_wait3A_527 : memref<64xf32, #tpu.memory_space<vmem>>) dst(%dma_wait3A_525 : memref<64xf32, #tpu.memory_space<hbm>>)
    %dma_wait3A_528 = arith.constant 384 : i32
    %dma_wait3A_529 = tpu.memref_slice %arg11[%dma_wait3A_528] : memref<512xf32, #tpu.memory_space<vmem>> -> memref<64xf32, #tpu.memory_space<vmem>>
    %dma_wait3A_530 = tpu.memref_slice %arg6[%add3A_450] : memref<16384xf32, #tpu.memory_space<hbm>> -> memref<64xf32, #tpu.memory_space<hbm>>
    %dma_wait3A_531 = tpu.memref_slice %arg6[%add3A_450] : memref<16384xf32, #tpu.memory_space<hbm>> -> memref<64xf32, #tpu.memory_space<hbm>>
    %dma_wait3A_532 = arith.constant 384 : i32
    %dma_wait3A_533 = tpu.memref_slice %arg11[%dma_wait3A_532] : memref<512xf32, #tpu.memory_space<vmem>> -> memref<64xf32, #tpu.memory_space<vmem>>
    tpu.wait_dma2 semaphore(%arg17 : memref<!tpu.dma_semaphore, #tpu.memory_space<semaphore_mem>>) src(%dma_wait3A_533 : memref<64xf32, #tpu.memory_space<vmem>>) dst(%dma_wait3A_531 : memref<64xf32, #tpu.memory_space<hbm>>)
    %dma_wait3A_534 = arith.constant 448 : i32
    %dma_wait3A_535 = tpu.memref_slice %arg11[%dma_wait3A_534] : memref<512xf32, #tpu.memory_space<vmem>> -> memref<64xf32, #tpu.memory_space<vmem>>
    %dma_wait3A_536 = tpu.memref_slice %arg6[%add3A_485] : memref<16384xf32, #tpu.memory_space<hbm>> -> memref<64xf32, #tpu.memory_space<hbm>>
    %dma_wait3A_537 = tpu.memref_slice %arg6[%add3A_485] : memref<16384xf32, #tpu.memory_space<hbm>> -> memref<64xf32, #tpu.memory_space<hbm>>
    %dma_wait3A_538 = arith.constant 448 : i32
    %dma_wait3A_539 = tpu.memref_slice %arg11[%dma_wait3A_538] : memref<512xf32, #tpu.memory_space<vmem>> -> memref<64xf32, #tpu.memory_space<vmem>>
    tpu.wait_dma2 semaphore(%arg17 : memref<!tpu.dma_semaphore, #tpu.memory_space<semaphore_mem>>) src(%dma_wait3A_539 : memref<64xf32, #tpu.memory_space<vmem>>) dst(%dma_wait3A_537 : memref<64xf32, #tpu.memory_space<hbm>>)
    return
  }
}

</mosaic_0001>

<sc_bundles>
// kernel: kernel.3.cloned.1.call-start
scs
__scs_entry_jumppad:
0x0: {  	(pc) =	sbr.rel $0x88, $3  }
0x1: {  	(tag) =	ssettag $0x0;
	lr =	simm.s32 $0x1  }
0x2: {  	[smem:$0x3F9D] =	sst lr;
	_ =	strace $0xD0000000  }
0x3: {  	_ = 	snop  }
0x4: {  	_ = 	snop  }
0x5: {  	_ = 	snop  }
0x6: {  	_ = 	snop  }
0x7: {  	_ = 	snop  }
__scs_overlays_trampoline_lowered:
0x8: {  	[smem:$0x3FAC] =	sst s0  }
0x9: {  	[smem:$0x3FAD] =	sst s1  }
0xa: {  	[smem:$0x3FAE] =	sst s2  }
0xb: {  	[smem:$0x3FAF] =	sst s3  }
0xc: {  	[smem:$0x3FB0] =	sst s4  }
0xd: {  	[smem:$0x3FB1] =	sst s5  }
0xe: {  	[smem:$0x3FB2] =	sst s6  }
0xf: {  	[smem:$0x3FB3] =	sst s7  }
0x10: {  	[smem:$0x3FB4] =	sst s8  }
0x11: {  	[smem:$0x3FB5] =	sst s9;
	s0 =	simm.s32 @!p0 $0x0  }
0x12: {  	s1 =	sld [smem:$0x3F9B];
	s0 =	simm.s32 @p0 $0x1  }
0x13: {  	[smem:$0x3FB6] =	sst s0;
	s0 =	simm.s32 @!p1 $0x0  }
0x14: {  	s2 =	sld [smem:$0x3F9A];
	s0 =	simm.s32 @p1 $0x1  }
0x15: {  	[smem:$0x3FB7] =	sst s0;
	s0 =	simm.s32 @!p2 $0x0  }
0x16: {  	s3 =	sld [smem:$0x3FDB];
	s0 =	simm.s32 @p2 $0x1  }
0x17: {  	s4 =	simm.s32 $0x1BF5;
	[smem:$0x3FB9] =	sst s0  }
0x18: {  	s0 =	sld [smem:$0x3F9C];
	_ =	swait.ge [sflag:s4], $0x0  }
0x19: {  	s7 =	sld [smem:$0x3F9D]  }
0x1a: {  	s8 =	sadd.s32 $0xFFFFE003, lr  }
0x1b: {  	s9 =	sadd.s32 $0xFFFFFEF7, lr;
	s5 =	simm.s32 $0xFFFFFFFF;
	p2 =	slt.u32 s8, $0xFFFFF086  }
0x1c: {  	p1 =	slt.u32 s9, $0xF7A;
	s5 =	simm.s32 @!p2 $0x0  }
0x1d: {  	s5 =	simm.s32 @p1 $0x1;
	p0 =	seq.s32 s7, s2  }
0x1e: {  	s7 =	smul.u32 @!p0 $0xF7A, s2;
	p2 =	seq.s32 @!p0 s5, $0x0  }
0x1f: {  	s9 =	smul.u32 $0xF7A, s1;
	s8 =	simm.s32 @!p0 $0x1BF5;
	p2 =	por !p2, p0  }
0x20: {  	[sflag:s8] =	ssyncset.s32 @!p0 $0xFFFFF086;
	s6 =	sadd.s32 @!p0 s3, s7;
	s7 =	simm.s32 @!p0 $0x108  }
0x21: {  	s3 =	sadd.s32 s3, s9;
	s6 =	sadd.s32 @!p0 $0x88, s6;
	s7 =	simm.s32 @p2 $0x1082  }
0x22: {  	[simem:s7], [sflag:s8] =	dma.local @!p0 [hbm:s6], $0xF7A  }
0x23: {  	s9 =	sor.u32 $0xD0000000, s2;
	s6 =	simm.s32 $0x108;
	_ =	swait.ge @!p0 [sflag:s8], $0x0  }
0x24: {  	s3 =	sadd.s32 $0x88, s3;
	s6 =	simm.s32 @!p1 $0x1082;
	[sflag:s4] =	ssyncset.s32 $0xFFFFF086  }
0x25: {  	[simem:s6], [sflag:s4] =	dma.local [hbm:s3], $0xF7A  }
0x26: {  	[smem:$0x3F9D] =	sst s1;
	(tag) =	ssettag s2;
	_ =	strace s9  }
0x27: {  	s1 =	sld [smem:$0x3FAD]  }
0x28: {  	s2 =	sld [smem:$0x3FAE]  }
0x29: {  	s4 =	sld [smem:$0x3FB0]  }
0x2a: {  	p0 =	seq.s32 s5, $0x0;
	s5 =	sld [smem:$0x3FB1]  }
0x2b: {  	s6 =	sld [smem:$0x3FB2]  }
0x2c: {  	s7 =	sld [smem:$0x3FB3]  }
0x2d: {  	s3 =	simm.s32 $0x108;
	s8 =	sld [smem:$0x3FB4]  }
0x2e: {  	s3 =	simm.s32 @!p0 $0x1082;
	s9 =	sld [smem:$0x3FB5]  }
0x2f: {  	lr =	sadd.s32 s0, s3;
	s0 =	sld [smem:$0x3FAC]  }
0x30: {  	s3 =	sld [smem:$0x3FAF]  }
0x31: {  	[smem:$0x3FB8] =	sst s10  }
0x32: {  	s10 =	sld [smem:$0x3FB6];
	_ =	sdelay $0x3  }
0x33: {  	p0 =	seq.s32 s10, $0x1;
	s10 =	sld [smem:$0x3FB8];
	_ =	sdelay $0x3  }
0x34: {  	[smem:$0x3FB8] =	sst s10  }
0x35: {  	s10 =	sld [smem:$0x3FB7];
	_ =	sdelay $0x3  }
0x36: {  	p1 =	seq.s32 s10, $0x1;
	s10 =	sld [smem:$0x3FB8];
	_ =	sdelay $0x3  }
0x37: {  	[smem:$0x3FB8] =	sst s10  }
0x38: {  	s10 =	sld [smem:$0x3FB9]  }
0x39: {  	_ = 	snop;
	(pc) =	sbr.ind lr, $3  }
0x3a: {  	_ = 	snop  }
0x3b: {  	_ = 	snop  }
0x3c: {  	p2 =	seq.s32 s10, $0x1;
	s10 =	sld [smem:$0x3FB8]  }
0x3d: {  	_ =	shalt  }
0x3e: {  	_ =	shalt  }
0x3f: {  	_ =	shalt  }
0x40: {  	_ =	shalt  }
0x41: {  	_ =	shalt  }
0x42: {  	_ =	shalt  }
0x43: {  	_ =	shalt  }
0x44: {  	_ =	shalt  }
0x45: {  	_ =	shalt  }
0x46: {  	_ =	shalt  }
0x47: {  	_ =	shalt  }
0x48: {  	_ =	shalt  }
0x49: {  	_ =	shalt  }
0x4a: {  	_ =	shalt  }
0x4b: {  	_ =	shalt  }
0x4c: {  	_ =	shalt  }
0x4d: {  	_ =	shalt  }
0x4e: {  	_ =	shalt  }
0x4f: {  	_ =	shalt  }
0x50: {  	_ =	shalt  }
0x51: {  	_ =	shalt  }
0x52: {  	_ =	shalt  }
0x53: {  	_ =	shalt  }
0x54: {  	_ =	shalt  }
0x55: {  	_ =	shalt  }
0x56: {  	_ =	shalt  }
0x57: {  	_ =	shalt  }
0x58: {  	_ =	shalt  }
0x59: {  	_ =	shalt  }
0x5a: {  	_ =	shalt  }
0x5b: {  	_ =	shalt  }
0x5c: {  	_ =	shalt  }
0x5d: {  	_ =	shalt  }
0x5e: {  	_ =	shalt  }
0x5f: {  	_ =	shalt  }
0x60: {  	_ =	shalt  }
0x61: {  	_ =	shalt  }
0x62: {  	_ =	shalt  }
0x63: {  	_ =	shalt  }
0x64: {  	_ =	shalt  }
0x65: {  	_ =	shalt  }
0x66: {  	_ =	shalt  }
0x67: {  	_ =	shalt  }
0x68: {  	_ =	shalt  }
0x69: {  	_ =	shalt  }
0x6a: {  	_ =	shalt  }
0x6b: {  	_ =	shalt  }
0x6c: {  	_ =	shalt  }
0x6d: {  	_ =	shalt  }
0x6e: {  	_ =	shalt  }
0x6f: {  	_ =	shalt  }
0x70: {  	_ =	shalt  }
0x71: {  	_ =	shalt  }
0x72: {  	_ =	shalt  }
0x73: {  	_ =	shalt  }
0x74: {  	_ =	shalt  }
0x75: {  	_ =	shalt  }
0x76: {  	_ =	shalt  }
0x77: {  	_ =	shalt  }
0x78: {  	_ =	shalt  }
0x79: {  	_ =	shalt  }
0x7a: {  	_ =	shalt  }
0x7b: {  	_ =	shalt  }
0x7c: {  	_ =	shalt  }
0x7d: {  	_ =	shalt  }
0x7e: {  	_ =	shalt  }
0x7f: {  	_ =	shalt  }
0x80: {  	_ =	shalt  }
0x81: {  	_ =	shalt  }
0x82: {  	_ =	shalt  }
0x83: {  	_ =	shalt  }
0x84: {  	_ =	shalt  }
0x85: {  	_ =	shalt  }
0x86: {  	_ =	shalt  }
0x87: {  	_ =	shalt  }
.Lfunc_end0:
.L_simem_size_0:
called_computation_lowered:
.L_overlay_start_0:
0x88: {  	s2 =	sld [smem:$0x3FD9]  }
0x89: {  	s3 =	sld [smem:$0x3FFE];
	_ =	sdelay $0x1  }
0x8a: {  	s1 =	srdreg.scid  }
0x8b: {  	s0 =	sand.u32 $0x1, s1  }
0x8c: {  	s18 =	sshll.u32 s0, $0xA;
	s2 =	sadd.s32 s3, s2  }
0x8d: {  	s2 =	sadd.s32 s2, s18  }
0x8e: {  	[smem:$0x3FC4] =	sst s2  }
0x8f: {  	_ = 	snop  }
0x90: {  	s2 =	sld [smem:$0x3FC9]  }
0x91: {  	s19 =	sld [smem:$0x3FC8]  }
0x92: {  	s4 =	sld [smem:$0x3FC7]  }
0x93: {  	s5 =	sld [smem:$0x3FC6]  }
0x94: {  	s6 =	sld [smem:$0x3FD0];
	(tm) =	ssettm $0x1  }
0x95: {  	s7 =	sld [smem:$0x3FFB];
	_ =	sdelay $0x3  }
0x96: {  	_ =	strace s7  }
0x97: {  	s7 =	sld [smem:$0x3FFC];
	_ =	sdelay $0x3  }
0x98: {  	_ =	strace s7  }
0x99: {  	s7 =	sld [smem:$0x3FFD];
	_ =	sdelay $0x3  }
0x9a: {  	_ =	strace s7  }
0x9b: {  	_ =	strace $0x8FFFFFFF  }
0x9c: {  	s20 =	sld [smem:$0x3FDB];
	_ =	sdelay $0x1  }
0x9d: {  	s8 =	simm.s32 $_scs_section_size  }
0x9e: {  	s9 =	simm.s32 $_size__tile_overlayer_lowered;
	s10 =	simm.s32 $_tile_overlayer_lowered  }
0x9f: {  	s23 =	simm.s32 $0x1BFF;
	s22 =	sshll.u32 s10, $0x1;
	s7 =	sadd.s32 s8, s20  }
0xa0: {  	s11 =	simm.s32 $0x0;
	s21 =	sshll.u32 s9, $0x1;
	s9 =	sadd.s32 s22, s7  }
0xa1: {  	[timem:s11], [sflag:s23] =	dma.local [hbm:s9], s21  }
0xa2: {  	_ =	swait.ge [sflag:s23], s21  }
0xa3: {  	s8 =	ssub.s32 $0x0, s21;
	[sflag:s23] =	ssyncset.done $0x0  }
0xa4: {  	[sflag:s23] =	ssyncadd.s32 s8;
	_ =	sdelay $0x1  }
0xa5: {  	s24 =	simm.s32 $0x1B8B  }
0xa6: {  	_ =	swait.ge [sflag:s24], $0x1  }
0xa7: {  	[sflag:s24] =	ssyncset.done $0x0  }
0xa8: {  	s25 =	simm.s32 $0x1B8E;
	[sflag:s24] =	ssyncadd.s32 $0xFFFFFFFF  }
0xa9: {  	s26 =	simm.s32 $execute0_lowered;
	[smem:$0x3FD2] =	sst s25  }
0xaa: {  	s8 =	sshll.u32 s26, $0x1;
	_ =	strace $0x80000046;
	[dreg:$0x1] =	wrdreg $0xFFFFFFFF  }
0xab: {  	s28 =	simm.s32 $_size_execute0_lowered;
	s7 =	sadd.s32 s7, s8;
	[dreg:$0x0] =	wrdreg $0x0  }
0xac: {  	s8 =	sshll.u32 s28, $0x1;
	[dreg:$0x2] =	wrdreg s7  }
0xad: {  	[dreg:$0x3] =	wrdreg s8  }
0xae: {  	[dreg:$0x4] =	wrdreg $0xC0  }
0xaf: {  	_ =	task [dreg:s11], $0x5FFFF  }
0xb0: {  	[dreg:$0x1] =	wrdreg $0xFFFFFFFF  }
0xb1: {  	[dreg:$0x0] =	wrdreg $0x60  }
0xb2: {  	[dreg:$0x2] =	wrdreg s2  }
0xb3: {  	[dreg:$0x3] =	wrdreg s19  }
0xb4: {  	[dreg:$0x4] =	wrdreg s4  }
0xb5: {  	[dreg:$0x5] =	wrdreg s5  }
0xb6: {  	[dreg:$0x6] =	wrdreg s6  }
0xb7: {  	[dreg:$0x7] =	wrdreg $0x9  }
0xb8: {  	_ =	task.clear_ibuf [dreg:s11], $0x8FFFF;
	_ =	strace $0x90000046  }
0xb9: {  	s29 =	simm.s32 $0x9;
	_ =	strace $0x80000048  }
0xba: {  	_ =	swait.ge [sflag:s29], $0x1  }
0xbb: {  	[sflag:s29] =	ssyncadd.s32 $0xFFFFFFFF  }
0xbc: {  	_ =	strace $0x90000048  }
0xbd: {  	_ =	sfence  }
0xbe: {  	s30 =	sld [smem:$0x0];
	_ =	sdelay $0x2  }
0xbf: {  	s31 =	sshll.u32 s1, $0xD;
	s1 =	sshrl.u32 s1, $0x2  }
0xc0: {  	s3 =	sand.u32 $0x4000, s31;
	s1 =	sadd.s32 s1, s30  }
0xc1: {  	s0 =	sor.u32 s3, s0;
	s1 =	sshll.u32 s1, $0x11  }
0xc2: {  	s0 =	sor.u32 s1, s0  }
0xc3: {  	s0 =	sadd.s32 $0x8F2B, s0  }
0xc4: {  	[sflag:s0] =	ssyncadd.remote.s32 $0x1  }
0xc5: {  	_ =	sfence.sel $0xFFFF  }
0xc6: {  	[dreg:$0x0] =	wrdreg $0xFFFFFFFF;
	(pc) =	sbr.abs _section_cstart, $3  }
0xc7: {  	[dreg:$0x1] =	wrdreg $0xFFFFFFFF  }
0xc8: {  	_ =	task.clear_ibuf [dreg:s11], $0x2FFFF;
	_ =	strace $0x9FFFFFFF  }
0xc9: {  	(tm) =	ssettm $0x7FFFFFFF  }
tec
execute0_lowered:
.L_overlay_start_1:
0x0: {  	(tag) =	ssettag $0x1  }
0x1: {  	s0 =	rddreg [dreg:$0x0]  }
0x2: {  	s3 =	rddreg [dreg:$0x1]  }
0x3: {  	s1 =	rddreg [dreg:$0x2]  }
0x4: {  	s2 =	rddreg [dreg:$0x3]  }
0x5: {  	s5 =	rddreg [dreg:$0x4];
	s6 =	srdreg.scid;
	s4 =	simm.s32 $0x0  }
0x6: {  	s8 =	stileid.u32;
	s19 =	simm.s32 $0x5;
	s20 =	simm.s32 $0x40  }
0x7: {  	v0 =	vimm.s32 $0xFEDCBA98;
	v1 =	vimm.s32 $0x76543210;
	s30 =	simm.s32 $0xC400;
	s29 =	simm.s32 $0x1;
	s31 =	simm.s32 $0x3  }
0x8: {  	v2 =	vimm.s32 $0xBA98FEDC;
	v3 =	vimm.s32 $0x32107654;
	v4 =	vimm.s32 $0xDCFE98BA;
	s18 =	simm.s32 $0x4;
	s21 =	simm.s32 $0x6;
	s6 =	sand.u32 $0x1, s6  }
0x9: {  	v5 =	vimm.s32 $0x54761032;
	v6 =	vimm.s32 $0xEFCDAB89;
	v7 =	vimm.s32 $0x67452301;
	s8 =	sshll.u32 s8, $0x7;
	s7 =	ssub.s32 $0x2, s6;
	s6 =	sshll.u32 s6, $0x6  }
0xa: {  	s22 =	simm.s32 $0x0;
	[smem:$0x7FF] =	sst s4;
	v0 =	vunpack.c.l.s4.s8 v0;
	v1 =	vunpack.c.l.s4.s8 v1;
	v2 =	vunpack.c.l.s4.s8 v2;
	s6 =	sor.u32 s6, s8  }
0xb: {  	v3 =	vunpack.c.l.s4.s8 v3;
	v4 =	vunpack.c.l.s4.s8 v4;
	v5 =	vunpack.c.l.s4.s8 v5;
	_ =	strace $0x80000047;
	s9 =	sshrl.u32 s7, $0x1;
	s8 =	sadd.s32 s0, s6  }
0xc: {  	v6 =	vunpack.c.l.s4.s8 v6;
	v7 =	vunpack.c.l.s4.s8 v7;
	v0 =	vunpack.c.0.s8.s32 v0;
	s7 =	ssub.s32 s7, s9;
	s26 =	sadd.s32 s3, s6;
	[dreg:$0x6] =	wrdreg s8  }
0xd: {  	v2 =	vunpack.c.0.s8.s32 v2;
	v3 =	vunpack.c.0.s8.s32 v3;
	v4 =	vunpack.c.0.s8.s32 v4;
	s10 =	sor.u32 $0x8, s6;
	s9 =	sadd.s32 s5, s6;
	[dreg:$0x7] =	wrdreg s26  }
0xe: {  	v5 =	vunpack.c.0.s8.s32 v5;
	v6 =	vunpack.c.0.s8.s32 v6;
	v7 =	vunpack.c.0.s8.s32 v7;
	s0 =	sadd.s32 s0, s10;
	s28 =	sadd.s32 s3, s10;
	s10 =	sadd.s32 s5, s10  }
0xf: {  	v1 =	vunpack.c.0.s8.s32 v1;
	s11 =	sadd.s32 $0x10, s9;
	s12 =	sadd.s32 $0x18, s9;
	s13 =	sadd.s32 $0x20, s9;
	v2 =	vcombine.low v3, v2  }
0x10: {  	s14 =	sadd.s32 $0x28, s9;
	s15 =	sadd.s32 $0x30, s9;
	s16 =	sadd.s32 $0x38, s9;
	v3 =	vcombine.low v5, v4;
	v4 =	vcombine.low v7, v6;
	v0 =	vand.u32 $0xF, v0  }
0x11: {  	s17 =	smax.u32 s7, $0x1;
	s26 =	simm.s32 $0xE400;
	[dreg:$0x8] =	wrdreg s0;
	v0 =	vcombine.low v0, v1;
	v1 =	vand.u32 $0xF, v2  }
0x12: {  	s3 =	simm.s32 $0x2;
	[dreg:$0x9] =	wrdreg s28;
	s0 =	simm.s32 $0x6400;
	v2 =	vand.u32 $0xF, v3;
	v3 =	vand.u32 $0xF, v4;
	v4 =	vlaneseq.u32  }
.LBB2_1:
0x13: {  	s5 =	rddreg [dreg:$0x6]  }
0x14: {  	[tilespmem:s4], [sflag:$0x5] =	stream.linear.gather [hbm4b:s5+s4], $0x40, $0x38;
	[tilespmem:$0x10600] =	vst v63  }
0x15: {  	s28 =	rddreg [dreg:$0x7];
	s6 =	simm.s32 $0x200  }
0x16: {  	[tilespmem:s6], [sflag:$0x5] =	stream.linear.gather [hbm4b:s28+s4], $0x40, $0x38;
	[tilespmem:$0x10600] =	vst v63  }
0x17: {  	_ =	swait.ge [sflag:s19], $0x40  }
0x18: {  	[sflag:s19] =	ssyncset.done $0x0  }
0x19: {  	[sflag:s19] =	ssyncadd.s32 $0xFFFFFFC0  }
0x1a: {  	_ =	swait.ge [sflag:s19], $0x40  }
0x1b: {  	[sflag:s19] =	ssyncset.done $0x0  }
0x1c: {  	s7 =	simm.s32 $0x400;
	[sflag:s19] =	ssyncadd.s32 $0xFFFFFFC0  }
0x1d: {  	[tilespmem:s7], [sflag:$0x1] =	stream.indirect.gather [hbm4b:s1+s20], $0x80, s4, s20, $0xb8;
	[tilespmem:$0x10600] =	vst v63  }
0x1e: {  	s8 =	simm.s32 $0x8400  }
0x1f: {  	[tilespmem:s8], [sflag:$0x1] =	stream.indirect.gather [hbm4b:s2+s20], $0x80, s6, s20, $0xb8;
	[tilespmem:$0x10600] =	vst v63  }
0x20: {  	s23 =	rddreg [dreg:$0x8]  }
0x21: {  	[tilespmem:s20], [sflag:$0x5] =	stream.linear.gather [hbm4b:s23+s4], $0x1C0, $0x38;
	[tilespmem:$0x10600] =	vst v63  }
0x22: {  	s25 =	simm.s32 $0x240;
	s24 =	rddreg [dreg:$0x9]  }
0x23: {  	[tilespmem:s25], [sflag:$0x5] =	stream.linear.gather [hbm4b:s24+s4], $0x1C0, $0x38;
	[tilespmem:$0x10600] =	vst v63  }
0x24: {  	_ =	swait.ge [sflag:s19], $0x1C0  }
0x25: {  	[sflag:s19] =	ssyncset.done $0x0  }
0x26: {  	[sflag:s19] =	ssyncadd.s32 $0xFFFFFE40  }
0x27: {  	_ =	swait.ge [sflag:s19], $0x1C0  }
0x28: {  	[sflag:s19] =	ssyncset.done $0x0  }
0x29: {  	s28 =	simm.s32 $0x2400;
	[sflag:s19] =	ssyncadd.s32 $0xFFFFFE40  }
0x2a: {  	[tilespmem:s28], [sflag:$0x2] =	stream.indirect.gather [hbm4b:s1+s20], $0x80, s20, s20, $0xb8;
	[tilespmem:$0x10600] =	vst v63  }
0x2b: {  	s7 =	simm.s32 $0xA400  }
0x2c: {  	[tilespmem:s7], [sflag:$0x2] =	stream.indirect.gather [hbm4b:s2+s20], $0x80, s25, s20, $0xb8;
	[tilespmem:$0x10600] =	vst v63  }
0x2d: {  	s8 =	simm.s32 $0x80;
	s23 =	simm.s32 $0x4400  }
0x2e: {  	[tilespmem:s23], [sflag:$0x3] =	stream.indirect.gather [hbm4b:s1+s20], $0x80, s8, s20, $0xb8;
	[tilespmem:$0x10600] =	vst v63  }
0x2f: {  	s24 =	simm.s32 $0x280  }
0x30: {  	[tilespmem:s30], [sflag:$0x3] =	stream.indirect.gather [hbm4b:s2+s20], $0x80, s24, s20, $0xb8;
	[tilespmem:$0x10600] =	vst v63  }
0x31: {  	s25 =	simm.s32 $0xC0  }
0x32: {  	[tilespmem:s0], [sflag:$0x4] =	stream.indirect.gather [hbm4b:s1+s20], $0x80, s25, s20, $0xb8;
	[tilespmem:$0x10600] =	vst v63  }
0x33: {  	s28 =	simm.s32 $0x2C0  }
0x34: {  	[tilespmem:s26], [sflag:$0x4] =	stream.indirect.gather [hbm4b:s2+s20], $0x80, s28, s20, $0xb8;
	[tilespmem:$0x10600] =	vst v63  }
0x35: {  	_ =	swait.ge [sflag:s29], $0x2000  }
0x36: {  	[sflag:s29] =	ssyncset.done $0x0  }
0x37: {  	[sflag:s29] =	ssyncadd.s32 $0xFFFFE000  }
0x38: {  	_ =	swait.ge [sflag:s29], $0x2000  }
0x39: {  	s23 =	simm.s32 $0x8480;
	[sflag:s29] =	ssyncset.done $0x0  }
0x3a: {  	s24 =	simm.s32 $0x480;
	s25 =	simm.s32 $0x0;
	[sflag:s29] =	ssyncadd.s32 $0xFFFFE000  }
.LBB2_2:
0x3b: {  	v5 =	vld [tilespmem:s24+$0x0]  }
0x3c: {  	v21 =	vld [tilespmem:s23+$0x0]  }
0x3d: {  	v23 =	vld [tilespmem:s24+$0x10]  }
0x3e: {  	v25 =	vld [tilespmem:s23+$0x10]  }
0x3f: {  	v27 =	vld [tilespmem:s24+$0x20]  }
0x40: {  	v29 =	vld [tilespmem:s23+$0x20]  }
0x41: {  	v30 =	vld [tilespmem:s24+$0x30]  }
0x42: {  	v31 =	vld [tilespmem:s23+$0x30]  }
0x43: {  	v32 =	vld [tilespmem:s24+$0x40]  }
0x44: {  	v33 =	vld [tilespmem:s23+$0x40]  }
0x45: {  	v34 =	vld [tilespmem:s24+$0x50]  }
0x46: {  	v35 =	vld [tilespmem:s23+$0x50]  }
0x47: {  	v7 =	vld [tilespmem:s24+$0x60]  }
0x48: {  	v8 =	vld [tilespmem:s23+$0x60]  }
0x49: {  	v6 =	vld [tilespmem:s24+$0x70]  }
0x4a: {  	v10 =	vld [tilespmem:s24+$0xFFFFFF80]  }
0x4b: {  	v12 =	vld [tilespmem:s23+$0xFFFFFF80]  }
0x4c: {  	v9 =	vld [tilespmem:s24+$0xFFFFFF90]  }
0x4d: {  	v11 =	vld [tilespmem:s23+$0xFFFFFF90]  }
0x4e: {  	v13 =	vld [tilespmem:s24+$0xFFFFFFA0]  }
0x4f: {  	v15 =	vld [tilespmem:s23+$0xFFFFFFA0]  }
0x50: {  	v14 =	vld [tilespmem:s24+$0xFFFFFFB0]  }
0x51: {  	v16 =	vld [tilespmem:s23+$0xFFFFFFB0]  }
0x52: {  	v17 =	vld [tilespmem:s24+$0xFFFFFFC0]  }
0x53: {  	v18 =	vld [tilespmem:s23+$0xFFFFFFC0]  }
0x54: {  	v19 =	vld [tilespmem:s24+$0xFFFFFFD0]  }
0x55: {  	v20 =	vld [tilespmem:s23+$0xFFFFFFD0]  }
0x56: {  	v22 =	vld [tilespmem:s24+$0xFFFFFFE0]  }
0x57: {  	v26 =	vld [tilespmem:s23+$0xFFFFFFE0];
	v24 =	vmul.f32 v21, v5;
	v25 =	vmul.f32 v25, v23  }
0x58: {  	v28 =	vld [tilespmem:s24+$0xFFFFFFF0];
	s28 =	simm.s32 $0x0;
	v27 =	vmul.f32 v29, v27;
	v29 =	vmul.f32 v31, v30  }
0x59: {  	s6 =	simm.s32 $0x2;
	s5 =	smov.u32 s23;
	s7 =	smov.u32 s24;
	v5 =	vimm.f32 $0.0e+00;
	v30 =	vld [tilespmem:s23+$0xFFFFFFF0];
	v21 =	vmul.f32 v33, v32;
	v23 =	vmul.f32 v35, v34  }
.LBB2_3:
0x5a: {  	p0 =	slt.u32 s6, $0xE;
	v10 =	vmul.f32 v12, v10;
	v7 =	vmul.f32 v8, v7;
	v8 =	vld [tilespmem:s5+$0x70];
	s7 =	sadd.s32 $0x100, s7  }
0x5b: {  	v9 =	vmul.f32 v11, v9;
	v11 =	vmul.f32 v15, v13;
	s5 =	sadd.s32 $0x100, s5;
	v31 =	vld [tilespmem:s7+$0x0]  }
0x5c: {  	v12 =	vmul.f32 v16, v14;
	v13 =	vmul.f32 v18, v17;
	v32 =	vld [tilespmem:s5+$0x0]  }
0x5d: {  	v14 =	vmul.f32 v20, v19;
	v15 =	vmul.f32 v26, v22;
	v33 =	vld [tilespmem:s7+$0x10]  }
0x5e: {  	v17 =	vadd.f32 v25, v24;
	v18 =	vadd.f32 v29, v27;
	v34 =	vld [tilespmem:s5+$0x10];
	v16 =	vmul.f32 v30, v28  }
0x5f: {  	v9 =	vadd.f32 v9, v10;
	v10 =	vadd.f32 v12, v11;
	v27 =	vld [tilespmem:s7+$0x20];
	v6 =	vmul.f32 v8, v6  }
0x60: {  	v8 =	vadd.f32 v14, v13;
	v29 =	vld [tilespmem:s5+$0x20];
	v11 =	vadd.f32 v16, v15  }
0x61: {  	v12 =	vadd.f32 v23, v21;
	v30 =	vld [tilespmem:s7+$0x30];
	v6 =	vadd.f32 v6, v7  }
0x62: {  	v7 =	vadd.f32 v10, v9;
	v21 =	vld [tilespmem:s5+$0x30];
	v8 =	vadd.f32 v11, v8  }
0x63: {  	v9 =	vadd.f32 v18, v17;
	v23 =	vld [tilespmem:s7+$0x40];
	v6 =	vadd.f32 v6, v12  }
0x64: {  	v35 =	vld [tilespmem:s5+$0x40];
	v10 =	vadd.f32 v8, v7  }
0x65: {  	v36 =	vld [tilespmem:s7+$0x50];
	v9 =	vadd.f32 v6, v9  }
0x66: {  	v37 =	vld [tilespmem:s5+$0x50];
	v6 =	vperm.xlane v10, v0  }
0x67: {  	v7 =	vld [tilespmem:s7+$0x60];
	v11 =	vperm.xlane v9, v0  }
0x68: {  	v8 =	vld [tilespmem:s5+$0x60];
	v13 =	vadd.f32 v10, v6  }
0x69: {  	v6 =	vld [tilespmem:s7+$0x70];
	v14 =	vadd.f32 v9, v11  }
0x6a: {  	v10 =	vld [tilespmem:s7+$0xFFFFFF80];
	v11 =	vperm.xlane v13, v1  }
0x6b: {  	v12 =	vld [tilespmem:s5+$0xFFFFFF80];
	v15 =	vperm.xlane v14, v1  }
0x6c: {  	v9 =	vld [tilespmem:s7+$0xFFFFFF90];
	v16 =	vadd.f32 v13, v11  }
0x6d: {  	v11 =	vld [tilespmem:s5+$0xFFFFFF90];
	v17 =	vadd.f32 v14, v15  }
0x6e: {  	v13 =	vld [tilespmem:s7+$0xFFFFFFA0];
	v18 =	vperm.xlane v16, v2  }
0x6f: {  	v15 =	vld [tilespmem:s5+$0xFFFFFFA0];
	v19 =	vperm.xlane v17, v2  }
0x70: {  	v14 =	vld [tilespmem:s7+$0xFFFFFFB0];
	v20 =	vadd.f32 v16, v18  }
0x71: {  	v16 =	vld [tilespmem:s5+$0xFFFFFFB0];
	v22 =	vadd.f32 v17, v19  }
0x72: {  	v17 =	vld [tilespmem:s7+$0xFFFFFFC0];
	v24 =	vperm.xlane v20, v3  }
0x73: {  	v18 =	vld [tilespmem:s5+$0xFFFFFFC0];
	v25 =	vperm.xlane v22, v3  }
0x74: {  	s8 =	sadd.s32 $0x1, s28;
	v26 =	vmov s28;
	s28 =	smov.u32 s6;
	v19 =	vld [tilespmem:s7+$0xFFFFFFD0];
	v24 =	vadd.f32 v20, v24  }
.Ltmp0:
0x75: {  	vm0 =	veq.s32 v26, v4;
	v20 =	vld [tilespmem:s5+$0xFFFFFFD0];
	v28 =	vadd.f32 v22, v25;
	v25 =	vmov s8;
	(pc) =	sbr.rel @p0 .LBB2_3-.Ltmp0, $4  }
0x76: {  	v22 =	vld [tilespmem:s7+$0xFFFFFFE0];
	v5 =	vsel vm0, v24, v5;
	vm0 =	veq.s32 v25, v4  }
0x77: {  	v24 =	vmul.f32 v32, v31;
	v25 =	vmul.f32 v34, v33;
	v26 =	vld [tilespmem:s5+$0xFFFFFFE0];
	v5 =	vsel vm0, v28, v5  }
0x78: {  	v27 =	vmul.f32 v29, v27;
	v29 =	vmul.f32 v21, v30;
	v28 =	vld [tilespmem:s7+$0xFFFFFFF0]  }
0x79: {  	s6 =	sadd.s32 $0x2, s6;
	v21 =	vmul.f32 v35, v23;
	v23 =	vmul.f32 v37, v36;
	v30 =	vld [tilespmem:s5+$0xFFFFFFF0]  }
0x7a: {  	v10 =	vmul.f32 v12, v10;
	v48 =	vld [tilespmem:s5+$0x70]  }
0x7b: {  	v7 =	vmul.f32 v8, v7;
	v9 =	vmul.f32 v11, v9  }
0x7c: {  	v49 =	vmul.f32 v15, v13;
	v50 =	vmul.f32 v16, v14  }
0x7d: {  	v51 =	vmul.f32 v18, v17;
	v52 =	vmul.f32 v20, v19;
	v55 =	vadd.f32 v25, v24  }
0x7e: {  	v56 =	vadd.f32 v29, v27;
	v53 =	vmul.f32 v26, v22;
	v54 =	vmul.f32 v30, v28  }
0x7f: {  	v9 =	vadd.f32 v9, v10;
	v57 =	vadd.f32 v50, v49;
	v6 =	vmul.f32 v48, v6  }
0x80: {  	v58 =	vadd.f32 v52, v51;
	v59 =	vadd.f32 v54, v53  }
0x81: {  	v60 =	vadd.f32 v23, v21;
	v6 =	vadd.f32 v6, v7  }
0x82: {  	v7 =	vadd.f32 v57, v9;
	v8 =	vadd.f32 v59, v58  }
0x83: {  	v61 =	vadd.f32 v56, v55;
	v6 =	vadd.f32 v6, v60  }
0x84: {  	v7 =	vadd.f32 v8, v7  }
0x85: {  	v6 =	vadd.f32 v6, v61  }
0x86: {  	v8 =	vperm.xlane v7, v0  }
0x87: {  	v9 =	vperm.xlane v6, v0  }
0x88: {  	v7 =	vadd.f32 v7, v8  }
0x89: {  	v6 =	vadd.f32 v6, v9  }
0x8a: {  	v8 =	vperm.xlane v7, v1  }
0x8b: {  	v9 =	vperm.xlane v6, v1  }
0x8c: {  	v7 =	vadd.f32 v7, v8  }
0x8d: {  	v6 =	vadd.f32 v6, v9  }
0x8e: {  	v8 =	vperm.xlane v7, v2  }
0x8f: {  	v9 =	vperm.xlane v6, v2  }
0x90: {  	v7 =	vadd.f32 v7, v8  }
0x91: {  	v6 =	vadd.f32 v6, v9  }
0x92: {  	v62 =	vmov s28;
	s8 =	sadd.s32 $0x1, s28;
	s28 =	sshll.u32 s25, $0x4;
	s25 =	sadd.s32 $0x1, s25;
	v8 =	vperm.xlane v7, v3  }
0x93: {  	p0 =	sne.s32 s25, $0x4;
	v9 =	vperm.xlane v6, v3  }
.Ltmp1:
0x94: {  	v7 =	vadd.f32 v7, v8;
	(pc) =	sbr.rel @p0 .LBB2_2-.Ltmp1, $4  }
0x95: {  	vm0 =	veq.s32 v62, v4;
	v63 =	vmov s8;
	v6 =	vadd.f32 v6, v9  }
0x96: {  	vm15 =	veq.s32 v63, v4;
	v5 =	vsel vm0, v7, v5  }
0x97: {  	s5 =	sand.u32 $0x3FFFFFF0, s28;
	v5 =	vsel vm15, v6, v5  }
0x98: {  	s23 =	sadd.s32 $0x800, s23;
	s24 =	sadd.s32 $0x800, s24;
	[tilespmem:s5+$0x10400] =	vst v5  }
0x99: {  	s23 =	simm.s32 $0x0;
	s5 =	simm.s32 $0x10400  }
0x9a: {  	[hbm4b:s9+s23] =	stream.linear.scatter [tilespmem:s5], [sflag:$0x6], $0x40, $0x38;
	[tilespmem:$0x10600] =	vst v63  }
0x9b: {  	s24 =	simm.s32 $0x400;
	s6 =	simm.s32 $0x100  }
0x9c: {  	[tilespmem:s24], [sflag:$0x1] =	stream.indirect.gather [hbm4b:s1+s20], $0x80, s6, s20, $0xb8;
	[tilespmem:$0x10600] =	vst v63  }
0x9d: {  	s25 =	simm.s32 $0x8400;
	s28 =	simm.s32 $0x300  }
0x9e: {  	[tilespmem:s25], [sflag:$0x1] =	stream.indirect.gather [hbm4b:s2+s20], $0x80, s28, s20, $0xb8;
	[tilespmem:$0x10600] =	vst v63  }
0x9f: {  	_ =	swait.ge [sflag:s3], $0x2000  }
0xa0: {  	[sflag:s3] =	ssyncset.done $0x0  }
0xa1: {  	[sflag:s3] =	ssyncadd.s32 $0xFFFFE000  }
0xa2: {  	_ =	swait.ge [sflag:s3], $0x2000  }
0xa3: {  	[sflag:s3] =	ssyncset.done $0x0  }
0xa4: {  	s7 =	simm.s32 $0x24F0;
	s5 =	simm.s32 $0xA4F0;
	[sflag:s3] =	ssyncadd.s32 $0xFFFFE000  }
.LBB2_6:
0xa5: {  	v5 =	vld [tilespmem:s7+$0xFFFFFF90]  }
0xa6: {  	v21 =	vld [tilespmem:s5+$0xFFFFFF90]  }
0xa7: {  	v22 =	vld [tilespmem:s7+$0xFFFFFFA0]  }
0xa8: {  	v25 =	vld [tilespmem:s5+$0xFFFFFFA0]  }
0xa9: {  	v27 =	vld [tilespmem:s7+$0xFFFFFFB0]  }
0xaa: {  	v29 =	vld [tilespmem:s5+$0xFFFFFFB0]  }
0xab: {  	v30 =	vld [tilespmem:s7+$0xFFFFFFC0]  }
0xac: {  	v31 =	vld [tilespmem:s5+$0xFFFFFFC0]  }
0xad: {  	v32 =	vld [tilespmem:s7+$0xFFFFFFD0]  }
0xae: {  	v33 =	vld [tilespmem:s5+$0xFFFFFFD0]  }
0xaf: {  	v34 =	vld [tilespmem:s7+$0xFFFFFFE0]  }
0xb0: {  	v35 =	vld [tilespmem:s5+$0xFFFFFFE0]  }
0xb1: {  	v7 =	vld [tilespmem:s7+$0xFFFFFFF0]  }
0xb2: {  	v8 =	vld [tilespmem:s5+$0xFFFFFFF0]  }
0xb3: {  	v6 =	vld [tilespmem:s7+$0x0]  }
0xb4: {  	v10 =	vld [tilespmem:s7+$0xFFFFFF10]  }
0xb5: {  	v12 =	vld [tilespmem:s5+$0xFFFFFF10]  }
0xb6: {  	v9 =	vld [tilespmem:s7+$0xFFFFFF20]  }
0xb7: {  	v11 =	vld [tilespmem:s5+$0xFFFFFF20]  }
0xb8: {  	v13 =	vld [tilespmem:s7+$0xFFFFFF30]  }
0xb9: {  	v15 =	vld [tilespmem:s5+$0xFFFFFF30]  }
0xba: {  	v14 =	vld [tilespmem:s7+$0xFFFFFF40]  }
0xbb: {  	v16 =	vld [tilespmem:s5+$0xFFFFFF40]  }
0xbc: {  	v17 =	vld [tilespmem:s7+$0xFFFFFF50]  }
0xbd: {  	v18 =	vld [tilespmem:s5+$0xFFFFFF50]  }
0xbe: {  	v19 =	vld [tilespmem:s7+$0xFFFFFF60]  }
0xbf: {  	v20 =	vld [tilespmem:s5+$0xFFFFFF60]  }
0xc0: {  	v23 =	vld [tilespmem:s7+$0xFFFFFF70]  }
0xc1: {  	v26 =	vld [tilespmem:s5+$0xFFFFFF70];
	v24 =	vmul.f32 v21, v5;
	v25 =	vmul.f32 v25, v22  }
0xc2: {  	v28 =	vld [tilespmem:s7+$0xFFFFFF80];
	s6 =	simm.s32 $0x2;
	v27 =	vmul.f32 v29, v27;
	v29 =	vmul.f32 v31, v30  }
0xc3: {  	s25 =	smov.u32 s5;
	s24 =	smov.u32 s7;
	s28 =	simm.s32 $0x0;
	v5 =	vimm.f32 $0.0e+00;
	v30 =	vld [tilespmem:s5+$0xFFFFFF80];
	v21 =	vmul.f32 v33, v32;
	v22 =	vmul.f32 v35, v34  }
.LBB2_7:
0xc4: {  	p0 =	slt.u32 s6, $0xE;
	v10 =	vmul.f32 v12, v10;
	v7 =	vmul.f32 v8, v7;
	v8 =	vld [tilespmem:s25+$0x0];
	s24 =	sadd.s32 $0x100, s24  }
0xc5: {  	v9 =	vmul.f32 v11, v9;
	v11 =	vmul.f32 v15, v13;
	s25 =	sadd.s32 $0x100, s25;
	v31 =	vld [tilespmem:s24+$0xFFFFFF90]  }
0xc6: {  	v12 =	vmul.f32 v16, v14;
	v13 =	vmul.f32 v18, v17;
	v32 =	vld [tilespmem:s25+$0xFFFFFF90]  }
0xc7: {  	v14 =	vmul.f32 v20, v19;
	v15 =	vmul.f32 v26, v23;
	v33 =	vld [tilespmem:s24+$0xFFFFFFA0]  }
0xc8: {  	v17 =	vadd.f32 v25, v24;
	v18 =	vadd.f32 v29, v27;
	v34 =	vld [tilespmem:s25+$0xFFFFFFA0];
	v16 =	vmul.f32 v30, v28  }
0xc9: {  	v9 =	vadd.f32 v9, v10;
	v10 =	vadd.f32 v12, v11;
	v27 =	vld [tilespmem:s24+$0xFFFFFFB0];
	v6 =	vmul.f32 v8, v6  }
0xca: {  	v8 =	vadd.f32 v14, v13;
	v29 =	vld [tilespmem:s25+$0xFFFFFFB0];
	v11 =	vadd.f32 v16, v15  }
0xcb: {  	v12 =	vadd.f32 v22, v21;
	v30 =	vld [tilespmem:s24+$0xFFFFFFC0];
	v6 =	vadd.f32 v6, v7  }
0xcc: {  	v7 =	vadd.f32 v10, v9;
	v21 =	vld [tilespmem:s25+$0xFFFFFFC0];
	v8 =	vadd.f32 v11, v8  }
0xcd: {  	v9 =	vadd.f32 v18, v17;
	v22 =	vld [tilespmem:s24+$0xFFFFFFD0];
	v6 =	vadd.f32 v6, v12  }
0xce: {  	v35 =	vld [tilespmem:s25+$0xFFFFFFD0];
	v10 =	vadd.f32 v8, v7  }
0xcf: {  	v36 =	vld [tilespmem:s24+$0xFFFFFFE0];
	v9 =	vadd.f32 v6, v9  }
0xd0: {  	v37 =	vld [tilespmem:s25+$0xFFFFFFE0];
	v6 =	vperm.xlane v10, v0  }
0xd1: {  	v7 =	vld [tilespmem:s24+$0xFFFFFFF0];
	v11 =	vperm.xlane v9, v0  }
0xd2: {  	v8 =	vld [tilespmem:s25+$0xFFFFFFF0];
	v13 =	vadd.f32 v10, v6  }
0xd3: {  	v6 =	vld [tilespmem:s24+$0x0];
	v14 =	vadd.f32 v9, v11  }
0xd4: {  	v10 =	vld [tilespmem:s24+$0xFFFFFF10];
	v11 =	vperm.xlane v13, v1  }
0xd5: {  	v12 =	vld [tilespmem:s25+$0xFFFFFF10];
	v15 =	vperm.xlane v14, v1  }
0xd6: {  	v9 =	vld [tilespmem:s24+$0xFFFFFF20];
	v16 =	vadd.f32 v13, v11  }
0xd7: {  	v11 =	vld [tilespmem:s25+$0xFFFFFF20];
	v17 =	vadd.f32 v14, v15  }
0xd8: {  	v13 =	vld [tilespmem:s24+$0xFFFFFF30];
	v18 =	vperm.xlane v16, v2  }
0xd9: {  	v15 =	vld [tilespmem:s25+$0xFFFFFF30];
	v19 =	vperm.xlane v17, v2  }
0xda: {  	v14 =	vld [tilespmem:s24+$0xFFFFFF40];
	v20 =	vadd.f32 v16, v18  }
0xdb: {  	v16 =	vld [tilespmem:s25+$0xFFFFFF40];
	v23 =	vadd.f32 v17, v19  }
0xdc: {  	v17 =	vld [tilespmem:s24+$0xFFFFFF50];
	v24 =	vperm.xlane v20, v3  }
0xdd: {  	v18 =	vld [tilespmem:s25+$0xFFFFFF50];
	v25 =	vperm.xlane v23, v3  }
0xde: {  	s8 =	sadd.s32 $0x1, s28;
	v26 =	vmov s28;
	s28 =	smov.u32 s6;
	v19 =	vld [tilespmem:s24+$0xFFFFFF60];
	v24 =	vadd.f32 v20, v24  }
.Ltmp2:
0xdf: {  	vm0 =	veq.s32 v26, v4;
	v20 =	vld [tilespmem:s25+$0xFFFFFF60];
	v28 =	vadd.f32 v23, v25;
	v25 =	vmov s8;
	(pc) =	sbr.rel @p0 .LBB2_7-.Ltmp2, $4  }
0xe0: {  	v23 =	vld [tilespmem:s24+$0xFFFFFF70];
	v5 =	vsel vm0, v24, v5;
	vm0 =	veq.s32 v25, v4  }
0xe1: {  	v24 =	vmul.f32 v32, v31;
	v25 =	vmul.f32 v34, v33;
	v26 =	vld [tilespmem:s25+$0xFFFFFF70];
	v5 =	vsel vm0, v28, v5  }
0xe2: {  	v27 =	vmul.f32 v29, v27;
	v29 =	vmul.f32 v21, v30;
	v28 =	vld [tilespmem:s24+$0xFFFFFF80]  }
0xe3: {  	s6 =	sadd.s32 $0x2, s6;
	v21 =	vmul.f32 v35, v22;
	v22 =	vmul.f32 v37, v36;
	v30 =	vld [tilespmem:s25+$0xFFFFFF80]  }
0xe4: {  	v10 =	vmul.f32 v12, v10;
	v48 =	vld [tilespmem:s25+$0x0]  }
0xe5: {  	v7 =	vmul.f32 v8, v7;
	v9 =	vmul.f32 v11, v9  }
0xe6: {  	v49 =	vmul.f32 v15, v13;
	v50 =	vmul.f32 v16, v14  }
0xe7: {  	v51 =	vmul.f32 v18, v17;
	v52 =	vmul.f32 v20, v19;
	v55 =	vadd.f32 v25, v24  }
0xe8: {  	v56 =	vadd.f32 v29, v27;
	v53 =	vmul.f32 v26, v23;
	v54 =	vmul.f32 v30, v28  }
0xe9: {  	v9 =	vadd.f32 v9, v10;
	v57 =	vadd.f32 v50, v49;
	v6 =	vmul.f32 v48, v6  }
0xea: {  	v58 =	vadd.f32 v52, v51;
	v59 =	vadd.f32 v54, v53  }
0xeb: {  	v60 =	vadd.f32 v22, v21;
	v6 =	vadd.f32 v6, v7  }
0xec: {  	v7 =	vadd.f32 v57, v9;
	v8 =	vadd.f32 v59, v58  }
0xed: {  	v61 =	vadd.f32 v56, v55;
	v6 =	vadd.f32 v6, v60  }
0xee: {  	v7 =	vadd.f32 v8, v7  }
0xef: {  	v6 =	vadd.f32 v6, v61  }
0xf0: {  	v8 =	vperm.xlane v7, v0  }
0xf1: {  	v9 =	vperm.xlane v6, v0  }
0xf2: {  	v7 =	vadd.f32 v7, v8  }
0xf3: {  	v6 =	vadd.f32 v6, v9  }
0xf4: {  	v8 =	vperm.xlane v7, v1  }
0xf5: {  	v9 =	vperm.xlane v6, v1  }
0xf6: {  	v7 =	vadd.f32 v7, v8  }
0xf7: {  	v6 =	vadd.f32 v6, v9  }
0xf8: {  	v8 =	vperm.xlane v7, v2  }
0xf9: {  	v9 =	vperm.xlane v6, v2  }
0xfa: {  	v7 =	vadd.f32 v7, v8  }
0xfb: {  	v6 =	vadd.f32 v6, v9  }
0xfc: {  	v62 =	vmov s28;
	s6 =	sadd.s32 $0x1, s28;
	s28 =	sshll.u32 s23, $0x4;
	s23 =	sadd.s32 $0x1, s23;
	v8 =	vperm.xlane v7, v3  }
0xfd: {  	p0 =	sne.s32 s23, $0x4;
	v9 =	vperm.xlane v6, v3  }
.Ltmp3:
0xfe: {  	v7 =	vadd.f32 v7, v8;
	(pc) =	sbr.rel @p0 .LBB2_6-.Ltmp3, $4  }
0xff: {  	vm0 =	veq.s32 v62, v4;
	v63 =	vmov s6;
	v6 =	vadd.f32 v6, v9  }
0x100: {  	vm15 =	veq.s32 v63, v4;
	v5 =	vsel vm0, v7, v5  }
0x101: {  	s6 =	sand.u32 $0x3FFFFFF0, s28;
	v5 =	vsel vm15, v6, v5  }
0x102: {  	s7 =	sadd.s32 $0x800, s7;
	s5 =	sadd.s32 $0x800, s5;
	[tilespmem:s6+$0x10440] =	vst v5  }
0x103: {  	s23 =	simm.s32 $0x0;
	s5 =	simm.s32 $0x10440  }
0x104: {  	[hbm4b:s10+s23] =	stream.linear.scatter [tilespmem:s5], [sflag:$0x6], $0x40, $0x38;
	[tilespmem:$0x10600] =	vst v63  }
0x105: {  	s24 =	simm.s32 $0x2400;
	s6 =	simm.s32 $0x140  }
0x106: {  	[tilespmem:s24], [sflag:$0x2] =	stream.indirect.gather [hbm4b:s1+s20], $0x80, s6, s20, $0xb8;
	[tilespmem:$0x10600] =	vst v63  }
0x107: {  	s25 =	simm.s32 $0xA400;
	s28 =	simm.s32 $0x340  }
0x108: {  	[tilespmem:s25], [sflag:$0x2] =	stream.indirect.gather [hbm4b:s2+s20], $0x80, s28, s20, $0xb8;
	[tilespmem:$0x10600] =	vst v63  }
0x109: {  	_ =	swait.ge [sflag:s31], $0x2000  }
0x10a: {  	[sflag:s31] =	ssyncset.done $0x0  }
0x10b: {  	[sflag:s31] =	ssyncadd.s32 $0xFFFFE000  }
0x10c: {  	_ =	swait.ge [sflag:s31], $0x2000  }
0x10d: {  	[sflag:s31] =	ssyncset.done $0x0  }
0x10e: {  	s24 =	simm.s32 $0x0;
	[sflag:s31] =	ssyncadd.s32 $0xFFFFE000  }
.LBB2_10:
0x10f: {  	s28 =	sshra.s32 s23, $0x2  }
0x110: {  	v5 =	vld [tilespmem:s28+$0x4480]  }
0x111: {  	v26 =	vld [tilespmem:s28+$0xC480]  }
0x112: {  	v27 =	vld [tilespmem:s28+$0x4490]  }
0x113: {  	v29 =	vld [tilespmem:s28+$0xC490]  }
0x114: {  	v31 =	vld [tilespmem:s28+$0x44A0]  }
0x115: {  	v32 =	vld [tilespmem:s28+$0xC4A0]  }
0x116: {  	v33 =	vld [tilespmem:s28+$0x44B0]  }
0x117: {  	v34 =	vld [tilespmem:s28+$0xC4B0]  }
0x118: {  	v7 =	vld [tilespmem:s28+$0x44C0]  }
0x119: {  	v8 =	vld [tilespmem:s28+$0xC4C0]  }
0x11a: {  	v9 =	vld [tilespmem:s28+$0x44D0]  }
0x11b: {  	v11 =	vld [tilespmem:s28+$0xC4D0]  }
0x11c: {  	v10 =	vld [tilespmem:s28+$0x44E0]  }
0x11d: {  	v12 =	vld [tilespmem:s28+$0xC4E0]  }
0x11e: {  	v6 =	vld [tilespmem:s28+$0x44F0]  }
0x11f: {  	v14 =	vld [tilespmem:s28+$0x4400]  }
0x120: {  	v16 =	vld [tilespmem:s28+$0xC400]  }
0x121: {  	v13 =	vld [tilespmem:s28+$0x4410]  }
0x122: {  	v15 =	vld [tilespmem:s28+$0xC410]  }
0x123: {  	v17 =	vld [tilespmem:s28+$0x4420]  }
0x124: {  	v18 =	vld [tilespmem:s28+$0xC420]  }
0x125: {  	v19 =	vld [tilespmem:s28+$0x4430]  }
0x126: {  	v20 =	vld [tilespmem:s28+$0xC430]  }
0x127: {  	v21 =	vld [tilespmem:s28+$0x4440]  }
0x128: {  	v22 =	vld [tilespmem:s28+$0xC440]  }
0x129: {  	v23 =	vld [tilespmem:s28+$0x4450]  }
0x12a: {  	v24 =	vld [tilespmem:s28+$0xC450]  }
0x12b: {  	v25 =	vld [tilespmem:s28+$0x4460]  }
0x12c: {  	v28 =	vld [tilespmem:s28+$0xC460];
	v26 =	vmul.f32 v26, v5;
	v27 =	vmul.f32 v29, v27  }
0x12d: {  	s5 =	simm.s32 $0x2;
	s6 =	smov.u32 s23;
	s25 =	simm.s32 $0x0;
	v30 =	vld [tilespmem:s28+$0x4470];
	v5 =	vimm.f32 $0.0e+00;
	v29 =	vmul.f32 v32, v31;
	v31 =	vmul.f32 v34, v33  }
.LBB2_11:
0x12e: {  	p0 =	slt.u32 s5, $0xE;
	v32 =	vld [tilespmem:s28+$0xC470];
	v7 =	vmul.f32 v8, v7;
	v8 =	vmul.f32 v11, v9;
	s6 =	sadd.s32 $0x400, s6  }
0x12f: {  	v9 =	vmul.f32 v16, v14;
	v10 =	vmul.f32 v12, v10;
	v11 =	vld [tilespmem:s28+$0xC4F0];
	s28 =	sshra.s32 s6, $0x2  }
0x130: {  	v12 =	vmul.f32 v15, v13;
	v13 =	vmul.f32 v18, v17;
	v33 =	vld [tilespmem:s28+$0x4480]  }
0x131: {  	v14 =	vmul.f32 v20, v19;
	v15 =	vmul.f32 v22, v21;
	v34 =	vld [tilespmem:s28+$0xC480]  }
0x132: {  	v16 =	vmul.f32 v24, v23;
	v17 =	vmul.f32 v28, v25;
	v35 =	vld [tilespmem:s28+$0x4490]  }
0x133: {  	v19 =	vadd.f32 v27, v26;
	v20 =	vadd.f32 v31, v29;
	v36 =	vld [tilespmem:s28+$0xC490];
	v18 =	vmul.f32 v32, v30  }
0x134: {  	v9 =	vadd.f32 v12, v9;
	v12 =	vadd.f32 v14, v13;
	v29 =	vld [tilespmem:s28+$0x44A0];
	v6 =	vmul.f32 v11, v6  }
0x135: {  	v11 =	vadd.f32 v16, v15;
	v31 =	vld [tilespmem:s28+$0xC4A0];
	v13 =	vadd.f32 v18, v17  }
0x136: {  	v8 =	vadd.f32 v8, v7;
	v32 =	vld [tilespmem:s28+$0x44B0];
	v6 =	vadd.f32 v6, v10  }
0x137: {  	v9 =	vadd.f32 v12, v9;
	v37 =	vld [tilespmem:s28+$0xC4B0];
	v10 =	vadd.f32 v13, v11  }
0x138: {  	v11 =	vadd.f32 v20, v19;
	v7 =	vld [tilespmem:s28+$0x44C0];
	v6 =	vadd.f32 v6, v8  }
0x139: {  	v8 =	vld [tilespmem:s28+$0xC4C0];
	v13 =	vadd.f32 v10, v9  }
0x13a: {  	v9 =	vld [tilespmem:s28+$0x44D0];
	v14 =	vadd.f32 v6, v11  }
0x13b: {  	v11 =	vld [tilespmem:s28+$0xC4D0];
	v6 =	vperm.xlane v13, v0  }
0x13c: {  	v10 =	vld [tilespmem:s28+$0x44E0];
	v15 =	vperm.xlane v14, v0  }
0x13d: {  	v12 =	vld [tilespmem:s28+$0xC4E0];
	v17 =	vadd.f32 v13, v6  }
0x13e: {  	v6 =	vld [tilespmem:s28+$0x44F0];
	v18 =	vadd.f32 v14, v15  }
0x13f: {  	v14 =	vld [tilespmem:s28+$0x4400];
	v15 =	vperm.xlane v17, v1  }
0x140: {  	v16 =	vld [tilespmem:s28+$0xC400];
	v19 =	vperm.xlane v18, v1  }
0x141: {  	v13 =	vld [tilespmem:s28+$0x4410];
	v20 =	vadd.f32 v17, v15  }
0x142: {  	v15 =	vld [tilespmem:s28+$0xC410];
	v21 =	vadd.f32 v18, v19  }
0x143: {  	v17 =	vld [tilespmem:s28+$0x4420];
	v22 =	vperm.xlane v20, v2  }
0x144: {  	v18 =	vld [tilespmem:s28+$0xC420];
	v23 =	vperm.xlane v21, v2  }
0x145: {  	v19 =	vld [tilespmem:s28+$0x4430];
	v24 =	vadd.f32 v20, v22  }
0x146: {  	v20 =	vld [tilespmem:s28+$0xC430];
	v25 =	vadd.f32 v21, v23  }
0x147: {  	v21 =	vld [tilespmem:s28+$0x4440];
	v26 =	vperm.xlane v24, v3  }
0x148: {  	v22 =	vld [tilespmem:s28+$0xC440];
	v27 =	vperm.xlane v25, v3  }
.Ltmp4:
0x149: {  	s7 =	sadd.s32 $0x1, s25;
	v28 =	vmov s25;
	s25 =	smov.u32 s5;
	v23 =	vld [tilespmem:s28+$0x4450];
	v26 =	vadd.f32 v24, v26;
	(pc) =	sbr.rel @p0 .LBB2_11-.Ltmp4, $4  }
0x14a: {  	vm0 =	veq.s32 v28, v4;
	v24 =	vld [tilespmem:s28+$0xC450];
	v30 =	vadd.f32 v25, v27;
	v27 =	vmov s7  }
0x14b: {  	v25 =	vld [tilespmem:s28+$0x4460];
	v5 =	vsel vm0, v26, v5;
	vm0 =	veq.s32 v27, v4  }
0x14c: {  	v26 =	vmul.f32 v34, v33;
	v27 =	vmul.f32 v36, v35;
	v28 =	vld [tilespmem:s28+$0xC460];
	v5 =	vsel vm0, v30, v5  }
0x14d: {  	s5 =	sadd.s32 $0x2, s5;
	v29 =	vmul.f32 v31, v29;
	v31 =	vmul.f32 v37, v32;
	v30 =	vld [tilespmem:s28+$0x4470]  }
0x14e: {  	v32 =	vld [tilespmem:s28+$0xC470];
	v7 =	vmul.f32 v8, v7  }
0x14f: {  	v43 =	vmul.f32 v11, v9;
	v44 =	vmul.f32 v16, v14;
	v45 =	vld [tilespmem:s28+$0xC4F0]  }
0x150: {  	v10 =	vmul.f32 v12, v10;
	v46 =	vmul.f32 v15, v13  }
0x151: {  	v47 =	vmul.f32 v18, v17;
	v48 =	vmul.f32 v20, v19  }
0x152: {  	v49 =	vmul.f32 v22, v21;
	v53 =	vadd.f32 v27, v26;
	v50 =	vmul.f32 v24, v23  }
0x153: {  	v54 =	vadd.f32 v31, v29;
	v51 =	vmul.f32 v28, v25;
	v52 =	vmul.f32 v32, v30  }
0x154: {  	v9 =	vadd.f32 v46, v44;
	v55 =	vadd.f32 v48, v47;
	v6 =	vmul.f32 v45, v6  }
0x155: {  	v56 =	vadd.f32 v50, v49;
	v57 =	vadd.f32 v52, v51  }
0x156: {  	v7 =	vadd.f32 v43, v7;
	v6 =	vadd.f32 v6, v10  }
0x157: {  	v58 =	vadd.f32 v55, v9;
	v59 =	vadd.f32 v57, v56  }
0x158: {  	v60 =	vadd.f32 v54, v53;
	v6 =	vadd.f32 v6, v7  }
0x159: {  	v7 =	vadd.f32 v59, v58  }
0x15a: {  	v6 =	vadd.f32 v6, v60  }
0x15b: {  	v8 =	vperm.xlane v7, v0  }
0x15c: {  	v61 =	vperm.xlane v6, v0  }
0x15d: {  	v7 =	vadd.f32 v7, v8  }
0x15e: {  	v6 =	vadd.f32 v6, v61  }
0x15f: {  	v8 =	vperm.xlane v7, v1  }
0x160: {  	v9 =	vperm.xlane v6, v1  }
0x161: {  	v7 =	vadd.f32 v7, v8  }
0x162: {  	v6 =	vadd.f32 v6, v9  }
0x163: {  	v8 =	vperm.xlane v7, v2  }
0x164: {  	v9 =	vperm.xlane v6, v2  }
0x165: {  	v7 =	vadd.f32 v7, v8  }
0x166: {  	v6 =	vadd.f32 v6, v9  }
0x167: {  	s28 =	sshll.u32 s24, $0x4;
	s24 =	sadd.s32 $0x1, s24;
	v8 =	vperm.xlane v7, v3  }
0x168: {  	p0 =	sne.s32 s24, $0x4;
	v9 =	vperm.xlane v6, v3  }
.Ltmp5:
0x169: {  	v62 =	vmov s25;
	s5 =	sadd.s32 $0x1, s25;
	v7 =	vadd.f32 v7, v8;
	(pc) =	sbr.rel @p0 .LBB2_10-.Ltmp5, $4  }
0x16a: {  	vm0 =	veq.s32 v62, v4;
	v63 =	vmov s5;
	v6 =	vadd.f32 v6, v9  }
0x16b: {  	vm15 =	veq.s32 v63, v4;
	v5 =	vsel vm0, v7, v5  }
0x16c: {  	s5 =	sand.u32 $0x3FFFFFF0, s28;
	v5 =	vsel vm15, v6, v5  }
0x16d: {  	s23 =	sadd.s32 $0x2000, s23;
	[tilespmem:s5+$0x10480] =	vst v5  }
0x16e: {  	s23 =	simm.s32 $0x0;
	s5 =	simm.s32 $0x10480  }
0x16f: {  	[hbm4b:s11+s23] =	stream.linear.scatter [tilespmem:s5], [sflag:$0x6], $0x40, $0x38;
	[tilespmem:$0x10600] =	vst v63  }
0x170: {  	s25 =	simm.s32 $0x4400;
	s6 =	simm.s32 $0x180  }
0x171: {  	[tilespmem:s25], [sflag:$0x3] =	stream.indirect.gather [hbm4b:s1+s20], $0x80, s6, s20, $0xb8;
	[tilespmem:$0x10600] =	vst v63  }
0x172: {  	s28 =	simm.s32 $0x380  }
0x173: {  	[tilespmem:s30], [sflag:$0x3] =	stream.indirect.gather [hbm4b:s2+s20], $0x80, s28, s20, $0xb8;
	[tilespmem:$0x10600] =	vst v63  }
0x174: {  	_ =	swait.ge [sflag:s18], $0x2000  }
0x175: {  	[sflag:s18] =	ssyncset.done $0x0  }
0x176: {  	[sflag:s18] =	ssyncadd.s32 $0xFFFFE000  }
0x177: {  	_ =	swait.ge [sflag:s18], $0x2000  }
0x178: {  	[sflag:s18] =	ssyncset.done $0x0  }
0x179: {  	s24 =	simm.s32 $0x0;
	[sflag:s18] =	ssyncadd.s32 $0xFFFFE000  }
.LBB2_14:
0x17a: {  	s28 =	sshra.s32 s23, $0x2  }
0x17b: {  	v5 =	vld [tilespmem:s28+$0x6480]  }
0x17c: {  	v26 =	vld [tilespmem:s28+$0xE480]  }
0x17d: {  	v27 =	vld [tilespmem:s28+$0x6490]  }
0x17e: {  	v29 =	vld [tilespmem:s28+$0xE490]  }
0x17f: {  	v31 =	vld [tilespmem:s28+$0x64A0]  }
0x180: {  	v32 =	vld [tilespmem:s28+$0xE4A0]  }
0x181: {  	v33 =	vld [tilespmem:s28+$0x64B0]  }
0x182: {  	v34 =	vld [tilespmem:s28+$0xE4B0]  }
0x183: {  	v7 =	vld [tilespmem:s28+$0x64C0]  }
0x184: {  	v8 =	vld [tilespmem:s28+$0xE4C0]  }
0x185: {  	v9 =	vld [tilespmem:s28+$0x64D0]  }
0x186: {  	v11 =	vld [tilespmem:s28+$0xE4D0]  }
0x187: {  	v10 =	vld [tilespmem:s28+$0x64E0]  }
0x188: {  	v12 =	vld [tilespmem:s28+$0xE4E0]  }
0x189: {  	v6 =	vld [tilespmem:s28+$0x64F0]  }
0x18a: {  	v14 =	vld [tilespmem:s28+$0x6400]  }
0x18b: {  	v16 =	vld [tilespmem:s28+$0xE400]  }
0x18c: {  	v13 =	vld [tilespmem:s28+$0x6410]  }
0x18d: {  	v15 =	vld [tilespmem:s28+$0xE410]  }
0x18e: {  	v17 =	vld [tilespmem:s28+$0x6420]  }
0x18f: {  	v18 =	vld [tilespmem:s28+$0xE420]  }
0x190: {  	v19 =	vld [tilespmem:s28+$0x6430]  }
0x191: {  	v20 =	vld [tilespmem:s28+$0xE430]  }
0x192: {  	v21 =	vld [tilespmem:s28+$0x6440]  }
0x193: {  	v22 =	vld [tilespmem:s28+$0xE440]  }
0x194: {  	v23 =	vld [tilespmem:s28+$0x6450]  }
0x195: {  	v24 =	vld [tilespmem:s28+$0xE450]  }
0x196: {  	v25 =	vld [tilespmem:s28+$0x6460]  }
0x197: {  	v28 =	vld [tilespmem:s28+$0xE460];
	v26 =	vmul.f32 v26, v5;
	v27 =	vmul.f32 v29, v27  }
0x198: {  	s5 =	simm.s32 $0x2;
	s6 =	smov.u32 s23;
	s25 =	simm.s32 $0x0;
	v30 =	vld [tilespmem:s28+$0x6470];
	v5 =	vimm.f32 $0.0e+00;
	v29 =	vmul.f32 v32, v31;
	v31 =	vmul.f32 v34, v33  }
.LBB2_15:
0x199: {  	p0 =	slt.u32 s5, $0xE;
	v32 =	vld [tilespmem:s28+$0xE470];
	v7 =	vmul.f32 v8, v7;
	v8 =	vmul.f32 v11, v9;
	s6 =	sadd.s32 $0x400, s6  }
0x19a: {  	v9 =	vmul.f32 v16, v14;
	v10 =	vmul.f32 v12, v10;
	v11 =	vld [tilespmem:s28+$0xE4F0];
	s28 =	sshra.s32 s6, $0x2  }
0x19b: {  	v12 =	vmul.f32 v15, v13;
	v13 =	vmul.f32 v18, v17;
	v33 =	vld [tilespmem:s28+$0x6480]  }
0x19c: {  	v14 =	vmul.f32 v20, v19;
	v15 =	vmul.f32 v22, v21;
	v34 =	vld [tilespmem:s28+$0xE480]  }
0x19d: {  	v16 =	vmul.f32 v24, v23;
	v17 =	vmul.f32 v28, v25;
	v35 =	vld [tilespmem:s28+$0x6490]  }
0x19e: {  	v19 =	vadd.f32 v27, v26;
	v20 =	vadd.f32 v31, v29;
	v36 =	vld [tilespmem:s28+$0xE490];
	v18 =	vmul.f32 v32, v30  }
0x19f: {  	v9 =	vadd.f32 v12, v9;
	v12 =	vadd.f32 v14, v13;
	v29 =	vld [tilespmem:s28+$0x64A0];
	v6 =	vmul.f32 v11, v6  }
0x1a0: {  	v11 =	vadd.f32 v16, v15;
	v31 =	vld [tilespmem:s28+$0xE4A0];
	v13 =	vadd.f32 v18, v17  }
0x1a1: {  	v8 =	vadd.f32 v8, v7;
	v32 =	vld [tilespmem:s28+$0x64B0];
	v6 =	vadd.f32 v6, v10  }
0x1a2: {  	v9 =	vadd.f32 v12, v9;
	v37 =	vld [tilespmem:s28+$0xE4B0];
	v10 =	vadd.f32 v13, v11  }
0x1a3: {  	v11 =	vadd.f32 v20, v19;
	v7 =	vld [tilespmem:s28+$0x64C0];
	v6 =	vadd.f32 v6, v8  }
0x1a4: {  	v8 =	vld [tilespmem:s28+$0xE4C0];
	v13 =	vadd.f32 v10, v9  }
0x1a5: {  	v9 =	vld [tilespmem:s28+$0x64D0];
	v14 =	vadd.f32 v6, v11  }
0x1a6: {  	v11 =	vld [tilespmem:s28+$0xE4D0];
	v6 =	vperm.xlane v13, v0  }
0x1a7: {  	v10 =	vld [tilespmem:s28+$0x64E0];
	v15 =	vperm.xlane v14, v0  }
0x1a8: {  	v12 =	vld [tilespmem:s28+$0xE4E0];
	v17 =	vadd.f32 v13, v6  }
0x1a9: {  	v6 =	vld [tilespmem:s28+$0x64F0];
	v18 =	vadd.f32 v14, v15  }
0x1aa: {  	v14 =	vld [tilespmem:s28+$0x6400];
	v15 =	vperm.xlane v17, v1  }
0x1ab: {  	v16 =	vld [tilespmem:s28+$0xE400];
	v19 =	vperm.xlane v18, v1  }
0x1ac: {  	v13 =	vld [tilespmem:s28+$0x6410];
	v20 =	vadd.f32 v17, v15  }
0x1ad: {  	v15 =	vld [tilespmem:s28+$0xE410];
	v21 =	vadd.f32 v18, v19  }
0x1ae: {  	v17 =	vld [tilespmem:s28+$0x6420];
	v22 =	vperm.xlane v20, v2  }
0x1af: {  	v18 =	vld [tilespmem:s28+$0xE420];
	v23 =	vperm.xlane v21, v2  }
0x1b0: {  	v19 =	vld [tilespmem:s28+$0x6430];
	v24 =	vadd.f32 v20, v22  }
0x1b1: {  	v20 =	vld [tilespmem:s28+$0xE430];
	v25 =	vadd.f32 v21, v23  }
0x1b2: {  	v21 =	vld [tilespmem:s28+$0x6440];
	v26 =	vperm.xlane v24, v3  }
0x1b3: {  	v22 =	vld [tilespmem:s28+$0xE440];
	v27 =	vperm.xlane v25, v3  }
.Ltmp6:
0x1b4: {  	s7 =	sadd.s32 $0x1, s25;
	v28 =	vmov s25;
	s25 =	smov.u32 s5;
	v23 =	vld [tilespmem:s28+$0x6450];
	v26 =	vadd.f32 v24, v26;
	(pc) =	sbr.rel @p0 .LBB2_15-.Ltmp6, $4  }
0x1b5: {  	vm0 =	veq.s32 v28, v4;
	v24 =	vld [tilespmem:s28+$0xE450];
	v30 =	vadd.f32 v25, v27;
	v27 =	vmov s7  }
0x1b6: {  	v25 =	vld [tilespmem:s28+$0x6460];
	v5 =	vsel vm0, v26, v5;
	vm0 =	veq.s32 v27, v4  }
0x1b7: {  	v26 =	vmul.f32 v34, v33;
	v27 =	vmul.f32 v36, v35;
	v28 =	vld [tilespmem:s28+$0xE460];
	v5 =	vsel vm0, v30, v5  }
0x1b8: {  	s5 =	sadd.s32 $0x2, s5;
	v29 =	vmul.f32 v31, v29;
	v31 =	vmul.f32 v37, v32;
	v30 =	vld [tilespmem:s28+$0x6470]  }
0x1b9: {  	v32 =	vld [tilespmem:s28+$0xE470];
	v7 =	vmul.f32 v8, v7  }
0x1ba: {  	v43 =	vmul.f32 v11, v9;
	v44 =	vmul.f32 v16, v14;
	v45 =	vld [tilespmem:s28+$0xE4F0]  }
0x1bb: {  	v10 =	vmul.f32 v12, v10;
	v46 =	vmul.f32 v15, v13  }
0x1bc: {  	v47 =	vmul.f32 v18, v17;
	v48 =	vmul.f32 v20, v19  }
0x1bd: {  	v49 =	vmul.f32 v22, v21;
	v53 =	vadd.f32 v27, v26;
	v50 =	vmul.f32 v24, v23  }
0x1be: {  	v54 =	vadd.f32 v31, v29;
	v51 =	vmul.f32 v28, v25;
	v52 =	vmul.f32 v32, v30  }
0x1bf: {  	v9 =	vadd.f32 v46, v44;
	v55 =	vadd.f32 v48, v47;
	v6 =	vmul.f32 v45, v6  }
0x1c0: {  	v56 =	vadd.f32 v50, v49;
	v57 =	vadd.f32 v52, v51  }
0x1c1: {  	v7 =	vadd.f32 v43, v7;
	v6 =	vadd.f32 v6, v10  }
0x1c2: {  	v58 =	vadd.f32 v55, v9;
	v59 =	vadd.f32 v57, v56  }
0x1c3: {  	v60 =	vadd.f32 v54, v53;
	v6 =	vadd.f32 v6, v7  }
0x1c4: {  	v7 =	vadd.f32 v59, v58  }
0x1c5: {  	v6 =	vadd.f32 v6, v60  }
0x1c6: {  	v8 =	vperm.xlane v7, v0  }
0x1c7: {  	v61 =	vperm.xlane v6, v0  }
0x1c8: {  	v7 =	vadd.f32 v7, v8  }
0x1c9: {  	v6 =	vadd.f32 v6, v61  }
0x1ca: {  	v8 =	vperm.xlane v7, v1  }
0x1cb: {  	v9 =	vperm.xlane v6, v1  }
0x1cc: {  	v7 =	vadd.f32 v7, v8  }
0x1cd: {  	v6 =	vadd.f32 v6, v9  }
0x1ce: {  	v8 =	vperm.xlane v7, v2  }
0x1cf: {  	v9 =	vperm.xlane v6, v2  }
0x1d0: {  	v7 =	vadd.f32 v7, v8  }
0x1d1: {  	v6 =	vadd.f32 v6, v9  }
0x1d2: {  	s28 =	sshll.u32 s24, $0x4;
	s24 =	sadd.s32 $0x1, s24;
	v8 =	vperm.xlane v7, v3  }
0x1d3: {  	p0 =	sne.s32 s24, $0x4;
	v9 =	vperm.xlane v6, v3  }
.Ltmp7:
0x1d4: {  	v62 =	vmov s25;
	s5 =	sadd.s32 $0x1, s25;
	v7 =	vadd.f32 v7, v8;
	(pc) =	sbr.rel @p0 .LBB2_14-.Ltmp7, $4  }
0x1d5: {  	vm0 =	veq.s32 v62, v4;
	v63 =	vmov s5;
	v6 =	vadd.f32 v6, v9  }
0x1d6: {  	vm15 =	veq.s32 v63, v4;
	v5 =	vsel vm0, v7, v5  }
0x1d7: {  	s5 =	sand.u32 $0x3FFFFFF0, s28;
	v5 =	vsel vm15, v6, v5  }
0x1d8: {  	s23 =	sadd.s32 $0x2000, s23;
	[tilespmem:s5+$0x104C0] =	vst v5  }
0x1d9: {  	s23 =	simm.s32 $0x0;
	s5 =	simm.s32 $0x104C0  }
0x1da: {  	[hbm4b:s12+s23] =	stream.linear.scatter [tilespmem:s5], [sflag:$0x6], $0x40, $0x38;
	[tilespmem:$0x10600] =	vst v63  }
0x1db: {  	s25 =	simm.s32 $0x1C0  }
0x1dc: {  	[tilespmem:s0], [sflag:$0x4] =	stream.indirect.gather [hbm4b:s1+s20], $0x80, s25, s20, $0xb8;
	[tilespmem:$0x10600] =	vst v63  }
0x1dd: {  	s28 =	simm.s32 $0x3C0  }
0x1de: {  	[tilespmem:s26], [sflag:$0x4] =	stream.indirect.gather [hbm4b:s2+s20], $0x80, s28, s20, $0xb8;
	[tilespmem:$0x10600] =	vst v63  }
0x1df: {  	_ =	swait.ge [sflag:s29], $0x2000  }
0x1e0: {  	[sflag:s29] =	ssyncset.done $0x0  }
0x1e1: {  	[sflag:s29] =	ssyncadd.s32 $0xFFFFE000  }
0x1e2: {  	_ =	swait.ge [sflag:s29], $0x2000  }
0x1e3: {  	[sflag:s29] =	ssyncset.done $0x0  }
0x1e4: {  	s24 =	simm.s32 $0x8480;
	s25 =	simm.s32 $0x480;
	[sflag:s29] =	ssyncadd.s32 $0xFFFFE000  }
.LBB2_18:
0x1e5: {  	v5 =	vld [tilespmem:s25+$0x0]  }
0x1e6: {  	v21 =	vld [tilespmem:s24+$0x0]  }
0x1e7: {  	v22 =	vld [tilespmem:s25+$0x10]  }
0x1e8: {  	v25 =	vld [tilespmem:s24+$0x10]  }
0x1e9: {  	v27 =	vld [tilespmem:s25+$0x20]  }
0x1ea: {  	v29 =	vld [tilespmem:s24+$0x20]  }
0x1eb: {  	v30 =	vld [tilespmem:s25+$0x30]  }
0x1ec: {  	v31 =	vld [tilespmem:s24+$0x30]  }
0x1ed: {  	v32 =	vld [tilespmem:s25+$0x40]  }
0x1ee: {  	v33 =	vld [tilespmem:s24+$0x40]  }
0x1ef: {  	v34 =	vld [tilespmem:s25+$0x50]  }
0x1f0: {  	v35 =	vld [tilespmem:s24+$0x50]  }
0x1f1: {  	v7 =	vld [tilespmem:s25+$0x60]  }
0x1f2: {  	v8 =	vld [tilespmem:s24+$0x60]  }
0x1f3: {  	v6 =	vld [tilespmem:s25+$0x70]  }
0x1f4: {  	v10 =	vld [tilespmem:s25+$0xFFFFFF80]  }
0x1f5: {  	v12 =	vld [tilespmem:s24+$0xFFFFFF80]  }
0x1f6: {  	v9 =	vld [tilespmem:s25+$0xFFFFFF90]  }
0x1f7: {  	v11 =	vld [tilespmem:s24+$0xFFFFFF90]  }
0x1f8: {  	v13 =	vld [tilespmem:s25+$0xFFFFFFA0]  }
0x1f9: {  	v15 =	vld [tilespmem:s24+$0xFFFFFFA0]  }
0x1fa: {  	v14 =	vld [tilespmem:s25+$0xFFFFFFB0]  }
0x1fb: {  	v16 =	vld [tilespmem:s24+$0xFFFFFFB0]  }
0x1fc: {  	v17 =	vld [tilespmem:s25+$0xFFFFFFC0]  }
0x1fd: {  	v18 =	vld [tilespmem:s24+$0xFFFFFFC0]  }
0x1fe: {  	v19 =	vld [tilespmem:s25+$0xFFFFFFD0]  }
0x1ff: {  	v20 =	vld [tilespmem:s24+$0xFFFFFFD0]  }
0x200: {  	v23 =	vld [tilespmem:s25+$0xFFFFFFE0]  }
0x201: {  	v26 =	vld [tilespmem:s24+$0xFFFFFFE0];
	v24 =	vmul.f32 v21, v5;
	v25 =	vmul.f32 v25, v22  }
0x202: {  	v28 =	vld [tilespmem:s25+$0xFFFFFFF0];
	s6 =	simm.s32 $0x2;
	v27 =	vmul.f32 v29, v27;
	v29 =	vmul.f32 v31, v30  }
0x203: {  	s5 =	smov.u32 s24;
	s7 =	smov.u32 s25;
	s28 =	simm.s32 $0x0;
	v5 =	vimm.f32 $0.0e+00;
	v30 =	vld [tilespmem:s24+$0xFFFFFFF0];
	v21 =	vmul.f32 v33, v32;
	v22 =	vmul.f32 v35, v34  }
.LBB2_19:
0x204: {  	p0 =	slt.u32 s6, $0xE;
	v10 =	vmul.f32 v12, v10;
	v7 =	vmul.f32 v8, v7;
	v8 =	vld [tilespmem:s5+$0x70];
	s7 =	sadd.s32 $0x100, s7  }
0x205: {  	v9 =	vmul.f32 v11, v9;
	v11 =	vmul.f32 v15, v13;
	s5 =	sadd.s32 $0x100, s5;
	v31 =	vld [tilespmem:s7+$0x0]  }
0x206: {  	v12 =	vmul.f32 v16, v14;
	v13 =	vmul.f32 v18, v17;
	v32 =	vld [tilespmem:s5+$0x0]  }
0x207: {  	v14 =	vmul.f32 v20, v19;
	v15 =	vmul.f32 v26, v23;
	v33 =	vld [tilespmem:s7+$0x10]  }
0x208: {  	v17 =	vadd.f32 v25, v24;
	v18 =	vadd.f32 v29, v27;
	v34 =	vld [tilespmem:s5+$0x10];
	v16 =	vmul.f32 v30, v28  }
0x209: {  	v9 =	vadd.f32 v9, v10;
	v10 =	vadd.f32 v12, v11;
	v27 =	vld [tilespmem:s7+$0x20];
	v6 =	vmul.f32 v8, v6  }
0x20a: {  	v8 =	vadd.f32 v14, v13;
	v29 =	vld [tilespmem:s5+$0x20];
	v11 =	vadd.f32 v16, v15  }
0x20b: {  	v12 =	vadd.f32 v22, v21;
	v30 =	vld [tilespmem:s7+$0x30];
	v6 =	vadd.f32 v6, v7  }
0x20c: {  	v7 =	vadd.f32 v10, v9;
	v21 =	vld [tilespmem:s5+$0x30];
	v8 =	vadd.f32 v11, v8  }
0x20d: {  	v9 =	vadd.f32 v18, v17;
	v22 =	vld [tilespmem:s7+$0x40];
	v6 =	vadd.f32 v6, v12  }
0x20e: {  	v35 =	vld [tilespmem:s5+$0x40];
	v10 =	vadd.f32 v8, v7  }
0x20f: {  	v36 =	vld [tilespmem:s7+$0x50];
	v9 =	vadd.f32 v6, v9  }
0x210: {  	v37 =	vld [tilespmem:s5+$0x50];
	v6 =	vperm.xlane v10, v0  }
0x211: {  	v7 =	vld [tilespmem:s7+$0x60];
	v11 =	vperm.xlane v9, v0  }
0x212: {  	v8 =	vld [tilespmem:s5+$0x60];
	v13 =	vadd.f32 v10, v6  }
0x213: {  	v6 =	vld [tilespmem:s7+$0x70];
	v14 =	vadd.f32 v9, v11  }
0x214: {  	v10 =	vld [tilespmem:s7+$0xFFFFFF80];
	v11 =	vperm.xlane v13, v1  }
0x215: {  	v12 =	vld [tilespmem:s5+$0xFFFFFF80];
	v15 =	vperm.xlane v14, v1  }
0x216: {  	v9 =	vld [tilespmem:s7+$0xFFFFFF90];
	v16 =	vadd.f32 v13, v11  }
0x217: {  	v11 =	vld [tilespmem:s5+$0xFFFFFF90];
	v17 =	vadd.f32 v14, v15  }
0x218: {  	v13 =	vld [tilespmem:s7+$0xFFFFFFA0];
	v18 =	vperm.xlane v16, v2  }
0x219: {  	v15 =	vld [tilespmem:s5+$0xFFFFFFA0];
	v19 =	vperm.xlane v17, v2  }
0x21a: {  	v14 =	vld [tilespmem:s7+$0xFFFFFFB0];
	v20 =	vadd.f32 v16, v18  }
0x21b: {  	v16 =	vld [tilespmem:s5+$0xFFFFFFB0];
	v23 =	vadd.f32 v17, v19  }
0x21c: {  	v17 =	vld [tilespmem:s7+$0xFFFFFFC0];
	v24 =	vperm.xlane v20, v3  }
0x21d: {  	v18 =	vld [tilespmem:s5+$0xFFFFFFC0];
	v25 =	vperm.xlane v23, v3  }
0x21e: {  	s8 =	sadd.s32 $0x1, s28;
	v26 =	vmov s28;
	s28 =	smov.u32 s6;
	v19 =	vld [tilespmem:s7+$0xFFFFFFD0];
	v24 =	vadd.f32 v20, v24  }
.Ltmp8:
0x21f: {  	vm0 =	veq.s32 v26, v4;
	v20 =	vld [tilespmem:s5+$0xFFFFFFD0];
	v28 =	vadd.f32 v23, v25;
	v25 =	vmov s8;
	(pc) =	sbr.rel @p0 .LBB2_19-.Ltmp8, $4  }
0x220: {  	v23 =	vld [tilespmem:s7+$0xFFFFFFE0];
	v5 =	vsel vm0, v24, v5;
	vm0 =	veq.s32 v25, v4  }
0x221: {  	v24 =	vmul.f32 v32, v31;
	v25 =	vmul.f32 v34, v33;
	v26 =	vld [tilespmem:s5+$0xFFFFFFE0];
	v5 =	vsel vm0, v28, v5  }
0x222: {  	v27 =	vmul.f32 v29, v27;
	v29 =	vmul.f32 v21, v30;
	v28 =	vld [tilespmem:s7+$0xFFFFFFF0]  }
0x223: {  	s6 =	sadd.s32 $0x2, s6;
	v21 =	vmul.f32 v35, v22;
	v22 =	vmul.f32 v37, v36;
	v30 =	vld [tilespmem:s5+$0xFFFFFFF0]  }
0x224: {  	v10 =	vmul.f32 v12, v10;
	v48 =	vld [tilespmem:s5+$0x70]  }
0x225: {  	v7 =	vmul.f32 v8, v7;
	v9 =	vmul.f32 v11, v9  }
0x226: {  	v49 =	vmul.f32 v15, v13;
	v50 =	vmul.f32 v16, v14  }
0x227: {  	v51 =	vmul.f32 v18, v17;
	v52 =	vmul.f32 v20, v19;
	v55 =	vadd.f32 v25, v24  }
0x228: {  	v56 =	vadd.f32 v29, v27;
	v53 =	vmul.f32 v26, v23;
	v54 =	vmul.f32 v30, v28  }
0x229: {  	v9 =	vadd.f32 v9, v10;
	v57 =	vadd.f32 v50, v49;
	v6 =	vmul.f32 v48, v6  }
0x22a: {  	v58 =	vadd.f32 v52, v51;
	v59 =	vadd.f32 v54, v53  }
0x22b: {  	v60 =	vadd.f32 v22, v21;
	v6 =	vadd.f32 v6, v7  }
0x22c: {  	v7 =	vadd.f32 v57, v9;
	v8 =	vadd.f32 v59, v58  }
0x22d: {  	v61 =	vadd.f32 v56, v55;
	v6 =	vadd.f32 v6, v60  }
0x22e: {  	v7 =	vadd.f32 v8, v7  }
0x22f: {  	v6 =	vadd.f32 v6, v61  }
0x230: {  	v8 =	vperm.xlane v7, v0  }
0x231: {  	v9 =	vperm.xlane v6, v0  }
0x232: {  	v7 =	vadd.f32 v7, v8  }
0x233: {  	v6 =	vadd.f32 v6, v9  }
0x234: {  	v8 =	vperm.xlane v7, v1  }
0x235: {  	v9 =	vperm.xlane v6, v1  }
0x236: {  	v7 =	vadd.f32 v7, v8  }
0x237: {  	v6 =	vadd.f32 v6, v9  }
0x238: {  	v8 =	vperm.xlane v7, v2  }
0x239: {  	v9 =	vperm.xlane v6, v2  }
0x23a: {  	v7 =	vadd.f32 v7, v8  }
0x23b: {  	v6 =	vadd.f32 v6, v9  }
0x23c: {  	v62 =	vmov s28;
	s8 =	sadd.s32 $0x1, s28;
	s28 =	sshll.u32 s23, $0x4;
	s23 =	sadd.s32 $0x1, s23;
	v8 =	vperm.xlane v7, v3  }
0x23d: {  	p0 =	sne.s32 s23, $0x4;
	v9 =	vperm.xlane v6, v3  }
.Ltmp9:
0x23e: {  	v7 =	vadd.f32 v7, v8;
	(pc) =	sbr.rel @p0 .LBB2_18-.Ltmp9, $4  }
0x23f: {  	vm0 =	veq.s32 v62, v4;
	v63 =	vmov s8;
	v6 =	vadd.f32 v6, v9  }
0x240: {  	vm15 =	veq.s32 v63, v4;
	v5 =	vsel vm0, v7, v5  }
0x241: {  	s5 =	sand.u32 $0x3FFFFFF0, s28;
	v5 =	vsel vm15, v6, v5  }
0x242: {  	s24 =	sadd.s32 $0x800, s24;
	s25 =	sadd.s32 $0x800, s25;
	[tilespmem:s5+$0x10500] =	vst v5  }
0x243: {  	s23 =	simm.s32 $0x0;
	s5 =	simm.s32 $0x10500  }
0x244: {  	[hbm4b:s13+s23] =	stream.linear.scatter [tilespmem:s5], [sflag:$0x6], $0x40, $0x38;
	[tilespmem:$0x10600] =	vst v63  }
0x245: {  	_ =	swait.ge [sflag:s3], $0x2000  }
0x246: {  	[sflag:s3] =	ssyncset.done $0x0  }
0x247: {  	[sflag:s3] =	ssyncadd.s32 $0xFFFFE000  }
0x248: {  	_ =	swait.ge [sflag:s3], $0x2000  }
0x249: {  	[sflag:s3] =	ssyncset.done $0x0  }
0x24a: {  	s24 =	simm.s32 $0x24F0;
	s25 =	simm.s32 $0xA4F0;
	[sflag:s3] =	ssyncadd.s32 $0xFFFFE000  }
.LBB2_22:
0x24b: {  	v5 =	vld [tilespmem:s24+$0xFFFFFF90]  }
0x24c: {  	v21 =	vld [tilespmem:s25+$0xFFFFFF90]  }
0x24d: {  	v22 =	vld [tilespmem:s24+$0xFFFFFFA0]  }
0x24e: {  	v25 =	vld [tilespmem:s25+$0xFFFFFFA0]  }
0x24f: {  	v27 =	vld [tilespmem:s24+$0xFFFFFFB0]  }
0x250: {  	v29 =	vld [tilespmem:s25+$0xFFFFFFB0]  }
0x251: {  	v30 =	vld [tilespmem:s24+$0xFFFFFFC0]  }
0x252: {  	v31 =	vld [tilespmem:s25+$0xFFFFFFC0]  }
0x253: {  	v32 =	vld [tilespmem:s24+$0xFFFFFFD0]  }
0x254: {  	v33 =	vld [tilespmem:s25+$0xFFFFFFD0]  }
0x255: {  	v34 =	vld [tilespmem:s24+$0xFFFFFFE0]  }
0x256: {  	v35 =	vld [tilespmem:s25+$0xFFFFFFE0]  }
0x257: {  	v7 =	vld [tilespmem:s24+$0xFFFFFFF0]  }
0x258: {  	v8 =	vld [tilespmem:s25+$0xFFFFFFF0]  }
0x259: {  	v6 =	vld [tilespmem:s24+$0x0]  }
0x25a: {  	v10 =	vld [tilespmem:s24+$0xFFFFFF10]  }
0x25b: {  	v12 =	vld [tilespmem:s25+$0xFFFFFF10]  }
0x25c: {  	v9 =	vld [tilespmem:s24+$0xFFFFFF20]  }
0x25d: {  	v11 =	vld [tilespmem:s25+$0xFFFFFF20]  }
0x25e: {  	v13 =	vld [tilespmem:s24+$0xFFFFFF30]  }
0x25f: {  	v15 =	vld [tilespmem:s25+$0xFFFFFF30]  }
0x260: {  	v14 =	vld [tilespmem:s24+$0xFFFFFF40]  }
0x261: {  	v16 =	vld [tilespmem:s25+$0xFFFFFF40]  }
0x262: {  	v17 =	vld [tilespmem:s24+$0xFFFFFF50]  }
0x263: {  	v18 =	vld [tilespmem:s25+$0xFFFFFF50]  }
0x264: {  	v19 =	vld [tilespmem:s24+$0xFFFFFF60]  }
0x265: {  	v20 =	vld [tilespmem:s25+$0xFFFFFF60]  }
0x266: {  	v23 =	vld [tilespmem:s24+$0xFFFFFF70]  }
0x267: {  	v26 =	vld [tilespmem:s25+$0xFFFFFF70];
	v24 =	vmul.f32 v21, v5;
	v25 =	vmul.f32 v25, v22  }
0x268: {  	v28 =	vld [tilespmem:s24+$0xFFFFFF80];
	s6 =	simm.s32 $0x2;
	v27 =	vmul.f32 v29, v27;
	v29 =	vmul.f32 v31, v30  }
0x269: {  	s5 =	smov.u32 s25;
	s7 =	smov.u32 s24;
	s28 =	simm.s32 $0x0;
	v5 =	vimm.f32 $0.0e+00;
	v30 =	vld [tilespmem:s25+$0xFFFFFF80];
	v21 =	vmul.f32 v33, v32;
	v22 =	vmul.f32 v35, v34  }
.LBB2_23:
0x26a: {  	p0 =	slt.u32 s6, $0xE;
	v10 =	vmul.f32 v12, v10;
	v7 =	vmul.f32 v8, v7;
	v8 =	vld [tilespmem:s5+$0x0];
	s7 =	sadd.s32 $0x100, s7  }
0x26b: {  	v9 =	vmul.f32 v11, v9;
	v11 =	vmul.f32 v15, v13;
	s5 =	sadd.s32 $0x100, s5;
	v31 =	vld [tilespmem:s7+$0xFFFFFF90]  }
0x26c: {  	v12 =	vmul.f32 v16, v14;
	v13 =	vmul.f32 v18, v17;
	v32 =	vld [tilespmem:s5+$0xFFFFFF90]  }
0x26d: {  	v14 =	vmul.f32 v20, v19;
	v15 =	vmul.f32 v26, v23;
	v33 =	vld [tilespmem:s7+$0xFFFFFFA0]  }
0x26e: {  	v17 =	vadd.f32 v25, v24;
	v18 =	vadd.f32 v29, v27;
	v34 =	vld [tilespmem:s5+$0xFFFFFFA0];
	v16 =	vmul.f32 v30, v28  }
0x26f: {  	v9 =	vadd.f32 v9, v10;
	v10 =	vadd.f32 v12, v11;
	v27 =	vld [tilespmem:s7+$0xFFFFFFB0];
	v6 =	vmul.f32 v8, v6  }
0x270: {  	v8 =	vadd.f32 v14, v13;
	v29 =	vld [tilespmem:s5+$0xFFFFFFB0];
	v11 =	vadd.f32 v16, v15  }
0x271: {  	v12 =	vadd.f32 v22, v21;
	v30 =	vld [tilespmem:s7+$0xFFFFFFC0];
	v6 =	vadd.f32 v6, v7  }
0x272: {  	v7 =	vadd.f32 v10, v9;
	v21 =	vld [tilespmem:s5+$0xFFFFFFC0];
	v8 =	vadd.f32 v11, v8  }
0x273: {  	v9 =	vadd.f32 v18, v17;
	v22 =	vld [tilespmem:s7+$0xFFFFFFD0];
	v6 =	vadd.f32 v6, v12  }
0x274: {  	v35 =	vld [tilespmem:s5+$0xFFFFFFD0];
	v10 =	vadd.f32 v8, v7  }
0x275: {  	v36 =	vld [tilespmem:s7+$0xFFFFFFE0];
	v9 =	vadd.f32 v6, v9  }
0x276: {  	v37 =	vld [tilespmem:s5+$0xFFFFFFE0];
	v6 =	vperm.xlane v10, v0  }
0x277: {  	v7 =	vld [tilespmem:s7+$0xFFFFFFF0];
	v11 =	vperm.xlane v9, v0  }
0x278: {  	v8 =	vld [tilespmem:s5+$0xFFFFFFF0];
	v13 =	vadd.f32 v10, v6  }
0x279: {  	v6 =	vld [tilespmem:s7+$0x0];
	v14 =	vadd.f32 v9, v11  }
0x27a: {  	v10 =	vld [tilespmem:s7+$0xFFFFFF10];
	v11 =	vperm.xlane v13, v1  }
0x27b: {  	v12 =	vld [tilespmem:s5+$0xFFFFFF10];
	v15 =	vperm.xlane v14, v1  }
0x27c: {  	v9 =	vld [tilespmem:s7+$0xFFFFFF20];
	v16 =	vadd.f32 v13, v11  }
0x27d: {  	v11 =	vld [tilespmem:s5+$0xFFFFFF20];
	v17 =	vadd.f32 v14, v15  }
0x27e: {  	v13 =	vld [tilespmem:s7+$0xFFFFFF30];
	v18 =	vperm.xlane v16, v2  }
0x27f: {  	v15 =	vld [tilespmem:s5+$0xFFFFFF30];
	v19 =	vperm.xlane v17, v2  }
0x280: {  	v14 =	vld [tilespmem:s7+$0xFFFFFF40];
	v20 =	vadd.f32 v16, v18  }
0x281: {  	v16 =	vld [tilespmem:s5+$0xFFFFFF40];
	v23 =	vadd.f32 v17, v19  }
0x282: {  	v17 =	vld [tilespmem:s7+$0xFFFFFF50];
	v24 =	vperm.xlane v20, v3  }
0x283: {  	v18 =	vld [tilespmem:s5+$0xFFFFFF50];
	v25 =	vperm.xlane v23, v3  }
0x284: {  	s8 =	sadd.s32 $0x1, s28;
	v26 =	vmov s28;
	s28 =	smov.u32 s6;
	v19 =	vld [tilespmem:s7+$0xFFFFFF60];
	v24 =	vadd.f32 v20, v24  }
.Ltmp10:
0x285: {  	vm0 =	veq.s32 v26, v4;
	v20 =	vld [tilespmem:s5+$0xFFFFFF60];
	v28 =	vadd.f32 v23, v25;
	v25 =	vmov s8;
	(pc) =	sbr.rel @p0 .LBB2_23-.Ltmp10, $4  }
0x286: {  	v23 =	vld [tilespmem:s7+$0xFFFFFF70];
	v5 =	vsel vm0, v24, v5;
	vm0 =	veq.s32 v25, v4  }
0x287: {  	v24 =	vmul.f32 v32, v31;
	v25 =	vmul.f32 v34, v33;
	v26 =	vld [tilespmem:s5+$0xFFFFFF70];
	v5 =	vsel vm0, v28, v5  }
0x288: {  	v27 =	vmul.f32 v29, v27;
	v29 =	vmul.f32 v21, v30;
	v28 =	vld [tilespmem:s7+$0xFFFFFF80]  }
0x289: {  	s6 =	sadd.s32 $0x2, s6;
	v21 =	vmul.f32 v35, v22;
	v22 =	vmul.f32 v37, v36;
	v30 =	vld [tilespmem:s5+$0xFFFFFF80]  }
0x28a: {  	v10 =	vmul.f32 v12, v10;
	v48 =	vld [tilespmem:s5+$0x0]  }
0x28b: {  	v7 =	vmul.f32 v8, v7;
	v9 =	vmul.f32 v11, v9  }
0x28c: {  	v49 =	vmul.f32 v15, v13;
	v50 =	vmul.f32 v16, v14  }
0x28d: {  	v51 =	vmul.f32 v18, v17;
	v52 =	vmul.f32 v20, v19;
	v55 =	vadd.f32 v25, v24  }
0x28e: {  	v56 =	vadd.f32 v29, v27;
	v53 =	vmul.f32 v26, v23;
	v54 =	vmul.f32 v30, v28  }
0x28f: {  	v9 =	vadd.f32 v9, v10;
	v57 =	vadd.f32 v50, v49;
	v6 =	vmul.f32 v48, v6  }
0x290: {  	v58 =	vadd.f32 v52, v51;
	v59 =	vadd.f32 v54, v53  }
0x291: {  	v60 =	vadd.f32 v22, v21;
	v6 =	vadd.f32 v6, v7  }
0x292: {  	v7 =	vadd.f32 v57, v9;
	v8 =	vadd.f32 v59, v58  }
0x293: {  	v61 =	vadd.f32 v56, v55;
	v6 =	vadd.f32 v6, v60  }
0x294: {  	v7 =	vadd.f32 v8, v7  }
0x295: {  	v6 =	vadd.f32 v6, v61  }
0x296: {  	v8 =	vperm.xlane v7, v0  }
0x297: {  	v9 =	vperm.xlane v6, v0  }
0x298: {  	v7 =	vadd.f32 v7, v8  }
0x299: {  	v6 =	vadd.f32 v6, v9  }
0x29a: {  	v8 =	vperm.xlane v7, v1  }
0x29b: {  	v9 =	vperm.xlane v6, v1  }
0x29c: {  	v7 =	vadd.f32 v7, v8  }
0x29d: {  	v6 =	vadd.f32 v6, v9  }
0x29e: {  	v8 =	vperm.xlane v7, v2  }
0x29f: {  	v9 =	vperm.xlane v6, v2  }
0x2a0: {  	v7 =	vadd.f32 v7, v8  }
0x2a1: {  	v6 =	vadd.f32 v6, v9  }
0x2a2: {  	v62 =	vmov s28;
	s8 =	sadd.s32 $0x1, s28;
	s28 =	sshll.u32 s23, $0x4;
	s23 =	sadd.s32 $0x1, s23;
	v8 =	vperm.xlane v7, v3  }
0x2a3: {  	p0 =	sne.s32 s23, $0x4;
	v9 =	vperm.xlane v6, v3  }
.Ltmp11:
0x2a4: {  	v7 =	vadd.f32 v7, v8;
	(pc) =	sbr.rel @p0 .LBB2_22-.Ltmp11, $4  }
0x2a5: {  	vm0 =	veq.s32 v62, v4;
	v63 =	vmov s8;
	v6 =	vadd.f32 v6, v9  }
0x2a6: {  	vm15 =	veq.s32 v63, v4;
	v5 =	vsel vm0, v7, v5  }
0x2a7: {  	s5 =	sand.u32 $0x3FFFFFF0, s28;
	v5 =	vsel vm15, v6, v5  }
0x2a8: {  	s24 =	sadd.s32 $0x800, s24;
	s25 =	sadd.s32 $0x800, s25;
	[tilespmem:s5+$0x10540] =	vst v5  }
0x2a9: {  	s23 =	simm.s32 $0x0;
	s5 =	simm.s32 $0x10540  }
0x2aa: {  	[hbm4b:s14+s23] =	stream.linear.scatter [tilespmem:s5], [sflag:$0x6], $0x40, $0x38;
	[tilespmem:$0x10600] =	vst v63  }
0x2ab: {  	_ =	swait.ge [sflag:s31], $0x2000  }
0x2ac: {  	[sflag:s31] =	ssyncset.done $0x0  }
0x2ad: {  	[sflag:s31] =	ssyncadd.s32 $0xFFFFE000  }
0x2ae: {  	_ =	swait.ge [sflag:s31], $0x2000  }
0x2af: {  	[sflag:s31] =	ssyncset.done $0x0  }
0x2b0: {  	s24 =	simm.s32 $0x0;
	[sflag:s31] =	ssyncadd.s32 $0xFFFFE000  }
.LBB2_26:
0x2b1: {  	s28 =	sshra.s32 s23, $0x2  }
0x2b2: {  	v5 =	vld [tilespmem:s28+$0x4480]  }
0x2b3: {  	v26 =	vld [tilespmem:s28+$0xC480]  }
0x2b4: {  	v27 =	vld [tilespmem:s28+$0x4490]  }
0x2b5: {  	v29 =	vld [tilespmem:s28+$0xC490]  }
0x2b6: {  	v31 =	vld [tilespmem:s28+$0x44A0]  }
0x2b7: {  	v32 =	vld [tilespmem:s28+$0xC4A0]  }
0x2b8: {  	v33 =	vld [tilespmem:s28+$0x44B0]  }
0x2b9: {  	v34 =	vld [tilespmem:s28+$0xC4B0]  }
0x2ba: {  	v7 =	vld [tilespmem:s28+$0x44C0]  }
0x2bb: {  	v8 =	vld [tilespmem:s28+$0xC4C0]  }
0x2bc: {  	v9 =	vld [tilespmem:s28+$0x44D0]  }
0x2bd: {  	v11 =	vld [tilespmem:s28+$0xC4D0]  }
0x2be: {  	v10 =	vld [tilespmem:s28+$0x44E0]  }
0x2bf: {  	v12 =	vld [tilespmem:s28+$0xC4E0]  }
0x2c0: {  	v6 =	vld [tilespmem:s28+$0x44F0]  }
0x2c1: {  	v14 =	vld [tilespmem:s28+$0x4400]  }
0x2c2: {  	v16 =	vld [tilespmem:s28+$0xC400]  }
0x2c3: {  	v13 =	vld [tilespmem:s28+$0x4410]  }
0x2c4: {  	v15 =	vld [tilespmem:s28+$0xC410]  }
0x2c5: {  	v17 =	vld [tilespmem:s28+$0x4420]  }
0x2c6: {  	v18 =	vld [tilespmem:s28+$0xC420]  }
0x2c7: {  	v19 =	vld [tilespmem:s28+$0x4430]  }
0x2c8: {  	v20 =	vld [tilespmem:s28+$0xC430]  }
0x2c9: {  	v21 =	vld [tilespmem:s28+$0x4440]  }
0x2ca: {  	v22 =	vld [tilespmem:s28+$0xC440]  }
0x2cb: {  	v23 =	vld [tilespmem:s28+$0x4450]  }
0x2cc: {  	v24 =	vld [tilespmem:s28+$0xC450]  }
0x2cd: {  	v25 =	vld [tilespmem:s28+$0x4460]  }
0x2ce: {  	v28 =	vld [tilespmem:s28+$0xC460];
	v26 =	vmul.f32 v26, v5;
	v27 =	vmul.f32 v29, v27  }
0x2cf: {  	s5 =	simm.s32 $0x2;
	s6 =	smov.u32 s23;
	s25 =	simm.s32 $0x0;
	v30 =	vld [tilespmem:s28+$0x4470];
	v5 =	vimm.f32 $0.0e+00;
	v29 =	vmul.f32 v32, v31;
	v31 =	vmul.f32 v34, v33  }
.LBB2_27:
0x2d0: {  	p0 =	slt.u32 s5, $0xE;
	v32 =	vld [tilespmem:s28+$0xC470];
	v7 =	vmul.f32 v8, v7;
	v8 =	vmul.f32 v11, v9;
	s6 =	sadd.s32 $0x400, s6  }
0x2d1: {  	v9 =	vmul.f32 v16, v14;
	v10 =	vmul.f32 v12, v10;
	v11 =	vld [tilespmem:s28+$0xC4F0];
	s28 =	sshra.s32 s6, $0x2  }
0x2d2: {  	v12 =	vmul.f32 v15, v13;
	v13 =	vmul.f32 v18, v17;
	v33 =	vld [tilespmem:s28+$0x4480]  }
0x2d3: {  	v14 =	vmul.f32 v20, v19;
	v15 =	vmul.f32 v22, v21;
	v34 =	vld [tilespmem:s28+$0xC480]  }
0x2d4: {  	v16 =	vmul.f32 v24, v23;
	v17 =	vmul.f32 v28, v25;
	v35 =	vld [tilespmem:s28+$0x4490]  }
0x2d5: {  	v19 =	vadd.f32 v27, v26;
	v20 =	vadd.f32 v31, v29;
	v36 =	vld [tilespmem:s28+$0xC490];
	v18 =	vmul.f32 v32, v30  }
0x2d6: {  	v9 =	vadd.f32 v12, v9;
	v12 =	vadd.f32 v14, v13;
	v29 =	vld [tilespmem:s28+$0x44A0];
	v6 =	vmul.f32 v11, v6  }
0x2d7: {  	v11 =	vadd.f32 v16, v15;
	v31 =	vld [tilespmem:s28+$0xC4A0];
	v13 =	vadd.f32 v18, v17  }
0x2d8: {  	v8 =	vadd.f32 v8, v7;
	v32 =	vld [tilespmem:s28+$0x44B0];
	v6 =	vadd.f32 v6, v10  }
0x2d9: {  	v9 =	vadd.f32 v12, v9;
	v37 =	vld [tilespmem:s28+$0xC4B0];
	v10 =	vadd.f32 v13, v11  }
0x2da: {  	v11 =	vadd.f32 v20, v19;
	v7 =	vld [tilespmem:s28+$0x44C0];
	v6 =	vadd.f32 v6, v8  }
0x2db: {  	v8 =	vld [tilespmem:s28+$0xC4C0];
	v13 =	vadd.f32 v10, v9  }
0x2dc: {  	v9 =	vld [tilespmem:s28+$0x44D0];
	v14 =	vadd.f32 v6, v11  }
0x2dd: {  	v11 =	vld [tilespmem:s28+$0xC4D0];
	v6 =	vperm.xlane v13, v0  }
0x2de: {  	v10 =	vld [tilespmem:s28+$0x44E0];
	v15 =	vperm.xlane v14, v0  }
0x2df: {  	v12 =	vld [tilespmem:s28+$0xC4E0];
	v17 =	vadd.f32 v13, v6  }
0x2e0: {  	v6 =	vld [tilespmem:s28+$0x44F0];
	v18 =	vadd.f32 v14, v15  }
0x2e1: {  	v14 =	vld [tilespmem:s28+$0x4400];
	v15 =	vperm.xlane v17, v1  }
0x2e2: {  	v16 =	vld [tilespmem:s28+$0xC400];
	v19 =	vperm.xlane v18, v1  }
0x2e3: {  	v13 =	vld [tilespmem:s28+$0x4410];
	v20 =	vadd.f32 v17, v15  }
0x2e4: {  	v15 =	vld [tilespmem:s28+$0xC410];
	v21 =	vadd.f32 v18, v19  }
0x2e5: {  	v17 =	vld [tilespmem:s28+$0x4420];
	v22 =	vperm.xlane v20, v2  }
0x2e6: {  	v18 =	vld [tilespmem:s28+$0xC420];
	v23 =	vperm.xlane v21, v2  }
0x2e7: {  	v19 =	vld [tilespmem:s28+$0x4430];
	v24 =	vadd.f32 v20, v22  }
0x2e8: {  	v20 =	vld [tilespmem:s28+$0xC430];
	v25 =	vadd.f32 v21, v23  }
0x2e9: {  	v21 =	vld [tilespmem:s28+$0x4440];
	v26 =	vperm.xlane v24, v3  }
0x2ea: {  	v22 =	vld [tilespmem:s28+$0xC440];
	v27 =	vperm.xlane v25, v3  }
.Ltmp12:
0x2eb: {  	s7 =	sadd.s32 $0x1, s25;
	v28 =	vmov s25;
	s25 =	smov.u32 s5;
	v23 =	vld [tilespmem:s28+$0x4450];
	v26 =	vadd.f32 v24, v26;
	(pc) =	sbr.rel @p0 .LBB2_27-.Ltmp12, $4  }
0x2ec: {  	vm0 =	veq.s32 v28, v4;
	v24 =	vld [tilespmem:s28+$0xC450];
	v30 =	vadd.f32 v25, v27;
	v27 =	vmov s7  }
0x2ed: {  	v25 =	vld [tilespmem:s28+$0x4460];
	v5 =	vsel vm0, v26, v5;
	vm0 =	veq.s32 v27, v4  }
0x2ee: {  	v26 =	vmul.f32 v34, v33;
	v27 =	vmul.f32 v36, v35;
	v28 =	vld [tilespmem:s28+$0xC460];
	v5 =	vsel vm0, v30, v5  }
0x2ef: {  	s5 =	sadd.s32 $0x2, s5;
	v29 =	vmul.f32 v31, v29;
	v31 =	vmul.f32 v37, v32;
	v30 =	vld [tilespmem:s28+$0x4470]  }
0x2f0: {  	v32 =	vld [tilespmem:s28+$0xC470];
	v7 =	vmul.f32 v8, v7  }
0x2f1: {  	v43 =	vmul.f32 v11, v9;
	v44 =	vmul.f32 v16, v14;
	v45 =	vld [tilespmem:s28+$0xC4F0]  }
0x2f2: {  	v10 =	vmul.f32 v12, v10;
	v46 =	vmul.f32 v15, v13  }
0x2f3: {  	v47 =	vmul.f32 v18, v17;
	v48 =	vmul.f32 v20, v19  }
0x2f4: {  	v49 =	vmul.f32 v22, v21;
	v53 =	vadd.f32 v27, v26;
	v50 =	vmul.f32 v24, v23  }
0x2f5: {  	v54 =	vadd.f32 v31, v29;
	v51 =	vmul.f32 v28, v25;
	v52 =	vmul.f32 v32, v30  }
0x2f6: {  	v9 =	vadd.f32 v46, v44;
	v55 =	vadd.f32 v48, v47;
	v6 =	vmul.f32 v45, v6  }
0x2f7: {  	v56 =	vadd.f32 v50, v49;
	v57 =	vadd.f32 v52, v51  }
0x2f8: {  	v7 =	vadd.f32 v43, v7;
	v6 =	vadd.f32 v6, v10  }
0x2f9: {  	v58 =	vadd.f32 v55, v9;
	v59 =	vadd.f32 v57, v56  }
0x2fa: {  	v60 =	vadd.f32 v54, v53;
	v6 =	vadd.f32 v6, v7  }
0x2fb: {  	v7 =	vadd.f32 v59, v58  }
0x2fc: {  	v6 =	vadd.f32 v6, v60  }
0x2fd: {  	v8 =	vperm.xlane v7, v0  }
0x2fe: {  	v61 =	vperm.xlane v6, v0  }
0x2ff: {  	v7 =	vadd.f32 v7, v8  }
0x300: {  	v6 =	vadd.f32 v6, v61  }
0x301: {  	v8 =	vperm.xlane v7, v1  }
0x302: {  	v9 =	vperm.xlane v6, v1  }
0x303: {  	v7 =	vadd.f32 v7, v8  }
0x304: {  	v6 =	vadd.f32 v6, v9  }
0x305: {  	v8 =	vperm.xlane v7, v2  }
0x306: {  	v9 =	vperm.xlane v6, v2  }
0x307: {  	v7 =	vadd.f32 v7, v8  }
0x308: {  	v6 =	vadd.f32 v6, v9  }
0x309: {  	s28 =	sshll.u32 s24, $0x4;
	s24 =	sadd.s32 $0x1, s24;
	v8 =	vperm.xlane v7, v3  }
0x30a: {  	p0 =	sne.s32 s24, $0x4;
	v9 =	vperm.xlane v6, v3  }
.Ltmp13:
0x30b: {  	v62 =	vmov s25;
	s5 =	sadd.s32 $0x1, s25;
	v7 =	vadd.f32 v7, v8;
	(pc) =	sbr.rel @p0 .LBB2_26-.Ltmp13, $4  }
0x30c: {  	vm0 =	veq.s32 v62, v4;
	v63 =	vmov s5;
	v6 =	vadd.f32 v6, v9  }
0x30d: {  	vm15 =	veq.s32 v63, v4;
	v5 =	vsel vm0, v7, v5  }
0x30e: {  	s5 =	sand.u32 $0x3FFFFFF0, s28;
	v5 =	vsel vm15, v6, v5  }
0x30f: {  	s23 =	sadd.s32 $0x2000, s23;
	[tilespmem:s5+$0x10580] =	vst v5  }
0x310: {  	s23 =	simm.s32 $0x0;
	s5 =	simm.s32 $0x10580  }
0x311: {  	[hbm4b:s15+s23] =	stream.linear.scatter [tilespmem:s5], [sflag:$0x6], $0x40, $0x38;
	[tilespmem:$0x10600] =	vst v63  }
0x312: {  	_ =	swait.ge [sflag:s18], $0x2000  }
0x313: {  	[sflag:s18] =	ssyncset.done $0x0  }
0x314: {  	[sflag:s18] =	ssyncadd.s32 $0xFFFFE000  }
0x315: {  	_ =	swait.ge [sflag:s18], $0x2000  }
0x316: {  	[sflag:s18] =	ssyncset.done $0x0  }
0x317: {  	s24 =	simm.s32 $0x0;
	[sflag:s18] =	ssyncadd.s32 $0xFFFFE000  }
.LBB2_30:
0x318: {  	s28 =	sshra.s32 s23, $0x2  }
0x319: {  	v5 =	vld [tilespmem:s28+$0x6480]  }
0x31a: {  	v26 =	vld [tilespmem:s28+$0xE480]  }
0x31b: {  	v27 =	vld [tilespmem:s28+$0x6490]  }
0x31c: {  	v29 =	vld [tilespmem:s28+$0xE490]  }
0x31d: {  	v31 =	vld [tilespmem:s28+$0x64A0]  }
0x31e: {  	v32 =	vld [tilespmem:s28+$0xE4A0]  }
0x31f: {  	v33 =	vld [tilespmem:s28+$0x64B0]  }
0x320: {  	v34 =	vld [tilespmem:s28+$0xE4B0]  }
0x321: {  	v7 =	vld [tilespmem:s28+$0x64C0]  }
0x322: {  	v8 =	vld [tilespmem:s28+$0xE4C0]  }
0x323: {  	v9 =	vld [tilespmem:s28+$0x64D0]  }
0x324: {  	v11 =	vld [tilespmem:s28+$0xE4D0]  }
0x325: {  	v10 =	vld [tilespmem:s28+$0x64E0]  }
0x326: {  	v12 =	vld [tilespmem:s28+$0xE4E0]  }
0x327: {  	v6 =	vld [tilespmem:s28+$0x64F0]  }
0x328: {  	v14 =	vld [tilespmem:s28+$0x6400]  }
0x329: {  	v16 =	vld [tilespmem:s28+$0xE400]  }
0x32a: {  	v13 =	vld [tilespmem:s28+$0x6410]  }
0x32b: {  	v15 =	vld [tilespmem:s28+$0xE410]  }
0x32c: {  	v17 =	vld [tilespmem:s28+$0x6420]  }
0x32d: {  	v18 =	vld [tilespmem:s28+$0xE420]  }
0x32e: {  	v19 =	vld [tilespmem:s28+$0x6430]  }
0x32f: {  	v20 =	vld [tilespmem:s28+$0xE430]  }
0x330: {  	v21 =	vld [tilespmem:s28+$0x6440]  }
0x331: {  	v22 =	vld [tilespmem:s28+$0xE440]  }
0x332: {  	v23 =	vld [tilespmem:s28+$0x6450]  }
0x333: {  	v24 =	vld [tilespmem:s28+$0xE450]  }
0x334: {  	v25 =	vld [tilespmem:s28+$0x6460]  }
0x335: {  	v28 =	vld [tilespmem:s28+$0xE460];
	v26 =	vmul.f32 v26, v5;
	v27 =	vmul.f32 v29, v27  }
0x336: {  	s5 =	simm.s32 $0x2;
	s6 =	smov.u32 s23;
	s25 =	simm.s32 $0x0;
	v30 =	vld [tilespmem:s28+$0x6470];
	v5 =	vimm.f32 $0.0e+00;
	v29 =	vmul.f32 v32, v31;
	v31 =	vmul.f32 v34, v33  }
.LBB2_31:
0x337: {  	p0 =	slt.u32 s5, $0xE;
	v32 =	vld [tilespmem:s28+$0xE470];
	v7 =	vmul.f32 v8, v7;
	v8 =	vmul.f32 v11, v9;
	s6 =	sadd.s32 $0x400, s6  }
0x338: {  	v9 =	vmul.f32 v16, v14;
	v10 =	vmul.f32 v12, v10;
	v11 =	vld [tilespmem:s28+$0xE4F0];
	s28 =	sshra.s32 s6, $0x2  }
0x339: {  	v12 =	vmul.f32 v15, v13;
	v13 =	vmul.f32 v18, v17;
	v33 =	vld [tilespmem:s28+$0x6480]  }
0x33a: {  	v14 =	vmul.f32 v20, v19;
	v15 =	vmul.f32 v22, v21;
	v34 =	vld [tilespmem:s28+$0xE480]  }
0x33b: {  	v16 =	vmul.f32 v24, v23;
	v17 =	vmul.f32 v28, v25;
	v35 =	vld [tilespmem:s28+$0x6490]  }
0x33c: {  	v19 =	vadd.f32 v27, v26;
	v20 =	vadd.f32 v31, v29;
	v36 =	vld [tilespmem:s28+$0xE490];
	v18 =	vmul.f32 v32, v30  }
0x33d: {  	v9 =	vadd.f32 v12, v9;
	v12 =	vadd.f32 v14, v13;
	v29 =	vld [tilespmem:s28+$0x64A0];
	v6 =	vmul.f32 v11, v6  }
0x33e: {  	v11 =	vadd.f32 v16, v15;
	v31 =	vld [tilespmem:s28+$0xE4A0];
	v13 =	vadd.f32 v18, v17  }
0x33f: {  	v8 =	vadd.f32 v8, v7;
	v32 =	vld [tilespmem:s28+$0x64B0];
	v6 =	vadd.f32 v6, v10  }
0x340: {  	v9 =	vadd.f32 v12, v9;
	v37 =	vld [tilespmem:s28+$0xE4B0];
	v10 =	vadd.f32 v13, v11  }
0x341: {  	v11 =	vadd.f32 v20, v19;
	v7 =	vld [tilespmem:s28+$0x64C0];
	v6 =	vadd.f32 v6, v8  }
0x342: {  	v8 =	vld [tilespmem:s28+$0xE4C0];
	v13 =	vadd.f32 v10, v9  }
0x343: {  	v9 =	vld [tilespmem:s28+$0x64D0];
	v14 =	vadd.f32 v6, v11  }
0x344: {  	v11 =	vld [tilespmem:s28+$0xE4D0];
	v6 =	vperm.xlane v13, v0  }
0x345: {  	v10 =	vld [tilespmem:s28+$0x64E0];
	v15 =	vperm.xlane v14, v0  }
0x346: {  	v12 =	vld [tilespmem:s28+$0xE4E0];
	v17 =	vadd.f32 v13, v6  }
0x347: {  	v6 =	vld [tilespmem:s28+$0x64F0];
	v18 =	vadd.f32 v14, v15  }
0x348: {  	v14 =	vld [tilespmem:s28+$0x6400];
	v15 =	vperm.xlane v17, v1  }
0x349: {  	v16 =	vld [tilespmem:s28+$0xE400];
	v19 =	vperm.xlane v18, v1  }
0x34a: {  	v13 =	vld [tilespmem:s28+$0x6410];
	v20 =	vadd.f32 v17, v15  }
0x34b: {  	v15 =	vld [tilespmem:s28+$0xE410];
	v21 =	vadd.f32 v18, v19  }
0x34c: {  	v17 =	vld [tilespmem:s28+$0x6420];
	v22 =	vperm.xlane v20, v2  }
0x34d: {  	v18 =	vld [tilespmem:s28+$0xE420];
	v23 =	vperm.xlane v21, v2  }
0x34e: {  	v19 =	vld [tilespmem:s28+$0x6430];
	v24 =	vadd.f32 v20, v22  }
0x34f: {  	v20 =	vld [tilespmem:s28+$0xE430];
	v25 =	vadd.f32 v21, v23  }
0x350: {  	v21 =	vld [tilespmem:s28+$0x6440];
	v26 =	vperm.xlane v24, v3  }
0x351: {  	v22 =	vld [tilespmem:s28+$0xE440];
	v27 =	vperm.xlane v25, v3  }
.Ltmp14:
0x352: {  	s7 =	sadd.s32 $0x1, s25;
	v28 =	vmov s25;
	s25 =	smov.u32 s5;
	v23 =	vld [tilespmem:s28+$0x6450];
	v26 =	vadd.f32 v24, v26;
	(pc) =	sbr.rel @p0 .LBB2_31-.Ltmp14, $4  }
0x353: {  	vm0 =	veq.s32 v28, v4;
	v24 =	vld [tilespmem:s28+$0xE450];
	v30 =	vadd.f32 v25, v27;
	v27 =	vmov s7  }
0x354: {  	v25 =	vld [tilespmem:s28+$0x6460];
	v5 =	vsel vm0, v26, v5;
	vm0 =	veq.s32 v27, v4  }
0x355: {  	v26 =	vmul.f32 v34, v33;
	v27 =	vmul.f32 v36, v35;
	v28 =	vld [tilespmem:s28+$0xE460];
	v5 =	vsel vm0, v30, v5  }
0x356: {  	s5 =	sadd.s32 $0x2, s5;
	v29 =	vmul.f32 v31, v29;
	v31 =	vmul.f32 v37, v32;
	v30 =	vld [tilespmem:s28+$0x6470]  }
0x357: {  	v32 =	vld [tilespmem:s28+$0xE470];
	v7 =	vmul.f32 v8, v7  }
0x358: {  	v43 =	vmul.f32 v11, v9;
	v44 =	vmul.f32 v16, v14;
	v45 =	vld [tilespmem:s28+$0xE4F0]  }
0x359: {  	v10 =	vmul.f32 v12, v10;
	v46 =	vmul.f32 v15, v13  }
0x35a: {  	v47 =	vmul.f32 v18, v17;
	v48 =	vmul.f32 v20, v19  }
0x35b: {  	v49 =	vmul.f32 v22, v21;
	v53 =	vadd.f32 v27, v26;
	v50 =	vmul.f32 v24, v23  }
0x35c: {  	v54 =	vadd.f32 v31, v29;
	v51 =	vmul.f32 v28, v25;
	v52 =	vmul.f32 v32, v30  }
0x35d: {  	v9 =	vadd.f32 v46, v44;
	v55 =	vadd.f32 v48, v47;
	v6 =	vmul.f32 v45, v6  }
0x35e: {  	v56 =	vadd.f32 v50, v49;
	v57 =	vadd.f32 v52, v51  }
0x35f: {  	v7 =	vadd.f32 v43, v7;
	v6 =	vadd.f32 v6, v10  }
0x360: {  	v58 =	vadd.f32 v55, v9;
	v59 =	vadd.f32 v57, v56  }
0x361: {  	v60 =	vadd.f32 v54, v53;
	v6 =	vadd.f32 v6, v7  }
0x362: {  	v7 =	vadd.f32 v59, v58  }
0x363: {  	v6 =	vadd.f32 v6, v60  }
0x364: {  	v8 =	vperm.xlane v7, v0  }
0x365: {  	v61 =	vperm.xlane v6, v0  }
0x366: {  	v7 =	vadd.f32 v7, v8  }
0x367: {  	v6 =	vadd.f32 v6, v61  }
0x368: {  	v8 =	vperm.xlane v7, v1  }
0x369: {  	v9 =	vperm.xlane v6, v1  }
0x36a: {  	v7 =	vadd.f32 v7, v8  }
0x36b: {  	v6 =	vadd.f32 v6, v9  }
0x36c: {  	v8 =	vperm.xlane v7, v2  }
0x36d: {  	v9 =	vperm.xlane v6, v2  }
0x36e: {  	v7 =	vadd.f32 v7, v8  }
0x36f: {  	v6 =	vadd.f32 v6, v9  }
0x370: {  	s28 =	sshll.u32 s24, $0x4;
	s24 =	sadd.s32 $0x1, s24;
	v8 =	vperm.xlane v7, v3  }
0x371: {  	p0 =	sne.s32 s24, $0x4;
	v9 =	vperm.xlane v6, v3  }
.Ltmp15:
0x372: {  	v62 =	vmov s25;
	s5 =	sadd.s32 $0x1, s25;
	v7 =	vadd.f32 v7, v8;
	(pc) =	sbr.rel @p0 .LBB2_30-.Ltmp15, $4  }
0x373: {  	vm0 =	veq.s32 v62, v4;
	v63 =	vmov s5;
	v6 =	vadd.f32 v6, v9  }
0x374: {  	vm15 =	veq.s32 v63, v4;
	v5 =	vsel vm0, v7, v5  }
0x375: {  	s5 =	sand.u32 $0x3FFFFFF0, s28;
	v5 =	vsel vm15, v6, v5  }
0x376: {  	s23 =	sadd.s32 $0x2000, s23;
	[tilespmem:s5+$0x105C0] =	vst v5  }
0x377: {  	s5 =	simm.s32 $0x105C0  }
0x378: {  	[hbm4b:s16+s4] =	stream.linear.scatter [tilespmem:s5], [sflag:$0x6], $0x40, $0x38;
	[tilespmem:$0x10600] =	vst v63  }
0x379: {  	_ =	swait.ge [sflag:s21], $0x40  }
0x37a: {  	[sflag:s21] =	ssyncset.done $0x0  }
0x37b: {  	[sflag:s21] =	ssyncadd.s32 $0xFFFFFFC0  }
0x37c: {  	_ =	swait.ge [sflag:s21], $0x40  }
0x37d: {  	[sflag:s21] =	ssyncset.done $0x0  }
0x37e: {  	[sflag:s21] =	ssyncadd.s32 $0xFFFFFFC0  }
0x37f: {  	_ =	swait.ge [sflag:s21], $0x40  }
0x380: {  	[sflag:s21] =	ssyncset.done $0x0  }
0x381: {  	[sflag:s21] =	ssyncadd.s32 $0xFFFFFFC0  }
0x382: {  	_ =	swait.ge [sflag:s21], $0x40  }
0x383: {  	[sflag:s21] =	ssyncset.done $0x0  }
0x384: {  	[sflag:s21] =	ssyncadd.s32 $0xFFFFFFC0  }
0x385: {  	_ =	swait.ge [sflag:s21], $0x40  }
0x386: {  	[sflag:s21] =	ssyncset.done $0x0  }
0x387: {  	[sflag:s21] =	ssyncadd.s32 $0xFFFFFFC0  }
0x388: {  	_ =	swait.ge [sflag:s21], $0x40  }
0x389: {  	[sflag:s21] =	ssyncset.done $0x0  }
0x38a: {  	s22 =	sadd.s32 $0x1, s22;
	[sflag:s21] =	ssyncadd.s32 $0xFFFFFFC0  }
0x38b: {  	p0 =	sne.s32 s22, s17;
	_ =	swait.ge [sflag:s21], $0x40  }
.Ltmp16:
0x38c: {  	[sflag:s21] =	ssyncset.done $0x0;
	(pc) =	sbr.rel @p0 .LBB2_1-.Ltmp16, $4  }
0x38d: {  	[sflag:s21] =	ssyncadd.s32 $0xFFFFFFC0  }
0x38e: {  	_ =	swait.ge [sflag:s21], $0x40  }
0x38f: {  	[sflag:s21] =	ssyncset.done $0x0  }
0x390: {  	[sflag:s21] =	ssyncadd.s32 $0xFFFFFFC0  }
0x391: {  	_ =	sfence.sel $0x180000  }
0x392: {  	[bflag:$0x0] =	sbarrier.arrive $0xFFFF  }
0x393: {  	_ =	strace $0x90000047  }
0x394: {  	s0 =	stileid.u32;
	[bflag:$0x2] =	sbarrier.arrive $0xFFFF  }
0x395: {  	p0 =	sne.s32 s0, $0x0;
	s0 =	rddreg [dreg:$0x5]  }
0x396: {  	s0 =	sadd.s32 @!p0 $0x100000, s0  }
0x397: {  	[sflag:s0] =	ssyncadd.tile.s32 @!p0 $0x1;
	_ =	shalt  }
.Lfunc_end2:
_tile_overlayer_lowered:
.L_overlay_start_2:
0x398: {  	(tag) =	ssettag $0x2  }
0x399: {  	s0 =	rddreg [dreg:$0x0];
	s2 =	stileid.u32  }
0x39a: {  	s1 =	rddreg [dreg:$0x1];
	p0 =	sne.s32 s2, $0x0  }
0x39b: {  	s3 =	rddreg [dreg:$0x2];
	[bflag:$0x3] =	sbarrier.arrive $0xFFFF;
	s2 =	simm.s32 @!p0 $0x1C07  }
0x39c: {  	[timem:s3], [sflag:s2] =	dma.local @!p0 [hbm:s0], s1  }
0x39d: {  	s0 =	simm.s32 @!p0 $0x7  }
0x39e: {  	_ =	swait.ge @!p0 [sflag:s0], s1  }
0x39f: {  	s1 =	ssub.s32 @!p0 $0x0, s1;
	[sflag:s0] =	ssyncset.done @!p0 $0x0  }
0x3a0: {  	[sflag:s0] =	ssyncadd.s32 @!p0 s1  }
0x3a1: {  	[bflag:$0x3] =	sbarrier.arrive $0xFFFF  }
0x3a2: {  	_ =	shalt  }

</sc_bundles>
